<compile_context>
chip_gen: v7x
topology: tpu7x:2x2x1
jax: 0.10.2.dev20260603
libtpu: 0.0.44.dev20260713+nightly
codegen_flags: <defaults>
</compile_context>

<pallas_src>
import functools

import jax
import jax.numpy as jnp
from jax import lax
from jax.experimental import pallas as pl
from jax.experimental.pallas import tpu as pltpu
from jax.experimental.pallas import tpu_sc as plsc

NUM_CLASSES = 80
SCORE_THRESH = 0.05
NMS_THRESH = 0.5
TOPK = 100
PRE_NMS = 2000
IMG_W = 1333.0
IMG_H = 800.0
N_BOXES = 20000

C = 4096
CR, CL = 32, 128
OFFS = max(IMG_W, IMG_H) + 1.0
NEG_INF = float("-inf")


def _nms_body(m_ref, s_ref, f_ref, x1_ref, y1_ref, x2_ref, y2_ref, out_ref,
              ox1_s, oy1_s, ox2_s, oy2_s, ar_s, cx1_s, cy1_s, cx2_s, cy2_s,
              sc_s, cl_s):
    M = m_ref[0]
    s = s_ref[...]
    f = f_ref[...]
    row_i = lax.broadcasted_iota(jnp.int32, (CR, CL), 0)
    lane_i = lax.broadcasted_iota(jnp.int32, (CR, CL), 1)
    flat_i = row_i * CL + lane_i

    sbits = lax.bitcast_convert_type(s, jnp.int32)
    valid = (flat_i < M) & (s > 0.0)
    ebits = jnp.where(valid, sbits, -1)

    def bs_body(_, carry):
        lo, hi = carry
        mid = (lo + hi) // 2
        cnt = jnp.sum((ebits >= mid).astype(jnp.int32))
        ge = cnt >= PRE_NMS
        return (jnp.where(ge, mid, lo), jnp.where(ge, hi, mid))

    lo, _ = lax.fori_loop(0, 31, bs_body, (jnp.int32(0), jnp.int32(0x3F800001)))
    tau = lo
    n_gt = jnp.sum((ebits > tau).astype(jnp.int32))
    eq = ebits == tau
    n_eq = jnp.sum(eq.astype(jnp.int32))
    needed = jnp.minimum(PRE_NMS - n_gt, n_eq)

    def bs2_body(_, carry):
        lo2, hi2 = carry
        mid = (lo2 + hi2) // 2
        cnt = jnp.sum((eq & (f <= mid)).astype(jnp.int32))
        ge = cnt >= needed
        return (jnp.where(ge, lo2, mid), jnp.where(ge, mid, hi2))

    _, phi = lax.fori_loop(0, 22, bs2_body,
                           (jnp.int32(-1), jnp.int32(N_BOXES * NUM_CLASSES)))
    keep_eq = eq & (f <= phi) & (needed > 0)
    alive = (ebits > tau) | keep_eq
    work0 = jnp.where(alive, s, NEG_INF)

    cx1 = jnp.clip(x1_ref[...], 0.0, IMG_W)
    cy1 = jnp.clip(y1_ref[...], 0.0, IMG_H)
    cx2 = jnp.clip(x2_ref[...], 0.0, IMG_W)
    cy2 = jnp.clip(y2_ref[...], 0.0, IMG_H)
    cls_i = jnp.where(valid, f % NUM_CLASSES, 0)
    clsf = cls_i.astype(jnp.float32)
    off = clsf * OFFS
    ox1 = cx1 + off
    oy1 = cy1 + off
    ox2 = cx2 + off
    oy2 = cy2 + off
    areas = (ox2 - ox1) * (oy2 - oy1)

    ox1_s[...] = ox1
    oy1_s[...] = oy1
    ox2_s[...] = ox2
    oy2_s[...] = oy2
    ar_s[...] = areas
    cx1_s[...] = cx1
    cy1_s[...] = cy1
    cx2_s[...] = cx2
    cy2_s[...] = cy2
    sc_s[...] = s
    cl_s[...] = clsf

    lane8 = lax.broadcasted_iota(jnp.int32, (1, 8), 1)

    def loop_body(t, work):
        m = jnp.max(work)
        jj = jnp.min(jnp.where(work == m, flat_i, C))
        r = jj // CL
        c = jj % CL
        onehot = lane_i[0:1, :] == c

        def ext(ref):
            return jnp.sum(jnp.where(onehot, ref[pl.ds(r, 1), :], 0.0))

        bx1 = ext(ox1_s)
        by1 = ext(oy1_s)
        bx2 = ext(ox2_s)
        by2 = ext(oy2_s)
        bar = ext(ar_s)
        picked = m > NEG_INF

        ix1 = jnp.maximum(bx1, ox1)
        iy1 = jnp.maximum(by1, oy1)
        ix2 = jnp.minimum(bx2, ox2)
        iy2 = jnp.minimum(by2, oy2)
        iw = jnp.maximum(ix2 - ix1, 0.0)
        ih = jnp.maximum(iy2 - iy1, 0.0)
        inter = iw * ih
        union = jnp.maximum(areas + bar - inter, 1e-6)
        iou = inter / union
        suppress = iou > NMS_THRESH
        work = jnp.where(suppress, NEG_INF, work)

        vx1 = ext(cx1_s)
        vy1 = ext(cy1_s)
        vx2 = ext(cx2_s)
        vy2 = ext(cy2_s)
        vsc = ext(sc_s)
        vcl = ext(cl_s)
        row = (jnp.where(lane8 == 0, vx1, 0.0) + jnp.where(lane8 == 1, vy1, 0.0)
               + jnp.where(lane8 == 2, vx2, 0.0) + jnp.where(lane8 == 3, vy2, 0.0)
               + jnp.where(lane8 == 4, vsc, 0.0) + jnp.where(lane8 == 5, vcl, 0.0))
        pad = jnp.where(lane8 == 5, -1.0, 0.0)
        out_ref[pl.ds(t, 1), :] = jnp.where(picked, row, pad)
        return work

    lax.fori_loop(0, TOPK, loop_body, work0)


def _nms_call(m_arr, cs, cf, bx1, by1, bx2, by2):
    scr = [pltpu.VMEM((CR, CL), jnp.float32)] * 11
    out = pl.pallas_call(
        _nms_body,
        out_shape=jax.ShapeDtypeStruct((TOPK, 8), jnp.float32),
        in_specs=[pl.BlockSpec(memory_space=pltpu.SMEM)]
        + [pl.BlockSpec(memory_space=pltpu.VMEM)] * 6,
        scratch_shapes=scr,
    )(m_arr, cs, cf, bx1, by1, bx2, by2)
    return out[:, :6]



NT = 16
ROWS = N_BOXES // NT
NB = 144
BUCKET_BASE = 3923
BUCKET_SHIFT = 18
TILE_CAP = 2080
CH = 128


def _sel_body(scores_hbm, boxes_hbm,
              out_s, out_f, out_x1, out_y1, out_x2, out_y2, out_cnt,
              sbuf, csc, cfl, hist, ghb, allh,
              gi0, gi1, gi2, gi3, gx0, gx1, gx2, gx3,
              posb, cbuf, allc, vcnt, jlist, hist_sh, cnt_sh, dsem):
    wid = lax.axis_index("s")
    iota = lax.iota(jnp.int32, 16)
    zv = jnp.zeros((16,), jnp.int32)
    ones_i = jnp.ones((16,), jnp.int32)
    th = jnp.float32(SCORE_THRESH)

    pltpu.sync_copy(scores_hbm.at[wid], sbuf)

    def zh(i, _):
        hist[pl.ds(i * 16, 16)] = zv
        return 0
    lax.fori_loop(0, (NB * 16) // 16, zh, 0)

    def zc(i, _):
        cfl[pl.ds(i * 16, 16)] = zv
        return 0
    lax.fori_loop(0, (TILE_CAP + CH) // 16, zc, 0)

    laneoff = iota * NB - BUCKET_BASE

    def hrow(row, _):
        for cc in range(5):
            v = sbuf[row, pl.ds(cc * 16, 16)]
            m = v > th
            b = lax.shift_right_logical(
                plsc.bitcast(v, jnp.int32), BUCKET_SHIFT) + laneoff
            plsc.addupdate_scatter(hist, [b], ones_i, mask=m)
        return 0
    lax.fori_loop(0, ROWS, hrow, 0)

    for k in range(NB // 16):
        acc = zv
        for l in range(16):
            acc = acc + hist[pl.ds(l * NB + k * 16, 16)]
        ghb[pl.ds(k * 16, 16)] = acc
    pltpu.sync_copy(ghb, hist_sh.at[wid])
    plsc.subcore_barrier()
    pltpu.sync_copy(hist_sh, allh)

    carry = jnp.int32(0)
    bstar = jnp.int32(0)
    bhi = jnp.int32(-1)
    for k in range(NB // 16 - 1, -1, -1):
        g = zv
        for t in range(NT):
            g = g + allh[t, pl.ds(k * 16, 16)]
        sfx = lax.rev(plsc.cumsum(lax.rev(g, (0,))), (0,)) + carry
        idxk = iota + (k * 16)
        bstar = jnp.maximum(bstar, jnp.max(jnp.where(sfx >= PRE_NMS, idxk, -1)))
        bhi = jnp.maximum(bhi, jnp.max(jnp.where(sfx > C, idxk, -1)))
        carry = carry + jnp.sum(g)
    bsel = jnp.maximum(bstar, bhi + 1)
    edge_bits = lax.shift_left(bsel + BUCKET_BASE, BUCKET_SHIFT)

    th_bits = jnp.int32(0x3D4CCCCD + 1)
    sel_bits = jnp.maximum(edge_bits, th_bits)

    def arow(row, _):
        for cc in range(5):
            v = sbuf[row, pl.ds(cc * 16, 16)]
            m = plsc.bitcast(v, jnp.int32) >= sel_bits
            cnt = plsc.all_reduce_population_count(m)
            plsc.store_scatter(vcnt, [iota + (row * 5 + cc)], cnt,
                               mask=iota == 0)
        return 0
    lax.fori_loop(0, ROWS, arow, 0)

    NV = ROWS * 5

    def brow(i, offjv):
        v = vcnt[pl.ds(i * 16, 16)]
        m = v > 0
        mi = m.astype(jnp.int32)
        pos = offjv + plsc.cumsum(mi) - mi
        m = m & (pos < TILE_CAP)
        plsc.store_scatter(jlist, [pos], i * 16 + iota, mask=m)
        return offjv + plsc.all_reduce_population_count(m)

    offjv = lax.fori_loop(0, NV // 16, brow, jnp.zeros((16,), jnp.int32))
    nj = jnp.max(offjv)

    base_flat = wid * (ROWS * NUM_CLASSES)

    def crow(q, offv):
        jv = jlist[pl.ds(q, 16)][0]
        r = jv // 5
        cc16 = (jv % 5) * 16
        rows_idx = jnp.broadcast_to(r, (16,))
        cols_idx = cc16 + iota
        v = plsc.load_gather(sbuf, [rows_idx, cols_idx])
        m = plsc.bitcast(v, jnp.int32) >= sel_bits
        mi = m.astype(jnp.int32)
        pos = offv + plsc.cumsum(mi) - mi
        m = m & (pos < TILE_CAP)
        plsc.store_scatter(csc, [pos], v, mask=m)
        fidx = (base_flat + r * NUM_CLASSES + cc16) + iota
        plsc.store_scatter(cfl, [pos], fidx, mask=m)
        return offv + plsc.all_reduce_population_count(m)

    offv = lax.fori_loop(0, nj, crow, jnp.zeros((16,), jnp.int32))
    off = jnp.max(offv)

    cbuf[...] = jnp.where(iota == 0, off, 0)
    pltpu.sync_copy(cbuf, cnt_sh.at[wid])
    plsc.subcore_barrier()
    pltpu.sync_copy(cnt_sh, allc)
    prefix = jnp.int32(0)
    M = jnp.int32(0)
    for t in range(NT):
        nt_ = jnp.sum(jnp.where(iota == 0, allc[t, pl.ds(0, 16)], 0))
        prefix = prefix + jnp.where(wid > t, nt_, 0)
        M = M + nt_

    @pl.when(wid == 0)
    def _():
        cbuf[...] = jnp.where(iota == 0, M, 0)
        pltpu.sync_copy(cbuf.at[pl.ds(0, 8)], out_cnt)

    nch = (off + CH - 1) // CH

    def chunk(q, _):
        base = q * CH
        for i in range(CH // 16):
            fl = cfl[pl.ds(base + i * 16, 16)]
            d4 = (fl // NUM_CLASSES) * 4
            gi0[pl.ds(i * 16, 16)] = d4
            gi1[pl.ds(i * 16, 16)] = d4 + 1
            gi2[pl.ds(i * 16, 16)] = d4 + 2
            gi3[pl.ds(i * 16, 16)] = d4 + 3
            pv = base + i * 16 + iota
            posb[pl.ds(i * 16, 16)] = jnp.where(pv < off, prefix + pv, C)
        hg = [pltpu.make_async_copy(boxes_hbm.at[gi0], gx0, dsem),
              pltpu.make_async_copy(boxes_hbm.at[gi1], gx1, dsem),
              pltpu.make_async_copy(boxes_hbm.at[gi2], gx2, dsem),
              pltpu.make_async_copy(boxes_hbm.at[gi3], gx3, dsem)]
        for h in hg:
            h.start()
        for h in hg:
            h.wait()
        hs = [pltpu.make_async_copy(csc.at[pl.ds(base, CH)],
                                    out_s.at[posb], dsem),
              pltpu.make_async_copy(cfl.at[pl.ds(base, CH)],
                                    out_f.at[posb], dsem),
              pltpu.make_async_copy(gx0, out_x1.at[posb], dsem),
              pltpu.make_async_copy(gx1, out_y1.at[posb], dsem),
              pltpu.make_async_copy(gx2, out_x2.at[posb], dsem),
              pltpu.make_async_copy(gx3, out_y2.at[posb], dsem)]
        for h in hs:
            h.start()
        for h in hs:
            h.wait()
        return 0
    lax.fori_loop(0, nch, chunk, 0)


def _sel_call(scores, boxes_flat):
    f32, i32 = jnp.float32, jnp.int32
    out_type = [
        jax.ShapeDtypeStruct((C + 8,), f32),
        jax.ShapeDtypeStruct((C + 8,), i32),
        jax.ShapeDtypeStruct((C + 8,), f32),
        jax.ShapeDtypeStruct((C + 8,), f32),
        jax.ShapeDtypeStruct((C + 8,), f32),
        jax.ShapeDtypeStruct((C + 8,), f32),
        jax.ShapeDtypeStruct((8,), i32),
    ]
    scratch = [
        pltpu.VMEM((ROWS, NUM_CLASSES + 1), f32),
        pltpu.VMEM((TILE_CAP + CH,), f32),
        pltpu.VMEM((TILE_CAP + CH,), i32),
        pltpu.VMEM((NB * 16,), i32),
        pltpu.VMEM((NB,), i32),
        pltpu.VMEM((NT, NB), i32),
        pltpu.VMEM((CH,), i32),
        pltpu.VMEM((CH,), i32),
        pltpu.VMEM((CH,), i32),
        pltpu.VMEM((CH,), i32),
        pltpu.VMEM((CH,), f32),
        pltpu.VMEM((CH,), f32),
        pltpu.VMEM((CH,), f32),
        pltpu.VMEM((CH,), f32),
        pltpu.VMEM((CH,), i32),
        pltpu.VMEM((16,), i32),
        pltpu.VMEM((NT, 16), i32),
        pltpu.VMEM((ROWS * 5 + 16,), i32),
        pltpu.VMEM((TILE_CAP + 16,), i32),
        pltpu.VMEM_SHARED((NT, NB), i32),
        pltpu.VMEM_SHARED((NT, 16), i32),
        pltpu.SemaphoreType.DMA,
    ]
    mesh = plsc.VectorSubcoreMesh(
        core_axis_name="c", subcore_axis_name="s", num_cores=1)
    fn = pl.kernel(_sel_body, out_type=out_type, mesh=mesh,
                   scratch_types=scratch,
                   compiler_params=pltpu.CompilerParams(
                       use_tc_tiling_on_sc=False,
                       needs_layout_passes=False))
    return fn(scores.reshape(NT, ROWS, NUM_CLASSES + 1), boxes_flat)


def kernel(boxes, scores):
    out_s, out_f, ox1, oy1, ox2, oy2, out_cnt = _sel_call(
        scores, boxes.reshape(-1))
    m_arr = out_cnt[:1]
    return _nms_call(m_arr,
                     out_s[:C].reshape(CR, CL), out_f[:C].reshape(CR, CL),
                     ox1[:C].reshape(CR, CL), oy1[:C].reshape(CR, CL),
                     ox2[:C].reshape(CR, CL), oy2[:C].reshape(CR, CL))

# --- scband reference (transcript-rebuilt; emitter-appended) ---
"""Pipeline reference for scband-instance-refinement-output-layers-68083821576580 (READ-ONLY COPY).

The authoritative reference and input builder live on the scoring server;
editing this copy changes nothing except your own understanding.
"""

import jax, jax.numpy as jnp
import numpy as np

NUM_CLASSES = 80
SCORE_THRESH = 0.05
NMS_THRESH = 0.5
TOPK = 100
PRE_NMS = 2000
IMG_W = 1333.0
IMG_H = 800.0
N_BOXES = 20000


def setup_inputs(seed: int = 0) -> dict:
    key = jax.random.key(seed)
    k1, k2, k3 = jax.random.split(key, 3)
    xy1 = jax.random.uniform(k1, (N_BOXES, 2), dtype=jnp.float32) * jnp.array([IMG_W, IMG_H], dtype=jnp.float32)
    wh = jax.random.uniform(k2, (N_BOXES, 2), dtype=jnp.float32) * jnp.array([IMG_W * 0.3, IMG_H * 0.3], dtype=jnp.float32)
    boxes = jnp.concatenate([xy1, xy1 + wh], axis=1)
    logits = jax.random.normal(k3, (N_BOXES, NUM_CLASSES + 1), dtype=jnp.float32)
    scores = jax.nn.softmax(logits * 2.0, axis=1)
    return {"boxes": boxes, "scores": scores}


def _forward(boxes, scores):
    # --- Boxes.clip(image_shape) ---
    x1 = jnp.clip(boxes[:, 0], 0.0, IMG_W)
    y1 = jnp.clip(boxes[:, 1], 0.0, IMG_H)
    x2 = jnp.clip(boxes[:, 2], 0.0, IMG_W)
    y2 = jnp.clip(boxes[:, 3], 0.0, IMG_H)
    boxes_c = jnp.stack([x1, y1, x2, y2], axis=1)  # [N, 4]

    # --- drop background column, score thresholding ---
    fg = scores[:, :-1]                 # [N, K]
    N, K = fg.shape
    flat = fg.reshape(-1)               # [N*K]
    work = jnp.where(flat > SCORE_THRESH, flat, -jnp.inf)

    # --- pre-NMS top-k candidate selection (fixed-size stand-in for nonzero()) ---
    top_scores, top_idx = jax.lax.top_k(work, PRE_NMS)
    box_idx = top_idx // K
    cls_idx = top_idx % K
    cand_boxes = boxes_c[box_idx]       # [PRE_NMS, 4] (class-agnostic regression: same box per class)
    cand_scores = flat[top_idx]
    alive = top_scores > -jnp.inf

    # --- batched_nms via per-class coordinate offset trick ---
    offset = cls_idx.astype(jnp.float32) * (jnp.maximum(IMG_W, IMG_H) + 1.0)
    ob = cand_boxes + offset[:, None]
    ox1, oy1, ox2, oy2 = ob[:, 0], ob[:, 1], ob[:, 2], ob[:, 3]
    areas = (ox2 - ox1) * (oy2 - oy1)

    work_s = jnp.where(alive, cand_scores, -jnp.inf)
    zero4 = jnp.zeros((4,), dtype=boxes.dtype)
    rows = []
    for _ in range(TOPK):
        j = jnp.argmax(work_s)
        s = work_s[j]
        picked = s > -jnp.inf
        bx1, by1, bx2, by2 = ob[j, 0], ob[j, 1], ob[j, 2], ob[j, 3]
        ix1 = jnp.maximum(bx1, ox1)
        iy1 = jnp.maximum(by1, oy1)
        ix2 = jnp.minimum(bx2, ox2)
        iy2 = jnp.minimum(by2, oy2)
        iw = jnp.maximum(ix2 - ix1, 0.0)
        ih = jnp.maximum(iy2 - iy1, 0.0)
        inter = iw * ih
        union = jnp.maximum(areas + areas[j] - inter, 1e-6)
        iou = inter / union
        suppress = iou > NMS_THRESH
        out_box = jnp.where(picked, cand_boxes[j], zero4)
        out_score = jnp.where(picked, cand_scores[j], 0.0)
        out_cls = jnp.where(picked, cls_idx[j].astype(jnp.float32), -1.0)
        rows.append(jnp.concatenate([out_box, out_score[None], out_cls[None]]))
        work_s = jnp.where(suppress, -jnp.inf, work_s)
    # [TOPK, 6] rows: x1, y1, x2, y2, score, class (class = -1 for padding)
    return jnp.stack(rows, axis=0)


def reference(boxes, scores):
    return _forward(boxes, scores)

if __name__ == "__main__":
    import jax
    _d = setup_inputs()
    print(jax.jit(kernel)(*tuple(_d.values())))

</pallas_src>

<mosaic_0001>
#map = affine_map<(d0, d1) -> (0, 0, 0)>
#map1 = affine_map<(d0, d1) -> (0)>
module attributes {stable_mosaic.version = 14 : i64} {
  func.func @_sel_body(%arg0: i32, %arg1: i32, %arg2: memref<16x1250x81xf32, #tpu.memory_space<hbm>>, %arg3: memref<80000xf32, #tpu.memory_space<hbm>>, %arg4: memref<4104xf32, #tpu.memory_space<hbm>>, %arg5: memref<4104xi32, #tpu.memory_space<hbm>>, %arg6: memref<4104xf32, #tpu.memory_space<hbm>>, %arg7: memref<4104xf32, #tpu.memory_space<hbm>>, %arg8: memref<4104xf32, #tpu.memory_space<hbm>>, %arg9: memref<4104xf32, #tpu.memory_space<hbm>>, %arg10: memref<8xi32, #tpu.memory_space<hbm>>, %arg11: memref<1250x81xf32, #tpu.memory_space<vmem>>, %arg12: memref<2208xf32, #tpu.memory_space<vmem>>, %arg13: memref<2208xi32, #tpu.memory_space<vmem>>, %arg14: memref<2304xi32, #tpu.memory_space<vmem>>, %arg15: memref<144xi32, #tpu.memory_space<vmem>>, %arg16: memref<16x144xi32, #tpu.memory_space<vmem>>, %arg17: memref<128xi32, #tpu.memory_space<vmem>>, %arg18: memref<128xi32, #tpu.memory_space<vmem>>, %arg19: memref<128xi32, #tpu.memory_space<vmem>>, %arg20: memref<128xi32, #tpu.memory_space<vmem>>, %arg21: memref<128xf32, #tpu.memory_space<vmem>>, %arg22: memref<128xf32, #tpu.memory_space<vmem>>, %arg23: memref<128xf32, #tpu.memory_space<vmem>>, %arg24: memref<128xf32, #tpu.memory_space<vmem>>, %arg25: memref<128xi32, #tpu.memory_space<vmem>>, %arg26: memref<16xi32, #tpu.memory_space<vmem>>, %arg27: memref<16x16xi32, #tpu.memory_space<vmem>>, %arg28: memref<6266xi32, #tpu.memory_space<vmem>>, %arg29: memref<2096xi32, #tpu.memory_space<vmem>>, %arg30: memref<16x144xi32, #tpu.memory_space<vmem_shared>>, %arg31: memref<16x16xi32, #tpu.memory_space<vmem_shared>>, %arg32: memref<!tpu.dma_semaphore, #tpu.memory_space<semaphore_mem>>) attributes {dimension_semantics = [#tpu.dimension_semantics<core_parallel>, #tpu.dimension_semantics<subcore_parallel>], iteration_bounds = array<i64: 1, 16>, scalar_prefetch = 0 : i64, scratch_operands = 22 : i64, tpu.core_type = #tpu.core_type<sc_vector_subcore>, window_params = [{transform_indices = #map}, {transform_indices = #map1}, {transform_indices = #map1}, {transform_indices = #map1}, {transform_indices = #map1}, {transform_indices = #map1}, {transform_indices = #map1}, {transform_indices = #map1}, {transform_indices = #map1}]} {
    %iota3A = tpu.iota {dimensions = array<i32: 0>} : vector<16xi32>
    %broadcast_in_dim3A = arith.constant 0 : i32
    %broadcast_in_dim3A_0 = vector.broadcast %broadcast_in_dim3A : i32 to vector<16xi32>
    %broadcast_in_dim3A_1 = arith.constant 1 : i32
    %broadcast_in_dim3A_2 = vector.broadcast %broadcast_in_dim3A_1 : i32 to vector<16xi32>
    "tpu.region"() ({
      %run_scoped3A = tpu.sem_alloc : memref<!tpu.dma_semaphore, #tpu.memory_space<semaphore_mem>>
      %dma_start3A = arith.constant 0 : i32
      %dma_start3A_2089 = arith.constant 0 : i32
      %dma_start3A_2090 = tpu.memref_slice %arg2[%arg1, %dma_start3A, %dma_start3A_2089] : memref<16x1250x81xf32, #tpu.memory_space<hbm>> -> memref<1x1250x81xf32, #tpu.memory_space<hbm>>
      %dma_start3A_2091 = tpu.memref_squeeze %dma_start3A_2090 : memref<1x1250x81xf32, #tpu.memory_space<hbm>> -> memref<1250x81xf32, #tpu.memory_space<hbm>>
      %dma_start3A_2092 = arith.constant 0 : i32
      %dma_start3A_2093 = arith.constant 0 : i32
      %dma_start3A_2094 = tpu.memref_slice %arg2[%arg1, %dma_start3A_2092, %dma_start3A_2093] : memref<16x1250x81xf32, #tpu.memory_space<hbm>> -> memref<1x1250x81xf32, #tpu.memory_space<hbm>>
      %dma_start3A_2095 = tpu.memref_squeeze %dma_start3A_2094 : memref<1x1250x81xf32, #tpu.memory_space<hbm>> -> memref<1250x81xf32, #tpu.memory_space<hbm>>
      tpu.enqueue_dma source(%dma_start3A_2095 : memref<1250x81xf32, #tpu.memory_space<hbm>>) target(%arg11 : memref<1250x81xf32, #tpu.memory_space<vmem>>) target_semaphore(%run_scoped3A : memref<!tpu.dma_semaphore, #tpu.memory_space<semaphore_mem>>)
      %dma_wait3A = arith.constant 0 : i32
      %dma_wait3A_2096 = arith.constant 0 : i32
      %dma_wait3A_2097 = tpu.memref_slice %arg2[%arg1, %dma_wait3A, %dma_wait3A_2096] : memref<16x1250x81xf32, #tpu.memory_space<hbm>> -> memref<1x1250x81xf32, #tpu.memory_space<hbm>>
      %dma_wait3A_2098 = tpu.memref_squeeze %dma_wait3A_2097 : memref<1x1250x81xf32, #tpu.memory_space<hbm>> -> memref<1250x81xf32, #tpu.memory_space<hbm>>
      %dma_wait3A_2099 = arith.constant 0 : i32
      %dma_wait3A_2100 = arith.constant 0 : i32
      %dma_wait3A_2101 = tpu.memref_slice %arg2[%arg1, %dma_wait3A_2099, %dma_wait3A_2100] : memref<16x1250x81xf32, #tpu.memory_space<hbm>> -> memref<1x1250x81xf32, #tpu.memory_space<hbm>>
      %dma_wait3A_2102 = tpu.memref_squeeze %dma_wait3A_2101 : memref<1x1250x81xf32, #tpu.memory_space<hbm>> -> memref<1250x81xf32, #tpu.memory_space<hbm>>
      tpu.wait_dma2 semaphore(%run_scoped3A : memref<!tpu.dma_semaphore, #tpu.memory_space<semaphore_mem>>) src(%dma_wait3A_2102 : memref<1250x81xf32, #tpu.memory_space<hbm>>) dst(%arg11 : memref<1250x81xf32, #tpu.memory_space<vmem>>)
      tpu.yield
    }) : () -> ()
    %scan3A = arith.constant 0 : i32
    %scan3A_3 = arith.constant 0 : i32
    %scan3A_4 = arith.constant 144 : i32
    %scan3A_5 = arith.addi %scan3A_3, %scan3A_4 : i32
    %scan3A_6 = arith.constant 1 : i32
    %scan3A_7 = scf.for %scan3A_2089 = %scan3A_3 to %scan3A_5 step %scan3A_6 iter_args(%scan3A_2090 = %scan3A) -> (i32)  : i32 {
      %mul3A_2091 = arith.constant 16 : i32
      %mul3A_2092 = arith.muli %scan3A_2089, %mul3A_2091 : i32
      %swap3A_2093 = arith.index_cast %mul3A_2092 : i32 to index
      %swap3A_2094 = tpu.vector_load %arg14[%swap3A_2093] {strides = array<i32>} : memref<2304xi32, #tpu.memory_space<vmem>>, vector<16xi32>,
      tpu.vector_store %arg14[%swap3A_2093], %broadcast_in_dim3A_0 {strides = array<i32>} : memref<2304xi32, #tpu.memory_space<vmem>>, vector<16xi32>,
      %scan3A_2095 = arith.constant 0 : i32
      scf.yield %scan3A_2095 : i32
    }
    %scan3A_8 = arith.constant 144 : i32
    %scan3A_9 = arith.constant 0 : i32
    %scan3A_10 = arith.constant 0 : i32
    %scan3A_11 = arith.constant 138 : i32
    %scan3A_12 = arith.addi %scan3A_10, %scan3A_11 : i32
    %scan3A_13 = arith.constant 1 : i32
    %scan3A_14 = scf.for %scan3A_2089 = %scan3A_10 to %scan3A_12 step %scan3A_13 iter_args(%scan3A_2090 = %scan3A_9) -> (i32)  : i32 {
      %mul3A_2091 = arith.constant 16 : i32
      %mul3A_2092 = arith.muli %scan3A_2089, %mul3A_2091 : i32
      %swap3A_2093 = arith.index_cast %mul3A_2092 : i32 to index
      %swap3A_2094 = tpu.vector_load %arg13[%swap3A_2093] {strides = array<i32>} : memref<2208xi32, #tpu.memory_space<vmem>>, vector<16xi32>,
      tpu.vector_store %arg13[%swap3A_2093], %broadcast_in_dim3A_0 {strides = array<i32>} : memref<2208xi32, #tpu.memory_space<vmem>>, vector<16xi32>,
      %scan3A_2095 = arith.constant 0 : i32
      scf.yield %scan3A_2095 : i32
    }
    %scan3A_15 = arith.constant 138 : i32
    %mul3A = arith.constant 144 : i32
    %mul3A_16 = vector.broadcast %mul3A : i32 to vector<16xi32>
    %mul3A_17 = arith.muli %iota3A, %mul3A_16 : vector<16xi32>
    %sub3A = arith.constant 3923 : i32
    %sub3A_18 = vector.broadcast %sub3A : i32 to vector<16xi32>
    %sub3A_19 = arith.subi %mul3A_17, %sub3A_18 : vector<16xi32>
    %scan3A_20 = arith.constant 5.000000e-02 : f32
    %scan3A_21 = arith.constant 0 : i32
    %scan3A_22 = arith.constant 0 : i32
    %scan3A_23 = arith.constant 1250 : i32
    %scan3A_24 = arith.addi %scan3A_22, %scan3A_23 : i32
    %scan3A_25 = arith.constant 1 : i32
    %scan3A_26 = scf.for %scan3A_2089 = %scan3A_22 to %scan3A_24 step %scan3A_25 iter_args(%scan3A_2090 = %scan3A_21) -> (i32)  : i32 {
      %get3A_2091 = arith.index_cast %scan3A_2089 : i32 to index
      %get3A_2092 = arith.constant 0 : index
      %get3A_2093 = tpu.vector_load %arg11[%get3A_2091, %get3A_2092] {strides = array<i32>} : memref<1250x81xf32, #tpu.memory_space<vmem>>, vector<16xf32>,
      %gt3A_2094 = vector.broadcast %scan3A_20 : f32 to vector<16xf32>
      %gt3A_2095 = arith.cmpf ogt, %get3A_2093, %gt3A_2094 : vector<16xf32>
      %bitcast3A = vector.bitcast %get3A_2093 : vector<16xf32> to vector<16xi32>
      %shift_right_logical3A = arith.constant 18 : i32
      %shift_right_logical3A_2096 = vector.broadcast %shift_right_logical3A : i32 to vector<16xi32>
      %shift_right_logical3A_2097 = arith.shrui %bitcast3A, %shift_right_logical3A_2096 : vector<16xi32>
      %add3A_2098 = arith.addi %shift_right_logical3A_2097, %sub3A_19 : vector<16xi32>
      tpu.vector_store_idx %arg14[%add3A_2098], %broadcast_in_dim3A_2 masked %gt3A_2095 {add = true} : memref<2304xi32, #tpu.memory_space<vmem>>[vector<16xi32>], vector<16xi32>, vector<16xi1>
      %get3A_2099 = arith.index_cast %scan3A_2089 : i32 to index
      %get3A_2100 = arith.constant 16 : index
      %get3A_2101 = tpu.vector_load %arg11[%get3A_2099, %get3A_2100] {strides = array<i32>} : memref<1250x81xf32, #tpu.memory_space<vmem>>, vector<16xf32>,
      %gt3A_2102 = vector.broadcast %scan3A_20 : f32 to vector<16xf32>
      %gt3A_2103 = arith.cmpf ogt, %get3A_2101, %gt3A_2102 : vector<16xf32>
      %bitcast3A_2104 = vector.bitcast %get3A_2101 : vector<16xf32> to vector<16xi32>
      %shift_right_logical3A_2105 = arith.constant 18 : i32
      %shift_right_logical3A_2106 = vector.broadcast %shift_right_logical3A_2105 : i32 to vector<16xi32>
      %shift_right_logical3A_2107 = arith.shrui %bitcast3A_2104, %shift_right_logical3A_2106 : vector<16xi32>
      %add3A_2108 = arith.addi %shift_right_logical3A_2107, %sub3A_19 : vector<16xi32>
      tpu.vector_store_idx %arg14[%add3A_2108], %broadcast_in_dim3A_2 masked %gt3A_2103 {add = true} : memref<2304xi32, #tpu.memory_space<vmem>>[vector<16xi32>], vector<16xi32>, vector<16xi1>
      %get3A_2109 = arith.index_cast %scan3A_2089 : i32 to index
      %get3A_2110 = arith.constant 32 : index
      %get3A_2111 = tpu.vector_load %arg11[%get3A_2109, %get3A_2110] {strides = array<i32>} : memref<1250x81xf32, #tpu.memory_space<vmem>>, vector<16xf32>,
      %gt3A_2112 = vector.broadcast %scan3A_20 : f32 to vector<16xf32>
      %gt3A_2113 = arith.cmpf ogt, %get3A_2111, %gt3A_2112 : vector<16xf32>
      %bitcast3A_2114 = vector.bitcast %get3A_2111 : vector<16xf32> to vector<16xi32>
      %shift_right_logical3A_2115 = arith.constant 18 : i32
      %shift_right_logical3A_2116 = vector.broadcast %shift_right_logical3A_2115 : i32 to vector<16xi32>
      %shift_right_logical3A_2117 = arith.shrui %bitcast3A_2114, %shift_right_logical3A_2116 : vector<16xi32>
      %add3A_2118 = arith.addi %shift_right_logical3A_2117, %sub3A_19 : vector<16xi32>
      tpu.vector_store_idx %arg14[%add3A_2118], %broadcast_in_dim3A_2 masked %gt3A_2113 {add = true} : memref<2304xi32, #tpu.memory_space<vmem>>[vector<16xi32>], vector<16xi32>, vector<16xi1>
      %get3A_2119 = arith.index_cast %scan3A_2089 : i32 to index
      %get3A_2120 = arith.constant 48 : index
      %get3A_2121 = tpu.vector_load %arg11[%get3A_2119, %get3A_2120] {strides = array<i32>} : memref<1250x81xf32, #tpu.memory_space<vmem>>, vector<16xf32>,
      %gt3A_2122 = vector.broadcast %scan3A_20 : f32 to vector<16xf32>
      %gt3A_2123 = arith.cmpf ogt, %get3A_2121, %gt3A_2122 : vector<16xf32>
      %bitcast3A_2124 = vector.bitcast %get3A_2121 : vector<16xf32> to vector<16xi32>
      %shift_right_logical3A_2125 = arith.constant 18 : i32
      %shift_right_logical3A_2126 = vector.broadcast %shift_right_logical3A_2125 : i32 to vector<16xi32>
      %shift_right_logical3A_2127 = arith.shrui %bitcast3A_2124, %shift_right_logical3A_2126 : vector<16xi32>
      %add3A_2128 = arith.addi %shift_right_logical3A_2127, %sub3A_19 : vector<16xi32>
      tpu.vector_store_idx %arg14[%add3A_2128], %broadcast_in_dim3A_2 masked %gt3A_2123 {add = true} : memref<2304xi32, #tpu.memory_space<vmem>>[vector<16xi32>], vector<16xi32>, vector<16xi1>
      %get3A_2129 = arith.index_cast %scan3A_2089 : i32 to index
      %get3A_2130 = arith.constant 64 : index
      %get3A_2131 = tpu.vector_load %arg11[%get3A_2129, %get3A_2130] {strides = array<i32>} : memref<1250x81xf32, #tpu.memory_space<vmem>>, vector<16xf32>,
      %gt3A_2132 = vector.broadcast %scan3A_20 : f32 to vector<16xf32>
      %gt3A_2133 = arith.cmpf ogt, %get3A_2131, %gt3A_2132 : vector<16xf32>
      %bitcast3A_2134 = vector.bitcast %get3A_2131 : vector<16xf32> to vector<16xi32>
      %shift_right_logical3A_2135 = arith.constant 18 : i32
      %shift_right_logical3A_2136 = vector.broadcast %shift_right_logical3A_2135 : i32 to vector<16xi32>
      %shift_right_logical3A_2137 = arith.shrui %bitcast3A_2134, %shift_right_logical3A_2136 : vector<16xi32>
      %add3A_2138 = arith.addi %shift_right_logical3A_2137, %sub3A_19 : vector<16xi32>
      tpu.vector_store_idx %arg14[%add3A_2138], %broadcast_in_dim3A_2 masked %gt3A_2133 {add = true} : memref<2304xi32, #tpu.memory_space<vmem>>[vector<16xi32>], vector<16xi32>, vector<16xi1>
      %scan3A_2139 = arith.constant 0 : i32
      scf.yield %scan3A_2139 : i32
    }
    %scan3A_27 = arith.constant 1250 : i32
    %get3A = arith.constant 0 : index
    %get3A_28 = tpu.vector_load %arg14[%get3A] {strides = array<i32>} : memref<2304xi32, #tpu.memory_space<vmem>>, vector<16xi32>,
    %add3A = arith.addi %broadcast_in_dim3A_0, %get3A_28 : vector<16xi32>
    %get3A_29 = arith.constant 144 : index
    %get3A_30 = tpu.vector_load %arg14[%get3A_29] {strides = array<i32>} : memref<2304xi32, #tpu.memory_space<vmem>>, vector<16xi32>,
    %add3A_31 = arith.addi %add3A, %get3A_30 : vector<16xi32>
    %get3A_32 = arith.constant 288 : index
    %get3A_33 = tpu.vector_load %arg14[%get3A_32] {strides = array<i32>} : memref<2304xi32, #tpu.memory_space<vmem>>, vector<16xi32>,
    %add3A_34 = arith.addi %add3A_31, %get3A_33 : vector<16xi32>
    %get3A_35 = arith.constant 432 : index
    %get3A_36 = tpu.vector_load %arg14[%get3A_35] {strides = array<i32>} : memref<2304xi32, #tpu.memory_space<vmem>>, vector<16xi32>,
    %add3A_37 = arith.addi %add3A_34, %get3A_36 : vector<16xi32>
    %get3A_38 = arith.constant 576 : index
    %get3A_39 = tpu.vector_load %arg14[%get3A_38] {strides = array<i32>} : memref<2304xi32, #tpu.memory_space<vmem>>, vector<16xi32>,
    %add3A_40 = arith.addi %add3A_37, %get3A_39 : vector<16xi32>
    %get3A_41 = arith.constant 720 : index
    %get3A_42 = tpu.vector_load %arg14[%get3A_41] {strides = array<i32>} : memref<2304xi32, #tpu.memory_space<vmem>>, vector<16xi32>,
    %add3A_43 = arith.addi %add3A_40, %get3A_42 : vector<16xi32>
    %get3A_44 = arith.constant 864 : index
    %get3A_45 = tpu.vector_load %arg14[%get3A_44] {strides = array<i32>} : memref<2304xi32, #tpu.memory_space<vmem>>, vector<16xi32>,
    %add3A_46 = arith.addi %add3A_43, %get3A_45 : vector<16xi32>
    %get3A_47 = arith.constant 1008 : index
    %get3A_48 = tpu.vector_load %arg14[%get3A_47] {strides = array<i32>} : memref<2304xi32, #tpu.memory_space<vmem>>, vector<16xi32>,
    %add3A_49 = arith.addi %add3A_46, %get3A_48 : vector<16xi32>
    %get3A_50 = arith.constant 1152 : index
    %get3A_51 = tpu.vector_load %arg14[%get3A_50] {strides = array<i32>} : memref<2304xi32, #tpu.memory_space<vmem>>, vector<16xi32>,
    %add3A_52 = arith.addi %add3A_49, %get3A_51 : vector<16xi32>
    %get3A_53 = arith.constant 1296 : index
    %get3A_54 = tpu.vector_load %arg14[%get3A_53] {strides = array<i32>} : memref<2304xi32, #tpu.memory_space<vmem>>, vector<16xi32>,
    %add3A_55 = arith.addi %add3A_52, %get3A_54 : vector<16xi32>
    %get3A_56 = arith.constant 1440 : index
    %get3A_57 = tpu.vector_load %arg14[%get3A_56] {strides = array<i32>} : memref<2304xi32, #tpu.memory_space<vmem>>, vector<16xi32>,
    %add3A_58 = arith.addi %add3A_55, %get3A_57 : vector<16xi32>
    %get3A_59 = arith.constant 1584 : index
    %get3A_60 = tpu.vector_load %arg14[%get3A_59] {strides = array<i32>} : memref<2304xi32, #tpu.memory_space<vmem>>, vector<16xi32>,
    %add3A_61 = arith.addi %add3A_58, %get3A_60 : vector<16xi32>
    %get3A_62 = arith.constant 1728 : index
    %get3A_63 = tpu.vector_load %arg14[%get3A_62] {strides = array<i32>} : memref<2304xi32, #tpu.memory_space<vmem>>, vector<16xi32>,
    %add3A_64 = arith.addi %add3A_61, %get3A_63 : vector<16xi32>
    %get3A_65 = arith.constant 1872 : index
    %get3A_66 = tpu.vector_load %arg14[%get3A_65] {strides = array<i32>} : memref<2304xi32, #tpu.memory_space<vmem>>, vector<16xi32>,
    %add3A_67 = arith.addi %add3A_64, %get3A_66 : vector<16xi32>
    %get3A_68 = arith.constant 2016 : index
    %get3A_69 = tpu.vector_load %arg14[%get3A_68] {strides = array<i32>} : memref<2304xi32, #tpu.memory_space<vmem>>, vector<16xi32>,
    %add3A_70 = arith.addi %add3A_67, %get3A_69 : vector<16xi32>
    %get3A_71 = arith.constant 2160 : index
    %get3A_72 = tpu.vector_load %arg14[%get3A_71] {strides = array<i32>} : memref<2304xi32, #tpu.memory_space<vmem>>, vector<16xi32>,
    %add3A_73 = arith.addi %add3A_70, %get3A_72 : vector<16xi32>
    %swap3A = arith.constant 0 : index
    %swap3A_74 = tpu.vector_load %arg15[%swap3A] {strides = array<i32>} : memref<144xi32, #tpu.memory_space<vmem>>, vector<16xi32>,
    tpu.vector_store %arg15[%swap3A], %add3A_73 {strides = array<i32>} : memref<144xi32, #tpu.memory_space<vmem>>, vector<16xi32>,
    %get3A_75 = arith.constant 16 : index
    %get3A_76 = tpu.vector_load %arg14[%get3A_75] {strides = array<i32>} : memref<2304xi32, #tpu.memory_space<vmem>>, vector<16xi32>,
    %add3A_77 = arith.addi %broadcast_in_dim3A_0, %get3A_76 : vector<16xi32>
    %get3A_78 = arith.constant 160 : index
    %get3A_79 = tpu.vector_load %arg14[%get3A_78] {strides = array<i32>} : memref<2304xi32, #tpu.memory_space<vmem>>, vector<16xi32>,
    %add3A_80 = arith.addi %add3A_77, %get3A_79 : vector<16xi32>
    %get3A_81 = arith.constant 304 : index
    %get3A_82 = tpu.vector_load %arg14[%get3A_81] {strides = array<i32>} : memref<2304xi32, #tpu.memory_space<vmem>>, vector<16xi32>,
    %add3A_83 = arith.addi %add3A_80, %get3A_82 : vector<16xi32>
    %get3A_84 = arith.constant 448 : index
    %get3A_85 = tpu.vector_load %arg14[%get3A_84] {strides = array<i32>} : memref<2304xi32, #tpu.memory_space<vmem>>, vector<16xi32>,
    %add3A_86 = arith.addi %add3A_83, %get3A_85 : vector<16xi32>
    %get3A_87 = arith.constant 592 : index
    %get3A_88 = tpu.vector_load %arg14[%get3A_87] {strides = array<i32>} : memref<2304xi32, #tpu.memory_space<vmem>>, vector<16xi32>,
    %add3A_89 = arith.addi %add3A_86, %get3A_88 : vector<16xi32>
    %get3A_90 = arith.constant 736 : index
    %get3A_91 = tpu.vector_load %arg14[%get3A_90] {strides = array<i32>} : memref<2304xi32, #tpu.memory_space<vmem>>, vector<16xi32>,
    %add3A_92 = arith.addi %add3A_89, %get3A_91 : vector<16xi32>
    %get3A_93 = arith.constant 880 : index
    %get3A_94 = tpu.vector_load %arg14[%get3A_93] {strides = array<i32>} : memref<2304xi32, #tpu.memory_space<vmem>>, vector<16xi32>,
    %add3A_95 = arith.addi %add3A_92, %get3A_94 : vector<16xi32>
    %get3A_96 = arith.constant 1024 : index
    %get3A_97 = tpu.vector_load %arg14[%get3A_96] {strides = array<i32>} : memref<2304xi32, #tpu.memory_space<vmem>>, vector<16xi32>,
    %add3A_98 = arith.addi %add3A_95, %get3A_97 : vector<16xi32>
    %get3A_99 = arith.constant 1168 : index
    %get3A_100 = tpu.vector_load %arg14[%get3A_99] {strides = array<i32>} : memref<2304xi32, #tpu.memory_space<vmem>>, vector<16xi32>,
    %add3A_101 = arith.addi %add3A_98, %get3A_100 : vector<16xi32>
    %get3A_102 = arith.constant 1312 : index
    %get3A_103 = tpu.vector_load %arg14[%get3A_102] {strides = array<i32>} : memref<2304xi32, #tpu.memory_space<vmem>>, vector<16xi32>,
    %add3A_104 = arith.addi %add3A_101, %get3A_103 : vector<16xi32>
    %get3A_105 = arith.constant 1456 : index
    %get3A_106 = tpu.vector_load %arg14[%get3A_105] {strides = array<i32>} : memref<2304xi32, #tpu.memory_space<vmem>>, vector<16xi32>,
    %add3A_107 = arith.addi %add3A_104, %get3A_106 : vector<16xi32>
    %get3A_108 = arith.constant 1600 : index
    %get3A_109 = tpu.vector_load %arg14[%get3A_108] {strides = array<i32>} : memref<2304xi32, #tpu.memory_space<vmem>>, vector<16xi32>,
    %add3A_110 = arith.addi %add3A_107, %get3A_109 : vector<16xi32>
    %get3A_111 = arith.constant 1744 : index
    %get3A_112 = tpu.vector_load %arg14[%get3A_111] {strides = array<i32>} : memref<2304xi32, #tpu.memory_space<vmem>>, vector<16xi32>,
    %add3A_113 = arith.addi %add3A_110, %get3A_112 : vector<16xi32>
    %get3A_114 = arith.constant 1888 : index
    %get3A_115 = tpu.vector_load %arg14[%get3A_114] {strides = array<i32>} : memref<2304xi32, #tpu.memory_space<vmem>>, vector<16xi32>,
    %add3A_116 = arith.addi %add3A_113, %get3A_115 : vector<16xi32>
    %get3A_117 = arith.constant 2032 : index
    %get3A_118 = tpu.vector_load %arg14[%get3A_117] {strides = array<i32>} : memref<2304xi32, #tpu.memory_space<vmem>>, vector<16xi32>,
    %add3A_119 = arith.addi %add3A_116, %get3A_118 : vector<16xi32>
    %get3A_120 = arith.constant 2176 : index
    %get3A_121 = tpu.vector_load %arg14[%get3A_120] {strides = array<i32>} : memref<2304xi32, #tpu.memory_space<vmem>>, vector<16xi32>,
    %add3A_122 = arith.addi %add3A_119, %get3A_121 : vector<16xi32>
    %swap3A_123 = arith.constant 16 : index
    %swap3A_124 = tpu.vector_load %arg15[%swap3A_123] {strides = array<i32>} : memref<144xi32, #tpu.memory_space<vmem>>, vector<16xi32>,
    tpu.vector_store %arg15[%swap3A_123], %add3A_122 {strides = array<i32>} : memref<144xi32, #tpu.memory_space<vmem>>, vector<16xi32>,
    %get3A_125 = arith.constant 32 : index
    %get3A_126 = tpu.vector_load %arg14[%get3A_125] {strides = array<i32>} : memref<2304xi32, #tpu.memory_space<vmem>>, vector<16xi32>,
    %add3A_127 = arith.addi %broadcast_in_dim3A_0, %get3A_126 : vector<16xi32>
    %get3A_128 = arith.constant 176 : index
    %get3A_129 = tpu.vector_load %arg14[%get3A_128] {strides = array<i32>} : memref<2304xi32, #tpu.memory_space<vmem>>, vector<16xi32>,
    %add3A_130 = arith.addi %add3A_127, %get3A_129 : vector<16xi32>
    %get3A_131 = arith.constant 320 : index
    %get3A_132 = tpu.vector_load %arg14[%get3A_131] {strides = array<i32>} : memref<2304xi32, #tpu.memory_space<vmem>>, vector<16xi32>,
    %add3A_133 = arith.addi %add3A_130, %get3A_132 : vector<16xi32>
    %get3A_134 = arith.constant 464 : index
    %get3A_135 = tpu.vector_load %arg14[%get3A_134] {strides = array<i32>} : memref<2304xi32, #tpu.memory_space<vmem>>, vector<16xi32>,
    %add3A_136 = arith.addi %add3A_133, %get3A_135 : vector<16xi32>
    %get3A_137 = arith.constant 608 : index
    %get3A_138 = tpu.vector_load %arg14[%get3A_137] {strides = array<i32>} : memref<2304xi32, #tpu.memory_space<vmem>>, vector<16xi32>,
    %add3A_139 = arith.addi %add3A_136, %get3A_138 : vector<16xi32>
    %get3A_140 = arith.constant 752 : index
    %get3A_141 = tpu.vector_load %arg14[%get3A_140] {strides = array<i32>} : memref<2304xi32, #tpu.memory_space<vmem>>, vector<16xi32>,
    %add3A_142 = arith.addi %add3A_139, %get3A_141 : vector<16xi32>
    %get3A_143 = arith.constant 896 : index
    %get3A_144 = tpu.vector_load %arg14[%get3A_143] {strides = array<i32>} : memref<2304xi32, #tpu.memory_space<vmem>>, vector<16xi32>,
    %add3A_145 = arith.addi %add3A_142, %get3A_144 : vector<16xi32>
    %get3A_146 = arith.constant 1040 : index
    %get3A_147 = tpu.vector_load %arg14[%get3A_146] {strides = array<i32>} : memref<2304xi32, #tpu.memory_space<vmem>>, vector<16xi32>,
    %add3A_148 = arith.addi %add3A_145, %get3A_147 : vector<16xi32>
    %get3A_149 = arith.constant 1184 : index
    %get3A_150 = tpu.vector_load %arg14[%get3A_149] {strides = array<i32>} : memref<2304xi32, #tpu.memory_space<vmem>>, vector<16xi32>,
    %add3A_151 = arith.addi %add3A_148, %get3A_150 : vector<16xi32>
    %get3A_152 = arith.constant 1328 : index
    %get3A_153 = tpu.vector_load %arg14[%get3A_152] {strides = array<i32>} : memref<2304xi32, #tpu.memory_space<vmem>>, vector<16xi32>,
    %add3A_154 = arith.addi %add3A_151, %get3A_153 : vector<16xi32>
    %get3A_155 = arith.constant 1472 : index
    %get3A_156 = tpu.vector_load %arg14[%get3A_155] {strides = array<i32>} : memref<2304xi32, #tpu.memory_space<vmem>>, vector<16xi32>,
    %add3A_157 = arith.addi %add3A_154, %get3A_156 : vector<16xi32>
    %get3A_158 = arith.constant 1616 : index
    %get3A_159 = tpu.vector_load %arg14[%get3A_158] {strides = array<i32>} : memref<2304xi32, #tpu.memory_space<vmem>>, vector<16xi32>,
    %add3A_160 = arith.addi %add3A_157, %get3A_159 : vector<16xi32>
    %get3A_161 = arith.constant 1760 : index
    %get3A_162 = tpu.vector_load %arg14[%get3A_161] {strides = array<i32>} : memref<2304xi32, #tpu.memory_space<vmem>>, vector<16xi32>,
    %add3A_163 = arith.addi %add3A_160, %get3A_162 : vector<16xi32>
    %get3A_164 = arith.constant 1904 : index
    %get3A_165 = tpu.vector_load %arg14[%get3A_164] {strides = array<i32>} : memref<2304xi32, #tpu.memory_space<vmem>>, vector<16xi32>,
    %add3A_166 = arith.addi %add3A_163, %get3A_165 : vector<16xi32>
    %get3A_167 = arith.constant 2048 : index
    %get3A_168 = tpu.vector_load %arg14[%get3A_167] {strides = array<i32>} : memref<2304xi32, #tpu.memory_space<vmem>>, vector<16xi32>,
    %add3A_169 = arith.addi %add3A_166, %get3A_168 : vector<16xi32>
    %get3A_170 = arith.constant 2192 : index
    %get3A_171 = tpu.vector_load %arg14[%get3A_170] {strides = array<i32>} : memref<2304xi32, #tpu.memory_space<vmem>>, vector<16xi32>,
    %add3A_172 = arith.addi %add3A_169, %get3A_171 : vector<16xi32>
    %swap3A_173 = arith.constant 32 : index
    %swap3A_174 = tpu.vector_load %arg15[%swap3A_173] {strides = array<i32>} : memref<144xi32, #tpu.memory_space<vmem>>, vector<16xi32>,
    tpu.vector_store %arg15[%swap3A_173], %add3A_172 {strides = array<i32>} : memref<144xi32, #tpu.memory_space<vmem>>, vector<16xi32>,
    %get3A_175 = arith.constant 48 : index
    %get3A_176 = tpu.vector_load %arg14[%get3A_175] {strides = array<i32>} : memref<2304xi32, #tpu.memory_space<vmem>>, vector<16xi32>,
    %add3A_177 = arith.addi %broadcast_in_dim3A_0, %get3A_176 : vector<16xi32>
    %get3A_178 = arith.constant 192 : index
    %get3A_179 = tpu.vector_load %arg14[%get3A_178] {strides = array<i32>} : memref<2304xi32, #tpu.memory_space<vmem>>, vector<16xi32>,
    %add3A_180 = arith.addi %add3A_177, %get3A_179 : vector<16xi32>
    %get3A_181 = arith.constant 336 : index
    %get3A_182 = tpu.vector_load %arg14[%get3A_181] {strides = array<i32>} : memref<2304xi32, #tpu.memory_space<vmem>>, vector<16xi32>,
    %add3A_183 = arith.addi %add3A_180, %get3A_182 : vector<16xi32>
    %get3A_184 = arith.constant 480 : index
    %get3A_185 = tpu.vector_load %arg14[%get3A_184] {strides = array<i32>} : memref<2304xi32, #tpu.memory_space<vmem>>, vector<16xi32>,
    %add3A_186 = arith.addi %add3A_183, %get3A_185 : vector<16xi32>
    %get3A_187 = arith.constant 624 : index
    %get3A_188 = tpu.vector_load %arg14[%get3A_187] {strides = array<i32>} : memref<2304xi32, #tpu.memory_space<vmem>>, vector<16xi32>,
    %add3A_189 = arith.addi %add3A_186, %get3A_188 : vector<16xi32>
    %get3A_190 = arith.constant 768 : index
    %get3A_191 = tpu.vector_load %arg14[%get3A_190] {strides = array<i32>} : memref<2304xi32, #tpu.memory_space<vmem>>, vector<16xi32>,
    %add3A_192 = arith.addi %add3A_189, %get3A_191 : vector<16xi32>
    %get3A_193 = arith.constant 912 : index
    %get3A_194 = tpu.vector_load %arg14[%get3A_193] {strides = array<i32>} : memref<2304xi32, #tpu.memory_space<vmem>>, vector<16xi32>,
    %add3A_195 = arith.addi %add3A_192, %get3A_194 : vector<16xi32>
    %get3A_196 = arith.constant 1056 : index
    %get3A_197 = tpu.vector_load %arg14[%get3A_196] {strides = array<i32>} : memref<2304xi32, #tpu.memory_space<vmem>>, vector<16xi32>,
    %add3A_198 = arith.addi %add3A_195, %get3A_197 : vector<16xi32>
    %get3A_199 = arith.constant 1200 : index
    %get3A_200 = tpu.vector_load %arg14[%get3A_199] {strides = array<i32>} : memref<2304xi32, #tpu.memory_space<vmem>>, vector<16xi32>,
    %add3A_201 = arith.addi %add3A_198, %get3A_200 : vector<16xi32>
    %get3A_202 = arith.constant 1344 : index
    %get3A_203 = tpu.vector_load %arg14[%get3A_202] {strides = array<i32>} : memref<2304xi32, #tpu.memory_space<vmem>>, vector<16xi32>,
    %add3A_204 = arith.addi %add3A_201, %get3A_203 : vector<16xi32>
    %get3A_205 = arith.constant 1488 : index
    %get3A_206 = tpu.vector_load %arg14[%get3A_205] {strides = array<i32>} : memref<2304xi32, #tpu.memory_space<vmem>>, vector<16xi32>,
    %add3A_207 = arith.addi %add3A_204, %get3A_206 : vector<16xi32>
    %get3A_208 = arith.constant 1632 : index
    %get3A_209 = tpu.vector_load %arg14[%get3A_208] {strides = array<i32>} : memref<2304xi32, #tpu.memory_space<vmem>>, vector<16xi32>,
    %add3A_210 = arith.addi %add3A_207, %get3A_209 : vector<16xi32>
    %get3A_211 = arith.constant 1776 : index
    %get3A_212 = tpu.vector_load %arg14[%get3A_211] {strides = array<i32>} : memref<2304xi32, #tpu.memory_space<vmem>>, vector<16xi32>,
    %add3A_213 = arith.addi %add3A_210, %get3A_212 : vector<16xi32>
    %get3A_214 = arith.constant 1920 : index
    %get3A_215 = tpu.vector_load %arg14[%get3A_214] {strides = array<i32>} : memref<2304xi32, #tpu.memory_space<vmem>>, vector<16xi32>,
    %add3A_216 = arith.addi %add3A_213, %get3A_215 : vector<16xi32>
    %get3A_217 = arith.constant 2064 : index
    %get3A_218 = tpu.vector_load %arg14[%get3A_217] {strides = array<i32>} : memref<2304xi32, #tpu.memory_space<vmem>>, vector<16xi32>,
    %add3A_219 = arith.addi %add3A_216, %get3A_218 : vector<16xi32>
    %get3A_220 = arith.constant 2208 : index
    %get3A_221 = tpu.vector_load %arg14[%get3A_220] {strides = array<i32>} : memref<2304xi32, #tpu.memory_space<vmem>>, vector<16xi32>,
    %add3A_222 = arith.addi %add3A_219, %get3A_221 : vector<16xi32>
    %swap3A_223 = arith.constant 48 : index
    %swap3A_224 = tpu.vector_load %arg15[%swap3A_223] {strides = array<i32>} : memref<144xi32, #tpu.memory_space<vmem>>, vector<16xi32>,
    tpu.vector_store %arg15[%swap3A_223], %add3A_222 {strides = array<i32>} : memref<144xi32, #tpu.memory_space<vmem>>, vector<16xi32>,
    %get3A_225 = arith.constant 64 : index
    %get3A_226 = tpu.vector_load %arg14[%get3A_225] {strides = array<i32>} : memref<2304xi32, #tpu.memory_space<vmem>>, vector<16xi32>,
    %add3A_227 = arith.addi %broadcast_in_dim3A_0, %get3A_226 : vector<16xi32>
    %get3A_228 = arith.constant 208 : index
    %get3A_229 = tpu.vector_load %arg14[%get3A_228] {strides = array<i32>} : memref<2304xi32, #tpu.memory_space<vmem>>, vector<16xi32>,
    %add3A_230 = arith.addi %add3A_227, %get3A_229 : vector<16xi32>
    %get3A_231 = arith.constant 352 : index
    %get3A_232 = tpu.vector_load %arg14[%get3A_231] {strides = array<i32>} : memref<2304xi32, #tpu.memory_space<vmem>>, vector<16xi32>,
    %add3A_233 = arith.addi %add3A_230, %get3A_232 : vector<16xi32>
    %get3A_234 = arith.constant 496 : index
    %get3A_235 = tpu.vector_load %arg14[%get3A_234] {strides = array<i32>} : memref<2304xi32, #tpu.memory_space<vmem>>, vector<16xi32>,
    %add3A_236 = arith.addi %add3A_233, %get3A_235 : vector<16xi32>
    %get3A_237 = arith.constant 640 : index
    %get3A_238 = tpu.vector_load %arg14[%get3A_237] {strides = array<i32>} : memref<2304xi32, #tpu.memory_space<vmem>>, vector<16xi32>,
    %add3A_239 = arith.addi %add3A_236, %get3A_238 : vector<16xi32>
    %get3A_240 = arith.constant 784 : index
    %get3A_241 = tpu.vector_load %arg14[%get3A_240] {strides = array<i32>} : memref<2304xi32, #tpu.memory_space<vmem>>, vector<16xi32>,
    %add3A_242 = arith.addi %add3A_239, %get3A_241 : vector<16xi32>
    %get3A_243 = arith.constant 928 : index
    %get3A_244 = tpu.vector_load %arg14[%get3A_243] {strides = array<i32>} : memref<2304xi32, #tpu.memory_space<vmem>>, vector<16xi32>,
    %add3A_245 = arith.addi %add3A_242, %get3A_244 : vector<16xi32>
    %get3A_246 = arith.constant 1072 : index
    %get3A_247 = tpu.vector_load %arg14[%get3A_246] {strides = array<i32>} : memref<2304xi32, #tpu.memory_space<vmem>>, vector<16xi32>,
    %add3A_248 = arith.addi %add3A_245, %get3A_247 : vector<16xi32>
    %get3A_249 = arith.constant 1216 : index
    %get3A_250 = tpu.vector_load %arg14[%get3A_249] {strides = array<i32>} : memref<2304xi32, #tpu.memory_space<vmem>>, vector<16xi32>,
    %add3A_251 = arith.addi %add3A_248, %get3A_250 : vector<16xi32>
    %get3A_252 = arith.constant 1360 : index
    %get3A_253 = tpu.vector_load %arg14[%get3A_252] {strides = array<i32>} : memref<2304xi32, #tpu.memory_space<vmem>>, vector<16xi32>,
    %add3A_254 = arith.addi %add3A_251, %get3A_253 : vector<16xi32>
    %get3A_255 = arith.constant 1504 : index
    %get3A_256 = tpu.vector_load %arg14[%get3A_255] {strides = array<i32>} : memref<2304xi32, #tpu.memory_space<vmem>>, vector<16xi32>,
    %add3A_257 = arith.addi %add3A_254, %get3A_256 : vector<16xi32>
    %get3A_258 = arith.constant 1648 : index
    %get3A_259 = tpu.vector_load %arg14[%get3A_258] {strides = array<i32>} : memref<2304xi32, #tpu.memory_space<vmem>>, vector<16xi32>,
    %add3A_260 = arith.addi %add3A_257, %get3A_259 : vector<16xi32>
    %get3A_261 = arith.constant 1792 : index
    %get3A_262 = tpu.vector_load %arg14[%get3A_261] {strides = array<i32>} : memref<2304xi32, #tpu.memory_space<vmem>>, vector<16xi32>,
    %add3A_263 = arith.addi %add3A_260, %get3A_262 : vector<16xi32>
    %get3A_264 = arith.constant 1936 : index
    %get3A_265 = tpu.vector_load %arg14[%get3A_264] {strides = array<i32>} : memref<2304xi32, #tpu.memory_space<vmem>>, vector<16xi32>,
    %add3A_266 = arith.addi %add3A_263, %get3A_265 : vector<16xi32>
    %get3A_267 = arith.constant 2080 : index
    %get3A_268 = tpu.vector_load %arg14[%get3A_267] {strides = array<i32>} : memref<2304xi32, #tpu.memory_space<vmem>>, vector<16xi32>,
    %add3A_269 = arith.addi %add3A_266, %get3A_268 : vector<16xi32>
    %get3A_270 = arith.constant 2224 : index
    %get3A_271 = tpu.vector_load %arg14[%get3A_270] {strides = array<i32>} : memref<2304xi32, #tpu.memory_space<vmem>>, vector<16xi32>,
    %add3A_272 = arith.addi %add3A_269, %get3A_271 : vector<16xi32>
    %swap3A_273 = arith.constant 64 : index
    %swap3A_274 = tpu.vector_load %arg15[%swap3A_273] {strides = array<i32>} : memref<144xi32, #tpu.memory_space<vmem>>, vector<16xi32>,
    tpu.vector_store %arg15[%swap3A_273], %add3A_272 {strides = array<i32>} : memref<144xi32, #tpu.memory_space<vmem>>, vector<16xi32>,
    %get3A_275 = arith.constant 80 : index
    %get3A_276 = tpu.vector_load %arg14[%get3A_275] {strides = array<i32>} : memref<2304xi32, #tpu.memory_space<vmem>>, vector<16xi32>,
    %add3A_277 = arith.addi %broadcast_in_dim3A_0, %get3A_276 : vector<16xi32>
    %get3A_278 = arith.constant 224 : index
    %get3A_279 = tpu.vector_load %arg14[%get3A_278] {strides = array<i32>} : memref<2304xi32, #tpu.memory_space<vmem>>, vector<16xi32>,
    %add3A_280 = arith.addi %add3A_277, %get3A_279 : vector<16xi32>
    %get3A_281 = arith.constant 368 : index
    %get3A_282 = tpu.vector_load %arg14[%get3A_281] {strides = array<i32>} : memref<2304xi32, #tpu.memory_space<vmem>>, vector<16xi32>,
    %add3A_283 = arith.addi %add3A_280, %get3A_282 : vector<16xi32>
    %get3A_284 = arith.constant 512 : index
    %get3A_285 = tpu.vector_load %arg14[%get3A_284] {strides = array<i32>} : memref<2304xi32, #tpu.memory_space<vmem>>, vector<16xi32>,
    %add3A_286 = arith.addi %add3A_283, %get3A_285 : vector<16xi32>
    %get3A_287 = arith.constant 656 : index
    %get3A_288 = tpu.vector_load %arg14[%get3A_287] {strides = array<i32>} : memref<2304xi32, #tpu.memory_space<vmem>>, vector<16xi32>,
    %add3A_289 = arith.addi %add3A_286, %get3A_288 : vector<16xi32>
    %get3A_290 = arith.constant 800 : index
    %get3A_291 = tpu.vector_load %arg14[%get3A_290] {strides = array<i32>} : memref<2304xi32, #tpu.memory_space<vmem>>, vector<16xi32>,
    %add3A_292 = arith.addi %add3A_289, %get3A_291 : vector<16xi32>
    %get3A_293 = arith.constant 944 : index
    %get3A_294 = tpu.vector_load %arg14[%get3A_293] {strides = array<i32>} : memref<2304xi32, #tpu.memory_space<vmem>>, vector<16xi32>,
    %add3A_295 = arith.addi %add3A_292, %get3A_294 : vector<16xi32>
    %get3A_296 = arith.constant 1088 : index
    %get3A_297 = tpu.vector_load %arg14[%get3A_296] {strides = array<i32>} : memref<2304xi32, #tpu.memory_space<vmem>>, vector<16xi32>,
    %add3A_298 = arith.addi %add3A_295, %get3A_297 : vector<16xi32>
    %get3A_299 = arith.constant 1232 : index
    %get3A_300 = tpu.vector_load %arg14[%get3A_299] {strides = array<i32>} : memref<2304xi32, #tpu.memory_space<vmem>>, vector<16xi32>,
    %add3A_301 = arith.addi %add3A_298, %get3A_300 : vector<16xi32>
    %get3A_302 = arith.constant 1376 : index
    %get3A_303 = tpu.vector_load %arg14[%get3A_302] {strides = array<i32>} : memref<2304xi32, #tpu.memory_space<vmem>>, vector<16xi32>,
    %add3A_304 = arith.addi %add3A_301, %get3A_303 : vector<16xi32>
    %get3A_305 = arith.constant 1520 : index
    %get3A_306 = tpu.vector_load %arg14[%get3A_305] {strides = array<i32>} : memref<2304xi32, #tpu.memory_space<vmem>>, vector<16xi32>,
    %add3A_307 = arith.addi %add3A_304, %get3A_306 : vector<16xi32>
    %get3A_308 = arith.constant 1664 : index
    %get3A_309 = tpu.vector_load %arg14[%get3A_308] {strides = array<i32>} : memref<2304xi32, #tpu.memory_space<vmem>>, vector<16xi32>,
    %add3A_310 = arith.addi %add3A_307, %get3A_309 : vector<16xi32>
    %get3A_311 = arith.constant 1808 : index
    %get3A_312 = tpu.vector_load %arg14[%get3A_311] {strides = array<i32>} : memref<2304xi32, #tpu.memory_space<vmem>>, vector<16xi32>,
    %add3A_313 = arith.addi %add3A_310, %get3A_312 : vector<16xi32>
    %get3A_314 = arith.constant 1952 : index
    %get3A_315 = tpu.vector_load %arg14[%get3A_314] {strides = array<i32>} : memref<2304xi32, #tpu.memory_space<vmem>>, vector<16xi32>,
    %add3A_316 = arith.addi %add3A_313, %get3A_315 : vector<16xi32>
    %get3A_317 = arith.constant 2096 : index
    %get3A_318 = tpu.vector_load %arg14[%get3A_317] {strides = array<i32>} : memref<2304xi32, #tpu.memory_space<vmem>>, vector<16xi32>,
    %add3A_319 = arith.addi %add3A_316, %get3A_318 : vector<16xi32>
    %get3A_320 = arith.constant 2240 : index
    %get3A_321 = tpu.vector_load %arg14[%get3A_320] {strides = array<i32>} : memref<2304xi32, #tpu.memory_space<vmem>>, vector<16xi32>,
    %add3A_322 = arith.addi %add3A_319, %get3A_321 : vector<16xi32>
    %swap3A_323 = arith.constant 80 : index
    %swap3A_324 = tpu.vector_load %arg15[%swap3A_323] {strides = array<i32>} : memref<144xi32, #tpu.memory_space<vmem>>, vector<16xi32>,
    tpu.vector_store %arg15[%swap3A_323], %add3A_322 {strides = array<i32>} : memref<144xi32, #tpu.memory_space<vmem>>, vector<16xi32>,
    %get3A_325 = arith.constant 96 : index
    %get3A_326 = tpu.vector_load %arg14[%get3A_325] {strides = array<i32>} : memref<2304xi32, #tpu.memory_space<vmem>>, vector<16xi32>,
    %add3A_327 = arith.addi %broadcast_in_dim3A_0, %get3A_326 : vector<16xi32>
    %get3A_328 = arith.constant 240 : index
    %get3A_329 = tpu.vector_load %arg14[%get3A_328] {strides = array<i32>} : memref<2304xi32, #tpu.memory_space<vmem>>, vector<16xi32>,
    %add3A_330 = arith.addi %add3A_327, %get3A_329 : vector<16xi32>
    %get3A_331 = arith.constant 384 : index
    %get3A_332 = tpu.vector_load %arg14[%get3A_331] {strides = array<i32>} : memref<2304xi32, #tpu.memory_space<vmem>>, vector<16xi32>,
    %add3A_333 = arith.addi %add3A_330, %get3A_332 : vector<16xi32>
    %get3A_334 = arith.constant 528 : index
    %get3A_335 = tpu.vector_load %arg14[%get3A_334] {strides = array<i32>} : memref<2304xi32, #tpu.memory_space<vmem>>, vector<16xi32>,
    %add3A_336 = arith.addi %add3A_333, %get3A_335 : vector<16xi32>
    %get3A_337 = arith.constant 672 : index
    %get3A_338 = tpu.vector_load %arg14[%get3A_337] {strides = array<i32>} : memref<2304xi32, #tpu.memory_space<vmem>>, vector<16xi32>,
    %add3A_339 = arith.addi %add3A_336, %get3A_338 : vector<16xi32>
    %get3A_340 = arith.constant 816 : index
    %get3A_341 = tpu.vector_load %arg14[%get3A_340] {strides = array<i32>} : memref<2304xi32, #tpu.memory_space<vmem>>, vector<16xi32>,
    %add3A_342 = arith.addi %add3A_339, %get3A_341 : vector<16xi32>
    %get3A_343 = arith.constant 960 : index
    %get3A_344 = tpu.vector_load %arg14[%get3A_343] {strides = array<i32>} : memref<2304xi32, #tpu.memory_space<vmem>>, vector<16xi32>,
    %add3A_345 = arith.addi %add3A_342, %get3A_344 : vector<16xi32>
    %get3A_346 = arith.constant 1104 : index
    %get3A_347 = tpu.vector_load %arg14[%get3A_346] {strides = array<i32>} : memref<2304xi32, #tpu.memory_space<vmem>>, vector<16xi32>,
    %add3A_348 = arith.addi %add3A_345, %get3A_347 : vector<16xi32>
    %get3A_349 = arith.constant 1248 : index
    %get3A_350 = tpu.vector_load %arg14[%get3A_349] {strides = array<i32>} : memref<2304xi32, #tpu.memory_space<vmem>>, vector<16xi32>,
    %add3A_351 = arith.addi %add3A_348, %get3A_350 : vector<16xi32>
    %get3A_352 = arith.constant 1392 : index
    %get3A_353 = tpu.vector_load %arg14[%get3A_352] {strides = array<i32>} : memref<2304xi32, #tpu.memory_space<vmem>>, vector<16xi32>,
    %add3A_354 = arith.addi %add3A_351, %get3A_353 : vector<16xi32>
    %get3A_355 = arith.constant 1536 : index
    %get3A_356 = tpu.vector_load %arg14[%get3A_355] {strides = array<i32>} : memref<2304xi32, #tpu.memory_space<vmem>>, vector<16xi32>,
    %add3A_357 = arith.addi %add3A_354, %get3A_356 : vector<16xi32>
    %get3A_358 = arith.constant 1680 : index
    %get3A_359 = tpu.vector_load %arg14[%get3A_358] {strides = array<i32>} : memref<2304xi32, #tpu.memory_space<vmem>>, vector<16xi32>,
    %add3A_360 = arith.addi %add3A_357, %get3A_359 : vector<16xi32>
    %get3A_361 = arith.constant 1824 : index
    %get3A_362 = tpu.vector_load %arg14[%get3A_361] {strides = array<i32>} : memref<2304xi32, #tpu.memory_space<vmem>>, vector<16xi32>,
    %add3A_363 = arith.addi %add3A_360, %get3A_362 : vector<16xi32>
    %get3A_364 = arith.constant 1968 : index
    %get3A_365 = tpu.vector_load %arg14[%get3A_364] {strides = array<i32>} : memref<2304xi32, #tpu.memory_space<vmem>>, vector<16xi32>,
    %add3A_366 = arith.addi %add3A_363, %get3A_365 : vector<16xi32>
    %get3A_367 = arith.constant 2112 : index
    %get3A_368 = tpu.vector_load %arg14[%get3A_367] {strides = array<i32>} : memref<2304xi32, #tpu.memory_space<vmem>>, vector<16xi32>,
    %add3A_369 = arith.addi %add3A_366, %get3A_368 : vector<16xi32>
    %get3A_370 = arith.constant 2256 : index
    %get3A_371 = tpu.vector_load %arg14[%get3A_370] {strides = array<i32>} : memref<2304xi32, #tpu.memory_space<vmem>>, vector<16xi32>,
    %add3A_372 = arith.addi %add3A_369, %get3A_371 : vector<16xi32>
    %swap3A_373 = arith.constant 96 : index
    %swap3A_374 = tpu.vector_load %arg15[%swap3A_373] {strides = array<i32>} : memref<144xi32, #tpu.memory_space<vmem>>, vector<16xi32>,
    tpu.vector_store %arg15[%swap3A_373], %add3A_372 {strides = array<i32>} : memref<144xi32, #tpu.memory_space<vmem>>, vector<16xi32>,
    %get3A_375 = arith.constant 112 : index
    %get3A_376 = tpu.vector_load %arg14[%get3A_375] {strides = array<i32>} : memref<2304xi32, #tpu.memory_space<vmem>>, vector<16xi32>,
    %add3A_377 = arith.addi %broadcast_in_dim3A_0, %get3A_376 : vector<16xi32>
    %get3A_378 = arith.constant 256 : index
    %get3A_379 = tpu.vector_load %arg14[%get3A_378] {strides = array<i32>} : memref<2304xi32, #tpu.memory_space<vmem>>, vector<16xi32>,
    %add3A_380 = arith.addi %add3A_377, %get3A_379 : vector<16xi32>
    %get3A_381 = arith.constant 400 : index
    %get3A_382 = tpu.vector_load %arg14[%get3A_381] {strides = array<i32>} : memref<2304xi32, #tpu.memory_space<vmem>>, vector<16xi32>,
    %add3A_383 = arith.addi %add3A_380, %get3A_382 : vector<16xi32>
    %get3A_384 = arith.constant 544 : index
    %get3A_385 = tpu.vector_load %arg14[%get3A_384] {strides = array<i32>} : memref<2304xi32, #tpu.memory_space<vmem>>, vector<16xi32>,
    %add3A_386 = arith.addi %add3A_383, %get3A_385 : vector<16xi32>
    %get3A_387 = arith.constant 688 : index
    %get3A_388 = tpu.vector_load %arg14[%get3A_387] {strides = array<i32>} : memref<2304xi32, #tpu.memory_space<vmem>>, vector<16xi32>,
    %add3A_389 = arith.addi %add3A_386, %get3A_388 : vector<16xi32>
    %get3A_390 = arith.constant 832 : index
    %get3A_391 = tpu.vector_load %arg14[%get3A_390] {strides = array<i32>} : memref<2304xi32, #tpu.memory_space<vmem>>, vector<16xi32>,
    %add3A_392 = arith.addi %add3A_389, %get3A_391 : vector<16xi32>
    %get3A_393 = arith.constant 976 : index
    %get3A_394 = tpu.vector_load %arg14[%get3A_393] {strides = array<i32>} : memref<2304xi32, #tpu.memory_space<vmem>>, vector<16xi32>,
    %add3A_395 = arith.addi %add3A_392, %get3A_394 : vector<16xi32>
    %get3A_396 = arith.constant 1120 : index
    %get3A_397 = tpu.vector_load %arg14[%get3A_396] {strides = array<i32>} : memref<2304xi32, #tpu.memory_space<vmem>>, vector<16xi32>,
    %add3A_398 = arith.addi %add3A_395, %get3A_397 : vector<16xi32>
    %get3A_399 = arith.constant 1264 : index
    %get3A_400 = tpu.vector_load %arg14[%get3A_399] {strides = array<i32>} : memref<2304xi32, #tpu.memory_space<vmem>>, vector<16xi32>,
    %add3A_401 = arith.addi %add3A_398, %get3A_400 : vector<16xi32>
    %get3A_402 = arith.constant 1408 : index
    %get3A_403 = tpu.vector_load %arg14[%get3A_402] {strides = array<i32>} : memref<2304xi32, #tpu.memory_space<vmem>>, vector<16xi32>,
    %add3A_404 = arith.addi %add3A_401, %get3A_403 : vector<16xi32>
    %get3A_405 = arith.constant 1552 : index
    %get3A_406 = tpu.vector_load %arg14[%get3A_405] {strides = array<i32>} : memref<2304xi32, #tpu.memory_space<vmem>>, vector<16xi32>,
    %add3A_407 = arith.addi %add3A_404, %get3A_406 : vector<16xi32>
    %get3A_408 = arith.constant 1696 : index
    %get3A_409 = tpu.vector_load %arg14[%get3A_408] {strides = array<i32>} : memref<2304xi32, #tpu.memory_space<vmem>>, vector<16xi32>,
    %add3A_410 = arith.addi %add3A_407, %get3A_409 : vector<16xi32>
    %get3A_411 = arith.constant 1840 : index
    %get3A_412 = tpu.vector_load %arg14[%get3A_411] {strides = array<i32>} : memref<2304xi32, #tpu.memory_space<vmem>>, vector<16xi32>,
    %add3A_413 = arith.addi %add3A_410, %get3A_412 : vector<16xi32>
    %get3A_414 = arith.constant 1984 : index
    %get3A_415 = tpu.vector_load %arg14[%get3A_414] {strides = array<i32>} : memref<2304xi32, #tpu.memory_space<vmem>>, vector<16xi32>,
    %add3A_416 = arith.addi %add3A_413, %get3A_415 : vector<16xi32>
    %get3A_417 = arith.constant 2128 : index
    %get3A_418 = tpu.vector_load %arg14[%get3A_417] {strides = array<i32>} : memref<2304xi32, #tpu.memory_space<vmem>>, vector<16xi32>,
    %add3A_419 = arith.addi %add3A_416, %get3A_418 : vector<16xi32>
    %get3A_420 = arith.constant 2272 : index
    %get3A_421 = tpu.vector_load %arg14[%get3A_420] {strides = array<i32>} : memref<2304xi32, #tpu.memory_space<vmem>>, vector<16xi32>,
    %add3A_422 = arith.addi %add3A_419, %get3A_421 : vector<16xi32>
    %swap3A_423 = arith.constant 112 : index
    %swap3A_424 = tpu.vector_load %arg15[%swap3A_423] {strides = array<i32>} : memref<144xi32, #tpu.memory_space<vmem>>, vector<16xi32>,
    tpu.vector_store %arg15[%swap3A_423], %add3A_422 {strides = array<i32>} : memref<144xi32, #tpu.memory_space<vmem>>, vector<16xi32>,
    %get3A_425 = arith.constant 128 : index
    %get3A_426 = tpu.vector_load %arg14[%get3A_425] {strides = array<i32>} : memref<2304xi32, #tpu.memory_space<vmem>>, vector<16xi32>,
    %add3A_427 = arith.addi %broadcast_in_dim3A_0, %get3A_426 : vector<16xi32>
    %get3A_428 = arith.constant 272 : index
    %get3A_429 = tpu.vector_load %arg14[%get3A_428] {strides = array<i32>} : memref<2304xi32, #tpu.memory_space<vmem>>, vector<16xi32>,
    %add3A_430 = arith.addi %add3A_427, %get3A_429 : vector<16xi32>
    %get3A_431 = arith.constant 416 : index
    %get3A_432 = tpu.vector_load %arg14[%get3A_431] {strides = array<i32>} : memref<2304xi32, #tpu.memory_space<vmem>>, vector<16xi32>,
    %add3A_433 = arith.addi %add3A_430, %get3A_432 : vector<16xi32>
    %get3A_434 = arith.constant 560 : index
    %get3A_435 = tpu.vector_load %arg14[%get3A_434] {strides = array<i32>} : memref<2304xi32, #tpu.memory_space<vmem>>, vector<16xi32>,
    %add3A_436 = arith.addi %add3A_433, %get3A_435 : vector<16xi32>
    %get3A_437 = arith.constant 704 : index
    %get3A_438 = tpu.vector_load %arg14[%get3A_437] {strides = array<i32>} : memref<2304xi32, #tpu.memory_space<vmem>>, vector<16xi32>,
    %add3A_439 = arith.addi %add3A_436, %get3A_438 : vector<16xi32>
    %get3A_440 = arith.constant 848 : index
    %get3A_441 = tpu.vector_load %arg14[%get3A_440] {strides = array<i32>} : memref<2304xi32, #tpu.memory_space<vmem>>, vector<16xi32>,
    %add3A_442 = arith.addi %add3A_439, %get3A_441 : vector<16xi32>
    %get3A_443 = arith.constant 992 : index
    %get3A_444 = tpu.vector_load %arg14[%get3A_443] {strides = array<i32>} : memref<2304xi32, #tpu.memory_space<vmem>>, vector<16xi32>,
    %add3A_445 = arith.addi %add3A_442, %get3A_444 : vector<16xi32>
    %get3A_446 = arith.constant 1136 : index
    %get3A_447 = tpu.vector_load %arg14[%get3A_446] {strides = array<i32>} : memref<2304xi32, #tpu.memory_space<vmem>>, vector<16xi32>,
    %add3A_448 = arith.addi %add3A_445, %get3A_447 : vector<16xi32>
    %get3A_449 = arith.constant 1280 : index
    %get3A_450 = tpu.vector_load %arg14[%get3A_449] {strides = array<i32>} : memref<2304xi32, #tpu.memory_space<vmem>>, vector<16xi32>,
    %add3A_451 = arith.addi %add3A_448, %get3A_450 : vector<16xi32>
    %get3A_452 = arith.constant 1424 : index
    %get3A_453 = tpu.vector_load %arg14[%get3A_452] {strides = array<i32>} : memref<2304xi32, #tpu.memory_space<vmem>>, vector<16xi32>,
    %add3A_454 = arith.addi %add3A_451, %get3A_453 : vector<16xi32>
    %get3A_455 = arith.constant 1568 : index
    %get3A_456 = tpu.vector_load %arg14[%get3A_455] {strides = array<i32>} : memref<2304xi32, #tpu.memory_space<vmem>>, vector<16xi32>,
    %add3A_457 = arith.addi %add3A_454, %get3A_456 : vector<16xi32>
    %get3A_458 = arith.constant 1712 : index
    %get3A_459 = tpu.vector_load %arg14[%get3A_458] {strides = array<i32>} : memref<2304xi32, #tpu.memory_space<vmem>>, vector<16xi32>,
    %add3A_460 = arith.addi %add3A_457, %get3A_459 : vector<16xi32>
    %get3A_461 = arith.constant 1856 : index
    %get3A_462 = tpu.vector_load %arg14[%get3A_461] {strides = array<i32>} : memref<2304xi32, #tpu.memory_space<vmem>>, vector<16xi32>,
    %add3A_463 = arith.addi %add3A_460, %get3A_462 : vector<16xi32>
    %get3A_464 = arith.constant 2000 : index
    %get3A_465 = tpu.vector_load %arg14[%get3A_464] {strides = array<i32>} : memref<2304xi32, #tpu.memory_space<vmem>>, vector<16xi32>,
    %add3A_466 = arith.addi %add3A_463, %get3A_465 : vector<16xi32>
    %get3A_467 = arith.constant 2144 : index
    %get3A_468 = tpu.vector_load %arg14[%get3A_467] {strides = array<i32>} : memref<2304xi32, #tpu.memory_space<vmem>>, vector<16xi32>,
    %add3A_469 = arith.addi %add3A_466, %get3A_468 : vector<16xi32>
    %get3A_470 = arith.constant 2288 : index
    %get3A_471 = tpu.vector_load %arg14[%get3A_470] {strides = array<i32>} : memref<2304xi32, #tpu.memory_space<vmem>>, vector<16xi32>,
    %add3A_472 = arith.addi %add3A_469, %get3A_471 : vector<16xi32>
    %swap3A_473 = arith.constant 128 : index
    %swap3A_474 = tpu.vector_load %arg15[%swap3A_473] {strides = array<i32>} : memref<144xi32, #tpu.memory_space<vmem>>, vector<16xi32>,
    tpu.vector_store %arg15[%swap3A_473], %add3A_472 {strides = array<i32>} : memref<144xi32, #tpu.memory_space<vmem>>, vector<16xi32>,
    "tpu.region"() ({
      %run_scoped3A = tpu.sem_alloc : memref<!tpu.dma_semaphore, #tpu.memory_space<semaphore_mem>>
      %dma_start3A = arith.constant 0 : i32
      %dma_start3A_2089 = tpu.memref_slice %arg30[%arg1, %dma_start3A] : memref<16x144xi32, #tpu.memory_space<vmem_shared>> -> memref<1x144xi32, #tpu.memory_space<vmem_shared>>
      %dma_start3A_2090 = tpu.memref_squeeze %dma_start3A_2089 : memref<1x144xi32, #tpu.memory_space<vmem_shared>> -> memref<144xi32, #tpu.memory_space<vmem_shared>>
      %dma_start3A_2091 = arith.constant 0 : i32
      %dma_start3A_2092 = tpu.memref_slice %arg30[%arg1, %dma_start3A_2091] : memref<16x144xi32, #tpu.memory_space<vmem_shared>> -> memref<1x144xi32, #tpu.memory_space<vmem_shared>>
      %dma_start3A_2093 = tpu.memref_squeeze %dma_start3A_2092 : memref<1x144xi32, #tpu.memory_space<vmem_shared>> -> memref<144xi32, #tpu.memory_space<vmem_shared>>
      tpu.enqueue_dma source(%arg15 : memref<144xi32, #tpu.memory_space<vmem>>) target(%dma_start3A_2093 : memref<144xi32, #tpu.memory_space<vmem_shared>>) target_semaphore(%run_scoped3A : memref<!tpu.dma_semaphore, #tpu.memory_space<semaphore_mem>>)
      %dma_wait3A = arith.constant 0 : i32
      %dma_wait3A_2094 = tpu.memref_slice %arg30[%arg1, %dma_wait3A] : memref<16x144xi32, #tpu.memory_space<vmem_shared>> -> memref<1x144xi32, #tpu.memory_space<vmem_shared>>
      %dma_wait3A_2095 = tpu.memref_squeeze %dma_wait3A_2094 : memref<1x144xi32, #tpu.memory_space<vmem_shared>> -> memref<144xi32, #tpu.memory_space<vmem_shared>>
      %dma_wait3A_2096 = arith.constant 0 : i32
      %dma_wait3A_2097 = tpu.memref_slice %arg30[%arg1, %dma_wait3A_2096] : memref<16x144xi32, #tpu.memory_space<vmem_shared>> -> memref<1x144xi32, #tpu.memory_space<vmem_shared>>
      %dma_wait3A_2098 = tpu.memref_squeeze %dma_wait3A_2097 : memref<1x144xi32, #tpu.memory_space<vmem_shared>> -> memref<144xi32, #tpu.memory_space<vmem_shared>>
      tpu.wait_dma2 semaphore(%run_scoped3A : memref<!tpu.dma_semaphore, #tpu.memory_space<semaphore_mem>>) src(%arg15 : memref<144xi32, #tpu.memory_space<vmem>>) dst(%dma_wait3A_2098 : memref<144xi32, #tpu.memory_space<vmem_shared>>)
      tpu.yield
    }) : () -> ()
    %barrier3A = arith.constant 0 : index
    tpu.barrier barrier_id(%barrier3A)
    "tpu.region"() ({
      %run_scoped3A = tpu.sem_alloc : memref<!tpu.dma_semaphore, #tpu.memory_space<semaphore_mem>>
      tpu.enqueue_dma source(%arg30 : memref<16x144xi32, #tpu.memory_space<vmem_shared>>) target(%arg16 : memref<16x144xi32, #tpu.memory_space<vmem>>) target_semaphore(%run_scoped3A : memref<!tpu.dma_semaphore, #tpu.memory_space<semaphore_mem>>)
      tpu.wait_dma2 semaphore(%run_scoped3A : memref<!tpu.dma_semaphore, #tpu.memory_space<semaphore_mem>>) src(%arg30 : memref<16x144xi32, #tpu.memory_space<vmem_shared>>) dst(%arg16 : memref<16x144xi32, #tpu.memory_space<vmem>>)
      tpu.yield
    }) : () -> ()
    %get3A_475 = arith.constant 0 : i32
    %get3A_476 = arith.index_cast %get3A_475 : i32 to index
    %get3A_477 = arith.constant 128 : index
    %get3A_478 = tpu.vector_load %arg16[%get3A_476, %get3A_477] {strides = array<i32>} : memref<16x144xi32, #tpu.memory_space<vmem>>, vector<16xi32>,
    %add3A_479 = arith.addi %broadcast_in_dim3A_0, %get3A_478 : vector<16xi32>
    %get3A_480 = arith.constant 1 : i32
    %get3A_481 = arith.index_cast %get3A_480 : i32 to index
    %get3A_482 = arith.constant 128 : index
    %get3A_483 = tpu.vector_load %arg16[%get3A_481, %get3A_482] {strides = array<i32>} : memref<16x144xi32, #tpu.memory_space<vmem>>, vector<16xi32>,
    %add3A_484 = arith.addi %add3A_479, %get3A_483 : vector<16xi32>
    %get3A_485 = arith.constant 2 : i32
    %get3A_486 = arith.index_cast %get3A_485 : i32 to index
    %get3A_487 = arith.constant 128 : index
    %get3A_488 = tpu.vector_load %arg16[%get3A_486, %get3A_487] {strides = array<i32>} : memref<16x144xi32, #tpu.memory_space<vmem>>, vector<16xi32>,
    %add3A_489 = arith.addi %add3A_484, %get3A_488 : vector<16xi32>
    %get3A_490 = arith.constant 3 : i32
    %get3A_491 = arith.index_cast %get3A_490 : i32 to index
    %get3A_492 = arith.constant 128 : index
    %get3A_493 = tpu.vector_load %arg16[%get3A_491, %get3A_492] {strides = array<i32>} : memref<16x144xi32, #tpu.memory_space<vmem>>, vector<16xi32>,
    %add3A_494 = arith.addi %add3A_489, %get3A_493 : vector<16xi32>
    %get3A_495 = arith.constant 4 : i32
    %get3A_496 = arith.index_cast %get3A_495 : i32 to index
    %get3A_497 = arith.constant 128 : index
    %get3A_498 = tpu.vector_load %arg16[%get3A_496, %get3A_497] {strides = array<i32>} : memref<16x144xi32, #tpu.memory_space<vmem>>, vector<16xi32>,
    %add3A_499 = arith.addi %add3A_494, %get3A_498 : vector<16xi32>
    %get3A_500 = arith.constant 5 : i32
    %get3A_501 = arith.index_cast %get3A_500 : i32 to index
    %get3A_502 = arith.constant 128 : index
    %get3A_503 = tpu.vector_load %arg16[%get3A_501, %get3A_502] {strides = array<i32>} : memref<16x144xi32, #tpu.memory_space<vmem>>, vector<16xi32>,
    %add3A_504 = arith.addi %add3A_499, %get3A_503 : vector<16xi32>
    %get3A_505 = arith.constant 6 : i32
    %get3A_506 = arith.index_cast %get3A_505 : i32 to index
    %get3A_507 = arith.constant 128 : index
    %get3A_508 = tpu.vector_load %arg16[%get3A_506, %get3A_507] {strides = array<i32>} : memref<16x144xi32, #tpu.memory_space<vmem>>, vector<16xi32>,
    %add3A_509 = arith.addi %add3A_504, %get3A_508 : vector<16xi32>
    %get3A_510 = arith.constant 7 : i32
    %get3A_511 = arith.index_cast %get3A_510 : i32 to index
    %get3A_512 = arith.constant 128 : index
    %get3A_513 = tpu.vector_load %arg16[%get3A_511, %get3A_512] {strides = array<i32>} : memref<16x144xi32, #tpu.memory_space<vmem>>, vector<16xi32>,
    %add3A_514 = arith.addi %add3A_509, %get3A_513 : vector<16xi32>
    %get3A_515 = arith.constant 8 : i32
    %get3A_516 = arith.index_cast %get3A_515 : i32 to index
    %get3A_517 = arith.constant 128 : index
    %get3A_518 = tpu.vector_load %arg16[%get3A_516, %get3A_517] {strides = array<i32>} : memref<16x144xi32, #tpu.memory_space<vmem>>, vector<16xi32>,
    %add3A_519 = arith.addi %add3A_514, %get3A_518 : vector<16xi32>
    %get3A_520 = arith.constant 9 : i32
    %get3A_521 = arith.index_cast %get3A_520 : i32 to index
    %get3A_522 = arith.constant 128 : index
    %get3A_523 = tpu.vector_load %arg16[%get3A_521, %get3A_522] {strides = array<i32>} : memref<16x144xi32, #tpu.memory_space<vmem>>, vector<16xi32>,
    %add3A_524 = arith.addi %add3A_519, %get3A_523 : vector<16xi32>
    %get3A_525 = arith.constant 10 : i32
    %get3A_526 = arith.index_cast %get3A_525 : i32 to index
    %get3A_527 = arith.constant 128 : index
    %get3A_528 = tpu.vector_load %arg16[%get3A_526, %get3A_527] {strides = array<i32>} : memref<16x144xi32, #tpu.memory_space<vmem>>, vector<16xi32>,
    %add3A_529 = arith.addi %add3A_524, %get3A_528 : vector<16xi32>
    %get3A_530 = arith.constant 11 : i32
    %get3A_531 = arith.index_cast %get3A_530 : i32 to index
    %get3A_532 = arith.constant 128 : index
    %get3A_533 = tpu.vector_load %arg16[%get3A_531, %get3A_532] {strides = array<i32>} : memref<16x144xi32, #tpu.memory_space<vmem>>, vector<16xi32>,
    %add3A_534 = arith.addi %add3A_529, %get3A_533 : vector<16xi32>
    %get3A_535 = arith.constant 12 : i32
    %get3A_536 = arith.index_cast %get3A_535 : i32 to index
    %get3A_537 = arith.constant 128 : index
    %get3A_538 = tpu.vector_load %arg16[%get3A_536, %get3A_537] {strides = array<i32>} : memref<16x144xi32, #tpu.memory_space<vmem>>, vector<16xi32>,
    %add3A_539 = arith.addi %add3A_534, %get3A_538 : vector<16xi32>
    %get3A_540 = arith.constant 13 : i32
    %get3A_541 = arith.index_cast %get3A_540 : i32 to index
    %get3A_542 = arith.constant 128 : index
    %get3A_543 = tpu.vector_load %arg16[%get3A_541, %get3A_542] {strides = array<i32>} : memref<16x144xi32, #tpu.memory_space<vmem>>, vector<16xi32>,
    %add3A_544 = arith.addi %add3A_539, %get3A_543 : vector<16xi32>
    %get3A_545 = arith.constant 14 : i32
    %get3A_546 = arith.index_cast %get3A_545 : i32 to index
    %get3A_547 = arith.constant 128 : index
    %get3A_548 = tpu.vector_load %arg16[%get3A_546, %get3A_547] {strides = array<i32>} : memref<16x144xi32, #tpu.memory_space<vmem>>, vector<16xi32>,
    %add3A_549 = arith.addi %add3A_544, %get3A_548 : vector<16xi32>
    %get3A_550 = arith.constant 15 : i32
    %get3A_551 = arith.index_cast %get3A_550 : i32 to index
    %get3A_552 = arith.constant 128 : index
    %get3A_553 = tpu.vector_load %arg16[%get3A_551, %get3A_552] {strides = array<i32>} : memref<16x144xi32, #tpu.memory_space<vmem>>, vector<16xi32>,
    %add3A_554 = arith.addi %add3A_549, %get3A_553 : vector<16xi32>
    %rev3A = arith.constant 15 : i32
    %rev3A_555 = vector.broadcast %rev3A : i32 to vector<16xi32>
    %rev3A_556 = tpu.iota {dimensions = array<i32: 0>} : vector<16xi32>
    %rev3A_557 = arith.subi %rev3A_555, %rev3A_556 : vector<16xi32>
    %rev3A_558 = tpu.dynamic_gather %add3A_554[%rev3A_557] in [0] : vector<16xi32>, vector<16xi32> -> vector<16xi32>
    %broadcast_in_dim3A_559 = arith.constant true
    %broadcast_in_dim3A_560 = vector.broadcast %broadcast_in_dim3A_559 : i1 to vector<16xi1>
    %masked_cumsum3A = tpu.scan <sum>, %rev3A_558 masked %broadcast_in_dim3A_560 : vector<16xi32>, vector<16xi1> -> vector<16xi32>
    %rev3A_561 = arith.constant 15 : i32
    %rev3A_562 = vector.broadcast %rev3A_561 : i32 to vector<16xi32>
    %rev3A_563 = tpu.iota {dimensions = array<i32: 0>} : vector<16xi32>
    %rev3A_564 = arith.subi %rev3A_562, %rev3A_563 : vector<16xi32>
    %rev3A_565 = tpu.dynamic_gather %masked_cumsum3A[%rev3A_564] in [0] : vector<16xi32>, vector<16xi32> -> vector<16xi32>
    %add3A_566 = arith.constant 0 : i32
    %add3A_567 = vector.broadcast %add3A_566 : i32 to vector<16xi32>
    %add3A_568 = arith.addi %rev3A_565, %add3A_567 : vector<16xi32>
    %add3A_569 = arith.constant 128 : i32
    %add3A_570 = vector.broadcast %add3A_569 : i32 to vector<16xi32>
    %add3A_571 = arith.addi %iota3A, %add3A_570 : vector<16xi32>
    %ge3A = arith.constant 2000 : i32
    %ge3A_572 = vector.broadcast %ge3A : i32 to vector<16xi32>
    %ge3A_573 = arith.cmpi sge, %add3A_568, %ge3A_572 : vector<16xi32>
    %jit3A = arith.constant -1 : i32
    %broadcast_in_dim3A_574 = vector.broadcast %jit3A : i32 to vector<16xi32>
    %select_n3A = arith.select %ge3A_573, %add3A_571, %broadcast_in_dim3A_574 : vector<16xi1>, vector<16xi32>
    %reduce_max3A = arith.constant true
    %reduce_max3A_575 = vector.broadcast %reduce_max3A : i1 to vector<16xi1>
    %reduce_max3A_576 = arith.constant -2147483648 : i32
    %reduce_max3A_577 = vector.broadcast %reduce_max3A_576 : i32 to vector<16xi32>
    %reduce_max3A_578 = arith.xori %select_n3A, %reduce_max3A_577 : vector<16xi32>
    %reduce_max3A_579 = tpu.scan <max>, %reduce_max3A_578 masked %reduce_max3A_575 : vector<16xi32>, vector<16xi1> -> vector<16xi32>
    %reduce_max3A_580 = arith.xori %reduce_max3A_579, %reduce_max3A_577 : vector<16xi32>
    %reduce_max3A_581 = vector.extract %reduce_max3A_580[15] : i32 from vector<16xi32>
    %max3A = arith.constant 0 : i32
    %max3A_582 = arith.maxsi %max3A, %reduce_max3A_581 : i32
    %gt3A = arith.constant 4096 : i32
    %gt3A_583 = vector.broadcast %gt3A : i32 to vector<16xi32>
    %gt3A_584 = arith.cmpi sgt, %add3A_568, %gt3A_583 : vector<16xi32>
    %jit3A_585 = arith.constant -1 : i32
    %broadcast_in_dim3A_586 = vector.broadcast %jit3A_585 : i32 to vector<16xi32>
    %select_n3A_587 = arith.select %gt3A_584, %add3A_571, %broadcast_in_dim3A_586 : vector<16xi1>, vector<16xi32>
    %reduce_max3A_588 = arith.constant true
    %reduce_max3A_589 = vector.broadcast %reduce_max3A_588 : i1 to vector<16xi1>
    %reduce_max3A_590 = arith.constant -2147483648 : i32
    %reduce_max3A_591 = vector.broadcast %reduce_max3A_590 : i32 to vector<16xi32>
    %reduce_max3A_592 = arith.xori %select_n3A_587, %reduce_max3A_591 : vector<16xi32>
    %reduce_max3A_593 = tpu.scan <max>, %reduce_max3A_592 masked %reduce_max3A_589 : vector<16xi32>, vector<16xi1> -> vector<16xi32>
    %reduce_max3A_594 = arith.xori %reduce_max3A_593, %reduce_max3A_591 : vector<16xi32>
    %reduce_max3A_595 = vector.extract %reduce_max3A_594[15] : i32 from vector<16xi32>
    %max3A_596 = arith.constant -1 : i32
    %max3A_597 = arith.maxsi %max3A_596, %reduce_max3A_595 : i32
    %reduce_sum3A = arith.constant true
    %reduce_sum3A_598 = vector.broadcast %reduce_sum3A : i1 to vector<16xi1>
    %reduce_sum3A_599 = tpu.scan <sum>, %add3A_554 masked %reduce_sum3A_598 : vector<16xi32>, vector<16xi1> -> vector<16xi32>
    %reduce_sum3A_600 = vector.extract %reduce_sum3A_599[15] : i32 from vector<16xi32>
    %add3A_601 = arith.constant 0 : i32
    %add3A_602 = arith.addi %add3A_601, %reduce_sum3A_600 : i32
    %get3A_603 = arith.constant 0 : i32
    %get3A_604 = arith.index_cast %get3A_603 : i32 to index
    %get3A_605 = arith.constant 112 : index
    %get3A_606 = tpu.vector_load %arg16[%get3A_604, %get3A_605] {strides = array<i32>} : memref<16x144xi32, #tpu.memory_space<vmem>>, vector<16xi32>,
    %add3A_607 = arith.addi %broadcast_in_dim3A_0, %get3A_606 : vector<16xi32>
    %get3A_608 = arith.constant 1 : i32
    %get3A_609 = arith.index_cast %get3A_608 : i32 to index
    %get3A_610 = arith.constant 112 : index
    %get3A_611 = tpu.vector_load %arg16[%get3A_609, %get3A_610] {strides = array<i32>} : memref<16x144xi32, #tpu.memory_space<vmem>>, vector<16xi32>,
    %add3A_612 = arith.addi %add3A_607, %get3A_611 : vector<16xi32>
    %get3A_613 = arith.constant 2 : i32
    %get3A_614 = arith.index_cast %get3A_613 : i32 to index
    %get3A_615 = arith.constant 112 : index
    %get3A_616 = tpu.vector_load %arg16[%get3A_614, %get3A_615] {strides = array<i32>} : memref<16x144xi32, #tpu.memory_space<vmem>>, vector<16xi32>,
    %add3A_617 = arith.addi %add3A_612, %get3A_616 : vector<16xi32>
    %get3A_618 = arith.constant 3 : i32
    %get3A_619 = arith.index_cast %get3A_618 : i32 to index
    %get3A_620 = arith.constant 112 : index
    %get3A_621 = tpu.vector_load %arg16[%get3A_619, %get3A_620] {strides = array<i32>} : memref<16x144xi32, #tpu.memory_space<vmem>>, vector<16xi32>,
    %add3A_622 = arith.addi %add3A_617, %get3A_621 : vector<16xi32>
    %get3A_623 = arith.constant 4 : i32
    %get3A_624 = arith.index_cast %get3A_623 : i32 to index
    %get3A_625 = arith.constant 112 : index
    %get3A_626 = tpu.vector_load %arg16[%get3A_624, %get3A_625] {strides = array<i32>} : memref<16x144xi32, #tpu.memory_space<vmem>>, vector<16xi32>,
    %add3A_627 = arith.addi %add3A_622, %get3A_626 : vector<16xi32>
    %get3A_628 = arith.constant 5 : i32
    %get3A_629 = arith.index_cast %get3A_628 : i32 to index
    %get3A_630 = arith.constant 112 : index
    %get3A_631 = tpu.vector_load %arg16[%get3A_629, %get3A_630] {strides = array<i32>} : memref<16x144xi32, #tpu.memory_space<vmem>>, vector<16xi32>,
    %add3A_632 = arith.addi %add3A_627, %get3A_631 : vector<16xi32>
    %get3A_633 = arith.constant 6 : i32
    %get3A_634 = arith.index_cast %get3A_633 : i32 to index
    %get3A_635 = arith.constant 112 : index
    %get3A_636 = tpu.vector_load %arg16[%get3A_634, %get3A_635] {strides = array<i32>} : memref<16x144xi32, #tpu.memory_space<vmem>>, vector<16xi32>,
    %add3A_637 = arith.addi %add3A_632, %get3A_636 : vector<16xi32>
    %get3A_638 = arith.constant 7 : i32
    %get3A_639 = arith.index_cast %get3A_638 : i32 to index
    %get3A_640 = arith.constant 112 : index
    %get3A_641 = tpu.vector_load %arg16[%get3A_639, %get3A_640] {strides = array<i32>} : memref<16x144xi32, #tpu.memory_space<vmem>>, vector<16xi32>,
    %add3A_642 = arith.addi %add3A_637, %get3A_641 : vector<16xi32>
    %get3A_643 = arith.constant 8 : i32
    %get3A_644 = arith.index_cast %get3A_643 : i32 to index
    %get3A_645 = arith.constant 112 : index
    %get3A_646 = tpu.vector_load %arg16[%get3A_644, %get3A_645] {strides = array<i32>} : memref<16x144xi32, #tpu.memory_space<vmem>>, vector<16xi32>,
    %add3A_647 = arith.addi %add3A_642, %get3A_646 : vector<16xi32>
    %get3A_648 = arith.constant 9 : i32
    %get3A_649 = arith.index_cast %get3A_648 : i32 to index
    %get3A_650 = arith.constant 112 : index
    %get3A_651 = tpu.vector_load %arg16[%get3A_649, %get3A_650] {strides = array<i32>} : memref<16x144xi32, #tpu.memory_space<vmem>>, vector<16xi32>,
    %add3A_652 = arith.addi %add3A_647, %get3A_651 : vector<16xi32>
    %get3A_653 = arith.constant 10 : i32
    %get3A_654 = arith.index_cast %get3A_653 : i32 to index
    %get3A_655 = arith.constant 112 : index
    %get3A_656 = tpu.vector_load %arg16[%get3A_654, %get3A_655] {strides = array<i32>} : memref<16x144xi32, #tpu.memory_space<vmem>>, vector<16xi32>,
    %add3A_657 = arith.addi %add3A_652, %get3A_656 : vector<16xi32>
    %get3A_658 = arith.constant 11 : i32
    %get3A_659 = arith.index_cast %get3A_658 : i32 to index
    %get3A_660 = arith.constant 112 : index
    %get3A_661 = tpu.vector_load %arg16[%get3A_659, %get3A_660] {strides = array<i32>} : memref<16x144xi32, #tpu.memory_space<vmem>>, vector<16xi32>,
    %add3A_662 = arith.addi %add3A_657, %get3A_661 : vector<16xi32>
    %get3A_663 = arith.constant 12 : i32
    %get3A_664 = arith.index_cast %get3A_663 : i32 to index
    %get3A_665 = arith.constant 112 : index
    %get3A_666 = tpu.vector_load %arg16[%get3A_664, %get3A_665] {strides = array<i32>} : memref<16x144xi32, #tpu.memory_space<vmem>>, vector<16xi32>,
    %add3A_667 = arith.addi %add3A_662, %get3A_666 : vector<16xi32>
    %get3A_668 = arith.constant 13 : i32
    %get3A_669 = arith.index_cast %get3A_668 : i32 to index
    %get3A_670 = arith.constant 112 : index
    %get3A_671 = tpu.vector_load %arg16[%get3A_669, %get3A_670] {strides = array<i32>} : memref<16x144xi32, #tpu.memory_space<vmem>>, vector<16xi32>,
    %add3A_672 = arith.addi %add3A_667, %get3A_671 : vector<16xi32>
    %get3A_673 = arith.constant 14 : i32
    %get3A_674 = arith.index_cast %get3A_673 : i32 to index
    %get3A_675 = arith.constant 112 : index
    %get3A_676 = tpu.vector_load %arg16[%get3A_674, %get3A_675] {strides = array<i32>} : memref<16x144xi32, #tpu.memory_space<vmem>>, vector<16xi32>,
    %add3A_677 = arith.addi %add3A_672, %get3A_676 : vector<16xi32>
    %get3A_678 = arith.constant 15 : i32
    %get3A_679 = arith.index_cast %get3A_678 : i32 to index
    %get3A_680 = arith.constant 112 : index
    %get3A_681 = tpu.vector_load %arg16[%get3A_679, %get3A_680] {strides = array<i32>} : memref<16x144xi32, #tpu.memory_space<vmem>>, vector<16xi32>,
    %add3A_682 = arith.addi %add3A_677, %get3A_681 : vector<16xi32>
    %rev3A_683 = arith.constant 15 : i32
    %rev3A_684 = vector.broadcast %rev3A_683 : i32 to vector<16xi32>
    %rev3A_685 = tpu.iota {dimensions = array<i32: 0>} : vector<16xi32>
    %rev3A_686 = arith.subi %rev3A_684, %rev3A_685 : vector<16xi32>
    %rev3A_687 = tpu.dynamic_gather %add3A_682[%rev3A_686] in [0] : vector<16xi32>, vector<16xi32> -> vector<16xi32>
    %broadcast_in_dim3A_688 = arith.constant true
    %broadcast_in_dim3A_689 = vector.broadcast %broadcast_in_dim3A_688 : i1 to vector<16xi1>
    %masked_cumsum3A_690 = tpu.scan <sum>, %rev3A_687 masked %broadcast_in_dim3A_689 : vector<16xi32>, vector<16xi1> -> vector<16xi32>
    %rev3A_691 = arith.constant 15 : i32
    %rev3A_692 = vector.broadcast %rev3A_691 : i32 to vector<16xi32>
    %rev3A_693 = tpu.iota {dimensions = array<i32: 0>} : vector<16xi32>
    %rev3A_694 = arith.subi %rev3A_692, %rev3A_693 : vector<16xi32>
    %rev3A_695 = tpu.dynamic_gather %masked_cumsum3A_690[%rev3A_694] in [0] : vector<16xi32>, vector<16xi32> -> vector<16xi32>
    %add3A_696 = vector.broadcast %add3A_602 : i32 to vector<16xi32>
    %add3A_697 = arith.addi %rev3A_695, %add3A_696 : vector<16xi32>
    %add3A_698 = arith.constant 112 : i32
    %add3A_699 = vector.broadcast %add3A_698 : i32 to vector<16xi32>
    %add3A_700 = arith.addi %iota3A, %add3A_699 : vector<16xi32>
    %ge3A_701 = arith.constant 2000 : i32
    %ge3A_702 = vector.broadcast %ge3A_701 : i32 to vector<16xi32>
    %ge3A_703 = arith.cmpi sge, %add3A_697, %ge3A_702 : vector<16xi32>
    %jit3A_704 = arith.constant -1 : i32
    %broadcast_in_dim3A_705 = vector.broadcast %jit3A_704 : i32 to vector<16xi32>
    %select_n3A_706 = arith.select %ge3A_703, %add3A_700, %broadcast_in_dim3A_705 : vector<16xi1>, vector<16xi32>
    %reduce_max3A_707 = arith.constant true
    %reduce_max3A_708 = vector.broadcast %reduce_max3A_707 : i1 to vector<16xi1>
    %reduce_max3A_709 = arith.constant -2147483648 : i32
    %reduce_max3A_710 = vector.broadcast %reduce_max3A_709 : i32 to vector<16xi32>
    %reduce_max3A_711 = arith.xori %select_n3A_706, %reduce_max3A_710 : vector<16xi32>
    %reduce_max3A_712 = tpu.scan <max>, %reduce_max3A_711 masked %reduce_max3A_708 : vector<16xi32>, vector<16xi1> -> vector<16xi32>
    %reduce_max3A_713 = arith.xori %reduce_max3A_712, %reduce_max3A_710 : vector<16xi32>
    %reduce_max3A_714 = vector.extract %reduce_max3A_713[15] : i32 from vector<16xi32>
    %max3A_715 = arith.maxsi %max3A_582, %reduce_max3A_714 : i32
    %gt3A_716 = arith.constant 4096 : i32
    %gt3A_717 = vector.broadcast %gt3A_716 : i32 to vector<16xi32>
    %gt3A_718 = arith.cmpi sgt, %add3A_697, %gt3A_717 : vector<16xi32>
    %jit3A_719 = arith.constant -1 : i32
    %broadcast_in_dim3A_720 = vector.broadcast %jit3A_719 : i32 to vector<16xi32>
    %select_n3A_721 = arith.select %gt3A_718, %add3A_700, %broadcast_in_dim3A_720 : vector<16xi1>, vector<16xi32>
    %reduce_max3A_722 = arith.constant true
    %reduce_max3A_723 = vector.broadcast %reduce_max3A_722 : i1 to vector<16xi1>
    %reduce_max3A_724 = arith.constant -2147483648 : i32
    %reduce_max3A_725 = vector.broadcast %reduce_max3A_724 : i32 to vector<16xi32>
    %reduce_max3A_726 = arith.xori %select_n3A_721, %reduce_max3A_725 : vector<16xi32>
    %reduce_max3A_727 = tpu.scan <max>, %reduce_max3A_726 masked %reduce_max3A_723 : vector<16xi32>, vector<16xi1> -> vector<16xi32>
    %reduce_max3A_728 = arith.xori %reduce_max3A_727, %reduce_max3A_725 : vector<16xi32>
    %reduce_max3A_729 = vector.extract %reduce_max3A_728[15] : i32 from vector<16xi32>
    %max3A_730 = arith.maxsi %max3A_597, %reduce_max3A_729 : i32
    %reduce_sum3A_731 = arith.constant true
    %reduce_sum3A_732 = vector.broadcast %reduce_sum3A_731 : i1 to vector<16xi1>
    %reduce_sum3A_733 = tpu.scan <sum>, %add3A_682 masked %reduce_sum3A_732 : vector<16xi32>, vector<16xi1> -> vector<16xi32>
    %reduce_sum3A_734 = vector.extract %reduce_sum3A_733[15] : i32 from vector<16xi32>
    %add3A_735 = arith.addi %add3A_602, %reduce_sum3A_734 : i32
    %get3A_736 = arith.constant 0 : i32
    %get3A_737 = arith.index_cast %get3A_736 : i32 to index
    %get3A_738 = arith.constant 96 : index
    %get3A_739 = tpu.vector_load %arg16[%get3A_737, %get3A_738] {strides = array<i32>} : memref<16x144xi32, #tpu.memory_space<vmem>>, vector<16xi32>,
    %add3A_740 = arith.addi %broadcast_in_dim3A_0, %get3A_739 : vector<16xi32>
    %get3A_741 = arith.constant 1 : i32
    %get3A_742 = arith.index_cast %get3A_741 : i32 to index
    %get3A_743 = arith.constant 96 : index
    %get3A_744 = tpu.vector_load %arg16[%get3A_742, %get3A_743] {strides = array<i32>} : memref<16x144xi32, #tpu.memory_space<vmem>>, vector<16xi32>,
    %add3A_745 = arith.addi %add3A_740, %get3A_744 : vector<16xi32>
    %get3A_746 = arith.constant 2 : i32
    %get3A_747 = arith.index_cast %get3A_746 : i32 to index
    %get3A_748 = arith.constant 96 : index
    %get3A_749 = tpu.vector_load %arg16[%get3A_747, %get3A_748] {strides = array<i32>} : memref<16x144xi32, #tpu.memory_space<vmem>>, vector<16xi32>,
    %add3A_750 = arith.addi %add3A_745, %get3A_749 : vector<16xi32>
    %get3A_751 = arith.constant 3 : i32
    %get3A_752 = arith.index_cast %get3A_751 : i32 to index
    %get3A_753 = arith.constant 96 : index
    %get3A_754 = tpu.vector_load %arg16[%get3A_752, %get3A_753] {strides = array<i32>} : memref<16x144xi32, #tpu.memory_space<vmem>>, vector<16xi32>,
    %add3A_755 = arith.addi %add3A_750, %get3A_754 : vector<16xi32>
    %get3A_756 = arith.constant 4 : i32
    %get3A_757 = arith.index_cast %get3A_756 : i32 to index
    %get3A_758 = arith.constant 96 : index
    %get3A_759 = tpu.vector_load %arg16[%get3A_757, %get3A_758] {strides = array<i32>} : memref<16x144xi32, #tpu.memory_space<vmem>>, vector<16xi32>,
    %add3A_760 = arith.addi %add3A_755, %get3A_759 : vector<16xi32>
    %get3A_761 = arith.constant 5 : i32
    %get3A_762 = arith.index_cast %get3A_761 : i32 to index
    %get3A_763 = arith.constant 96 : index
    %get3A_764 = tpu.vector_load %arg16[%get3A_762, %get3A_763] {strides = array<i32>} : memref<16x144xi32, #tpu.memory_space<vmem>>, vector<16xi32>,
    %add3A_765 = arith.addi %add3A_760, %get3A_764 : vector<16xi32>
    %get3A_766 = arith.constant 6 : i32
    %get3A_767 = arith.index_cast %get3A_766 : i32 to index
    %get3A_768 = arith.constant 96 : index
    %get3A_769 = tpu.vector_load %arg16[%get3A_767, %get3A_768] {strides = array<i32>} : memref<16x144xi32, #tpu.memory_space<vmem>>, vector<16xi32>,
    %add3A_770 = arith.addi %add3A_765, %get3A_769 : vector<16xi32>
    %get3A_771 = arith.constant 7 : i32
    %get3A_772 = arith.index_cast %get3A_771 : i32 to index
    %get3A_773 = arith.constant 96 : index
    %get3A_774 = tpu.vector_load %arg16[%get3A_772, %get3A_773] {strides = array<i32>} : memref<16x144xi32, #tpu.memory_space<vmem>>, vector<16xi32>,
    %add3A_775 = arith.addi %add3A_770, %get3A_774 : vector<16xi32>
    %get3A_776 = arith.constant 8 : i32
    %get3A_777 = arith.index_cast %get3A_776 : i32 to index
    %get3A_778 = arith.constant 96 : index
    %get3A_779 = tpu.vector_load %arg16[%get3A_777, %get3A_778] {strides = array<i32>} : memref<16x144xi32, #tpu.memory_space<vmem>>, vector<16xi32>,
    %add3A_780 = arith.addi %add3A_775, %get3A_779 : vector<16xi32>
    %get3A_781 = arith.constant 9 : i32
    %get3A_782 = arith.index_cast %get3A_781 : i32 to index
    %get3A_783 = arith.constant 96 : index
    %get3A_784 = tpu.vector_load %arg16[%get3A_782, %get3A_783] {strides = array<i32>} : memref<16x144xi32, #tpu.memory_space<vmem>>, vector<16xi32>,
    %add3A_785 = arith.addi %add3A_780, %get3A_784 : vector<16xi32>
    %get3A_786 = arith.constant 10 : i32
    %get3A_787 = arith.index_cast %get3A_786 : i32 to index
    %get3A_788 = arith.constant 96 : index
    %get3A_789 = tpu.vector_load %arg16[%get3A_787, %get3A_788] {strides = array<i32>} : memref<16x144xi32, #tpu.memory_space<vmem>>, vector<16xi32>,
    %add3A_790 = arith.addi %add3A_785, %get3A_789 : vector<16xi32>
    %get3A_791 = arith.constant 11 : i32
    %get3A_792 = arith.index_cast %get3A_791 : i32 to index
    %get3A_793 = arith.constant 96 : index
    %get3A_794 = tpu.vector_load %arg16[%get3A_792, %get3A_793] {strides = array<i32>} : memref<16x144xi32, #tpu.memory_space<vmem>>, vector<16xi32>,
    %add3A_795 = arith.addi %add3A_790, %get3A_794 : vector<16xi32>
    %get3A_796 = arith.constant 12 : i32
    %get3A_797 = arith.index_cast %get3A_796 : i32 to index
    %get3A_798 = arith.constant 96 : index
    %get3A_799 = tpu.vector_load %arg16[%get3A_797, %get3A_798] {strides = array<i32>} : memref<16x144xi32, #tpu.memory_space<vmem>>, vector<16xi32>,
    %add3A_800 = arith.addi %add3A_795, %get3A_799 : vector<16xi32>
    %get3A_801 = arith.constant 13 : i32
    %get3A_802 = arith.index_cast %get3A_801 : i32 to index
    %get3A_803 = arith.constant 96 : index
    %get3A_804 = tpu.vector_load %arg16[%get3A_802, %get3A_803] {strides = array<i32>} : memref<16x144xi32, #tpu.memory_space<vmem>>, vector<16xi32>,
    %add3A_805 = arith.addi %add3A_800, %get3A_804 : vector<16xi32>
    %get3A_806 = arith.constant 14 : i32
    %get3A_807 = arith.index_cast %get3A_806 : i32 to index
    %get3A_808 = arith.constant 96 : index
    %get3A_809 = tpu.vector_load %arg16[%get3A_807, %get3A_808] {strides = array<i32>} : memref<16x144xi32, #tpu.memory_space<vmem>>, vector<16xi32>,
    %add3A_810 = arith.addi %add3A_805, %get3A_809 : vector<16xi32>
    %get3A_811 = arith.constant 15 : i32
    %get3A_812 = arith.index_cast %get3A_811 : i32 to index
    %get3A_813 = arith.constant 96 : index
    %get3A_814 = tpu.vector_load %arg16[%get3A_812, %get3A_813] {strides = array<i32>} : memref<16x144xi32, #tpu.memory_space<vmem>>, vector<16xi32>,
    %add3A_815 = arith.addi %add3A_810, %get3A_814 : vector<16xi32>
    %rev3A_816 = arith.constant 15 : i32
    %rev3A_817 = vector.broadcast %rev3A_816 : i32 to vector<16xi32>
    %rev3A_818 = tpu.iota {dimensions = array<i32: 0>} : vector<16xi32>
    %rev3A_819 = arith.subi %rev3A_817, %rev3A_818 : vector<16xi32>
    %rev3A_820 = tpu.dynamic_gather %add3A_815[%rev3A_819] in [0] : vector<16xi32>, vector<16xi32> -> vector<16xi32>
    %broadcast_in_dim3A_821 = arith.constant true
    %broadcast_in_dim3A_822 = vector.broadcast %broadcast_in_dim3A_821 : i1 to vector<16xi1>
    %masked_cumsum3A_823 = tpu.scan <sum>, %rev3A_820 masked %broadcast_in_dim3A_822 : vector<16xi32>, vector<16xi1> -> vector<16xi32>
    %rev3A_824 = arith.constant 15 : i32
    %rev3A_825 = vector.broadcast %rev3A_824 : i32 to vector<16xi32>
    %rev3A_826 = tpu.iota {dimensions = array<i32: 0>} : vector<16xi32>
    %rev3A_827 = arith.subi %rev3A_825, %rev3A_826 : vector<16xi32>
    %rev3A_828 = tpu.dynamic_gather %masked_cumsum3A_823[%rev3A_827] in [0] : vector<16xi32>, vector<16xi32> -> vector<16xi32>
    %add3A_829 = vector.broadcast %add3A_735 : i32 to vector<16xi32>
    %add3A_830 = arith.addi %rev3A_828, %add3A_829 : vector<16xi32>
    %add3A_831 = arith.constant 96 : i32
    %add3A_832 = vector.broadcast %add3A_831 : i32 to vector<16xi32>
    %add3A_833 = arith.addi %iota3A, %add3A_832 : vector<16xi32>
    %ge3A_834 = arith.constant 2000 : i32
    %ge3A_835 = vector.broadcast %ge3A_834 : i32 to vector<16xi32>
    %ge3A_836 = arith.cmpi sge, %add3A_830, %ge3A_835 : vector<16xi32>
    %jit3A_837 = arith.constant -1 : i32
    %broadcast_in_dim3A_838 = vector.broadcast %jit3A_837 : i32 to vector<16xi32>
    %select_n3A_839 = arith.select %ge3A_836, %add3A_833, %broadcast_in_dim3A_838 : vector<16xi1>, vector<16xi32>
    %reduce_max3A_840 = arith.constant true
    %reduce_max3A_841 = vector.broadcast %reduce_max3A_840 : i1 to vector<16xi1>
    %reduce_max3A_842 = arith.constant -2147483648 : i32
    %reduce_max3A_843 = vector.broadcast %reduce_max3A_842 : i32 to vector<16xi32>
    %reduce_max3A_844 = arith.xori %select_n3A_839, %reduce_max3A_843 : vector<16xi32>
    %reduce_max3A_845 = tpu.scan <max>, %reduce_max3A_844 masked %reduce_max3A_841 : vector<16xi32>, vector<16xi1> -> vector<16xi32>
    %reduce_max3A_846 = arith.xori %reduce_max3A_845, %reduce_max3A_843 : vector<16xi32>
    %reduce_max3A_847 = vector.extract %reduce_max3A_846[15] : i32 from vector<16xi32>
    %max3A_848 = arith.maxsi %max3A_715, %reduce_max3A_847 : i32
    %gt3A_849 = arith.constant 4096 : i32
    %gt3A_850 = vector.broadcast %gt3A_849 : i32 to vector<16xi32>
    %gt3A_851 = arith.cmpi sgt, %add3A_830, %gt3A_850 : vector<16xi32>
    %jit3A_852 = arith.constant -1 : i32
    %broadcast_in_dim3A_853 = vector.broadcast %jit3A_852 : i32 to vector<16xi32>
    %select_n3A_854 = arith.select %gt3A_851, %add3A_833, %broadcast_in_dim3A_853 : vector<16xi1>, vector<16xi32>
    %reduce_max3A_855 = arith.constant true
    %reduce_max3A_856 = vector.broadcast %reduce_max3A_855 : i1 to vector<16xi1>
    %reduce_max3A_857 = arith.constant -2147483648 : i32
    %reduce_max3A_858 = vector.broadcast %reduce_max3A_857 : i32 to vector<16xi32>
    %reduce_max3A_859 = arith.xori %select_n3A_854, %reduce_max3A_858 : vector<16xi32>
    %reduce_max3A_860 = tpu.scan <max>, %reduce_max3A_859 masked %reduce_max3A_856 : vector<16xi32>, vector<16xi1> -> vector<16xi32>
    %reduce_max3A_861 = arith.xori %reduce_max3A_860, %reduce_max3A_858 : vector<16xi32>
    %reduce_max3A_862 = vector.extract %reduce_max3A_861[15] : i32 from vector<16xi32>
    %max3A_863 = arith.maxsi %max3A_730, %reduce_max3A_862 : i32
    %reduce_sum3A_864 = arith.constant true
    %reduce_sum3A_865 = vector.broadcast %reduce_sum3A_864 : i1 to vector<16xi1>
    %reduce_sum3A_866 = tpu.scan <sum>, %add3A_815 masked %reduce_sum3A_865 : vector<16xi32>, vector<16xi1> -> vector<16xi32>
    %reduce_sum3A_867 = vector.extract %reduce_sum3A_866[15] : i32 from vector<16xi32>
    %add3A_868 = arith.addi %add3A_735, %reduce_sum3A_867 : i32
    %get3A_869 = arith.constant 0 : i32
    %get3A_870 = arith.index_cast %get3A_869 : i32 to index
    %get3A_871 = arith.constant 80 : index
    %get3A_872 = tpu.vector_load %arg16[%get3A_870, %get3A_871] {strides = array<i32>} : memref<16x144xi32, #tpu.memory_space<vmem>>, vector<16xi32>,
    %add3A_873 = arith.addi %broadcast_in_dim3A_0, %get3A_872 : vector<16xi32>
    %get3A_874 = arith.constant 1 : i32
    %get3A_875 = arith.index_cast %get3A_874 : i32 to index
    %get3A_876 = arith.constant 80 : index
    %get3A_877 = tpu.vector_load %arg16[%get3A_875, %get3A_876] {strides = array<i32>} : memref<16x144xi32, #tpu.memory_space<vmem>>, vector<16xi32>,
    %add3A_878 = arith.addi %add3A_873, %get3A_877 : vector<16xi32>
    %get3A_879 = arith.constant 2 : i32
    %get3A_880 = arith.index_cast %get3A_879 : i32 to index
    %get3A_881 = arith.constant 80 : index
    %get3A_882 = tpu.vector_load %arg16[%get3A_880, %get3A_881] {strides = array<i32>} : memref<16x144xi32, #tpu.memory_space<vmem>>, vector<16xi32>,
    %add3A_883 = arith.addi %add3A_878, %get3A_882 : vector<16xi32>
    %get3A_884 = arith.constant 3 : i32
    %get3A_885 = arith.index_cast %get3A_884 : i32 to index
    %get3A_886 = arith.constant 80 : index
    %get3A_887 = tpu.vector_load %arg16[%get3A_885, %get3A_886] {strides = array<i32>} : memref<16x144xi32, #tpu.memory_space<vmem>>, vector<16xi32>,
    %add3A_888 = arith.addi %add3A_883, %get3A_887 : vector<16xi32>
    %get3A_889 = arith.constant 4 : i32
    %get3A_890 = arith.index_cast %get3A_889 : i32 to index
    %get3A_891 = arith.constant 80 : index
    %get3A_892 = tpu.vector_load %arg16[%get3A_890, %get3A_891] {strides = array<i32>} : memref<16x144xi32, #tpu.memory_space<vmem>>, vector<16xi32>,
    %add3A_893 = arith.addi %add3A_888, %get3A_892 : vector<16xi32>
    %get3A_894 = arith.constant 5 : i32
    %get3A_895 = arith.index_cast %get3A_894 : i32 to index
    %get3A_896 = arith.constant 80 : index
    %get3A_897 = tpu.vector_load %arg16[%get3A_895, %get3A_896] {strides = array<i32>} : memref<16x144xi32, #tpu.memory_space<vmem>>, vector<16xi32>,
    %add3A_898 = arith.addi %add3A_893, %get3A_897 : vector<16xi32>
    %get3A_899 = arith.constant 6 : i32
    %get3A_900 = arith.index_cast %get3A_899 : i32 to index
    %get3A_901 = arith.constant 80 : index
    %get3A_902 = tpu.vector_load %arg16[%get3A_900, %get3A_901] {strides = array<i32>} : memref<16x144xi32, #tpu.memory_space<vmem>>, vector<16xi32>,
    %add3A_903 = arith.addi %add3A_898, %get3A_902 : vector<16xi32>
    %get3A_904 = arith.constant 7 : i32
    %get3A_905 = arith.index_cast %get3A_904 : i32 to index
    %get3A_906 = arith.constant 80 : index
    %get3A_907 = tpu.vector_load %arg16[%get3A_905, %get3A_906] {strides = array<i32>} : memref<16x144xi32, #tpu.memory_space<vmem>>, vector<16xi32>,
    %add3A_908 = arith.addi %add3A_903, %get3A_907 : vector<16xi32>
    %get3A_909 = arith.constant 8 : i32
    %get3A_910 = arith.index_cast %get3A_909 : i32 to index
    %get3A_911 = arith.constant 80 : index
    %get3A_912 = tpu.vector_load %arg16[%get3A_910, %get3A_911] {strides = array<i32>} : memref<16x144xi32, #tpu.memory_space<vmem>>, vector<16xi32>,
    %add3A_913 = arith.addi %add3A_908, %get3A_912 : vector<16xi32>
    %get3A_914 = arith.constant 9 : i32
    %get3A_915 = arith.index_cast %get3A_914 : i32 to index
    %get3A_916 = arith.constant 80 : index
    %get3A_917 = tpu.vector_load %arg16[%get3A_915, %get3A_916] {strides = array<i32>} : memref<16x144xi32, #tpu.memory_space<vmem>>, vector<16xi32>,
    %add3A_918 = arith.addi %add3A_913, %get3A_917 : vector<16xi32>
    %get3A_919 = arith.constant 10 : i32
    %get3A_920 = arith.index_cast %get3A_919 : i32 to index
    %get3A_921 = arith.constant 80 : index
    %get3A_922 = tpu.vector_load %arg16[%get3A_920, %get3A_921] {strides = array<i32>} : memref<16x144xi32, #tpu.memory_space<vmem>>, vector<16xi32>,
    %add3A_923 = arith.addi %add3A_918, %get3A_922 : vector<16xi32>
    %get3A_924 = arith.constant 11 : i32
    %get3A_925 = arith.index_cast %get3A_924 : i32 to index
    %get3A_926 = arith.constant 80 : index
    %get3A_927 = tpu.vector_load %arg16[%get3A_925, %get3A_926] {strides = array<i32>} : memref<16x144xi32, #tpu.memory_space<vmem>>, vector<16xi32>,
    %add3A_928 = arith.addi %add3A_923, %get3A_927 : vector<16xi32>
    %get3A_929 = arith.constant 12 : i32
    %get3A_930 = arith.index_cast %get3A_929 : i32 to index
    %get3A_931 = arith.constant 80 : index
    %get3A_932 = tpu.vector_load %arg16[%get3A_930, %get3A_931] {strides = array<i32>} : memref<16x144xi32, #tpu.memory_space<vmem>>, vector<16xi32>,
    %add3A_933 = arith.addi %add3A_928, %get3A_932 : vector<16xi32>
    %get3A_934 = arith.constant 13 : i32
    %get3A_935 = arith.index_cast %get3A_934 : i32 to index
    %get3A_936 = arith.constant 80 : index
    %get3A_937 = tpu.vector_load %arg16[%get3A_935, %get3A_936] {strides = array<i32>} : memref<16x144xi32, #tpu.memory_space<vmem>>, vector<16xi32>,
    %add3A_938 = arith.addi %add3A_933, %get3A_937 : vector<16xi32>
    %get3A_939 = arith.constant 14 : i32
    %get3A_940 = arith.index_cast %get3A_939 : i32 to index
    %get3A_941 = arith.constant 80 : index
    %get3A_942 = tpu.vector_load %arg16[%get3A_940, %get3A_941] {strides = array<i32>} : memref<16x144xi32, #tpu.memory_space<vmem>>, vector<16xi32>,
    %add3A_943 = arith.addi %add3A_938, %get3A_942 : vector<16xi32>
    %get3A_944 = arith.constant 15 : i32
    %get3A_945 = arith.index_cast %get3A_944 : i32 to index
    %get3A_946 = arith.constant 80 : index
    %get3A_947 = tpu.vector_load %arg16[%get3A_945, %get3A_946] {strides = array<i32>} : memref<16x144xi32, #tpu.memory_space<vmem>>, vector<16xi32>,
    %add3A_948 = arith.addi %add3A_943, %get3A_947 : vector<16xi32>
    %rev3A_949 = arith.constant 15 : i32
    %rev3A_950 = vector.broadcast %rev3A_949 : i32 to vector<16xi32>
    %rev3A_951 = tpu.iota {dimensions = array<i32: 0>} : vector<16xi32>
    %rev3A_952 = arith.subi %rev3A_950, %rev3A_951 : vector<16xi32>
    %rev3A_953 = tpu.dynamic_gather %add3A_948[%rev3A_952] in [0] : vector<16xi32>, vector<16xi32> -> vector<16xi32>
    %broadcast_in_dim3A_954 = arith.constant true
    %broadcast_in_dim3A_955 = vector.broadcast %broadcast_in_dim3A_954 : i1 to vector<16xi1>
    %masked_cumsum3A_956 = tpu.scan <sum>, %rev3A_953 masked %broadcast_in_dim3A_955 : vector<16xi32>, vector<16xi1> -> vector<16xi32>
    %rev3A_957 = arith.constant 15 : i32
    %rev3A_958 = vector.broadcast %rev3A_957 : i32 to vector<16xi32>
    %rev3A_959 = tpu.iota {dimensions = array<i32: 0>} : vector<16xi32>
    %rev3A_960 = arith.subi %rev3A_958, %rev3A_959 : vector<16xi32>
    %rev3A_961 = tpu.dynamic_gather %masked_cumsum3A_956[%rev3A_960] in [0] : vector<16xi32>, vector<16xi32> -> vector<16xi32>
    %add3A_962 = vector.broadcast %add3A_868 : i32 to vector<16xi32>
    %add3A_963 = arith.addi %rev3A_961, %add3A_962 : vector<16xi32>
    %add3A_964 = arith.constant 80 : i32
    %add3A_965 = vector.broadcast %add3A_964 : i32 to vector<16xi32>
    %add3A_966 = arith.addi %iota3A, %add3A_965 : vector<16xi32>
    %ge3A_967 = arith.constant 2000 : i32
    %ge3A_968 = vector.broadcast %ge3A_967 : i32 to vector<16xi32>
    %ge3A_969 = arith.cmpi sge, %add3A_963, %ge3A_968 : vector<16xi32>
    %jit3A_970 = arith.constant -1 : i32
    %broadcast_in_dim3A_971 = vector.broadcast %jit3A_970 : i32 to vector<16xi32>
    %select_n3A_972 = arith.select %ge3A_969, %add3A_966, %broadcast_in_dim3A_971 : vector<16xi1>, vector<16xi32>
    %reduce_max3A_973 = arith.constant true
    %reduce_max3A_974 = vector.broadcast %reduce_max3A_973 : i1 to vector<16xi1>
    %reduce_max3A_975 = arith.constant -2147483648 : i32
    %reduce_max3A_976 = vector.broadcast %reduce_max3A_975 : i32 to vector<16xi32>
    %reduce_max3A_977 = arith.xori %select_n3A_972, %reduce_max3A_976 : vector<16xi32>
    %reduce_max3A_978 = tpu.scan <max>, %reduce_max3A_977 masked %reduce_max3A_974 : vector<16xi32>, vector<16xi1> -> vector<16xi32>
    %reduce_max3A_979 = arith.xori %reduce_max3A_978, %reduce_max3A_976 : vector<16xi32>
    %reduce_max3A_980 = vector.extract %reduce_max3A_979[15] : i32 from vector<16xi32>
    %max3A_981 = arith.maxsi %max3A_848, %reduce_max3A_980 : i32
    %gt3A_982 = arith.constant 4096 : i32
    %gt3A_983 = vector.broadcast %gt3A_982 : i32 to vector<16xi32>
    %gt3A_984 = arith.cmpi sgt, %add3A_963, %gt3A_983 : vector<16xi32>
    %jit3A_985 = arith.constant -1 : i32
    %broadcast_in_dim3A_986 = vector.broadcast %jit3A_985 : i32 to vector<16xi32>
    %select_n3A_987 = arith.select %gt3A_984, %add3A_966, %broadcast_in_dim3A_986 : vector<16xi1>, vector<16xi32>
    %reduce_max3A_988 = arith.constant true
    %reduce_max3A_989 = vector.broadcast %reduce_max3A_988 : i1 to vector<16xi1>
    %reduce_max3A_990 = arith.constant -2147483648 : i32
    %reduce_max3A_991 = vector.broadcast %reduce_max3A_990 : i32 to vector<16xi32>
    %reduce_max3A_992 = arith.xori %select_n3A_987, %reduce_max3A_991 : vector<16xi32>
    %reduce_max3A_993 = tpu.scan <max>, %reduce_max3A_992 masked %reduce_max3A_989 : vector<16xi32>, vector<16xi1> -> vector<16xi32>
    %reduce_max3A_994 = arith.xori %reduce_max3A_993, %reduce_max3A_991 : vector<16xi32>
    %reduce_max3A_995 = vector.extract %reduce_max3A_994[15] : i32 from vector<16xi32>
    %max3A_996 = arith.maxsi %max3A_863, %reduce_max3A_995 : i32
    %reduce_sum3A_997 = arith.constant true
    %reduce_sum3A_998 = vector.broadcast %reduce_sum3A_997 : i1 to vector<16xi1>
    %reduce_sum3A_999 = tpu.scan <sum>, %add3A_948 masked %reduce_sum3A_998 : vector<16xi32>, vector<16xi1> -> vector<16xi32>
    %reduce_sum3A_1000 = vector.extract %reduce_sum3A_999[15] : i32 from vector<16xi32>
    %add3A_1001 = arith.addi %add3A_868, %reduce_sum3A_1000 : i32
    %get3A_1002 = arith.constant 0 : i32
    %get3A_1003 = arith.index_cast %get3A_1002 : i32 to index
    %get3A_1004 = arith.constant 64 : index
    %get3A_1005 = tpu.vector_load %arg16[%get3A_1003, %get3A_1004] {strides = array<i32>} : memref<16x144xi32, #tpu.memory_space<vmem>>, vector<16xi32>,
    %add3A_1006 = arith.addi %broadcast_in_dim3A_0, %get3A_1005 : vector<16xi32>
    %get3A_1007 = arith.constant 1 : i32
    %get3A_1008 = arith.index_cast %get3A_1007 : i32 to index
    %get3A_1009 = arith.constant 64 : index
    %get3A_1010 = tpu.vector_load %arg16[%get3A_1008, %get3A_1009] {strides = array<i32>} : memref<16x144xi32, #tpu.memory_space<vmem>>, vector<16xi32>,
    %add3A_1011 = arith.addi %add3A_1006, %get3A_1010 : vector<16xi32>
    %get3A_1012 = arith.constant 2 : i32
    %get3A_1013 = arith.index_cast %get3A_1012 : i32 to index
    %get3A_1014 = arith.constant 64 : index
    %get3A_1015 = tpu.vector_load %arg16[%get3A_1013, %get3A_1014] {strides = array<i32>} : memref<16x144xi32, #tpu.memory_space<vmem>>, vector<16xi32>,
    %add3A_1016 = arith.addi %add3A_1011, %get3A_1015 : vector<16xi32>
    %get3A_1017 = arith.constant 3 : i32
    %get3A_1018 = arith.index_cast %get3A_1017 : i32 to index
    %get3A_1019 = arith.constant 64 : index
    %get3A_1020 = tpu.vector_load %arg16[%get3A_1018, %get3A_1019] {strides = array<i32>} : memref<16x144xi32, #tpu.memory_space<vmem>>, vector<16xi32>,
    %add3A_1021 = arith.addi %add3A_1016, %get3A_1020 : vector<16xi32>
    %get3A_1022 = arith.constant 4 : i32
    %get3A_1023 = arith.index_cast %get3A_1022 : i32 to index
    %get3A_1024 = arith.constant 64 : index
    %get3A_1025 = tpu.vector_load %arg16[%get3A_1023, %get3A_1024] {strides = array<i32>} : memref<16x144xi32, #tpu.memory_space<vmem>>, vector<16xi32>,
    %add3A_1026 = arith.addi %add3A_1021, %get3A_1025 : vector<16xi32>
    %get3A_1027 = arith.constant 5 : i32
    %get3A_1028 = arith.index_cast %get3A_1027 : i32 to index
    %get3A_1029 = arith.constant 64 : index
    %get3A_1030 = tpu.vector_load %arg16[%get3A_1028, %get3A_1029] {strides = array<i32>} : memref<16x144xi32, #tpu.memory_space<vmem>>, vector<16xi32>,
    %add3A_1031 = arith.addi %add3A_1026, %get3A_1030 : vector<16xi32>
    %get3A_1032 = arith.constant 6 : i32
    %get3A_1033 = arith.index_cast %get3A_1032 : i32 to index
    %get3A_1034 = arith.constant 64 : index
    %get3A_1035 = tpu.vector_load %arg16[%get3A_1033, %get3A_1034] {strides = array<i32>} : memref<16x144xi32, #tpu.memory_space<vmem>>, vector<16xi32>,
    %add3A_1036 = arith.addi %add3A_1031, %get3A_1035 : vector<16xi32>
    %get3A_1037 = arith.constant 7 : i32
    %get3A_1038 = arith.index_cast %get3A_1037 : i32 to index
    %get3A_1039 = arith.constant 64 : index
    %get3A_1040 = tpu.vector_load %arg16[%get3A_1038, %get3A_1039] {strides = array<i32>} : memref<16x144xi32, #tpu.memory_space<vmem>>, vector<16xi32>,
    %add3A_1041 = arith.addi %add3A_1036, %get3A_1040 : vector<16xi32>
    %get3A_1042 = arith.constant 8 : i32
    %get3A_1043 = arith.index_cast %get3A_1042 : i32 to index
    %get3A_1044 = arith.constant 64 : index
    %get3A_1045 = tpu.vector_load %arg16[%get3A_1043, %get3A_1044] {strides = array<i32>} : memref<16x144xi32, #tpu.memory_space<vmem>>, vector<16xi32>,
    %add3A_1046 = arith.addi %add3A_1041, %get3A_1045 : vector<16xi32>
    %get3A_1047 = arith.constant 9 : i32
    %get3A_1048 = arith.index_cast %get3A_1047 : i32 to index
    %get3A_1049 = arith.constant 64 : index
    %get3A_1050 = tpu.vector_load %arg16[%get3A_1048, %get3A_1049] {strides = array<i32>} : memref<16x144xi32, #tpu.memory_space<vmem>>, vector<16xi32>,
    %add3A_1051 = arith.addi %add3A_1046, %get3A_1050 : vector<16xi32>
    %get3A_1052 = arith.constant 10 : i32
    %get3A_1053 = arith.index_cast %get3A_1052 : i32 to index
    %get3A_1054 = arith.constant 64 : index
    %get3A_1055 = tpu.vector_load %arg16[%get3A_1053, %get3A_1054] {strides = array<i32>} : memref<16x144xi32, #tpu.memory_space<vmem>>, vector<16xi32>,
    %add3A_1056 = arith.addi %add3A_1051, %get3A_1055 : vector<16xi32>
    %get3A_1057 = arith.constant 11 : i32
    %get3A_1058 = arith.index_cast %get3A_1057 : i32 to index
    %get3A_1059 = arith.constant 64 : index
    %get3A_1060 = tpu.vector_load %arg16[%get3A_1058, %get3A_1059] {strides = array<i32>} : memref<16x144xi32, #tpu.memory_space<vmem>>, vector<16xi32>,
    %add3A_1061 = arith.addi %add3A_1056, %get3A_1060 : vector<16xi32>
    %get3A_1062 = arith.constant 12 : i32
    %get3A_1063 = arith.index_cast %get3A_1062 : i32 to index
    %get3A_1064 = arith.constant 64 : index
    %get3A_1065 = tpu.vector_load %arg16[%get3A_1063, %get3A_1064] {strides = array<i32>} : memref<16x144xi32, #tpu.memory_space<vmem>>, vector<16xi32>,
    %add3A_1066 = arith.addi %add3A_1061, %get3A_1065 : vector<16xi32>
    %get3A_1067 = arith.constant 13 : i32
    %get3A_1068 = arith.index_cast %get3A_1067 : i32 to index
    %get3A_1069 = arith.constant 64 : index
    %get3A_1070 = tpu.vector_load %arg16[%get3A_1068, %get3A_1069] {strides = array<i32>} : memref<16x144xi32, #tpu.memory_space<vmem>>, vector<16xi32>,
    %add3A_1071 = arith.addi %add3A_1066, %get3A_1070 : vector<16xi32>
    %get3A_1072 = arith.constant 14 : i32
    %get3A_1073 = arith.index_cast %get3A_1072 : i32 to index
    %get3A_1074 = arith.constant 64 : index
    %get3A_1075 = tpu.vector_load %arg16[%get3A_1073, %get3A_1074] {strides = array<i32>} : memref<16x144xi32, #tpu.memory_space<vmem>>, vector<16xi32>,
    %add3A_1076 = arith.addi %add3A_1071, %get3A_1075 : vector<16xi32>
    %get3A_1077 = arith.constant 15 : i32
    %get3A_1078 = arith.index_cast %get3A_1077 : i32 to index
    %get3A_1079 = arith.constant 64 : index
    %get3A_1080 = tpu.vector_load %arg16[%get3A_1078, %get3A_1079] {strides = array<i32>} : memref<16x144xi32, #tpu.memory_space<vmem>>, vector<16xi32>,
    %add3A_1081 = arith.addi %add3A_1076, %get3A_1080 : vector<16xi32>
    %rev3A_1082 = arith.constant 15 : i32
    %rev3A_1083 = vector.broadcast %rev3A_1082 : i32 to vector<16xi32>
    %rev3A_1084 = tpu.iota {dimensions = array<i32: 0>} : vector<16xi32>
    %rev3A_1085 = arith.subi %rev3A_1083, %rev3A_1084 : vector<16xi32>
    %rev3A_1086 = tpu.dynamic_gather %add3A_1081[%rev3A_1085] in [0] : vector<16xi32>, vector<16xi32> -> vector<16xi32>
    %broadcast_in_dim3A_1087 = arith.constant true
    %broadcast_in_dim3A_1088 = vector.broadcast %broadcast_in_dim3A_1087 : i1 to vector<16xi1>
    %masked_cumsum3A_1089 = tpu.scan <sum>, %rev3A_1086 masked %broadcast_in_dim3A_1088 : vector<16xi32>, vector<16xi1> -> vector<16xi32>
    %rev3A_1090 = arith.constant 15 : i32
    %rev3A_1091 = vector.broadcast %rev3A_1090 : i32 to vector<16xi32>
    %rev3A_1092 = tpu.iota {dimensions = array<i32: 0>} : vector<16xi32>
    %rev3A_1093 = arith.subi %rev3A_1091, %rev3A_1092 : vector<16xi32>
    %rev3A_1094 = tpu.dynamic_gather %masked_cumsum3A_1089[%rev3A_1093] in [0] : vector<16xi32>, vector<16xi32> -> vector<16xi32>
    %add3A_1095 = vector.broadcast %add3A_1001 : i32 to vector<16xi32>
    %add3A_1096 = arith.addi %rev3A_1094, %add3A_1095 : vector<16xi32>
    %add3A_1097 = arith.constant 64 : i32
    %add3A_1098 = vector.broadcast %add3A_1097 : i32 to vector<16xi32>
    %add3A_1099 = arith.addi %iota3A, %add3A_1098 : vector<16xi32>
    %ge3A_1100 = arith.constant 2000 : i32
    %ge3A_1101 = vector.broadcast %ge3A_1100 : i32 to vector<16xi32>
    %ge3A_1102 = arith.cmpi sge, %add3A_1096, %ge3A_1101 : vector<16xi32>
    %jit3A_1103 = arith.constant -1 : i32
    %broadcast_in_dim3A_1104 = vector.broadcast %jit3A_1103 : i32 to vector<16xi32>
    %select_n3A_1105 = arith.select %ge3A_1102, %add3A_1099, %broadcast_in_dim3A_1104 : vector<16xi1>, vector<16xi32>
    %reduce_max3A_1106 = arith.constant true
    %reduce_max3A_1107 = vector.broadcast %reduce_max3A_1106 : i1 to vector<16xi1>
    %reduce_max3A_1108 = arith.constant -2147483648 : i32
    %reduce_max3A_1109 = vector.broadcast %reduce_max3A_1108 : i32 to vector<16xi32>
    %reduce_max3A_1110 = arith.xori %select_n3A_1105, %reduce_max3A_1109 : vector<16xi32>
    %reduce_max3A_1111 = tpu.scan <max>, %reduce_max3A_1110 masked %reduce_max3A_1107 : vector<16xi32>, vector<16xi1> -> vector<16xi32>
    %reduce_max3A_1112 = arith.xori %reduce_max3A_1111, %reduce_max3A_1109 : vector<16xi32>
    %reduce_max3A_1113 = vector.extract %reduce_max3A_1112[15] : i32 from vector<16xi32>
    %max3A_1114 = arith.maxsi %max3A_981, %reduce_max3A_1113 : i32
    %gt3A_1115 = arith.constant 4096 : i32
    %gt3A_1116 = vector.broadcast %gt3A_1115 : i32 to vector<16xi32>
    %gt3A_1117 = arith.cmpi sgt, %add3A_1096, %gt3A_1116 : vector<16xi32>
    %jit3A_1118 = arith.constant -1 : i32
    %broadcast_in_dim3A_1119 = vector.broadcast %jit3A_1118 : i32 to vector<16xi32>
    %select_n3A_1120 = arith.select %gt3A_1117, %add3A_1099, %broadcast_in_dim3A_1119 : vector<16xi1>, vector<16xi32>
    %reduce_max3A_1121 = arith.constant true
    %reduce_max3A_1122 = vector.broadcast %reduce_max3A_1121 : i1 to vector<16xi1>
    %reduce_max3A_1123 = arith.constant -2147483648 : i32
    %reduce_max3A_1124 = vector.broadcast %reduce_max3A_1123 : i32 to vector<16xi32>
    %reduce_max3A_1125 = arith.xori %select_n3A_1120, %reduce_max3A_1124 : vector<16xi32>
    %reduce_max3A_1126 = tpu.scan <max>, %reduce_max3A_1125 masked %reduce_max3A_1122 : vector<16xi32>, vector<16xi1> -> vector<16xi32>
    %reduce_max3A_1127 = arith.xori %reduce_max3A_1126, %reduce_max3A_1124 : vector<16xi32>
    %reduce_max3A_1128 = vector.extract %reduce_max3A_1127[15] : i32 from vector<16xi32>
    %max3A_1129 = arith.maxsi %max3A_996, %reduce_max3A_1128 : i32
    %reduce_sum3A_1130 = arith.constant true
    %reduce_sum3A_1131 = vector.broadcast %reduce_sum3A_1130 : i1 to vector<16xi1>
    %reduce_sum3A_1132 = tpu.scan <sum>, %add3A_1081 masked %reduce_sum3A_1131 : vector<16xi32>, vector<16xi1> -> vector<16xi32>
    %reduce_sum3A_1133 = vector.extract %reduce_sum3A_1132[15] : i32 from vector<16xi32>
    %add3A_1134 = arith.addi %add3A_1001, %reduce_sum3A_1133 : i32
    %get3A_1135 = arith.constant 0 : i32
    %get3A_1136 = arith.index_cast %get3A_1135 : i32 to index
    %get3A_1137 = arith.constant 48 : index
    %get3A_1138 = tpu.vector_load %arg16[%get3A_1136, %get3A_1137] {strides = array<i32>} : memref<16x144xi32, #tpu.memory_space<vmem>>, vector<16xi32>,
    %add3A_1139 = arith.addi %broadcast_in_dim3A_0, %get3A_1138 : vector<16xi32>
    %get3A_1140 = arith.constant 1 : i32
    %get3A_1141 = arith.index_cast %get3A_1140 : i32 to index
    %get3A_1142 = arith.constant 48 : index
    %get3A_1143 = tpu.vector_load %arg16[%get3A_1141, %get3A_1142] {strides = array<i32>} : memref<16x144xi32, #tpu.memory_space<vmem>>, vector<16xi32>,
    %add3A_1144 = arith.addi %add3A_1139, %get3A_1143 : vector<16xi32>
    %get3A_1145 = arith.constant 2 : i32
    %get3A_1146 = arith.index_cast %get3A_1145 : i32 to index
    %get3A_1147 = arith.constant 48 : index
    %get3A_1148 = tpu.vector_load %arg16[%get3A_1146, %get3A_1147] {strides = array<i32>} : memref<16x144xi32, #tpu.memory_space<vmem>>, vector<16xi32>,
    %add3A_1149 = arith.addi %add3A_1144, %get3A_1148 : vector<16xi32>
    %get3A_1150 = arith.constant 3 : i32
    %get3A_1151 = arith.index_cast %get3A_1150 : i32 to index
    %get3A_1152 = arith.constant 48 : index
    %get3A_1153 = tpu.vector_load %arg16[%get3A_1151, %get3A_1152] {strides = array<i32>} : memref<16x144xi32, #tpu.memory_space<vmem>>, vector<16xi32>,
    %add3A_1154 = arith.addi %add3A_1149, %get3A_1153 : vector<16xi32>
    %get3A_1155 = arith.constant 4 : i32
    %get3A_1156 = arith.index_cast %get3A_1155 : i32 to index
    %get3A_1157 = arith.constant 48 : index
    %get3A_1158 = tpu.vector_load %arg16[%get3A_1156, %get3A_1157] {strides = array<i32>} : memref<16x144xi32, #tpu.memory_space<vmem>>, vector<16xi32>,
    %add3A_1159 = arith.addi %add3A_1154, %get3A_1158 : vector<16xi32>
    %get3A_1160 = arith.constant 5 : i32
    %get3A_1161 = arith.index_cast %get3A_1160 : i32 to index
    %get3A_1162 = arith.constant 48 : index
    %get3A_1163 = tpu.vector_load %arg16[%get3A_1161, %get3A_1162] {strides = array<i32>} : memref<16x144xi32, #tpu.memory_space<vmem>>, vector<16xi32>,
    %add3A_1164 = arith.addi %add3A_1159, %get3A_1163 : vector<16xi32>
    %get3A_1165 = arith.constant 6 : i32
    %get3A_1166 = arith.index_cast %get3A_1165 : i32 to index
    %get3A_1167 = arith.constant 48 : index
    %get3A_1168 = tpu.vector_load %arg16[%get3A_1166, %get3A_1167] {strides = array<i32>} : memref<16x144xi32, #tpu.memory_space<vmem>>, vector<16xi32>,
    %add3A_1169 = arith.addi %add3A_1164, %get3A_1168 : vector<16xi32>
    %get3A_1170 = arith.constant 7 : i32
    %get3A_1171 = arith.index_cast %get3A_1170 : i32 to index
    %get3A_1172 = arith.constant 48 : index
    %get3A_1173 = tpu.vector_load %arg16[%get3A_1171, %get3A_1172] {strides = array<i32>} : memref<16x144xi32, #tpu.memory_space<vmem>>, vector<16xi32>,
    %add3A_1174 = arith.addi %add3A_1169, %get3A_1173 : vector<16xi32>
    %get3A_1175 = arith.constant 8 : i32
    %get3A_1176 = arith.index_cast %get3A_1175 : i32 to index
    %get3A_1177 = arith.constant 48 : index
    %get3A_1178 = tpu.vector_load %arg16[%get3A_1176, %get3A_1177] {strides = array<i32>} : memref<16x144xi32, #tpu.memory_space<vmem>>, vector<16xi32>,
    %add3A_1179 = arith.addi %add3A_1174, %get3A_1178 : vector<16xi32>
    %get3A_1180 = arith.constant 9 : i32
    %get3A_1181 = arith.index_cast %get3A_1180 : i32 to index
    %get3A_1182 = arith.constant 48 : index
    %get3A_1183 = tpu.vector_load %arg16[%get3A_1181, %get3A_1182] {strides = array<i32>} : memref<16x144xi32, #tpu.memory_space<vmem>>, vector<16xi32>,
    %add3A_1184 = arith.addi %add3A_1179, %get3A_1183 : vector<16xi32>
    %get3A_1185 = arith.constant 10 : i32
    %get3A_1186 = arith.index_cast %get3A_1185 : i32 to index
    %get3A_1187 = arith.constant 48 : index
    %get3A_1188 = tpu.vector_load %arg16[%get3A_1186, %get3A_1187] {strides = array<i32>} : memref<16x144xi32, #tpu.memory_space<vmem>>, vector<16xi32>,
    %add3A_1189 = arith.addi %add3A_1184, %get3A_1188 : vector<16xi32>
    %get3A_1190 = arith.constant 11 : i32
    %get3A_1191 = arith.index_cast %get3A_1190 : i32 to index
    %get3A_1192 = arith.constant 48 : index
    %get3A_1193 = tpu.vector_load %arg16[%get3A_1191, %get3A_1192] {strides = array<i32>} : memref<16x144xi32, #tpu.memory_space<vmem>>, vector<16xi32>,
    %add3A_1194 = arith.addi %add3A_1189, %get3A_1193 : vector<16xi32>
    %get3A_1195 = arith.constant 12 : i32
    %get3A_1196 = arith.index_cast %get3A_1195 : i32 to index
    %get3A_1197 = arith.constant 48 : index
    %get3A_1198 = tpu.vector_load %arg16[%get3A_1196, %get3A_1197] {strides = array<i32>} : memref<16x144xi32, #tpu.memory_space<vmem>>, vector<16xi32>,
    %add3A_1199 = arith.addi %add3A_1194, %get3A_1198 : vector<16xi32>
    %get3A_1200 = arith.constant 13 : i32
    %get3A_1201 = arith.index_cast %get3A_1200 : i32 to index
    %get3A_1202 = arith.constant 48 : index
    %get3A_1203 = tpu.vector_load %arg16[%get3A_1201, %get3A_1202] {strides = array<i32>} : memref<16x144xi32, #tpu.memory_space<vmem>>, vector<16xi32>,
    %add3A_1204 = arith.addi %add3A_1199, %get3A_1203 : vector<16xi32>
    %get3A_1205 = arith.constant 14 : i32
    %get3A_1206 = arith.index_cast %get3A_1205 : i32 to index
    %get3A_1207 = arith.constant 48 : index
    %get3A_1208 = tpu.vector_load %arg16[%get3A_1206, %get3A_1207] {strides = array<i32>} : memref<16x144xi32, #tpu.memory_space<vmem>>, vector<16xi32>,
    %add3A_1209 = arith.addi %add3A_1204, %get3A_1208 : vector<16xi32>
    %get3A_1210 = arith.constant 15 : i32
    %get3A_1211 = arith.index_cast %get3A_1210 : i32 to index
    %get3A_1212 = arith.constant 48 : index
    %get3A_1213 = tpu.vector_load %arg16[%get3A_1211, %get3A_1212] {strides = array<i32>} : memref<16x144xi32, #tpu.memory_space<vmem>>, vector<16xi32>,
    %add3A_1214 = arith.addi %add3A_1209, %get3A_1213 : vector<16xi32>
    %rev3A_1215 = arith.constant 15 : i32
    %rev3A_1216 = vector.broadcast %rev3A_1215 : i32 to vector<16xi32>
    %rev3A_1217 = tpu.iota {dimensions = array<i32: 0>} : vector<16xi32>
    %rev3A_1218 = arith.subi %rev3A_1216, %rev3A_1217 : vector<16xi32>
    %rev3A_1219 = tpu.dynamic_gather %add3A_1214[%rev3A_1218] in [0] : vector<16xi32>, vector<16xi32> -> vector<16xi32>
    %broadcast_in_dim3A_1220 = arith.constant true
    %broadcast_in_dim3A_1221 = vector.broadcast %broadcast_in_dim3A_1220 : i1 to vector<16xi1>
    %masked_cumsum3A_1222 = tpu.scan <sum>, %rev3A_1219 masked %broadcast_in_dim3A_1221 : vector<16xi32>, vector<16xi1> -> vector<16xi32>
    %rev3A_1223 = arith.constant 15 : i32
    %rev3A_1224 = vector.broadcast %rev3A_1223 : i32 to vector<16xi32>
    %rev3A_1225 = tpu.iota {dimensions = array<i32: 0>} : vector<16xi32>
    %rev3A_1226 = arith.subi %rev3A_1224, %rev3A_1225 : vector<16xi32>
    %rev3A_1227 = tpu.dynamic_gather %masked_cumsum3A_1222[%rev3A_1226] in [0] : vector<16xi32>, vector<16xi32> -> vector<16xi32>
    %add3A_1228 = vector.broadcast %add3A_1134 : i32 to vector<16xi32>
    %add3A_1229 = arith.addi %rev3A_1227, %add3A_1228 : vector<16xi32>
    %add3A_1230 = arith.constant 48 : i32
    %add3A_1231 = vector.broadcast %add3A_1230 : i32 to vector<16xi32>
    %add3A_1232 = arith.addi %iota3A, %add3A_1231 : vector<16xi32>
    %ge3A_1233 = arith.constant 2000 : i32
    %ge3A_1234 = vector.broadcast %ge3A_1233 : i32 to vector<16xi32>
    %ge3A_1235 = arith.cmpi sge, %add3A_1229, %ge3A_1234 : vector<16xi32>
    %jit3A_1236 = arith.constant -1 : i32
    %broadcast_in_dim3A_1237 = vector.broadcast %jit3A_1236 : i32 to vector<16xi32>
    %select_n3A_1238 = arith.select %ge3A_1235, %add3A_1232, %broadcast_in_dim3A_1237 : vector<16xi1>, vector<16xi32>
    %reduce_max3A_1239 = arith.constant true
    %reduce_max3A_1240 = vector.broadcast %reduce_max3A_1239 : i1 to vector<16xi1>
    %reduce_max3A_1241 = arith.constant -2147483648 : i32
    %reduce_max3A_1242 = vector.broadcast %reduce_max3A_1241 : i32 to vector<16xi32>
    %reduce_max3A_1243 = arith.xori %select_n3A_1238, %reduce_max3A_1242 : vector<16xi32>
    %reduce_max3A_1244 = tpu.scan <max>, %reduce_max3A_1243 masked %reduce_max3A_1240 : vector<16xi32>, vector<16xi1> -> vector<16xi32>
    %reduce_max3A_1245 = arith.xori %reduce_max3A_1244, %reduce_max3A_1242 : vector<16xi32>
    %reduce_max3A_1246 = vector.extract %reduce_max3A_1245[15] : i32 from vector<16xi32>
    %max3A_1247 = arith.maxsi %max3A_1114, %reduce_max3A_1246 : i32
    %gt3A_1248 = arith.constant 4096 : i32
    %gt3A_1249 = vector.broadcast %gt3A_1248 : i32 to vector<16xi32>
    %gt3A_1250 = arith.cmpi sgt, %add3A_1229, %gt3A_1249 : vector<16xi32>
    %jit3A_1251 = arith.constant -1 : i32
    %broadcast_in_dim3A_1252 = vector.broadcast %jit3A_1251 : i32 to vector<16xi32>
    %select_n3A_1253 = arith.select %gt3A_1250, %add3A_1232, %broadcast_in_dim3A_1252 : vector<16xi1>, vector<16xi32>
    %reduce_max3A_1254 = arith.constant true
    %reduce_max3A_1255 = vector.broadcast %reduce_max3A_1254 : i1 to vector<16xi1>
    %reduce_max3A_1256 = arith.constant -2147483648 : i32
    %reduce_max3A_1257 = vector.broadcast %reduce_max3A_1256 : i32 to vector<16xi32>
    %reduce_max3A_1258 = arith.xori %select_n3A_1253, %reduce_max3A_1257 : vector<16xi32>
    %reduce_max3A_1259 = tpu.scan <max>, %reduce_max3A_1258 masked %reduce_max3A_1255 : vector<16xi32>, vector<16xi1> -> vector<16xi32>
    %reduce_max3A_1260 = arith.xori %reduce_max3A_1259, %reduce_max3A_1257 : vector<16xi32>
    %reduce_max3A_1261 = vector.extract %reduce_max3A_1260[15] : i32 from vector<16xi32>
    %max3A_1262 = arith.maxsi %max3A_1129, %reduce_max3A_1261 : i32
    %reduce_sum3A_1263 = arith.constant true
    %reduce_sum3A_1264 = vector.broadcast %reduce_sum3A_1263 : i1 to vector<16xi1>
    %reduce_sum3A_1265 = tpu.scan <sum>, %add3A_1214 masked %reduce_sum3A_1264 : vector<16xi32>, vector<16xi1> -> vector<16xi32>
    %reduce_sum3A_1266 = vector.extract %reduce_sum3A_1265[15] : i32 from vector<16xi32>
    %add3A_1267 = arith.addi %add3A_1134, %reduce_sum3A_1266 : i32
    %get3A_1268 = arith.constant 0 : i32
    %get3A_1269 = arith.index_cast %get3A_1268 : i32 to index
    %get3A_1270 = arith.constant 32 : index
    %get3A_1271 = tpu.vector_load %arg16[%get3A_1269, %get3A_1270] {strides = array<i32>} : memref<16x144xi32, #tpu.memory_space<vmem>>, vector<16xi32>,
    %add3A_1272 = arith.addi %broadcast_in_dim3A_0, %get3A_1271 : vector<16xi32>
    %get3A_1273 = arith.constant 1 : i32
    %get3A_1274 = arith.index_cast %get3A_1273 : i32 to index
    %get3A_1275 = arith.constant 32 : index
    %get3A_1276 = tpu.vector_load %arg16[%get3A_1274, %get3A_1275] {strides = array<i32>} : memref<16x144xi32, #tpu.memory_space<vmem>>, vector<16xi32>,
    %add3A_1277 = arith.addi %add3A_1272, %get3A_1276 : vector<16xi32>
    %get3A_1278 = arith.constant 2 : i32
    %get3A_1279 = arith.index_cast %get3A_1278 : i32 to index
    %get3A_1280 = arith.constant 32 : index
    %get3A_1281 = tpu.vector_load %arg16[%get3A_1279, %get3A_1280] {strides = array<i32>} : memref<16x144xi32, #tpu.memory_space<vmem>>, vector<16xi32>,
    %add3A_1282 = arith.addi %add3A_1277, %get3A_1281 : vector<16xi32>
    %get3A_1283 = arith.constant 3 : i32
    %get3A_1284 = arith.index_cast %get3A_1283 : i32 to index
    %get3A_1285 = arith.constant 32 : index
    %get3A_1286 = tpu.vector_load %arg16[%get3A_1284, %get3A_1285] {strides = array<i32>} : memref<16x144xi32, #tpu.memory_space<vmem>>, vector<16xi32>,
    %add3A_1287 = arith.addi %add3A_1282, %get3A_1286 : vector<16xi32>
    %get3A_1288 = arith.constant 4 : i32
    %get3A_1289 = arith.index_cast %get3A_1288 : i32 to index
    %get3A_1290 = arith.constant 32 : index
    %get3A_1291 = tpu.vector_load %arg16[%get3A_1289, %get3A_1290] {strides = array<i32>} : memref<16x144xi32, #tpu.memory_space<vmem>>, vector<16xi32>,
    %add3A_1292 = arith.addi %add3A_1287, %get3A_1291 : vector<16xi32>
    %get3A_1293 = arith.constant 5 : i32
    %get3A_1294 = arith.index_cast %get3A_1293 : i32 to index
    %get3A_1295 = arith.constant 32 : index
    %get3A_1296 = tpu.vector_load %arg16[%get3A_1294, %get3A_1295] {strides = array<i32>} : memref<16x144xi32, #tpu.memory_space<vmem>>, vector<16xi32>,
    %add3A_1297 = arith.addi %add3A_1292, %get3A_1296 : vector<16xi32>
    %get3A_1298 = arith.constant 6 : i32
    %get3A_1299 = arith.index_cast %get3A_1298 : i32 to index
    %get3A_1300 = arith.constant 32 : index
    %get3A_1301 = tpu.vector_load %arg16[%get3A_1299, %get3A_1300] {strides = array<i32>} : memref<16x144xi32, #tpu.memory_space<vmem>>, vector<16xi32>,
    %add3A_1302 = arith.addi %add3A_1297, %get3A_1301 : vector<16xi32>
    %get3A_1303 = arith.constant 7 : i32
    %get3A_1304 = arith.index_cast %get3A_1303 : i32 to index
    %get3A_1305 = arith.constant 32 : index
    %get3A_1306 = tpu.vector_load %arg16[%get3A_1304, %get3A_1305] {strides = array<i32>} : memref<16x144xi32, #tpu.memory_space<vmem>>, vector<16xi32>,
    %add3A_1307 = arith.addi %add3A_1302, %get3A_1306 : vector<16xi32>
    %get3A_1308 = arith.constant 8 : i32
    %get3A_1309 = arith.index_cast %get3A_1308 : i32 to index
    %get3A_1310 = arith.constant 32 : index
    %get3A_1311 = tpu.vector_load %arg16[%get3A_1309, %get3A_1310] {strides = array<i32>} : memref<16x144xi32, #tpu.memory_space<vmem>>, vector<16xi32>,
    %add3A_1312 = arith.addi %add3A_1307, %get3A_1311 : vector<16xi32>
    %get3A_1313 = arith.constant 9 : i32
    %get3A_1314 = arith.index_cast %get3A_1313 : i32 to index
    %get3A_1315 = arith.constant 32 : index
    %get3A_1316 = tpu.vector_load %arg16[%get3A_1314, %get3A_1315] {strides = array<i32>} : memref<16x144xi32, #tpu.memory_space<vmem>>, vector<16xi32>,
    %add3A_1317 = arith.addi %add3A_1312, %get3A_1316 : vector<16xi32>
    %get3A_1318 = arith.constant 10 : i32
    %get3A_1319 = arith.index_cast %get3A_1318 : i32 to index
    %get3A_1320 = arith.constant 32 : index
    %get3A_1321 = tpu.vector_load %arg16[%get3A_1319, %get3A_1320] {strides = array<i32>} : memref<16x144xi32, #tpu.memory_space<vmem>>, vector<16xi32>,
    %add3A_1322 = arith.addi %add3A_1317, %get3A_1321 : vector<16xi32>
    %get3A_1323 = arith.constant 11 : i32
    %get3A_1324 = arith.index_cast %get3A_1323 : i32 to index
    %get3A_1325 = arith.constant 32 : index
    %get3A_1326 = tpu.vector_load %arg16[%get3A_1324, %get3A_1325] {strides = array<i32>} : memref<16x144xi32, #tpu.memory_space<vmem>>, vector<16xi32>,
    %add3A_1327 = arith.addi %add3A_1322, %get3A_1326 : vector<16xi32>
    %get3A_1328 = arith.constant 12 : i32
    %get3A_1329 = arith.index_cast %get3A_1328 : i32 to index
    %get3A_1330 = arith.constant 32 : index
    %get3A_1331 = tpu.vector_load %arg16[%get3A_1329, %get3A_1330] {strides = array<i32>} : memref<16x144xi32, #tpu.memory_space<vmem>>, vector<16xi32>,
    %add3A_1332 = arith.addi %add3A_1327, %get3A_1331 : vector<16xi32>
    %get3A_1333 = arith.constant 13 : i32
    %get3A_1334 = arith.index_cast %get3A_1333 : i32 to index
    %get3A_1335 = arith.constant 32 : index
    %get3A_1336 = tpu.vector_load %arg16[%get3A_1334, %get3A_1335] {strides = array<i32>} : memref<16x144xi32, #tpu.memory_space<vmem>>, vector<16xi32>,
    %add3A_1337 = arith.addi %add3A_1332, %get3A_1336 : vector<16xi32>
    %get3A_1338 = arith.constant 14 : i32
    %get3A_1339 = arith.index_cast %get3A_1338 : i32 to index
    %get3A_1340 = arith.constant 32 : index
    %get3A_1341 = tpu.vector_load %arg16[%get3A_1339, %get3A_1340] {strides = array<i32>} : memref<16x144xi32, #tpu.memory_space<vmem>>, vector<16xi32>,
    %add3A_1342 = arith.addi %add3A_1337, %get3A_1341 : vector<16xi32>
    %get3A_1343 = arith.constant 15 : i32
    %get3A_1344 = arith.index_cast %get3A_1343 : i32 to index
    %get3A_1345 = arith.constant 32 : index
    %get3A_1346 = tpu.vector_load %arg16[%get3A_1344, %get3A_1345] {strides = array<i32>} : memref<16x144xi32, #tpu.memory_space<vmem>>, vector<16xi32>,
    %add3A_1347 = arith.addi %add3A_1342, %get3A_1346 : vector<16xi32>
    %rev3A_1348 = arith.constant 15 : i32
    %rev3A_1349 = vector.broadcast %rev3A_1348 : i32 to vector<16xi32>
    %rev3A_1350 = tpu.iota {dimensions = array<i32: 0>} : vector<16xi32>
    %rev3A_1351 = arith.subi %rev3A_1349, %rev3A_1350 : vector<16xi32>
    %rev3A_1352 = tpu.dynamic_gather %add3A_1347[%rev3A_1351] in [0] : vector<16xi32>, vector<16xi32> -> vector<16xi32>
    %broadcast_in_dim3A_1353 = arith.constant true
    %broadcast_in_dim3A_1354 = vector.broadcast %broadcast_in_dim3A_1353 : i1 to vector<16xi1>
    %masked_cumsum3A_1355 = tpu.scan <sum>, %rev3A_1352 masked %broadcast_in_dim3A_1354 : vector<16xi32>, vector<16xi1> -> vector<16xi32>
    %rev3A_1356 = arith.constant 15 : i32
    %rev3A_1357 = vector.broadcast %rev3A_1356 : i32 to vector<16xi32>
    %rev3A_1358 = tpu.iota {dimensions = array<i32: 0>} : vector<16xi32>
    %rev3A_1359 = arith.subi %rev3A_1357, %rev3A_1358 : vector<16xi32>
    %rev3A_1360 = tpu.dynamic_gather %masked_cumsum3A_1355[%rev3A_1359] in [0] : vector<16xi32>, vector<16xi32> -> vector<16xi32>
    %add3A_1361 = vector.broadcast %add3A_1267 : i32 to vector<16xi32>
    %add3A_1362 = arith.addi %rev3A_1360, %add3A_1361 : vector<16xi32>
    %add3A_1363 = arith.constant 32 : i32
    %add3A_1364 = vector.broadcast %add3A_1363 : i32 to vector<16xi32>
    %add3A_1365 = arith.addi %iota3A, %add3A_1364 : vector<16xi32>
    %ge3A_1366 = arith.constant 2000 : i32
    %ge3A_1367 = vector.broadcast %ge3A_1366 : i32 to vector<16xi32>
    %ge3A_1368 = arith.cmpi sge, %add3A_1362, %ge3A_1367 : vector<16xi32>
    %jit3A_1369 = arith.constant -1 : i32
    %broadcast_in_dim3A_1370 = vector.broadcast %jit3A_1369 : i32 to vector<16xi32>
    %select_n3A_1371 = arith.select %ge3A_1368, %add3A_1365, %broadcast_in_dim3A_1370 : vector<16xi1>, vector<16xi32>
    %reduce_max3A_1372 = arith.constant true
    %reduce_max3A_1373 = vector.broadcast %reduce_max3A_1372 : i1 to vector<16xi1>
    %reduce_max3A_1374 = arith.constant -2147483648 : i32
    %reduce_max3A_1375 = vector.broadcast %reduce_max3A_1374 : i32 to vector<16xi32>
    %reduce_max3A_1376 = arith.xori %select_n3A_1371, %reduce_max3A_1375 : vector<16xi32>
    %reduce_max3A_1377 = tpu.scan <max>, %reduce_max3A_1376 masked %reduce_max3A_1373 : vector<16xi32>, vector<16xi1> -> vector<16xi32>
    %reduce_max3A_1378 = arith.xori %reduce_max3A_1377, %reduce_max3A_1375 : vector<16xi32>
    %reduce_max3A_1379 = vector.extract %reduce_max3A_1378[15] : i32 from vector<16xi32>
    %max3A_1380 = arith.maxsi %max3A_1247, %reduce_max3A_1379 : i32
    %gt3A_1381 = arith.constant 4096 : i32
    %gt3A_1382 = vector.broadcast %gt3A_1381 : i32 to vector<16xi32>
    %gt3A_1383 = arith.cmpi sgt, %add3A_1362, %gt3A_1382 : vector<16xi32>
    %jit3A_1384 = arith.constant -1 : i32
    %broadcast_in_dim3A_1385 = vector.broadcast %jit3A_1384 : i32 to vector<16xi32>
    %select_n3A_1386 = arith.select %gt3A_1383, %add3A_1365, %broadcast_in_dim3A_1385 : vector<16xi1>, vector<16xi32>
    %reduce_max3A_1387 = arith.constant true
    %reduce_max3A_1388 = vector.broadcast %reduce_max3A_1387 : i1 to vector<16xi1>
    %reduce_max3A_1389 = arith.constant -2147483648 : i32
    %reduce_max3A_1390 = vector.broadcast %reduce_max3A_1389 : i32 to vector<16xi32>
    %reduce_max3A_1391 = arith.xori %select_n3A_1386, %reduce_max3A_1390 : vector<16xi32>
    %reduce_max3A_1392 = tpu.scan <max>, %reduce_max3A_1391 masked %reduce_max3A_1388 : vector<16xi32>, vector<16xi1> -> vector<16xi32>
    %reduce_max3A_1393 = arith.xori %reduce_max3A_1392, %reduce_max3A_1390 : vector<16xi32>
    %reduce_max3A_1394 = vector.extract %reduce_max3A_1393[15] : i32 from vector<16xi32>
    %max3A_1395 = arith.maxsi %max3A_1262, %reduce_max3A_1394 : i32
    %reduce_sum3A_1396 = arith.constant true
    %reduce_sum3A_1397 = vector.broadcast %reduce_sum3A_1396 : i1 to vector<16xi1>
    %reduce_sum3A_1398 = tpu.scan <sum>, %add3A_1347 masked %reduce_sum3A_1397 : vector<16xi32>, vector<16xi1> -> vector<16xi32>
    %reduce_sum3A_1399 = vector.extract %reduce_sum3A_1398[15] : i32 from vector<16xi32>
    %add3A_1400 = arith.addi %add3A_1267, %reduce_sum3A_1399 : i32
    %get3A_1401 = arith.constant 0 : i32
    %get3A_1402 = arith.index_cast %get3A_1401 : i32 to index
    %get3A_1403 = arith.constant 16 : index
    %get3A_1404 = tpu.vector_load %arg16[%get3A_1402, %get3A_1403] {strides = array<i32>} : memref<16x144xi32, #tpu.memory_space<vmem>>, vector<16xi32>,
    %add3A_1405 = arith.addi %broadcast_in_dim3A_0, %get3A_1404 : vector<16xi32>
    %get3A_1406 = arith.constant 1 : i32
    %get3A_1407 = arith.index_cast %get3A_1406 : i32 to index
    %get3A_1408 = arith.constant 16 : index
    %get3A_1409 = tpu.vector_load %arg16[%get3A_1407, %get3A_1408] {strides = array<i32>} : memref<16x144xi32, #tpu.memory_space<vmem>>, vector<16xi32>,
    %add3A_1410 = arith.addi %add3A_1405, %get3A_1409 : vector<16xi32>
    %get3A_1411 = arith.constant 2 : i32
    %get3A_1412 = arith.index_cast %get3A_1411 : i32 to index
    %get3A_1413 = arith.constant 16 : index
    %get3A_1414 = tpu.vector_load %arg16[%get3A_1412, %get3A_1413] {strides = array<i32>} : memref<16x144xi32, #tpu.memory_space<vmem>>, vector<16xi32>,
    %add3A_1415 = arith.addi %add3A_1410, %get3A_1414 : vector<16xi32>
    %get3A_1416 = arith.constant 3 : i32
    %get3A_1417 = arith.index_cast %get3A_1416 : i32 to index
    %get3A_1418 = arith.constant 16 : index
    %get3A_1419 = tpu.vector_load %arg16[%get3A_1417, %get3A_1418] {strides = array<i32>} : memref<16x144xi32, #tpu.memory_space<vmem>>, vector<16xi32>,
    %add3A_1420 = arith.addi %add3A_1415, %get3A_1419 : vector<16xi32>
    %get3A_1421 = arith.constant 4 : i32
    %get3A_1422 = arith.index_cast %get3A_1421 : i32 to index
    %get3A_1423 = arith.constant 16 : index
    %get3A_1424 = tpu.vector_load %arg16[%get3A_1422, %get3A_1423] {strides = array<i32>} : memref<16x144xi32, #tpu.memory_space<vmem>>, vector<16xi32>,
    %add3A_1425 = arith.addi %add3A_1420, %get3A_1424 : vector<16xi32>
    %get3A_1426 = arith.constant 5 : i32
    %get3A_1427 = arith.index_cast %get3A_1426 : i32 to index
    %get3A_1428 = arith.constant 16 : index
    %get3A_1429 = tpu.vector_load %arg16[%get3A_1427, %get3A_1428] {strides = array<i32>} : memref<16x144xi32, #tpu.memory_space<vmem>>, vector<16xi32>,
    %add3A_1430 = arith.addi %add3A_1425, %get3A_1429 : vector<16xi32>
    %get3A_1431 = arith.constant 6 : i32
    %get3A_1432 = arith.index_cast %get3A_1431 : i32 to index
    %get3A_1433 = arith.constant 16 : index
    %get3A_1434 = tpu.vector_load %arg16[%get3A_1432, %get3A_1433] {strides = array<i32>} : memref<16x144xi32, #tpu.memory_space<vmem>>, vector<16xi32>,
    %add3A_1435 = arith.addi %add3A_1430, %get3A_1434 : vector<16xi32>
    %get3A_1436 = arith.constant 7 : i32
    %get3A_1437 = arith.index_cast %get3A_1436 : i32 to index
    %get3A_1438 = arith.constant 16 : index
    %get3A_1439 = tpu.vector_load %arg16[%get3A_1437, %get3A_1438] {strides = array<i32>} : memref<16x144xi32, #tpu.memory_space<vmem>>, vector<16xi32>,
    %add3A_1440 = arith.addi %add3A_1435, %get3A_1439 : vector<16xi32>
    %get3A_1441 = arith.constant 8 : i32
    %get3A_1442 = arith.index_cast %get3A_1441 : i32 to index
    %get3A_1443 = arith.constant 16 : index
    %get3A_1444 = tpu.vector_load %arg16[%get3A_1442, %get3A_1443] {strides = array<i32>} : memref<16x144xi32, #tpu.memory_space<vmem>>, vector<16xi32>,
    %add3A_1445 = arith.addi %add3A_1440, %get3A_1444 : vector<16xi32>
    %get3A_1446 = arith.constant 9 : i32
    %get3A_1447 = arith.index_cast %get3A_1446 : i32 to index
    %get3A_1448 = arith.constant 16 : index
    %get3A_1449 = tpu.vector_load %arg16[%get3A_1447, %get3A_1448] {strides = array<i32>} : memref<16x144xi32, #tpu.memory_space<vmem>>, vector<16xi32>,
    %add3A_1450 = arith.addi %add3A_1445, %get3A_1449 : vector<16xi32>
    %get3A_1451 = arith.constant 10 : i32
    %get3A_1452 = arith.index_cast %get3A_1451 : i32 to index
    %get3A_1453 = arith.constant 16 : index
    %get3A_1454 = tpu.vector_load %arg16[%get3A_1452, %get3A_1453] {strides = array<i32>} : memref<16x144xi32, #tpu.memory_space<vmem>>, vector<16xi32>,
    %add3A_1455 = arith.addi %add3A_1450, %get3A_1454 : vector<16xi32>
    %get3A_1456 = arith.constant 11 : i32
    %get3A_1457 = arith.index_cast %get3A_1456 : i32 to index
    %get3A_1458 = arith.constant 16 : index
    %get3A_1459 = tpu.vector_load %arg16[%get3A_1457, %get3A_1458] {strides = array<i32>} : memref<16x144xi32, #tpu.memory_space<vmem>>, vector<16xi32>,
    %add3A_1460 = arith.addi %add3A_1455, %get3A_1459 : vector<16xi32>
    %get3A_1461 = arith.constant 12 : i32
    %get3A_1462 = arith.index_cast %get3A_1461 : i32 to index
    %get3A_1463 = arith.constant 16 : index
    %get3A_1464 = tpu.vector_load %arg16[%get3A_1462, %get3A_1463] {strides = array<i32>} : memref<16x144xi32, #tpu.memory_space<vmem>>, vector<16xi32>,
    %add3A_1465 = arith.addi %add3A_1460, %get3A_1464 : vector<16xi32>
    %get3A_1466 = arith.constant 13 : i32
    %get3A_1467 = arith.index_cast %get3A_1466 : i32 to index
    %get3A_1468 = arith.constant 16 : index
    %get3A_1469 = tpu.vector_load %arg16[%get3A_1467, %get3A_1468] {strides = array<i32>} : memref<16x144xi32, #tpu.memory_space<vmem>>, vector<16xi32>,
    %add3A_1470 = arith.addi %add3A_1465, %get3A_1469 : vector<16xi32>
    %get3A_1471 = arith.constant 14 : i32
    %get3A_1472 = arith.index_cast %get3A_1471 : i32 to index
    %get3A_1473 = arith.constant 16 : index
    %get3A_1474 = tpu.vector_load %arg16[%get3A_1472, %get3A_1473] {strides = array<i32>} : memref<16x144xi32, #tpu.memory_space<vmem>>, vector<16xi32>,
    %add3A_1475 = arith.addi %add3A_1470, %get3A_1474 : vector<16xi32>
    %get3A_1476 = arith.constant 15 : i32
    %get3A_1477 = arith.index_cast %get3A_1476 : i32 to index
    %get3A_1478 = arith.constant 16 : index
    %get3A_1479 = tpu.vector_load %arg16[%get3A_1477, %get3A_1478] {strides = array<i32>} : memref<16x144xi32, #tpu.memory_space<vmem>>, vector<16xi32>,
    %add3A_1480 = arith.addi %add3A_1475, %get3A_1479 : vector<16xi32>
    %rev3A_1481 = arith.constant 15 : i32
    %rev3A_1482 = vector.broadcast %rev3A_1481 : i32 to vector<16xi32>
    %rev3A_1483 = tpu.iota {dimensions = array<i32: 0>} : vector<16xi32>
    %rev3A_1484 = arith.subi %rev3A_1482, %rev3A_1483 : vector<16xi32>
    %rev3A_1485 = tpu.dynamic_gather %add3A_1480[%rev3A_1484] in [0] : vector<16xi32>, vector<16xi32> -> vector<16xi32>
    %broadcast_in_dim3A_1486 = arith.constant true
    %broadcast_in_dim3A_1487 = vector.broadcast %broadcast_in_dim3A_1486 : i1 to vector<16xi1>
    %masked_cumsum3A_1488 = tpu.scan <sum>, %rev3A_1485 masked %broadcast_in_dim3A_1487 : vector<16xi32>, vector<16xi1> -> vector<16xi32>
    %rev3A_1489 = arith.constant 15 : i32
    %rev3A_1490 = vector.broadcast %rev3A_1489 : i32 to vector<16xi32>
    %rev3A_1491 = tpu.iota {dimensions = array<i32: 0>} : vector<16xi32>
    %rev3A_1492 = arith.subi %rev3A_1490, %rev3A_1491 : vector<16xi32>
    %rev3A_1493 = tpu.dynamic_gather %masked_cumsum3A_1488[%rev3A_1492] in [0] : vector<16xi32>, vector<16xi32> -> vector<16xi32>
    %add3A_1494 = vector.broadcast %add3A_1400 : i32 to vector<16xi32>
    %add3A_1495 = arith.addi %rev3A_1493, %add3A_1494 : vector<16xi32>
    %add3A_1496 = arith.constant 16 : i32
    %add3A_1497 = vector.broadcast %add3A_1496 : i32 to vector<16xi32>
    %add3A_1498 = arith.addi %iota3A, %add3A_1497 : vector<16xi32>
    %ge3A_1499 = arith.constant 2000 : i32
    %ge3A_1500 = vector.broadcast %ge3A_1499 : i32 to vector<16xi32>
    %ge3A_1501 = arith.cmpi sge, %add3A_1495, %ge3A_1500 : vector<16xi32>
    %jit3A_1502 = arith.constant -1 : i32
    %broadcast_in_dim3A_1503 = vector.broadcast %jit3A_1502 : i32 to vector<16xi32>
    %select_n3A_1504 = arith.select %ge3A_1501, %add3A_1498, %broadcast_in_dim3A_1503 : vector<16xi1>, vector<16xi32>
    %reduce_max3A_1505 = arith.constant true
    %reduce_max3A_1506 = vector.broadcast %reduce_max3A_1505 : i1 to vector<16xi1>
    %reduce_max3A_1507 = arith.constant -2147483648 : i32
    %reduce_max3A_1508 = vector.broadcast %reduce_max3A_1507 : i32 to vector<16xi32>
    %reduce_max3A_1509 = arith.xori %select_n3A_1504, %reduce_max3A_1508 : vector<16xi32>
    %reduce_max3A_1510 = tpu.scan <max>, %reduce_max3A_1509 masked %reduce_max3A_1506 : vector<16xi32>, vector<16xi1> -> vector<16xi32>
    %reduce_max3A_1511 = arith.xori %reduce_max3A_1510, %reduce_max3A_1508 : vector<16xi32>
    %reduce_max3A_1512 = vector.extract %reduce_max3A_1511[15] : i32 from vector<16xi32>
    %max3A_1513 = arith.maxsi %max3A_1380, %reduce_max3A_1512 : i32
    %gt3A_1514 = arith.constant 4096 : i32
    %gt3A_1515 = vector.broadcast %gt3A_1514 : i32 to vector<16xi32>
    %gt3A_1516 = arith.cmpi sgt, %add3A_1495, %gt3A_1515 : vector<16xi32>
    %jit3A_1517 = arith.constant -1 : i32
    %broadcast_in_dim3A_1518 = vector.broadcast %jit3A_1517 : i32 to vector<16xi32>
    %select_n3A_1519 = arith.select %gt3A_1516, %add3A_1498, %broadcast_in_dim3A_1518 : vector<16xi1>, vector<16xi32>
    %reduce_max3A_1520 = arith.constant true
    %reduce_max3A_1521 = vector.broadcast %reduce_max3A_1520 : i1 to vector<16xi1>
    %reduce_max3A_1522 = arith.constant -2147483648 : i32
    %reduce_max3A_1523 = vector.broadcast %reduce_max3A_1522 : i32 to vector<16xi32>
    %reduce_max3A_1524 = arith.xori %select_n3A_1519, %reduce_max3A_1523 : vector<16xi32>
    %reduce_max3A_1525 = tpu.scan <max>, %reduce_max3A_1524 masked %reduce_max3A_1521 : vector<16xi32>, vector<16xi1> -> vector<16xi32>
    %reduce_max3A_1526 = arith.xori %reduce_max3A_1525, %reduce_max3A_1523 : vector<16xi32>
    %reduce_max3A_1527 = vector.extract %reduce_max3A_1526[15] : i32 from vector<16xi32>
    %max3A_1528 = arith.maxsi %max3A_1395, %reduce_max3A_1527 : i32
    %reduce_sum3A_1529 = arith.constant true
    %reduce_sum3A_1530 = vector.broadcast %reduce_sum3A_1529 : i1 to vector<16xi1>
    %reduce_sum3A_1531 = tpu.scan <sum>, %add3A_1480 masked %reduce_sum3A_1530 : vector<16xi32>, vector<16xi1> -> vector<16xi32>
    %reduce_sum3A_1532 = vector.extract %reduce_sum3A_1531[15] : i32 from vector<16xi32>
    %add3A_1533 = arith.addi %add3A_1400, %reduce_sum3A_1532 : i32
    %get3A_1534 = arith.constant 0 : i32
    %get3A_1535 = arith.index_cast %get3A_1534 : i32 to index
    %get3A_1536 = arith.constant 0 : index
    %get3A_1537 = tpu.vector_load %arg16[%get3A_1535, %get3A_1536] {strides = array<i32>} : memref<16x144xi32, #tpu.memory_space<vmem>>, vector<16xi32>,
    %add3A_1538 = arith.addi %broadcast_in_dim3A_0, %get3A_1537 : vector<16xi32>
    %get3A_1539 = arith.constant 1 : i32
    %get3A_1540 = arith.index_cast %get3A_1539 : i32 to index
    %get3A_1541 = arith.constant 0 : index
    %get3A_1542 = tpu.vector_load %arg16[%get3A_1540, %get3A_1541] {strides = array<i32>} : memref<16x144xi32, #tpu.memory_space<vmem>>, vector<16xi32>,
    %add3A_1543 = arith.addi %add3A_1538, %get3A_1542 : vector<16xi32>
    %get3A_1544 = arith.constant 2 : i32
    %get3A_1545 = arith.index_cast %get3A_1544 : i32 to index
    %get3A_1546 = arith.constant 0 : index
    %get3A_1547 = tpu.vector_load %arg16[%get3A_1545, %get3A_1546] {strides = array<i32>} : memref<16x144xi32, #tpu.memory_space<vmem>>, vector<16xi32>,
    %add3A_1548 = arith.addi %add3A_1543, %get3A_1547 : vector<16xi32>
    %get3A_1549 = arith.constant 3 : i32
    %get3A_1550 = arith.index_cast %get3A_1549 : i32 to index
    %get3A_1551 = arith.constant 0 : index
    %get3A_1552 = tpu.vector_load %arg16[%get3A_1550, %get3A_1551] {strides = array<i32>} : memref<16x144xi32, #tpu.memory_space<vmem>>, vector<16xi32>,
    %add3A_1553 = arith.addi %add3A_1548, %get3A_1552 : vector<16xi32>
    %get3A_1554 = arith.constant 4 : i32
    %get3A_1555 = arith.index_cast %get3A_1554 : i32 to index
    %get3A_1556 = arith.constant 0 : index
    %get3A_1557 = tpu.vector_load %arg16[%get3A_1555, %get3A_1556] {strides = array<i32>} : memref<16x144xi32, #tpu.memory_space<vmem>>, vector<16xi32>,
    %add3A_1558 = arith.addi %add3A_1553, %get3A_1557 : vector<16xi32>
    %get3A_1559 = arith.constant 5 : i32
    %get3A_1560 = arith.index_cast %get3A_1559 : i32 to index
    %get3A_1561 = arith.constant 0 : index
    %get3A_1562 = tpu.vector_load %arg16[%get3A_1560, %get3A_1561] {strides = array<i32>} : memref<16x144xi32, #tpu.memory_space<vmem>>, vector<16xi32>,
    %add3A_1563 = arith.addi %add3A_1558, %get3A_1562 : vector<16xi32>
    %get3A_1564 = arith.constant 6 : i32
    %get3A_1565 = arith.index_cast %get3A_1564 : i32 to index
    %get3A_1566 = arith.constant 0 : index
    %get3A_1567 = tpu.vector_load %arg16[%get3A_1565, %get3A_1566] {strides = array<i32>} : memref<16x144xi32, #tpu.memory_space<vmem>>, vector<16xi32>,
    %add3A_1568 = arith.addi %add3A_1563, %get3A_1567 : vector<16xi32>
    %get3A_1569 = arith.constant 7 : i32
    %get3A_1570 = arith.index_cast %get3A_1569 : i32 to index
    %get3A_1571 = arith.constant 0 : index
    %get3A_1572 = tpu.vector_load %arg16[%get3A_1570, %get3A_1571] {strides = array<i32>} : memref<16x144xi32, #tpu.memory_space<vmem>>, vector<16xi32>,
    %add3A_1573 = arith.addi %add3A_1568, %get3A_1572 : vector<16xi32>
    %get3A_1574 = arith.constant 8 : i32
    %get3A_1575 = arith.index_cast %get3A_1574 : i32 to index
    %get3A_1576 = arith.constant 0 : index
    %get3A_1577 = tpu.vector_load %arg16[%get3A_1575, %get3A_1576] {strides = array<i32>} : memref<16x144xi32, #tpu.memory_space<vmem>>, vector<16xi32>,
    %add3A_1578 = arith.addi %add3A_1573, %get3A_1577 : vector<16xi32>
    %get3A_1579 = arith.constant 9 : i32
    %get3A_1580 = arith.index_cast %get3A_1579 : i32 to index
    %get3A_1581 = arith.constant 0 : index
    %get3A_1582 = tpu.vector_load %arg16[%get3A_1580, %get3A_1581] {strides = array<i32>} : memref<16x144xi32, #tpu.memory_space<vmem>>, vector<16xi32>,
    %add3A_1583 = arith.addi %add3A_1578, %get3A_1582 : vector<16xi32>
    %get3A_1584 = arith.constant 10 : i32
    %get3A_1585 = arith.index_cast %get3A_1584 : i32 to index
    %get3A_1586 = arith.constant 0 : index
    %get3A_1587 = tpu.vector_load %arg16[%get3A_1585, %get3A_1586] {strides = array<i32>} : memref<16x144xi32, #tpu.memory_space<vmem>>, vector<16xi32>,
    %add3A_1588 = arith.addi %add3A_1583, %get3A_1587 : vector<16xi32>
    %get3A_1589 = arith.constant 11 : i32
    %get3A_1590 = arith.index_cast %get3A_1589 : i32 to index
    %get3A_1591 = arith.constant 0 : index
    %get3A_1592 = tpu.vector_load %arg16[%get3A_1590, %get3A_1591] {strides = array<i32>} : memref<16x144xi32, #tpu.memory_space<vmem>>, vector<16xi32>,
    %add3A_1593 = arith.addi %add3A_1588, %get3A_1592 : vector<16xi32>
    %get3A_1594 = arith.constant 12 : i32
    %get3A_1595 = arith.index_cast %get3A_1594 : i32 to index
    %get3A_1596 = arith.constant 0 : index
    %get3A_1597 = tpu.vector_load %arg16[%get3A_1595, %get3A_1596] {strides = array<i32>} : memref<16x144xi32, #tpu.memory_space<vmem>>, vector<16xi32>,
    %add3A_1598 = arith.addi %add3A_1593, %get3A_1597 : vector<16xi32>
    %get3A_1599 = arith.constant 13 : i32
    %get3A_1600 = arith.index_cast %get3A_1599 : i32 to index
    %get3A_1601 = arith.constant 0 : index
    %get3A_1602 = tpu.vector_load %arg16[%get3A_1600, %get3A_1601] {strides = array<i32>} : memref<16x144xi32, #tpu.memory_space<vmem>>, vector<16xi32>,
    %add3A_1603 = arith.addi %add3A_1598, %get3A_1602 : vector<16xi32>
    %get3A_1604 = arith.constant 14 : i32
    %get3A_1605 = arith.index_cast %get3A_1604 : i32 to index
    %get3A_1606 = arith.constant 0 : index
    %get3A_1607 = tpu.vector_load %arg16[%get3A_1605, %get3A_1606] {strides = array<i32>} : memref<16x144xi32, #tpu.memory_space<vmem>>, vector<16xi32>,
    %add3A_1608 = arith.addi %add3A_1603, %get3A_1607 : vector<16xi32>
    %get3A_1609 = arith.constant 15 : i32
    %get3A_1610 = arith.index_cast %get3A_1609 : i32 to index
    %get3A_1611 = arith.constant 0 : index
    %get3A_1612 = tpu.vector_load %arg16[%get3A_1610, %get3A_1611] {strides = array<i32>} : memref<16x144xi32, #tpu.memory_space<vmem>>, vector<16xi32>,
    %add3A_1613 = arith.addi %add3A_1608, %get3A_1612 : vector<16xi32>
    %rev3A_1614 = arith.constant 15 : i32
    %rev3A_1615 = vector.broadcast %rev3A_1614 : i32 to vector<16xi32>
    %rev3A_1616 = tpu.iota {dimensions = array<i32: 0>} : vector<16xi32>
    %rev3A_1617 = arith.subi %rev3A_1615, %rev3A_1616 : vector<16xi32>
    %rev3A_1618 = tpu.dynamic_gather %add3A_1613[%rev3A_1617] in [0] : vector<16xi32>, vector<16xi32> -> vector<16xi32>
    %broadcast_in_dim3A_1619 = arith.constant true
    %broadcast_in_dim3A_1620 = vector.broadcast %broadcast_in_dim3A_1619 : i1 to vector<16xi1>
    %masked_cumsum3A_1621 = tpu.scan <sum>, %rev3A_1618 masked %broadcast_in_dim3A_1620 : vector<16xi32>, vector<16xi1> -> vector<16xi32>
    %rev3A_1622 = arith.constant 15 : i32
    %rev3A_1623 = vector.broadcast %rev3A_1622 : i32 to vector<16xi32>
    %rev3A_1624 = tpu.iota {dimensions = array<i32: 0>} : vector<16xi32>
    %rev3A_1625 = arith.subi %rev3A_1623, %rev3A_1624 : vector<16xi32>
    %rev3A_1626 = tpu.dynamic_gather %masked_cumsum3A_1621[%rev3A_1625] in [0] : vector<16xi32>, vector<16xi32> -> vector<16xi32>
    %add3A_1627 = vector.broadcast %add3A_1533 : i32 to vector<16xi32>
    %add3A_1628 = arith.addi %rev3A_1626, %add3A_1627 : vector<16xi32>
    %add3A_1629 = arith.constant 0 : i32
    %add3A_1630 = vector.broadcast %add3A_1629 : i32 to vector<16xi32>
    %add3A_1631 = arith.addi %iota3A, %add3A_1630 : vector<16xi32>
    %ge3A_1632 = arith.constant 2000 : i32
    %ge3A_1633 = vector.broadcast %ge3A_1632 : i32 to vector<16xi32>
    %ge3A_1634 = arith.cmpi sge, %add3A_1628, %ge3A_1633 : vector<16xi32>
    %jit3A_1635 = arith.constant -1 : i32
    %broadcast_in_dim3A_1636 = vector.broadcast %jit3A_1635 : i32 to vector<16xi32>
    %select_n3A_1637 = arith.select %ge3A_1634, %add3A_1631, %broadcast_in_dim3A_1636 : vector<16xi1>, vector<16xi32>
    %reduce_max3A_1638 = arith.constant true
    %reduce_max3A_1639 = vector.broadcast %reduce_max3A_1638 : i1 to vector<16xi1>
    %reduce_max3A_1640 = arith.constant -2147483648 : i32
    %reduce_max3A_1641 = vector.broadcast %reduce_max3A_1640 : i32 to vector<16xi32>
    %reduce_max3A_1642 = arith.xori %select_n3A_1637, %reduce_max3A_1641 : vector<16xi32>
    %reduce_max3A_1643 = tpu.scan <max>, %reduce_max3A_1642 masked %reduce_max3A_1639 : vector<16xi32>, vector<16xi1> -> vector<16xi32>
    %reduce_max3A_1644 = arith.xori %reduce_max3A_1643, %reduce_max3A_1641 : vector<16xi32>
    %reduce_max3A_1645 = vector.extract %reduce_max3A_1644[15] : i32 from vector<16xi32>
    %max3A_1646 = arith.maxsi %max3A_1513, %reduce_max3A_1645 : i32
    %gt3A_1647 = arith.constant 4096 : i32
    %gt3A_1648 = vector.broadcast %gt3A_1647 : i32 to vector<16xi32>
    %gt3A_1649 = arith.cmpi sgt, %add3A_1628, %gt3A_1648 : vector<16xi32>
    %jit3A_1650 = arith.constant -1 : i32
    %broadcast_in_dim3A_1651 = vector.broadcast %jit3A_1650 : i32 to vector<16xi32>
    %select_n3A_1652 = arith.select %gt3A_1649, %add3A_1631, %broadcast_in_dim3A_1651 : vector<16xi1>, vector<16xi32>
    %reduce_max3A_1653 = arith.constant true
    %reduce_max3A_1654 = vector.broadcast %reduce_max3A_1653 : i1 to vector<16xi1>
    %reduce_max3A_1655 = arith.constant -2147483648 : i32
    %reduce_max3A_1656 = vector.broadcast %reduce_max3A_1655 : i32 to vector<16xi32>
    %reduce_max3A_1657 = arith.xori %select_n3A_1652, %reduce_max3A_1656 : vector<16xi32>
    %reduce_max3A_1658 = tpu.scan <max>, %reduce_max3A_1657 masked %reduce_max3A_1654 : vector<16xi32>, vector<16xi1> -> vector<16xi32>
    %reduce_max3A_1659 = arith.xori %reduce_max3A_1658, %reduce_max3A_1656 : vector<16xi32>
    %reduce_max3A_1660 = vector.extract %reduce_max3A_1659[15] : i32 from vector<16xi32>
    %max3A_1661 = arith.maxsi %max3A_1528, %reduce_max3A_1660 : i32
    %reduce_sum3A_1662 = arith.constant true
    %reduce_sum3A_1663 = vector.broadcast %reduce_sum3A_1662 : i1 to vector<16xi1>
    %reduce_sum3A_1664 = tpu.scan <sum>, %add3A_1613 masked %reduce_sum3A_1663 : vector<16xi32>, vector<16xi1> -> vector<16xi32>
    %reduce_sum3A_1665 = vector.extract %reduce_sum3A_1664[15] : i32 from vector<16xi32>
    %add3A_1666 = arith.addi %add3A_1533, %reduce_sum3A_1665 : i32
    %add3A_1667 = arith.constant 1 : i32
    %add3A_1668 = arith.addi %max3A_1661, %add3A_1667 : i32
    %max3A_1669 = arith.maxsi %max3A_1646, %add3A_1668 : i32
    %add3A_1670 = arith.constant 3923 : i32
    %add3A_1671 = arith.addi %max3A_1669, %add3A_1670 : i32
    %shift_left3A = arith.constant 18 : i32
    %shift_left3A_1672 = arith.shli %add3A_1671, %shift_left3A : i32
    %max3A_1673 = arith.constant 1028443342 : i32
    %max3A_1674 = arith.maxsi %shift_left3A_1672, %max3A_1673 : i32
    %scan3A_1675 = arith.constant 0 : i32
    %scan3A_1676 = arith.constant 0 : i32
    %scan3A_1677 = arith.constant 1250 : i32
    %scan3A_1678 = arith.addi %scan3A_1676, %scan3A_1677 : i32
    %scan3A_1679 = arith.constant 1 : i32
    %scan3A_1680 = scf.for %scan3A_2089 = %scan3A_1676 to %scan3A_1678 step %scan3A_1679 iter_args(%scan3A_2090 = %scan3A_1675) -> (i32)  : i32 {
      %get3A_2091 = arith.index_cast %scan3A_2089 : i32 to index
      %get3A_2092 = arith.constant 0 : index
      %get3A_2093 = tpu.vector_load %arg11[%get3A_2091, %get3A_2092] {strides = array<i32>} : memref<1250x81xf32, #tpu.memory_space<vmem>>, vector<16xf32>,
      %bitcast3A = vector.bitcast %get3A_2093 : vector<16xf32> to vector<16xi32>
      %ge3A_2094 = vector.broadcast %max3A_1674 : i32 to vector<16xi32>
      %ge3A_2095 = arith.cmpi sge, %bitcast3A, %ge3A_2094 : vector<16xi32>
      %all_reduce_population_count3A = tpu.all_reduce %ge3A_2095 {dim = 0 : i64, kind = #tpu.reduction_kind<sum>} : vector<16xi1> -> vector<16xi32>
      %mul3A_2096 = arith.constant 5 : i32
      %mul3A_2097 = arith.muli %scan3A_2089, %mul3A_2096 : i32
      %add3A_2098 = arith.constant 0 : i32
      %add3A_2099 = arith.addi %mul3A_2097, %add3A_2098 : i32
      %add3A_2100 = vector.broadcast %add3A_2099 : i32 to vector<16xi32>
      %add3A_2101 = arith.addi %iota3A, %add3A_2100 : vector<16xi32>
      %eq3A_2102 = arith.constant 0 : i32
      %eq3A_2103 = vector.broadcast %eq3A_2102 : i32 to vector<16xi32>
      %eq3A_2104 = arith.cmpi eq, %iota3A, %eq3A_2103 : vector<16xi32>
      tpu.vector_store_idx %arg28[%add3A_2101], %all_reduce_population_count3A masked %eq3A_2104 : memref<6266xi32, #tpu.memory_space<vmem>>[vector<16xi32>], vector<16xi32>, vector<16xi1>
      %get3A_2105 = arith.index_cast %scan3A_2089 : i32 to index
      %get3A_2106 = arith.constant 16 : index
      %get3A_2107 = tpu.vector_load %arg11[%get3A_2105, %get3A_2106] {strides = array<i32>} : memref<1250x81xf32, #tpu.memory_space<vmem>>, vector<16xf32>,
      %bitcast3A_2108 = vector.bitcast %get3A_2107 : vector<16xf32> to vector<16xi32>
      %ge3A_2109 = vector.broadcast %max3A_1674 : i32 to vector<16xi32>
      %ge3A_2110 = arith.cmpi sge, %bitcast3A_2108, %ge3A_2109 : vector<16xi32>
      %all_reduce_population_count3A_2111 = tpu.all_reduce %ge3A_2110 {dim = 0 : i64, kind = #tpu.reduction_kind<sum>} : vector<16xi1> -> vector<16xi32>
      %mul3A_2112 = arith.constant 5 : i32
      %mul3A_2113 = arith.muli %scan3A_2089, %mul3A_2112 : i32
      %add3A_2114 = arith.constant 1 : i32
      %add3A_2115 = arith.addi %mul3A_2113, %add3A_2114 : i32
      %add3A_2116 = vector.broadcast %add3A_2115 : i32 to vector<16xi32>
      %add3A_2117 = arith.addi %iota3A, %add3A_2116 : vector<16xi32>
      %eq3A_2118 = arith.constant 0 : i32
      %eq3A_2119 = vector.broadcast %eq3A_2118 : i32 to vector<16xi32>
      %eq3A_2120 = arith.cmpi eq, %iota3A, %eq3A_2119 : vector<16xi32>
      tpu.vector_store_idx %arg28[%add3A_2117], %all_reduce_population_count3A_2111 masked %eq3A_2120 : memref<6266xi32, #tpu.memory_space<vmem>>[vector<16xi32>], vector<16xi32>, vector<16xi1>
      %get3A_2121 = arith.index_cast %scan3A_2089 : i32 to index
      %get3A_2122 = arith.constant 32 : index
      %get3A_2123 = tpu.vector_load %arg11[%get3A_2121, %get3A_2122] {strides = array<i32>} : memref<1250x81xf32, #tpu.memory_space<vmem>>, vector<16xf32>,
      %bitcast3A_2124 = vector.bitcast %get3A_2123 : vector<16xf32> to vector<16xi32>
      %ge3A_2125 = vector.broadcast %max3A_1674 : i32 to vector<16xi32>
      %ge3A_2126 = arith.cmpi sge, %bitcast3A_2124, %ge3A_2125 : vector<16xi32>
      %all_reduce_population_count3A_2127 = tpu.all_reduce %ge3A_2126 {dim = 0 : i64, kind = #tpu.reduction_kind<sum>} : vector<16xi1> -> vector<16xi32>
      %mul3A_2128 = arith.constant 5 : i32
      %mul3A_2129 = arith.muli %scan3A_2089, %mul3A_2128 : i32
      %add3A_2130 = arith.constant 2 : i32
      %add3A_2131 = arith.addi %mul3A_2129, %add3A_2130 : i32
      %add3A_2132 = vector.broadcast %add3A_2131 : i32 to vector<16xi32>
      %add3A_2133 = arith.addi %iota3A, %add3A_2132 : vector<16xi32>
      %eq3A_2134 = arith.constant 0 : i32
      %eq3A_2135 = vector.broadcast %eq3A_2134 : i32 to vector<16xi32>
      %eq3A_2136 = arith.cmpi eq, %iota3A, %eq3A_2135 : vector<16xi32>
      tpu.vector_store_idx %arg28[%add3A_2133], %all_reduce_population_count3A_2127 masked %eq3A_2136 : memref<6266xi32, #tpu.memory_space<vmem>>[vector<16xi32>], vector<16xi32>, vector<16xi1>
      %get3A_2137 = arith.index_cast %scan3A_2089 : i32 to index
      %get3A_2138 = arith.constant 48 : index
      %get3A_2139 = tpu.vector_load %arg11[%get3A_2137, %get3A_2138] {strides = array<i32>} : memref<1250x81xf32, #tpu.memory_space<vmem>>, vector<16xf32>,
      %bitcast3A_2140 = vector.bitcast %get3A_2139 : vector<16xf32> to vector<16xi32>
      %ge3A_2141 = vector.broadcast %max3A_1674 : i32 to vector<16xi32>
      %ge3A_2142 = arith.cmpi sge, %bitcast3A_2140, %ge3A_2141 : vector<16xi32>
      %all_reduce_population_count3A_2143 = tpu.all_reduce %ge3A_2142 {dim = 0 : i64, kind = #tpu.reduction_kind<sum>} : vector<16xi1> -> vector<16xi32>
      %mul3A_2144 = arith.constant 5 : i32
      %mul3A_2145 = arith.muli %scan3A_2089, %mul3A_2144 : i32
      %add3A_2146 = arith.constant 3 : i32
      %add3A_2147 = arith.addi %mul3A_2145, %add3A_2146 : i32
      %add3A_2148 = vector.broadcast %add3A_2147 : i32 to vector<16xi32>
      %add3A_2149 = arith.addi %iota3A, %add3A_2148 : vector<16xi32>
      %eq3A_2150 = arith.constant 0 : i32
      %eq3A_2151 = vector.broadcast %eq3A_2150 : i32 to vector<16xi32>
      %eq3A_2152 = arith.cmpi eq, %iota3A, %eq3A_2151 : vector<16xi32>
      tpu.vector_store_idx %arg28[%add3A_2149], %all_reduce_population_count3A_2143 masked %eq3A_2152 : memref<6266xi32, #tpu.memory_space<vmem>>[vector<16xi32>], vector<16xi32>, vector<16xi1>
      %get3A_2153 = arith.index_cast %scan3A_2089 : i32 to index
      %get3A_2154 = arith.constant 64 : index
      %get3A_2155 = tpu.vector_load %arg11[%get3A_2153, %get3A_2154] {strides = array<i32>} : memref<1250x81xf32, #tpu.memory_space<vmem>>, vector<16xf32>,
      %bitcast3A_2156 = vector.bitcast %get3A_2155 : vector<16xf32> to vector<16xi32>
      %ge3A_2157 = vector.broadcast %max3A_1674 : i32 to vector<16xi32>
      %ge3A_2158 = arith.cmpi sge, %bitcast3A_2156, %ge3A_2157 : vector<16xi32>
      %all_reduce_population_count3A_2159 = tpu.all_reduce %ge3A_2158 {dim = 0 : i64, kind = #tpu.reduction_kind<sum>} : vector<16xi1> -> vector<16xi32>
      %mul3A_2160 = arith.constant 5 : i32
      %mul3A_2161 = arith.muli %scan3A_2089, %mul3A_2160 : i32
      %add3A_2162 = arith.constant 4 : i32
      %add3A_2163 = arith.addi %mul3A_2161, %add3A_2162 : i32
      %add3A_2164 = vector.broadcast %add3A_2163 : i32 to vector<16xi32>
      %add3A_2165 = arith.addi %iota3A, %add3A_2164 : vector<16xi32>
      %eq3A_2166 = arith.constant 0 : i32
      %eq3A_2167 = vector.broadcast %eq3A_2166 : i32 to vector<16xi32>
      %eq3A_2168 = arith.cmpi eq, %iota3A, %eq3A_2167 : vector<16xi32>
      tpu.vector_store_idx %arg28[%add3A_2165], %all_reduce_population_count3A_2159 masked %eq3A_2168 : memref<6266xi32, #tpu.memory_space<vmem>>[vector<16xi32>], vector<16xi32>, vector<16xi1>
      %scan3A_2169 = arith.constant 0 : i32
      scf.yield %scan3A_2169 : i32
    }
    %scan3A_1681 = arith.constant 1250 : i32
    %broadcast_in_dim3A_1682 = arith.constant 0 : i32
    %broadcast_in_dim3A_1683 = vector.broadcast %broadcast_in_dim3A_1682 : i32 to vector<16xi32>
    %scan3A_1684 = arith.constant 0 : i32
    %scan3A_1685 = arith.constant 390 : i32
    %scan3A_1686 = arith.addi %scan3A_1684, %scan3A_1685 : i32
    %scan3A_1687 = arith.constant 1 : i32
    %scan3A_1688 = scf.for %scan3A_2089 = %scan3A_1684 to %scan3A_1686 step %scan3A_1687 iter_args(%scan3A_2090 = %broadcast_in_dim3A_1683) -> (vector<16xi32>)  : i32 {
      %mul3A_2091 = arith.constant 16 : i32
      %mul3A_2092 = arith.muli %scan3A_2089, %mul3A_2091 : i32
      %get3A_2093 = arith.index_cast %mul3A_2092 : i32 to index
      %get3A_2094 = tpu.vector_load %arg28[%get3A_2093] {strides = array<i32>} : memref<6266xi32, #tpu.memory_space<vmem>>, vector<16xi32>,
      %gt3A_2095 = arith.constant 0 : i32
      %gt3A_2096 = vector.broadcast %gt3A_2095 : i32 to vector<16xi32>
      %gt3A_2097 = arith.cmpi sgt, %get3A_2094, %gt3A_2096 : vector<16xi32>
      %convert_element_type3A_2098 = arith.extui %gt3A_2097 : vector<16xi1> to vector<16xi32>
      %broadcast_in_dim3A_2099 = arith.constant true
      %broadcast_in_dim3A_2100 = vector.broadcast %broadcast_in_dim3A_2099 : i1 to vector<16xi1>
      %masked_cumsum3A_2101 = tpu.scan <sum>, %convert_element_type3A_2098 masked %broadcast_in_dim3A_2100 : vector<16xi32>, vector<16xi1> -> vector<16xi32>
      %add3A_2102 = arith.addi %scan3A_2090, %masked_cumsum3A_2101 : vector<16xi32>
      %sub3A_2103 = arith.subi %add3A_2102, %convert_element_type3A_2098 : vector<16xi32>
      %lt3A = arith.constant 2080 : i32
      %lt3A_2104 = vector.broadcast %lt3A : i32 to vector<16xi32>
      %lt3A_2105 = arith.cmpi slt, %sub3A_2103, %lt3A_2104 : vector<16xi32>
      %and3A_2106 = arith.andi %gt3A_2097, %lt3A_2105 : vector<16xi1>
      %mul3A_2107 = arith.constant 16 : i32
      %mul3A_2108 = arith.muli %scan3A_2089, %mul3A_2107 : i32
      %add3A_2109 = vector.broadcast %mul3A_2108 : i32 to vector<16xi32>
      %add3A_2110 = arith.addi %add3A_2109, %iota3A : vector<16xi32>
      tpu.vector_store_idx %arg29[%sub3A_2103], %add3A_2110 masked %and3A_2106 : memref<2096xi32, #tpu.memory_space<vmem>>[vector<16xi32>], vector<16xi32>, vector<16xi1>
      %all_reduce_population_count3A = tpu.all_reduce %and3A_2106 {dim = 0 : i64, kind = #tpu.reduction_kind<sum>} : vector<16xi1> -> vector<16xi32>
      %add3A_2111 = arith.addi %scan3A_2090, %all_reduce_population_count3A : vector<16xi32>
      scf.yield %add3A_2111 : vector<16xi32>
    }
    %scan3A_1689 = arith.constant 390 : i32
    %reduce_max3A_1690 = arith.constant true
    %reduce_max3A_1691 = vector.broadcast %reduce_max3A_1690 : i1 to vector<16xi1>
    %reduce_max3A_1692 = arith.constant -2147483648 : i32
    %reduce_max3A_1693 = vector.broadcast %reduce_max3A_1692 : i32 to vector<16xi32>
    %reduce_max3A_1694 = arith.xori %scan3A_1688, %reduce_max3A_1693 : vector<16xi32>
    %reduce_max3A_1695 = tpu.scan <max>, %reduce_max3A_1694 masked %reduce_max3A_1691 : vector<16xi32>, vector<16xi1> -> vector<16xi32>
    %reduce_max3A_1696 = arith.xori %reduce_max3A_1695, %reduce_max3A_1693 : vector<16xi32>
    %reduce_max3A_1697 = vector.extract %reduce_max3A_1696[15] : i32 from vector<16xi32>
    %mul3A_1698 = arith.constant 100000 : i32
    %mul3A_1699 = arith.muli %arg1, %mul3A_1698 : i32
    %broadcast_in_dim3A_1700 = arith.constant 0 : i32
    %broadcast_in_dim3A_1701 = vector.broadcast %broadcast_in_dim3A_1700 : i32 to vector<16xi32>
    %while3A = arith.constant 0 : i32
    %while3A_1702 = arith.subi %reduce_max3A_1697, %while3A : i32
    %while3A_1703 = arith.addi %while3A, %while3A_1702 : i32
    %while3A_1704 = arith.constant 1 : i32
    %while3A_1705 = arith.divsi %while3A_1702, %while3A_1704 : i32
    %while3A_1706 = arith.muli %while3A_1705, %while3A_1704 : i32
    %while3A_1707 = arith.addi %while3A, %while3A_1706 : i32
    %while3A_1708 = arith.constant 1 : i32
    %while3A_1709 = scf.for %while3A_2089 = %while3A to %while3A_1707 step %while3A_1708 iter_args(%while3A_2090 = %broadcast_in_dim3A_1701) -> (vector<16xi32>)  : i32 {
      %get3A_2091 = arith.index_cast %while3A_2089 : i32 to index
      %get3A_2092 = tpu.vector_load %arg29[%get3A_2091] {strides = array<i32>} : memref<2096xi32, #tpu.memory_space<vmem>>, vector<16xi32>,
      %slice3A = vector.extract_strided_slice %get3A_2092 {offsets = [0], sizes = [1], strides = [1]} : vector<16xi32> to vector<1xi32>
      %squeeze3A = vector.extract %slice3A[0] : i32 from vector<1xi32>
      %jit3A_2093 = arith.constant 5 : i32
      %div3A_2094 = arith.divsi %squeeze3A, %jit3A_2093 : i32
      %sign3A_2095 = arith.constant 0 : i32
      %sign3A_2096 = arith.cmpi sgt, %squeeze3A, %sign3A_2095 : i32
      %sign3A_2097 = arith.extui %sign3A_2096 : i1 to i32
      %sign3A_2098 = arith.constant 0 : i32
      %sign3A_2099 = arith.cmpi slt, %squeeze3A, %sign3A_2098 : i32
      %sign3A_2100 = arith.extui %sign3A_2099 : i1 to i32
      %sign3A_2101 = arith.subi %sign3A_2097, %sign3A_2100 : i32
      %sign3A_2102 = arith.constant 0 : i32
      %sign3A_2103 = arith.cmpi sgt, %jit3A_2093, %sign3A_2102 : i32
      %sign3A_2104 = arith.extui %sign3A_2103 : i1 to i32
      %sign3A_2105 = arith.constant 0 : i32
      %sign3A_2106 = arith.cmpi slt, %jit3A_2093, %sign3A_2105 : i32
      %sign3A_2107 = arith.extui %sign3A_2106 : i1 to i32
      %sign3A_2108 = arith.subi %sign3A_2104, %sign3A_2107 : i32
      %ne3A_2109 = arith.cmpi ne, %sign3A_2101, %sign3A_2108 : i32
      %rem3A_2110 = arith.remsi %squeeze3A, %jit3A_2093 : i32
      %ne3A_2111 = arith.constant 0 : i32
      %ne3A_2112 = arith.cmpi ne, %rem3A_2110, %ne3A_2111 : i32
      %and3A_2113 = arith.andi %ne3A_2109, %ne3A_2112 : i1
      %sub3A_2114 = arith.constant 1 : i32
      %sub3A_2115 = arith.subi %div3A_2094, %sub3A_2114 : i32
      %select_n3A_2116 = arith.select %and3A_2113, %sub3A_2115, %div3A_2094 : i32
      %jit3A_2117 = arith.constant 5 : i32
      %eq3A_2118 = arith.constant 0 : i32
      %eq3A_2119 = arith.cmpi eq, %jit3A_2117, %eq3A_2118 : i32
      %jit3A_2120 = arith.constant 1 : i32
      %select_n3A_2121 = arith.select %eq3A_2119, %jit3A_2120, %jit3A_2117 : i32
      %rem3A_2122 = arith.remsi %squeeze3A, %select_n3A_2121 : i32
      %ne3A_2123 = arith.constant 0 : i32
      %ne3A_2124 = arith.cmpi ne, %rem3A_2122, %ne3A_2123 : i32
      %lt3A = arith.constant 0 : i32
      %lt3A_2125 = arith.cmpi slt, %rem3A_2122, %lt3A : i32
      %lt3A_2126 = arith.constant 0 : i32
      %lt3A_2127 = arith.cmpi slt, %select_n3A_2121, %lt3A_2126 : i32
      %ne3A_2128 = arith.xori %lt3A_2125, %lt3A_2127 : i1
      %and3A_2129 = arith.andi %ne3A_2128, %ne3A_2124 : i1
      %add3A_2130 = arith.addi %rem3A_2122, %select_n3A_2121 : i32
      %select_n3A_2131 = arith.select %and3A_2129, %add3A_2130, %rem3A_2122 : i32
      %mul3A_2132 = arith.constant 16 : i32
      %mul3A_2133 = arith.muli %select_n3A_2131, %mul3A_2132 : i32
      %broadcast_in_dim3A_2134 = vector.broadcast %select_n3A_2116 : i32 to vector<16xi32>
      %add3A_2135 = vector.broadcast %mul3A_2133 : i32 to vector<16xi32>
      %add3A_2136 = arith.addi %add3A_2135, %iota3A : vector<16xi32>
      %gather3A = tpu.vector_load_idx %arg11[%broadcast_in_dim3A_2134, %add3A_2136] : memref<1250x81xf32, #tpu.memory_space<vmem>>[vector<16xi32>, vector<16xi32>], vector<16xf32>,
      %bitcast3A = vector.bitcast %gather3A : vector<16xf32> to vector<16xi32>
      %ge3A_2137 = vector.broadcast %max3A_1674 : i32 to vector<16xi32>
      %ge3A_2138 = arith.cmpi sge, %bitcast3A, %ge3A_2137 : vector<16xi32>
      %convert_element_type3A_2139 = arith.extui %ge3A_2138 : vector<16xi1> to vector<16xi32>
      %broadcast_in_dim3A_2140 = arith.constant true
      %broadcast_in_dim3A_2141 = vector.broadcast %broadcast_in_dim3A_2140 : i1 to vector<16xi1>
      %masked_cumsum3A_2142 = tpu.scan <sum>, %convert_element_type3A_2139 masked %broadcast_in_dim3A_2141 : vector<16xi32>, vector<16xi1> -> vector<16xi32>
      %add3A_2143 = arith.addi %while3A_2090, %masked_cumsum3A_2142 : vector<16xi32>
      %sub3A_2144 = arith.subi %add3A_2143, %convert_element_type3A_2139 : vector<16xi32>
      %lt3A_2145 = arith.constant 2080 : i32
      %lt3A_2146 = vector.broadcast %lt3A_2145 : i32 to vector<16xi32>
      %lt3A_2147 = arith.cmpi slt, %sub3A_2144, %lt3A_2146 : vector<16xi32>
      %and3A_2148 = arith.andi %ge3A_2138, %lt3A_2147 : vector<16xi1>
      tpu.vector_store_idx %arg12[%sub3A_2144], %gather3A masked %and3A_2148 : memref<2208xf32, #tpu.memory_space<vmem>>[vector<16xi32>], vector<16xf32>, vector<16xi1>
      %mul3A_2149 = arith.constant 80 : i32
      %mul3A_2150 = arith.muli %select_n3A_2116, %mul3A_2149 : i32
      %add3A_2151 = arith.addi %mul3A_1699, %mul3A_2150 : i32
      %add3A_2152 = arith.addi %add3A_2151, %mul3A_2133 : i32
      %add3A_2153 = vector.broadcast %add3A_2152 : i32 to vector<16xi32>
      %add3A_2154 = arith.addi %add3A_2153, %iota3A : vector<16xi32>
      tpu.vector_store_idx %arg13[%sub3A_2144], %add3A_2154 masked %and3A_2148 : memref<2208xi32, #tpu.memory_space<vmem>>[vector<16xi32>], vector<16xi32>, vector<16xi1>
      %all_reduce_population_count3A = tpu.all_reduce %and3A_2148 {dim = 0 : i64, kind = #tpu.reduction_kind<sum>} : vector<16xi1> -> vector<16xi32>
      %add3A_2155 = arith.addi %while3A_2090, %all_reduce_population_count3A : vector<16xi32>
      scf.yield %add3A_2155 : vector<16xi32>
    }
    %while3A_1710 = arith.constant 1 : i32
    %while3A_1711 = scf.for %while3A_2089 = %while3A_1707 to %while3A_1703 step %while3A_1710 iter_args(%while3A_2090 = %while3A_1709) -> (vector<16xi32>)  : i32 {
      %get3A_2091 = arith.index_cast %while3A_2089 : i32 to index
      %get3A_2092 = tpu.vector_load %arg29[%get3A_2091] {strides = array<i32>} : memref<2096xi32, #tpu.memory_space<vmem>>, vector<16xi32>,
      %slice3A = vector.extract_strided_slice %get3A_2092 {offsets = [0], sizes = [1], strides = [1]} : vector<16xi32> to vector<1xi32>
      %squeeze3A = vector.extract %slice3A[0] : i32 from vector<1xi32>
      %jit3A_2093 = arith.constant 5 : i32
      %div3A_2094 = arith.divsi %squeeze3A, %jit3A_2093 : i32
      %sign3A_2095 = arith.constant 0 : i32
      %sign3A_2096 = arith.cmpi sgt, %squeeze3A, %sign3A_2095 : i32
      %sign3A_2097 = arith.extui %sign3A_2096 : i1 to i32
      %sign3A_2098 = arith.constant 0 : i32
      %sign3A_2099 = arith.cmpi slt, %squeeze3A, %sign3A_2098 : i32
      %sign3A_2100 = arith.extui %sign3A_2099 : i1 to i32
      %sign3A_2101 = arith.subi %sign3A_2097, %sign3A_2100 : i32
      %sign3A_2102 = arith.constant 0 : i32
      %sign3A_2103 = arith.cmpi sgt, %jit3A_2093, %sign3A_2102 : i32
      %sign3A_2104 = arith.extui %sign3A_2103 : i1 to i32
      %sign3A_2105 = arith.constant 0 : i32
      %sign3A_2106 = arith.cmpi slt, %jit3A_2093, %sign3A_2105 : i32
      %sign3A_2107 = arith.extui %sign3A_2106 : i1 to i32
      %sign3A_2108 = arith.subi %sign3A_2104, %sign3A_2107 : i32
      %ne3A_2109 = arith.cmpi ne, %sign3A_2101, %sign3A_2108 : i32
      %rem3A_2110 = arith.remsi %squeeze3A, %jit3A_2093 : i32
      %ne3A_2111 = arith.constant 0 : i32
      %ne3A_2112 = arith.cmpi ne, %rem3A_2110, %ne3A_2111 : i32
      %and3A_2113 = arith.andi %ne3A_2109, %ne3A_2112 : i1
      %sub3A_2114 = arith.constant 1 : i32
      %sub3A_2115 = arith.subi %div3A_2094, %sub3A_2114 : i32
      %select_n3A_2116 = arith.select %and3A_2113, %sub3A_2115, %div3A_2094 : i32
      %jit3A_2117 = arith.constant 5 : i32
      %eq3A_2118 = arith.constant 0 : i32
      %eq3A_2119 = arith.cmpi eq, %jit3A_2117, %eq3A_2118 : i32
      %jit3A_2120 = arith.constant 1 : i32
      %select_n3A_2121 = arith.select %eq3A_2119, %jit3A_2120, %jit3A_2117 : i32
      %rem3A_2122 = arith.remsi %squeeze3A, %select_n3A_2121 : i32
      %ne3A_2123 = arith.constant 0 : i32
      %ne3A_2124 = arith.cmpi ne, %rem3A_2122, %ne3A_2123 : i32
      %lt3A = arith.constant 0 : i32
      %lt3A_2125 = arith.cmpi slt, %rem3A_2122, %lt3A : i32
      %lt3A_2126 = arith.constant 0 : i32
      %lt3A_2127 = arith.cmpi slt, %select_n3A_2121, %lt3A_2126 : i32
      %ne3A_2128 = arith.xori %lt3A_2125, %lt3A_2127 : i1
      %and3A_2129 = arith.andi %ne3A_2128, %ne3A_2124 : i1
      %add3A_2130 = arith.addi %rem3A_2122, %select_n3A_2121 : i32
      %select_n3A_2131 = arith.select %and3A_2129, %add3A_2130, %rem3A_2122 : i32
      %mul3A_2132 = arith.constant 16 : i32
      %mul3A_2133 = arith.muli %select_n3A_2131, %mul3A_2132 : i32
      %broadcast_in_dim3A_2134 = vector.broadcast %select_n3A_2116 : i32 to vector<16xi32>
      %add3A_2135 = vector.broadcast %mul3A_2133 : i32 to vector<16xi32>
      %add3A_2136 = arith.addi %add3A_2135, %iota3A : vector<16xi32>
      %gather3A = tpu.vector_load_idx %arg11[%broadcast_in_dim3A_2134, %add3A_2136] : memref<1250x81xf32, #tpu.memory_space<vmem>>[vector<16xi32>, vector<16xi32>], vector<16xf32>,
      %bitcast3A = vector.bitcast %gather3A : vector<16xf32> to vector<16xi32>
      %ge3A_2137 = vector.broadcast %max3A_1674 : i32 to vector<16xi32>
      %ge3A_2138 = arith.cmpi sge, %bitcast3A, %ge3A_2137 : vector<16xi32>
      %convert_element_type3A_2139 = arith.extui %ge3A_2138 : vector<16xi1> to vector<16xi32>
      %broadcast_in_dim3A_2140 = arith.constant true
      %broadcast_in_dim3A_2141 = vector.broadcast %broadcast_in_dim3A_2140 : i1 to vector<16xi1>
      %masked_cumsum3A_2142 = tpu.scan <sum>, %convert_element_type3A_2139 masked %broadcast_in_dim3A_2141 : vector<16xi32>, vector<16xi1> -> vector<16xi32>
      %add3A_2143 = arith.addi %while3A_2090, %masked_cumsum3A_2142 : vector<16xi32>
      %sub3A_2144 = arith.subi %add3A_2143, %convert_element_type3A_2139 : vector<16xi32>
      %lt3A_2145 = arith.constant 2080 : i32
      %lt3A_2146 = vector.broadcast %lt3A_2145 : i32 to vector<16xi32>
      %lt3A_2147 = arith.cmpi slt, %sub3A_2144, %lt3A_2146 : vector<16xi32>
      %and3A_2148 = arith.andi %ge3A_2138, %lt3A_2147 : vector<16xi1>
      tpu.vector_store_idx %arg12[%sub3A_2144], %gather3A masked %and3A_2148 : memref<2208xf32, #tpu.memory_space<vmem>>[vector<16xi32>], vector<16xf32>, vector<16xi1>
      %mul3A_2149 = arith.constant 80 : i32
      %mul3A_2150 = arith.muli %select_n3A_2116, %mul3A_2149 : i32
      %add3A_2151 = arith.addi %mul3A_1699, %mul3A_2150 : i32
      %add3A_2152 = arith.addi %add3A_2151, %mul3A_2133 : i32
      %add3A_2153 = vector.broadcast %add3A_2152 : i32 to vector<16xi32>
      %add3A_2154 = arith.addi %add3A_2153, %iota3A : vector<16xi32>
      tpu.vector_store_idx %arg13[%sub3A_2144], %add3A_2154 masked %and3A_2148 : memref<2208xi32, #tpu.memory_space<vmem>>[vector<16xi32>], vector<16xi32>, vector<16xi1>
      %all_reduce_population_count3A = tpu.all_reduce %and3A_2148 {dim = 0 : i64, kind = #tpu.reduction_kind<sum>} : vector<16xi1> -> vector<16xi32>
      %add3A_2155 = arith.addi %while3A_2090, %all_reduce_population_count3A : vector<16xi32>
      scf.yield %add3A_2155 : vector<16xi32>
    }
    %reduce_max3A_1712 = arith.constant true
    %reduce_max3A_1713 = vector.broadcast %reduce_max3A_1712 : i1 to vector<16xi1>
    %reduce_max3A_1714 = arith.constant -2147483648 : i32
    %reduce_max3A_1715 = vector.broadcast %reduce_max3A_1714 : i32 to vector<16xi32>
    %reduce_max3A_1716 = arith.xori %while3A_1711, %reduce_max3A_1715 : vector<16xi32>
    %reduce_max3A_1717 = tpu.scan <max>, %reduce_max3A_1716 masked %reduce_max3A_1713 : vector<16xi32>, vector<16xi1> -> vector<16xi32>
    %reduce_max3A_1718 = arith.xori %reduce_max3A_1717, %reduce_max3A_1715 : vector<16xi32>
    %reduce_max3A_1719 = vector.extract %reduce_max3A_1718[15] : i32 from vector<16xi32>
    %eq3A = arith.constant 0 : i32
    %eq3A_1720 = vector.broadcast %eq3A : i32 to vector<16xi32>
    %eq3A_1721 = arith.cmpi eq, %iota3A, %eq3A_1720 : vector<16xi32>
    %jit3A_1722 = arith.constant 0 : i32
    %broadcast_in_dim3A_1723 = vector.broadcast %reduce_max3A_1719 : i32 to vector<16xi32>
    %broadcast_in_dim3A_1724 = vector.broadcast %jit3A_1722 : i32 to vector<16xi32>
    %select_n3A_1725 = arith.select %eq3A_1721, %broadcast_in_dim3A_1723, %broadcast_in_dim3A_1724 : vector<16xi1>, vector<16xi32>
    %swap3A_1726 = arith.constant 0 : index
    %swap3A_1727 = tpu.vector_load %arg26[%swap3A_1726] {strides = array<i32>} : memref<16xi32, #tpu.memory_space<vmem>>, vector<16xi32>,
    tpu.vector_store %arg26[%swap3A_1726], %select_n3A_1725 {strides = array<i32>} : memref<16xi32, #tpu.memory_space<vmem>>, vector<16xi32>,
    "tpu.region"() ({
      %run_scoped3A = tpu.sem_alloc : memref<!tpu.dma_semaphore, #tpu.memory_space<semaphore_mem>>
      %dma_start3A = arith.constant 0 : i32
      %dma_start3A_2089 = tpu.memref_slice %arg31[%arg1, %dma_start3A] : memref<16x16xi32, #tpu.memory_space<vmem_shared>> -> memref<1x16xi32, #tpu.memory_space<vmem_shared>>
      %dma_start3A_2090 = tpu.memref_squeeze %dma_start3A_2089 : memref<1x16xi32, #tpu.memory_space<vmem_shared>> -> memref<16xi32, #tpu.memory_space<vmem_shared>>
      %dma_start3A_2091 = arith.constant 0 : i32
      %dma_start3A_2092 = tpu.memref_slice %arg31[%arg1, %dma_start3A_2091] : memref<16x16xi32, #tpu.memory_space<vmem_shared>> -> memref<1x16xi32, #tpu.memory_space<vmem_shared>>
      %dma_start3A_2093 = tpu.memref_squeeze %dma_start3A_2092 : memref<1x16xi32, #tpu.memory_space<vmem_shared>> -> memref<16xi32, #tpu.memory_space<vmem_shared>>
      tpu.enqueue_dma source(%arg26 : memref<16xi32, #tpu.memory_space<vmem>>) target(%dma_start3A_2093 : memref<16xi32, #tpu.memory_space<vmem_shared>>) target_semaphore(%run_scoped3A : memref<!tpu.dma_semaphore, #tpu.memory_space<semaphore_mem>>)
      %dma_wait3A = arith.constant 0 : i32
      %dma_wait3A_2094 = tpu.memref_slice %arg31[%arg1, %dma_wait3A] : memref<16x16xi32, #tpu.memory_space<vmem_shared>> -> memref<1x16xi32, #tpu.memory_space<vmem_shared>>
      %dma_wait3A_2095 = tpu.memref_squeeze %dma_wait3A_2094 : memref<1x16xi32, #tpu.memory_space<vmem_shared>> -> memref<16xi32, #tpu.memory_space<vmem_shared>>
      %dma_wait3A_2096 = arith.constant 0 : i32
      %dma_wait3A_2097 = tpu.memref_slice %arg31[%arg1, %dma_wait3A_2096] : memref<16x16xi32, #tpu.memory_space<vmem_shared>> -> memref<1x16xi32, #tpu.memory_space<vmem_shared>>
      %dma_wait3A_2098 = tpu.memref_squeeze %dma_wait3A_2097 : memref<1x16xi32, #tpu.memory_space<vmem_shared>> -> memref<16xi32, #tpu.memory_space<vmem_shared>>
      tpu.wait_dma2 semaphore(%run_scoped3A : memref<!tpu.dma_semaphore, #tpu.memory_space<semaphore_mem>>) src(%arg26 : memref<16xi32, #tpu.memory_space<vmem>>) dst(%dma_wait3A_2098 : memref<16xi32, #tpu.memory_space<vmem_shared>>)
      tpu.yield
    }) : () -> ()
    %barrier3A_1728 = arith.constant 0 : index
    tpu.barrier barrier_id(%barrier3A_1728)
    "tpu.region"() ({
      %run_scoped3A = tpu.sem_alloc : memref<!tpu.dma_semaphore, #tpu.memory_space<semaphore_mem>>
      tpu.enqueue_dma source(%arg31 : memref<16x16xi32, #tpu.memory_space<vmem_shared>>) target(%arg27 : memref<16x16xi32, #tpu.memory_space<vmem>>) target_semaphore(%run_scoped3A : memref<!tpu.dma_semaphore, #tpu.memory_space<semaphore_mem>>)
      tpu.wait_dma2 semaphore(%run_scoped3A : memref<!tpu.dma_semaphore, #tpu.memory_space<semaphore_mem>>) src(%arg31 : memref<16x16xi32, #tpu.memory_space<vmem_shared>>) dst(%arg27 : memref<16x16xi32, #tpu.memory_space<vmem>>)
      tpu.yield
    }) : () -> ()
    %eq3A_1729 = arith.constant 0 : i32
    %eq3A_1730 = vector.broadcast %eq3A_1729 : i32 to vector<16xi32>
    %eq3A_1731 = arith.cmpi eq, %iota3A, %eq3A_1730 : vector<16xi32>
    %get3A_1732 = arith.constant 0 : i32
    %get3A_1733 = arith.index_cast %get3A_1732 : i32 to index
    %get3A_1734 = arith.constant 0 : index
    %get3A_1735 = tpu.vector_load %arg27[%get3A_1733, %get3A_1734] {strides = array<i32>} : memref<16x16xi32, #tpu.memory_space<vmem>>, vector<16xi32>,
    %jit3A_1736 = arith.constant 0 : i32
    %broadcast_in_dim3A_1737 = vector.broadcast %jit3A_1736 : i32 to vector<16xi32>
    %select_n3A_1738 = arith.select %eq3A_1731, %get3A_1735, %broadcast_in_dim3A_1737 : vector<16xi1>, vector<16xi32>
    %reduce_sum3A_1739 = arith.constant true
    %reduce_sum3A_1740 = vector.broadcast %reduce_sum3A_1739 : i1 to vector<16xi1>
    %reduce_sum3A_1741 = tpu.scan <sum>, %select_n3A_1738 masked %reduce_sum3A_1740 : vector<16xi32>, vector<16xi1> -> vector<16xi32>
    %reduce_sum3A_1742 = vector.extract %reduce_sum3A_1741[15] : i32 from vector<16xi32>
    %gt3A_1743 = arith.constant 0 : i32
    %gt3A_1744 = arith.cmpi sgt, %arg1, %gt3A_1743 : i32
    %jit3A_1745 = arith.constant 0 : i32
    %select_n3A_1746 = arith.select %gt3A_1744, %reduce_sum3A_1742, %jit3A_1745 : i32
    %add3A_1747 = arith.constant 0 : i32
    %add3A_1748 = arith.addi %add3A_1747, %select_n3A_1746 : i32
    %add3A_1749 = arith.constant 0 : i32
    %add3A_1750 = arith.addi %add3A_1749, %reduce_sum3A_1742 : i32
    %eq3A_1751 = arith.constant 0 : i32
    %eq3A_1752 = vector.broadcast %eq3A_1751 : i32 to vector<16xi32>
    %eq3A_1753 = arith.cmpi eq, %iota3A, %eq3A_1752 : vector<16xi32>
    %get3A_1754 = arith.constant 1 : i32
    %get3A_1755 = arith.index_cast %get3A_1754 : i32 to index
    %get3A_1756 = arith.constant 0 : index
    %get3A_1757 = tpu.vector_load %arg27[%get3A_1755, %get3A_1756] {strides = array<i32>} : memref<16x16xi32, #tpu.memory_space<vmem>>, vector<16xi32>,
    %jit3A_1758 = arith.constant 0 : i32
    %broadcast_in_dim3A_1759 = vector.broadcast %jit3A_1758 : i32 to vector<16xi32>
    %select_n3A_1760 = arith.select %eq3A_1753, %get3A_1757, %broadcast_in_dim3A_1759 : vector<16xi1>, vector<16xi32>
    %reduce_sum3A_1761 = arith.constant true
    %reduce_sum3A_1762 = vector.broadcast %reduce_sum3A_1761 : i1 to vector<16xi1>
    %reduce_sum3A_1763 = tpu.scan <sum>, %select_n3A_1760 masked %reduce_sum3A_1762 : vector<16xi32>, vector<16xi1> -> vector<16xi32>
    %reduce_sum3A_1764 = vector.extract %reduce_sum3A_1763[15] : i32 from vector<16xi32>
    %gt3A_1765 = arith.constant 1 : i32
    %gt3A_1766 = arith.cmpi sgt, %arg1, %gt3A_1765 : i32
    %jit3A_1767 = arith.constant 0 : i32
    %select_n3A_1768 = arith.select %gt3A_1766, %reduce_sum3A_1764, %jit3A_1767 : i32
    %add3A_1769 = arith.addi %add3A_1748, %select_n3A_1768 : i32
    %add3A_1770 = arith.addi %add3A_1750, %reduce_sum3A_1764 : i32
    %eq3A_1771 = arith.constant 0 : i32
    %eq3A_1772 = vector.broadcast %eq3A_1771 : i32 to vector<16xi32>
    %eq3A_1773 = arith.cmpi eq, %iota3A, %eq3A_1772 : vector<16xi32>
    %get3A_1774 = arith.constant 2 : i32
    %get3A_1775 = arith.index_cast %get3A_1774 : i32 to index
    %get3A_1776 = arith.constant 0 : index
    %get3A_1777 = tpu.vector_load %arg27[%get3A_1775, %get3A_1776] {strides = array<i32>} : memref<16x16xi32, #tpu.memory_space<vmem>>, vector<16xi32>,
    %jit3A_1778 = arith.constant 0 : i32
    %broadcast_in_dim3A_1779 = vector.broadcast %jit3A_1778 : i32 to vector<16xi32>
    %select_n3A_1780 = arith.select %eq3A_1773, %get3A_1777, %broadcast_in_dim3A_1779 : vector<16xi1>, vector<16xi32>
    %reduce_sum3A_1781 = arith.constant true
    %reduce_sum3A_1782 = vector.broadcast %reduce_sum3A_1781 : i1 to vector<16xi1>
    %reduce_sum3A_1783 = tpu.scan <sum>, %select_n3A_1780 masked %reduce_sum3A_1782 : vector<16xi32>, vector<16xi1> -> vector<16xi32>
    %reduce_sum3A_1784 = vector.extract %reduce_sum3A_1783[15] : i32 from vector<16xi32>
    %gt3A_1785 = arith.constant 2 : i32
    %gt3A_1786 = arith.cmpi sgt, %arg1, %gt3A_1785 : i32
    %jit3A_1787 = arith.constant 0 : i32
    %select_n3A_1788 = arith.select %gt3A_1786, %reduce_sum3A_1784, %jit3A_1787 : i32
    %add3A_1789 = arith.addi %add3A_1769, %select_n3A_1788 : i32
    %add3A_1790 = arith.addi %add3A_1770, %reduce_sum3A_1784 : i32
    %eq3A_1791 = arith.constant 0 : i32
    %eq3A_1792 = vector.broadcast %eq3A_1791 : i32 to vector<16xi32>
    %eq3A_1793 = arith.cmpi eq, %iota3A, %eq3A_1792 : vector<16xi32>
    %get3A_1794 = arith.constant 3 : i32
    %get3A_1795 = arith.index_cast %get3A_1794 : i32 to index
    %get3A_1796 = arith.constant 0 : index
    %get3A_1797 = tpu.vector_load %arg27[%get3A_1795, %get3A_1796] {strides = array<i32>} : memref<16x16xi32, #tpu.memory_space<vmem>>, vector<16xi32>,
    %jit3A_1798 = arith.constant 0 : i32
    %broadcast_in_dim3A_1799 = vector.broadcast %jit3A_1798 : i32 to vector<16xi32>
    %select_n3A_1800 = arith.select %eq3A_1793, %get3A_1797, %broadcast_in_dim3A_1799 : vector<16xi1>, vector<16xi32>
    %reduce_sum3A_1801 = arith.constant true
    %reduce_sum3A_1802 = vector.broadcast %reduce_sum3A_1801 : i1 to vector<16xi1>
    %reduce_sum3A_1803 = tpu.scan <sum>, %select_n3A_1800 masked %reduce_sum3A_1802 : vector<16xi32>, vector<16xi1> -> vector<16xi32>
    %reduce_sum3A_1804 = vector.extract %reduce_sum3A_1803[15] : i32 from vector<16xi32>
    %gt3A_1805 = arith.constant 3 : i32
    %gt3A_1806 = arith.cmpi sgt, %arg1, %gt3A_1805 : i32
    %jit3A_1807 = arith.constant 0 : i32
    %select_n3A_1808 = arith.select %gt3A_1806, %reduce_sum3A_1804, %jit3A_1807 : i32
    %add3A_1809 = arith.addi %add3A_1789, %select_n3A_1808 : i32
    %add3A_1810 = arith.addi %add3A_1790, %reduce_sum3A_1804 : i32
    %eq3A_1811 = arith.constant 0 : i32
    %eq3A_1812 = vector.broadcast %eq3A_1811 : i32 to vector<16xi32>
    %eq3A_1813 = arith.cmpi eq, %iota3A, %eq3A_1812 : vector<16xi32>
    %get3A_1814 = arith.constant 4 : i32
    %get3A_1815 = arith.index_cast %get3A_1814 : i32 to index
    %get3A_1816 = arith.constant 0 : index
    %get3A_1817 = tpu.vector_load %arg27[%get3A_1815, %get3A_1816] {strides = array<i32>} : memref<16x16xi32, #tpu.memory_space<vmem>>, vector<16xi32>,
    %jit3A_1818 = arith.constant 0 : i32
    %broadcast_in_dim3A_1819 = vector.broadcast %jit3A_1818 : i32 to vector<16xi32>
    %select_n3A_1820 = arith.select %eq3A_1813, %get3A_1817, %broadcast_in_dim3A_1819 : vector<16xi1>, vector<16xi32>
    %reduce_sum3A_1821 = arith.constant true
    %reduce_sum3A_1822 = vector.broadcast %reduce_sum3A_1821 : i1 to vector<16xi1>
    %reduce_sum3A_1823 = tpu.scan <sum>, %select_n3A_1820 masked %reduce_sum3A_1822 : vector<16xi32>, vector<16xi1> -> vector<16xi32>
    %reduce_sum3A_1824 = vector.extract %reduce_sum3A_1823[15] : i32 from vector<16xi32>
    %gt3A_1825 = arith.constant 4 : i32
    %gt3A_1826 = arith.cmpi sgt, %arg1, %gt3A_1825 : i32
    %jit3A_1827 = arith.constant 0 : i32
    %select_n3A_1828 = arith.select %gt3A_1826, %reduce_sum3A_1824, %jit3A_1827 : i32
    %add3A_1829 = arith.addi %add3A_1809, %select_n3A_1828 : i32
    %add3A_1830 = arith.addi %add3A_1810, %reduce_sum3A_1824 : i32
    %eq3A_1831 = arith.constant 0 : i32
    %eq3A_1832 = vector.broadcast %eq3A_1831 : i32 to vector<16xi32>
    %eq3A_1833 = arith.cmpi eq, %iota3A, %eq3A_1832 : vector<16xi32>
    %get3A_1834 = arith.constant 5 : i32
    %get3A_1835 = arith.index_cast %get3A_1834 : i32 to index
    %get3A_1836 = arith.constant 0 : index
    %get3A_1837 = tpu.vector_load %arg27[%get3A_1835, %get3A_1836] {strides = array<i32>} : memref<16x16xi32, #tpu.memory_space<vmem>>, vector<16xi32>,
    %jit3A_1838 = arith.constant 0 : i32
    %broadcast_in_dim3A_1839 = vector.broadcast %jit3A_1838 : i32 to vector<16xi32>
    %select_n3A_1840 = arith.select %eq3A_1833, %get3A_1837, %broadcast_in_dim3A_1839 : vector<16xi1>, vector<16xi32>
    %reduce_sum3A_1841 = arith.constant true
    %reduce_sum3A_1842 = vector.broadcast %reduce_sum3A_1841 : i1 to vector<16xi1>
    %reduce_sum3A_1843 = tpu.scan <sum>, %select_n3A_1840 masked %reduce_sum3A_1842 : vector<16xi32>, vector<16xi1> -> vector<16xi32>
    %reduce_sum3A_1844 = vector.extract %reduce_sum3A_1843[15] : i32 from vector<16xi32>
    %gt3A_1845 = arith.constant 5 : i32
    %gt3A_1846 = arith.cmpi sgt, %arg1, %gt3A_1845 : i32
    %jit3A_1847 = arith.constant 0 : i32
    %select_n3A_1848 = arith.select %gt3A_1846, %reduce_sum3A_1844, %jit3A_1847 : i32
    %add3A_1849 = arith.addi %add3A_1829, %select_n3A_1848 : i32
    %add3A_1850 = arith.addi %add3A_1830, %reduce_sum3A_1844 : i32
    %eq3A_1851 = arith.constant 0 : i32
    %eq3A_1852 = vector.broadcast %eq3A_1851 : i32 to vector<16xi32>
    %eq3A_1853 = arith.cmpi eq, %iota3A, %eq3A_1852 : vector<16xi32>
    %get3A_1854 = arith.constant 6 : i32
    %get3A_1855 = arith.index_cast %get3A_1854 : i32 to index
    %get3A_1856 = arith.constant 0 : index
    %get3A_1857 = tpu.vector_load %arg27[%get3A_1855, %get3A_1856] {strides = array<i32>} : memref<16x16xi32, #tpu.memory_space<vmem>>, vector<16xi32>,
    %jit3A_1858 = arith.constant 0 : i32
    %broadcast_in_dim3A_1859 = vector.broadcast %jit3A_1858 : i32 to vector<16xi32>
    %select_n3A_1860 = arith.select %eq3A_1853, %get3A_1857, %broadcast_in_dim3A_1859 : vector<16xi1>, vector<16xi32>
    %reduce_sum3A_1861 = arith.constant true
    %reduce_sum3A_1862 = vector.broadcast %reduce_sum3A_1861 : i1 to vector<16xi1>
    %reduce_sum3A_1863 = tpu.scan <sum>, %select_n3A_1860 masked %reduce_sum3A_1862 : vector<16xi32>, vector<16xi1> -> vector<16xi32>
    %reduce_sum3A_1864 = vector.extract %reduce_sum3A_1863[15] : i32 from vector<16xi32>
    %gt3A_1865 = arith.constant 6 : i32
    %gt3A_1866 = arith.cmpi sgt, %arg1, %gt3A_1865 : i32
    %jit3A_1867 = arith.constant 0 : i32
    %select_n3A_1868 = arith.select %gt3A_1866, %reduce_sum3A_1864, %jit3A_1867 : i32
    %add3A_1869 = arith.addi %add3A_1849, %select_n3A_1868 : i32
    %add3A_1870 = arith.addi %add3A_1850, %reduce_sum3A_1864 : i32
    %eq3A_1871 = arith.constant 0 : i32
    %eq3A_1872 = vector.broadcast %eq3A_1871 : i32 to vector<16xi32>
    %eq3A_1873 = arith.cmpi eq, %iota3A, %eq3A_1872 : vector<16xi32>
    %get3A_1874 = arith.constant 7 : i32
    %get3A_1875 = arith.index_cast %get3A_1874 : i32 to index
    %get3A_1876 = arith.constant 0 : index
    %get3A_1877 = tpu.vector_load %arg27[%get3A_1875, %get3A_1876] {strides = array<i32>} : memref<16x16xi32, #tpu.memory_space<vmem>>, vector<16xi32>,
    %jit3A_1878 = arith.constant 0 : i32
    %broadcast_in_dim3A_1879 = vector.broadcast %jit3A_1878 : i32 to vector<16xi32>
    %select_n3A_1880 = arith.select %eq3A_1873, %get3A_1877, %broadcast_in_dim3A_1879 : vector<16xi1>, vector<16xi32>
    %reduce_sum3A_1881 = arith.constant true
    %reduce_sum3A_1882 = vector.broadcast %reduce_sum3A_1881 : i1 to vector<16xi1>
    %reduce_sum3A_1883 = tpu.scan <sum>, %select_n3A_1880 masked %reduce_sum3A_1882 : vector<16xi32>, vector<16xi1> -> vector<16xi32>
    %reduce_sum3A_1884 = vector.extract %reduce_sum3A_1883[15] : i32 from vector<16xi32>
    %gt3A_1885 = arith.constant 7 : i32
    %gt3A_1886 = arith.cmpi sgt, %arg1, %gt3A_1885 : i32
    %jit3A_1887 = arith.constant 0 : i32
    %select_n3A_1888 = arith.select %gt3A_1886, %reduce_sum3A_1884, %jit3A_1887 : i32
    %add3A_1889 = arith.addi %add3A_1869, %select_n3A_1888 : i32
    %add3A_1890 = arith.addi %add3A_1870, %reduce_sum3A_1884 : i32
    %eq3A_1891 = arith.constant 0 : i32
    %eq3A_1892 = vector.broadcast %eq3A_1891 : i32 to vector<16xi32>
    %eq3A_1893 = arith.cmpi eq, %iota3A, %eq3A_1892 : vector<16xi32>
    %get3A_1894 = arith.constant 8 : i32
    %get3A_1895 = arith.index_cast %get3A_1894 : i32 to index
    %get3A_1896 = arith.constant 0 : index
    %get3A_1897 = tpu.vector_load %arg27[%get3A_1895, %get3A_1896] {strides = array<i32>} : memref<16x16xi32, #tpu.memory_space<vmem>>, vector<16xi32>,
    %jit3A_1898 = arith.constant 0 : i32
    %broadcast_in_dim3A_1899 = vector.broadcast %jit3A_1898 : i32 to vector<16xi32>
    %select_n3A_1900 = arith.select %eq3A_1893, %get3A_1897, %broadcast_in_dim3A_1899 : vector<16xi1>, vector<16xi32>
    %reduce_sum3A_1901 = arith.constant true
    %reduce_sum3A_1902 = vector.broadcast %reduce_sum3A_1901 : i1 to vector<16xi1>
    %reduce_sum3A_1903 = tpu.scan <sum>, %select_n3A_1900 masked %reduce_sum3A_1902 : vector<16xi32>, vector<16xi1> -> vector<16xi32>
    %reduce_sum3A_1904 = vector.extract %reduce_sum3A_1903[15] : i32 from vector<16xi32>
    %gt3A_1905 = arith.constant 8 : i32
    %gt3A_1906 = arith.cmpi sgt, %arg1, %gt3A_1905 : i32
    %jit3A_1907 = arith.constant 0 : i32
    %select_n3A_1908 = arith.select %gt3A_1906, %reduce_sum3A_1904, %jit3A_1907 : i32
    %add3A_1909 = arith.addi %add3A_1889, %select_n3A_1908 : i32
    %add3A_1910 = arith.addi %add3A_1890, %reduce_sum3A_1904 : i32
    %eq3A_1911 = arith.constant 0 : i32
    %eq3A_1912 = vector.broadcast %eq3A_1911 : i32 to vector<16xi32>
    %eq3A_1913 = arith.cmpi eq, %iota3A, %eq3A_1912 : vector<16xi32>
    %get3A_1914 = arith.constant 9 : i32
    %get3A_1915 = arith.index_cast %get3A_1914 : i32 to index
    %get3A_1916 = arith.constant 0 : index
    %get3A_1917 = tpu.vector_load %arg27[%get3A_1915, %get3A_1916] {strides = array<i32>} : memref<16x16xi32, #tpu.memory_space<vmem>>, vector<16xi32>,
    %jit3A_1918 = arith.constant 0 : i32
    %broadcast_in_dim3A_1919 = vector.broadcast %jit3A_1918 : i32 to vector<16xi32>
    %select_n3A_1920 = arith.select %eq3A_1913, %get3A_1917, %broadcast_in_dim3A_1919 : vector<16xi1>, vector<16xi32>
    %reduce_sum3A_1921 = arith.constant true
    %reduce_sum3A_1922 = vector.broadcast %reduce_sum3A_1921 : i1 to vector<16xi1>
    %reduce_sum3A_1923 = tpu.scan <sum>, %select_n3A_1920 masked %reduce_sum3A_1922 : vector<16xi32>, vector<16xi1> -> vector<16xi32>
    %reduce_sum3A_1924 = vector.extract %reduce_sum3A_1923[15] : i32 from vector<16xi32>
    %gt3A_1925 = arith.constant 9 : i32
    %gt3A_1926 = arith.cmpi sgt, %arg1, %gt3A_1925 : i32
    %jit3A_1927 = arith.constant 0 : i32
    %select_n3A_1928 = arith.select %gt3A_1926, %reduce_sum3A_1924, %jit3A_1927 : i32
    %add3A_1929 = arith.addi %add3A_1909, %select_n3A_1928 : i32
    %add3A_1930 = arith.addi %add3A_1910, %reduce_sum3A_1924 : i32
    %eq3A_1931 = arith.constant 0 : i32
    %eq3A_1932 = vector.broadcast %eq3A_1931 : i32 to vector<16xi32>
    %eq3A_1933 = arith.cmpi eq, %iota3A, %eq3A_1932 : vector<16xi32>
    %get3A_1934 = arith.constant 10 : i32
    %get3A_1935 = arith.index_cast %get3A_1934 : i32 to index
    %get3A_1936 = arith.constant 0 : index
    %get3A_1937 = tpu.vector_load %arg27[%get3A_1935, %get3A_1936] {strides = array<i32>} : memref<16x16xi32, #tpu.memory_space<vmem>>, vector<16xi32>,
    %jit3A_1938 = arith.constant 0 : i32
    %broadcast_in_dim3A_1939 = vector.broadcast %jit3A_1938 : i32 to vector<16xi32>
    %select_n3A_1940 = arith.select %eq3A_1933, %get3A_1937, %broadcast_in_dim3A_1939 : vector<16xi1>, vector<16xi32>
    %reduce_sum3A_1941 = arith.constant true
    %reduce_sum3A_1942 = vector.broadcast %reduce_sum3A_1941 : i1 to vector<16xi1>
    %reduce_sum3A_1943 = tpu.scan <sum>, %select_n3A_1940 masked %reduce_sum3A_1942 : vector<16xi32>, vector<16xi1> -> vector<16xi32>
    %reduce_sum3A_1944 = vector.extract %reduce_sum3A_1943[15] : i32 from vector<16xi32>
    %gt3A_1945 = arith.constant 10 : i32
    %gt3A_1946 = arith.cmpi sgt, %arg1, %gt3A_1945 : i32
    %jit3A_1947 = arith.constant 0 : i32
    %select_n3A_1948 = arith.select %gt3A_1946, %reduce_sum3A_1944, %jit3A_1947 : i32
    %add3A_1949 = arith.addi %add3A_1929, %select_n3A_1948 : i32
    %add3A_1950 = arith.addi %add3A_1930, %reduce_sum3A_1944 : i32
    %eq3A_1951 = arith.constant 0 : i32
    %eq3A_1952 = vector.broadcast %eq3A_1951 : i32 to vector<16xi32>
    %eq3A_1953 = arith.cmpi eq, %iota3A, %eq3A_1952 : vector<16xi32>
    %get3A_1954 = arith.constant 11 : i32
    %get3A_1955 = arith.index_cast %get3A_1954 : i32 to index
    %get3A_1956 = arith.constant 0 : index
    %get3A_1957 = tpu.vector_load %arg27[%get3A_1955, %get3A_1956] {strides = array<i32>} : memref<16x16xi32, #tpu.memory_space<vmem>>, vector<16xi32>,
    %jit3A_1958 = arith.constant 0 : i32
    %broadcast_in_dim3A_1959 = vector.broadcast %jit3A_1958 : i32 to vector<16xi32>
    %select_n3A_1960 = arith.select %eq3A_1953, %get3A_1957, %broadcast_in_dim3A_1959 : vector<16xi1>, vector<16xi32>
    %reduce_sum3A_1961 = arith.constant true
    %reduce_sum3A_1962 = vector.broadcast %reduce_sum3A_1961 : i1 to vector<16xi1>
    %reduce_sum3A_1963 = tpu.scan <sum>, %select_n3A_1960 masked %reduce_sum3A_1962 : vector<16xi32>, vector<16xi1> -> vector<16xi32>
    %reduce_sum3A_1964 = vector.extract %reduce_sum3A_1963[15] : i32 from vector<16xi32>
    %gt3A_1965 = arith.constant 11 : i32
    %gt3A_1966 = arith.cmpi sgt, %arg1, %gt3A_1965 : i32
    %jit3A_1967 = arith.constant 0 : i32
    %select_n3A_1968 = arith.select %gt3A_1966, %reduce_sum3A_1964, %jit3A_1967 : i32
    %add3A_1969 = arith.addi %add3A_1949, %select_n3A_1968 : i32
    %add3A_1970 = arith.addi %add3A_1950, %reduce_sum3A_1964 : i32
    %eq3A_1971 = arith.constant 0 : i32
    %eq3A_1972 = vector.broadcast %eq3A_1971 : i32 to vector<16xi32>
    %eq3A_1973 = arith.cmpi eq, %iota3A, %eq3A_1972 : vector<16xi32>
    %get3A_1974 = arith.constant 12 : i32
    %get3A_1975 = arith.index_cast %get3A_1974 : i32 to index
    %get3A_1976 = arith.constant 0 : index
    %get3A_1977 = tpu.vector_load %arg27[%get3A_1975, %get3A_1976] {strides = array<i32>} : memref<16x16xi32, #tpu.memory_space<vmem>>, vector<16xi32>,
    %jit3A_1978 = arith.constant 0 : i32
    %broadcast_in_dim3A_1979 = vector.broadcast %jit3A_1978 : i32 to vector<16xi32>
    %select_n3A_1980 = arith.select %eq3A_1973, %get3A_1977, %broadcast_in_dim3A_1979 : vector<16xi1>, vector<16xi32>
    %reduce_sum3A_1981 = arith.constant true
    %reduce_sum3A_1982 = vector.broadcast %reduce_sum3A_1981 : i1 to vector<16xi1>
    %reduce_sum3A_1983 = tpu.scan <sum>, %select_n3A_1980 masked %reduce_sum3A_1982 : vector<16xi32>, vector<16xi1> -> vector<16xi32>
    %reduce_sum3A_1984 = vector.extract %reduce_sum3A_1983[15] : i32 from vector<16xi32>
    %gt3A_1985 = arith.constant 12 : i32
    %gt3A_1986 = arith.cmpi sgt, %arg1, %gt3A_1985 : i32
    %jit3A_1987 = arith.constant 0 : i32
    %select_n3A_1988 = arith.select %gt3A_1986, %reduce_sum3A_1984, %jit3A_1987 : i32
    %add3A_1989 = arith.addi %add3A_1969, %select_n3A_1988 : i32
    %add3A_1990 = arith.addi %add3A_1970, %reduce_sum3A_1984 : i32
    %eq3A_1991 = arith.constant 0 : i32
    %eq3A_1992 = vector.broadcast %eq3A_1991 : i32 to vector<16xi32>
    %eq3A_1993 = arith.cmpi eq, %iota3A, %eq3A_1992 : vector<16xi32>
    %get3A_1994 = arith.constant 13 : i32
    %get3A_1995 = arith.index_cast %get3A_1994 : i32 to index
    %get3A_1996 = arith.constant 0 : index
    %get3A_1997 = tpu.vector_load %arg27[%get3A_1995, %get3A_1996] {strides = array<i32>} : memref<16x16xi32, #tpu.memory_space<vmem>>, vector<16xi32>,
    %jit3A_1998 = arith.constant 0 : i32
    %broadcast_in_dim3A_1999 = vector.broadcast %jit3A_1998 : i32 to vector<16xi32>
    %select_n3A_2000 = arith.select %eq3A_1993, %get3A_1997, %broadcast_in_dim3A_1999 : vector<16xi1>, vector<16xi32>
    %reduce_sum3A_2001 = arith.constant true
    %reduce_sum3A_2002 = vector.broadcast %reduce_sum3A_2001 : i1 to vector<16xi1>
    %reduce_sum3A_2003 = tpu.scan <sum>, %select_n3A_2000 masked %reduce_sum3A_2002 : vector<16xi32>, vector<16xi1> -> vector<16xi32>
    %reduce_sum3A_2004 = vector.extract %reduce_sum3A_2003[15] : i32 from vector<16xi32>
    %gt3A_2005 = arith.constant 13 : i32
    %gt3A_2006 = arith.cmpi sgt, %arg1, %gt3A_2005 : i32
    %jit3A_2007 = arith.constant 0 : i32
    %select_n3A_2008 = arith.select %gt3A_2006, %reduce_sum3A_2004, %jit3A_2007 : i32
    %add3A_2009 = arith.addi %add3A_1989, %select_n3A_2008 : i32
    %add3A_2010 = arith.addi %add3A_1990, %reduce_sum3A_2004 : i32
    %eq3A_2011 = arith.constant 0 : i32
    %eq3A_2012 = vector.broadcast %eq3A_2011 : i32 to vector<16xi32>
    %eq3A_2013 = arith.cmpi eq, %iota3A, %eq3A_2012 : vector<16xi32>
    %get3A_2014 = arith.constant 14 : i32
    %get3A_2015 = arith.index_cast %get3A_2014 : i32 to index
    %get3A_2016 = arith.constant 0 : index
    %get3A_2017 = tpu.vector_load %arg27[%get3A_2015, %get3A_2016] {strides = array<i32>} : memref<16x16xi32, #tpu.memory_space<vmem>>, vector<16xi32>,
    %jit3A_2018 = arith.constant 0 : i32
    %broadcast_in_dim3A_2019 = vector.broadcast %jit3A_2018 : i32 to vector<16xi32>
    %select_n3A_2020 = arith.select %eq3A_2013, %get3A_2017, %broadcast_in_dim3A_2019 : vector<16xi1>, vector<16xi32>
    %reduce_sum3A_2021 = arith.constant true
    %reduce_sum3A_2022 = vector.broadcast %reduce_sum3A_2021 : i1 to vector<16xi1>
    %reduce_sum3A_2023 = tpu.scan <sum>, %select_n3A_2020 masked %reduce_sum3A_2022 : vector<16xi32>, vector<16xi1> -> vector<16xi32>
    %reduce_sum3A_2024 = vector.extract %reduce_sum3A_2023[15] : i32 from vector<16xi32>
    %gt3A_2025 = arith.constant 14 : i32
    %gt3A_2026 = arith.cmpi sgt, %arg1, %gt3A_2025 : i32
    %jit3A_2027 = arith.constant 0 : i32
    %select_n3A_2028 = arith.select %gt3A_2026, %reduce_sum3A_2024, %jit3A_2027 : i32
    %add3A_2029 = arith.addi %add3A_2009, %select_n3A_2028 : i32
    %add3A_2030 = arith.addi %add3A_2010, %reduce_sum3A_2024 : i32
    %eq3A_2031 = arith.constant 0 : i32
    %eq3A_2032 = vector.broadcast %eq3A_2031 : i32 to vector<16xi32>
    %eq3A_2033 = arith.cmpi eq, %iota3A, %eq3A_2032 : vector<16xi32>
    %get3A_2034 = arith.constant 15 : i32
    %get3A_2035 = arith.index_cast %get3A_2034 : i32 to index
    %get3A_2036 = arith.constant 0 : index
    %get3A_2037 = tpu.vector_load %arg27[%get3A_2035, %get3A_2036] {strides = array<i32>} : memref<16x16xi32, #tpu.memory_space<vmem>>, vector<16xi32>,
    %jit3A_2038 = arith.constant 0 : i32
    %broadcast_in_dim3A_2039 = vector.broadcast %jit3A_2038 : i32 to vector<16xi32>
    %select_n3A_2040 = arith.select %eq3A_2033, %get3A_2037, %broadcast_in_dim3A_2039 : vector<16xi1>, vector<16xi32>
    %reduce_sum3A_2041 = arith.constant true
    %reduce_sum3A_2042 = vector.broadcast %reduce_sum3A_2041 : i1 to vector<16xi1>
    %reduce_sum3A_2043 = tpu.scan <sum>, %select_n3A_2040 masked %reduce_sum3A_2042 : vector<16xi32>, vector<16xi1> -> vector<16xi32>
    %reduce_sum3A_2044 = vector.extract %reduce_sum3A_2043[15] : i32 from vector<16xi32>
    %gt3A_2045 = arith.constant 15 : i32
    %gt3A_2046 = arith.cmpi sgt, %arg1, %gt3A_2045 : i32
    %jit3A_2047 = arith.constant 0 : i32
    %select_n3A_2048 = arith.select %gt3A_2046, %reduce_sum3A_2044, %jit3A_2047 : i32
    %add3A_2049 = arith.addi %add3A_2029, %select_n3A_2048 : i32
    %add3A_2050 = arith.addi %add3A_2030, %reduce_sum3A_2044 : i32
    %eq3A_2051 = arith.constant 0 : i32
    %eq3A_2052 = arith.cmpi eq, %arg1, %eq3A_2051 : i32
    %convert_element_type3A = arith.extui %eq3A_2052 : i1 to i32
    %cond3A = arith.constant 0 : i32
    %cond3A_2053 = arith.cmpi ne, %convert_element_type3A, %cond3A : i32
    scf.if %cond3A_2053 {
      %eq3A_2089 = arith.constant 0 : i32
      %eq3A_2090 = vector.broadcast %eq3A_2089 : i32 to vector<16xi32>
      %eq3A_2091 = arith.cmpi eq, %iota3A, %eq3A_2090 : vector<16xi32>
      %jit3A_2092 = arith.constant 0 : i32
      %broadcast_in_dim3A_2093 = vector.broadcast %add3A_2050 : i32 to vector<16xi32>
      %broadcast_in_dim3A_2094 = vector.broadcast %jit3A_2092 : i32 to vector<16xi32>
      %select_n3A_2095 = arith.select %eq3A_2091, %broadcast_in_dim3A_2093, %broadcast_in_dim3A_2094 : vector<16xi1>, vector<16xi32>
      %swap3A_2096 = arith.constant 0 : index
      %swap3A_2097 = tpu.vector_load %arg26[%swap3A_2096] {strides = array<i32>} : memref<16xi32, #tpu.memory_space<vmem>>, vector<16xi32>,
      tpu.vector_store %arg26[%swap3A_2096], %select_n3A_2095 {strides = array<i32>} : memref<16xi32, #tpu.memory_space<vmem>>, vector<16xi32>,
      "tpu.region"() ({
        %run_scoped3A = tpu.sem_alloc : memref<!tpu.dma_semaphore, #tpu.memory_space<semaphore_mem>>
        %dma_start3A = arith.constant 0 : i32
        %dma_start3A_2098 = tpu.memref_slice %arg26[%dma_start3A] : memref<16xi32, #tpu.memory_space<vmem>> -> memref<8xi32, #tpu.memory_space<vmem>>
        %dma_start3A_2099 = arith.constant 0 : i32
        %dma_start3A_2100 = tpu.memref_slice %arg26[%dma_start3A_2099] : memref<16xi32, #tpu.memory_space<vmem>> -> memref<8xi32, #tpu.memory_space<vmem>>
        tpu.enqueue_dma source(%dma_start3A_2100 : memref<8xi32, #tpu.memory_space<vmem>>) target(%arg10 : memref<8xi32, #tpu.memory_space<hbm>>) target_semaphore(%run_scoped3A : memref<!tpu.dma_semaphore, #tpu.memory_space<semaphore_mem>>)
        %dma_wait3A = arith.constant 0 : i32
        %dma_wait3A_2101 = tpu.memref_slice %arg26[%dma_wait3A] : memref<16xi32, #tpu.memory_space<vmem>> -> memref<8xi32, #tpu.memory_space<vmem>>
        %dma_wait3A_2102 = arith.constant 0 : i32
        %dma_wait3A_2103 = tpu.memref_slice %arg26[%dma_wait3A_2102] : memref<16xi32, #tpu.memory_space<vmem>> -> memref<8xi32, #tpu.memory_space<vmem>>
        tpu.wait_dma2 semaphore(%run_scoped3A : memref<!tpu.dma_semaphore, #tpu.memory_space<semaphore_mem>>) src(%dma_wait3A_2103 : memref<8xi32, #tpu.memory_space<vmem>>) dst(%arg10 : memref<8xi32, #tpu.memory_space<hbm>>)
        tpu.yield
      }) : () -> ()
    } else {
    }
    %add3A_2054 = arith.constant 128 : i32
    %add3A_2055 = arith.addi %reduce_max3A_1719, %add3A_2054 : i32
    %sub3A_2056 = arith.constant 1 : i32
    %sub3A_2057 = arith.subi %add3A_2055, %sub3A_2056 : i32
    %jit3A_2058 = arith.constant 128 : i32
    %div3A = arith.divsi %sub3A_2057, %jit3A_2058 : i32
    %sign3A = arith.constant 0 : i32
    %sign3A_2059 = arith.cmpi sgt, %sub3A_2057, %sign3A : i32
    %sign3A_2060 = arith.extui %sign3A_2059 : i1 to i32
    %sign3A_2061 = arith.constant 0 : i32
    %sign3A_2062 = arith.cmpi slt, %sub3A_2057, %sign3A_2061 : i32
    %sign3A_2063 = arith.extui %sign3A_2062 : i1 to i32
    %sign3A_2064 = arith.subi %sign3A_2060, %sign3A_2063 : i32
    %sign3A_2065 = arith.constant 0 : i32
    %sign3A_2066 = arith.cmpi sgt, %jit3A_2058, %sign3A_2065 : i32
    %sign3A_2067 = arith.extui %sign3A_2066 : i1 to i32
    %sign3A_2068 = arith.constant 0 : i32
    %sign3A_2069 = arith.cmpi slt, %jit3A_2058, %sign3A_2068 : i32
    %sign3A_2070 = arith.extui %sign3A_2069 : i1 to i32
    %sign3A_2071 = arith.subi %sign3A_2067, %sign3A_2070 : i32
    %ne3A = arith.cmpi ne, %sign3A_2064, %sign3A_2071 : i32
    %rem3A = arith.remsi %sub3A_2057, %jit3A_2058 : i32
    %ne3A_2072 = arith.constant 0 : i32
    %ne3A_2073 = arith.cmpi ne, %rem3A, %ne3A_2072 : i32
    %and3A = arith.andi %ne3A, %ne3A_2073 : i1
    %sub3A_2074 = arith.constant 1 : i32
    %sub3A_2075 = arith.subi %div3A, %sub3A_2074 : i32
    %select_n3A_2076 = arith.select %and3A, %sub3A_2075, %div3A : i32
    %while3A_2077 = arith.constant 0 : i32
    %while3A_2078 = arith.constant 0 : i32
    %while3A_2079 = arith.subi %select_n3A_2076, %while3A_2077 : i32
    %while3A_2080 = arith.addi %while3A_2077, %while3A_2079 : i32
    %while3A_2081 = arith.constant 1 : i32
    %while3A_2082 = arith.divsi %while3A_2079, %while3A_2081 : i32
    %while3A_2083 = arith.muli %while3A_2082, %while3A_2081 : i32
    %while3A_2084 = arith.addi %while3A_2077, %while3A_2083 : i32
    %while3A_2085 = arith.constant 1 : i32
    %while3A_2086 = scf.for %while3A_2089 = %while3A_2077 to %while3A_2084 step %while3A_2085 iter_args(%while3A_2090 = %while3A_2078) -> (i32)  : i32 {
      %mul3A_2091 = arith.constant 128 : i32
      %mul3A_2092 = arith.muli %while3A_2089, %mul3A_2091 : i32
      %add3A_2093 = arith.constant 0 : i32
      %add3A_2094 = arith.addi %mul3A_2092, %add3A_2093 : i32
      %get3A_2095 = arith.index_cast %add3A_2094 : i32 to index
      %get3A_2096 = tpu.vector_load %arg13[%get3A_2095] {strides = array<i32>} : memref<2208xi32, #tpu.memory_space<vmem>>, vector<16xi32>,
      %jit3A_2097 = arith.constant 80 : i32
      %div3A_2098 = vector.broadcast %jit3A_2097 : i32 to vector<16xi32>
      %div3A_2099 = arith.divsi %get3A_2096, %div3A_2098 : vector<16xi32>
      %sign3A_2100 = arith.constant 0 : i32
      %sign3A_2101 = vector.broadcast %sign3A_2100 : i32 to vector<16xi32>
      %sign3A_2102 = arith.cmpi sgt, %get3A_2096, %sign3A_2101 : vector<16xi32>
      %sign3A_2103 = arith.extui %sign3A_2102 : vector<16xi1> to vector<16xi32>
      %sign3A_2104 = arith.constant 0 : i32
      %sign3A_2105 = vector.broadcast %sign3A_2104 : i32 to vector<16xi32>
      %sign3A_2106 = arith.cmpi slt, %get3A_2096, %sign3A_2105 : vector<16xi32>
      %sign3A_2107 = arith.extui %sign3A_2106 : vector<16xi1> to vector<16xi32>
      %sign3A_2108 = arith.subi %sign3A_2103, %sign3A_2107 : vector<16xi32>
      %sign3A_2109 = arith.constant 0 : i32
      %sign3A_2110 = arith.cmpi sgt, %jit3A_2097, %sign3A_2109 : i32
      %sign3A_2111 = arith.extui %sign3A_2110 : i1 to i32
      %sign3A_2112 = arith.constant 0 : i32
      %sign3A_2113 = arith.cmpi slt, %jit3A_2097, %sign3A_2112 : i32
      %sign3A_2114 = arith.extui %sign3A_2113 : i1 to i32
      %sign3A_2115 = arith.subi %sign3A_2111, %sign3A_2114 : i32
      %ne3A_2116 = vector.broadcast %sign3A_2115 : i32 to vector<16xi32>
      %ne3A_2117 = arith.cmpi ne, %sign3A_2108, %ne3A_2116 : vector<16xi32>
      %rem3A_2118 = vector.broadcast %jit3A_2097 : i32 to vector<16xi32>
      %rem3A_2119 = arith.remsi %get3A_2096, %rem3A_2118 : vector<16xi32>
      %ne3A_2120 = arith.constant 0 : i32
      %ne3A_2121 = vector.broadcast %ne3A_2120 : i32 to vector<16xi32>
      %ne3A_2122 = arith.cmpi ne, %rem3A_2119, %ne3A_2121 : vector<16xi32>
      %and3A_2123 = arith.andi %ne3A_2117, %ne3A_2122 : vector<16xi1>
      %sub3A_2124 = arith.constant 1 : i32
      %sub3A_2125 = vector.broadcast %sub3A_2124 : i32 to vector<16xi32>
      %sub3A_2126 = arith.subi %div3A_2099, %sub3A_2125 : vector<16xi32>
      %select_n3A_2127 = arith.select %and3A_2123, %sub3A_2126, %div3A_2099 : vector<16xi1>, vector<16xi32>
      %mul3A_2128 = arith.constant 4 : i32
      %mul3A_2129 = vector.broadcast %mul3A_2128 : i32 to vector<16xi32>
      %mul3A_2130 = arith.muli %select_n3A_2127, %mul3A_2129 : vector<16xi32>
      %swap3A_2131 = arith.constant 0 : index
      %swap3A_2132 = tpu.vector_load %arg17[%swap3A_2131] {strides = array<i32>} : memref<128xi32, #tpu.memory_space<vmem>>, vector<16xi32>,
      tpu.vector_store %arg17[%swap3A_2131], %mul3A_2130 {strides = array<i32>} : memref<128xi32, #tpu.memory_space<vmem>>, vector<16xi32>,
      %add3A_2133 = arith.constant 1 : i32
      %add3A_2134 = vector.broadcast %add3A_2133 : i32 to vector<16xi32>
      %add3A_2135 = arith.addi %mul3A_2130, %add3A_2134 : vector<16xi32>
      %swap3A_2136 = arith.constant 0 : index
      %swap3A_2137 = tpu.vector_load %arg18[%swap3A_2136] {strides = array<i32>} : memref<128xi32, #tpu.memory_space<vmem>>, vector<16xi32>,
      tpu.vector_store %arg18[%swap3A_2136], %add3A_2135 {strides = array<i32>} : memref<128xi32, #tpu.memory_space<vmem>>, vector<16xi32>,
      %add3A_2138 = arith.constant 2 : i32
      %add3A_2139 = vector.broadcast %add3A_2138 : i32 to vector<16xi32>
      %add3A_2140 = arith.addi %mul3A_2130, %add3A_2139 : vector<16xi32>
      %swap3A_2141 = arith.constant 0 : index
      %swap3A_2142 = tpu.vector_load %arg19[%swap3A_2141] {strides = array<i32>} : memref<128xi32, #tpu.memory_space<vmem>>, vector<16xi32>,
      tpu.vector_store %arg19[%swap3A_2141], %add3A_2140 {strides = array<i32>} : memref<128xi32, #tpu.memory_space<vmem>>, vector<16xi32>,
      %add3A_2143 = arith.constant 3 : i32
      %add3A_2144 = vector.broadcast %add3A_2143 : i32 to vector<16xi32>
      %add3A_2145 = arith.addi %mul3A_2130, %add3A_2144 : vector<16xi32>
      %swap3A_2146 = arith.constant 0 : index
      %swap3A_2147 = tpu.vector_load %arg20[%swap3A_2146] {strides = array<i32>} : memref<128xi32, #tpu.memory_space<vmem>>, vector<16xi32>,
      tpu.vector_store %arg20[%swap3A_2146], %add3A_2145 {strides = array<i32>} : memref<128xi32, #tpu.memory_space<vmem>>, vector<16xi32>,
      %add3A_2148 = arith.constant 0 : i32
      %add3A_2149 = arith.addi %mul3A_2092, %add3A_2148 : i32
      %add3A_2150 = vector.broadcast %add3A_2149 : i32 to vector<16xi32>
      %add3A_2151 = arith.addi %add3A_2150, %iota3A : vector<16xi32>
      %lt3A = vector.broadcast %reduce_max3A_1719 : i32 to vector<16xi32>
      %lt3A_2152 = arith.cmpi slt, %add3A_2151, %lt3A : vector<16xi32>
      %add3A_2153 = vector.broadcast %add3A_2049 : i32 to vector<16xi32>
      %add3A_2154 = arith.addi %add3A_2153, %add3A_2151 : vector<16xi32>
      %jit3A_2155 = arith.constant 4096 : i32
      %broadcast_in_dim3A_2156 = vector.broadcast %jit3A_2155 : i32 to vector<16xi32>
      %select_n3A_2157 = arith.select %lt3A_2152, %add3A_2154, %broadcast_in_dim3A_2156 : vector<16xi1>, vector<16xi32>
      %swap3A_2158 = arith.constant 0 : index
      %swap3A_2159 = tpu.vector_load %arg25[%swap3A_2158] {strides = array<i32>} : memref<128xi32, #tpu.memory_space<vmem>>, vector<16xi32>,
      tpu.vector_store %arg25[%swap3A_2158], %select_n3A_2157 {strides = array<i32>} : memref<128xi32, #tpu.memory_space<vmem>>, vector<16xi32>,
      %add3A_2160 = arith.constant 16 : i32
      %add3A_2161 = arith.addi %mul3A_2092, %add3A_2160 : i32
      %get3A_2162 = arith.index_cast %add3A_2161 : i32 to index
      %get3A_2163 = tpu.vector_load %arg13[%get3A_2162] {strides = array<i32>} : memref<2208xi32, #tpu.memory_space<vmem>>, vector<16xi32>,
      %jit3A_2164 = arith.constant 80 : i32
      %div3A_2165 = vector.broadcast %jit3A_2164 : i32 to vector<16xi32>
      %div3A_2166 = arith.divsi %get3A_2163, %div3A_2165 : vector<16xi32>
      %sign3A_2167 = arith.constant 0 : i32
      %sign3A_2168 = vector.broadcast %sign3A_2167 : i32 to vector<16xi32>
      %sign3A_2169 = arith.cmpi sgt, %get3A_2163, %sign3A_2168 : vector<16xi32>
      %sign3A_2170 = arith.extui %sign3A_2169 : vector<16xi1> to vector<16xi32>
      %sign3A_2171 = arith.constant 0 : i32
      %sign3A_2172 = vector.broadcast %sign3A_2171 : i32 to vector<16xi32>
      %sign3A_2173 = arith.cmpi slt, %get3A_2163, %sign3A_2172 : vector<16xi32>
      %sign3A_2174 = arith.extui %sign3A_2173 : vector<16xi1> to vector<16xi32>
      %sign3A_2175 = arith.subi %sign3A_2170, %sign3A_2174 : vector<16xi32>
      %sign3A_2176 = arith.constant 0 : i32
      %sign3A_2177 = arith.cmpi sgt, %jit3A_2164, %sign3A_2176 : i32
      %sign3A_2178 = arith.extui %sign3A_2177 : i1 to i32
      %sign3A_2179 = arith.constant 0 : i32
      %sign3A_2180 = arith.cmpi slt, %jit3A_2164, %sign3A_2179 : i32
      %sign3A_2181 = arith.extui %sign3A_2180 : i1 to i32
      %sign3A_2182 = arith.subi %sign3A_2178, %sign3A_2181 : i32
      %ne3A_2183 = vector.broadcast %sign3A_2182 : i32 to vector<16xi32>
      %ne3A_2184 = arith.cmpi ne, %sign3A_2175, %ne3A_2183 : vector<16xi32>
      %rem3A_2185 = vector.broadcast %jit3A_2164 : i32 to vector<16xi32>
      %rem3A_2186 = arith.remsi %get3A_2163, %rem3A_2185 : vector<16xi32>
      %ne3A_2187 = arith.constant 0 : i32
      %ne3A_2188 = vector.broadcast %ne3A_2187 : i32 to vector<16xi32>
      %ne3A_2189 = arith.cmpi ne, %rem3A_2186, %ne3A_2188 : vector<16xi32>
      %and3A_2190 = arith.andi %ne3A_2184, %ne3A_2189 : vector<16xi1>
      %sub3A_2191 = arith.constant 1 : i32
      %sub3A_2192 = vector.broadcast %sub3A_2191 : i32 to vector<16xi32>
      %sub3A_2193 = arith.subi %div3A_2166, %sub3A_2192 : vector<16xi32>
      %select_n3A_2194 = arith.select %and3A_2190, %sub3A_2193, %div3A_2166 : vector<16xi1>, vector<16xi32>
      %mul3A_2195 = arith.constant 4 : i32
      %mul3A_2196 = vector.broadcast %mul3A_2195 : i32 to vector<16xi32>
      %mul3A_2197 = arith.muli %select_n3A_2194, %mul3A_2196 : vector<16xi32>
      %swap3A_2198 = arith.constant 16 : index
      %swap3A_2199 = tpu.vector_load %arg17[%swap3A_2198] {strides = array<i32>} : memref<128xi32, #tpu.memory_space<vmem>>, vector<16xi32>,
      tpu.vector_store %arg17[%swap3A_2198], %mul3A_2197 {strides = array<i32>} : memref<128xi32, #tpu.memory_space<vmem>>, vector<16xi32>,
      %add3A_2200 = arith.constant 1 : i32
      %add3A_2201 = vector.broadcast %add3A_2200 : i32 to vector<16xi32>
      %add3A_2202 = arith.addi %mul3A_2197, %add3A_2201 : vector<16xi32>
      %swap3A_2203 = arith.constant 16 : index
      %swap3A_2204 = tpu.vector_load %arg18[%swap3A_2203] {strides = array<i32>} : memref<128xi32, #tpu.memory_space<vmem>>, vector<16xi32>,
      tpu.vector_store %arg18[%swap3A_2203], %add3A_2202 {strides = array<i32>} : memref<128xi32, #tpu.memory_space<vmem>>, vector<16xi32>,
      %add3A_2205 = arith.constant 2 : i32
      %add3A_2206 = vector.broadcast %add3A_2205 : i32 to vector<16xi32>
      %add3A_2207 = arith.addi %mul3A_2197, %add3A_2206 : vector<16xi32>
      %swap3A_2208 = arith.constant 16 : index
      %swap3A_2209 = tpu.vector_load %arg19[%swap3A_2208] {strides = array<i32>} : memref<128xi32, #tpu.memory_space<vmem>>, vector<16xi32>,
      tpu.vector_store %arg19[%swap3A_2208], %add3A_2207 {strides = array<i32>} : memref<128xi32, #tpu.memory_space<vmem>>, vector<16xi32>,
      %add3A_2210 = arith.constant 3 : i32
      %add3A_2211 = vector.broadcast %add3A_2210 : i32 to vector<16xi32>
      %add3A_2212 = arith.addi %mul3A_2197, %add3A_2211 : vector<16xi32>
      %swap3A_2213 = arith.constant 16 : index
      %swap3A_2214 = tpu.vector_load %arg20[%swap3A_2213] {strides = array<i32>} : memref<128xi32, #tpu.memory_space<vmem>>, vector<16xi32>,
      tpu.vector_store %arg20[%swap3A_2213], %add3A_2212 {strides = array<i32>} : memref<128xi32, #tpu.memory_space<vmem>>, vector<16xi32>,
      %add3A_2215 = arith.constant 16 : i32
      %add3A_2216 = arith.addi %mul3A_2092, %add3A_2215 : i32
      %add3A_2217 = vector.broadcast %add3A_2216 : i32 to vector<16xi32>
      %add3A_2218 = arith.addi %add3A_2217, %iota3A : vector<16xi32>
      %lt3A_2219 = vector.broadcast %reduce_max3A_1719 : i32 to vector<16xi32>
      %lt3A_2220 = arith.cmpi slt, %add3A_2218, %lt3A_2219 : vector<16xi32>
      %add3A_2221 = vector.broadcast %add3A_2049 : i32 to vector<16xi32>
      %add3A_2222 = arith.addi %add3A_2221, %add3A_2218 : vector<16xi32>
      %jit3A_2223 = arith.constant 4096 : i32
      %broadcast_in_dim3A_2224 = vector.broadcast %jit3A_2223 : i32 to vector<16xi32>
      %select_n3A_2225 = arith.select %lt3A_2220, %add3A_2222, %broadcast_in_dim3A_2224 : vector<16xi1>, vector<16xi32>
      %swap3A_2226 = arith.constant 16 : index
      %swap3A_2227 = tpu.vector_load %arg25[%swap3A_2226] {strides = array<i32>} : memref<128xi32, #tpu.memory_space<vmem>>, vector<16xi32>,
      tpu.vector_store %arg25[%swap3A_2226], %select_n3A_2225 {strides = array<i32>} : memref<128xi32, #tpu.memory_space<vmem>>, vector<16xi32>,
      %add3A_2228 = arith.constant 32 : i32
      %add3A_2229 = arith.addi %mul3A_2092, %add3A_2228 : i32
      %get3A_2230 = arith.index_cast %add3A_2229 : i32 to index
      %get3A_2231 = tpu.vector_load %arg13[%get3A_2230] {strides = array<i32>} : memref<2208xi32, #tpu.memory_space<vmem>>, vector<16xi32>,
      %jit3A_2232 = arith.constant 80 : i32
      %div3A_2233 = vector.broadcast %jit3A_2232 : i32 to vector<16xi32>
      %div3A_2234 = arith.divsi %get3A_2231, %div3A_2233 : vector<16xi32>
      %sign3A_2235 = arith.constant 0 : i32
      %sign3A_2236 = vector.broadcast %sign3A_2235 : i32 to vector<16xi32>
      %sign3A_2237 = arith.cmpi sgt, %get3A_2231, %sign3A_2236 : vector<16xi32>
      %sign3A_2238 = arith.extui %sign3A_2237 : vector<16xi1> to vector<16xi32>
      %sign3A_2239 = arith.constant 0 : i32
      %sign3A_2240 = vector.broadcast %sign3A_2239 : i32 to vector<16xi32>
      %sign3A_2241 = arith.cmpi slt, %get3A_2231, %sign3A_2240 : vector<16xi32>
      %sign3A_2242 = arith.extui %sign3A_2241 : vector<16xi1> to vector<16xi32>
      %sign3A_2243 = arith.subi %sign3A_2238, %sign3A_2242 : vector<16xi32>
      %sign3A_2244 = arith.constant 0 : i32
      %sign3A_2245 = arith.cmpi sgt, %jit3A_2232, %sign3A_2244 : i32
      %sign3A_2246 = arith.extui %sign3A_2245 : i1 to i32
      %sign3A_2247 = arith.constant 0 : i32
      %sign3A_2248 = arith.cmpi slt, %jit3A_2232, %sign3A_2247 : i32
      %sign3A_2249 = arith.extui %sign3A_2248 : i1 to i32
      %sign3A_2250 = arith.subi %sign3A_2246, %sign3A_2249 : i32
      %ne3A_2251 = vector.broadcast %sign3A_2250 : i32 to vector<16xi32>
      %ne3A_2252 = arith.cmpi ne, %sign3A_2243, %ne3A_2251 : vector<16xi32>
      %rem3A_2253 = vector.broadcast %jit3A_2232 : i32 to vector<16xi32>
      %rem3A_2254 = arith.remsi %get3A_2231, %rem3A_2253 : vector<16xi32>
      %ne3A_2255 = arith.constant 0 : i32
      %ne3A_2256 = vector.broadcast %ne3A_2255 : i32 to vector<16xi32>
      %ne3A_2257 = arith.cmpi ne, %rem3A_2254, %ne3A_2256 : vector<16xi32>
      %and3A_2258 = arith.andi %ne3A_2252, %ne3A_2257 : vector<16xi1>
      %sub3A_2259 = arith.constant 1 : i32
      %sub3A_2260 = vector.broadcast %sub3A_2259 : i32 to vector<16xi32>
      %sub3A_2261 = arith.subi %div3A_2234, %sub3A_2260 : vector<16xi32>
      %select_n3A_2262 = arith.select %and3A_2258, %sub3A_2261, %div3A_2234 : vector<16xi1>, vector<16xi32>
      %mul3A_2263 = arith.constant 4 : i32
      %mul3A_2264 = vector.broadcast %mul3A_2263 : i32 to vector<16xi32>
      %mul3A_2265 = arith.muli %select_n3A_2262, %mul3A_2264 : vector<16xi32>
      %swap3A_2266 = arith.constant 32 : index
      %swap3A_2267 = tpu.vector_load %arg17[%swap3A_2266] {strides = array<i32>} : memref<128xi32, #tpu.memory_space<vmem>>, vector<16xi32>,
      tpu.vector_store %arg17[%swap3A_2266], %mul3A_2265 {strides = array<i32>} : memref<128xi32, #tpu.memory_space<vmem>>, vector<16xi32>,
      %add3A_2268 = arith.constant 1 : i32
      %add3A_2269 = vector.broadcast %add3A_2268 : i32 to vector<16xi32>
      %add3A_2270 = arith.addi %mul3A_2265, %add3A_2269 : vector<16xi32>
      %swap3A_2271 = arith.constant 32 : index
      %swap3A_2272 = tpu.vector_load %arg18[%swap3A_2271] {strides = array<i32>} : memref<128xi32, #tpu.memory_space<vmem>>, vector<16xi32>,
      tpu.vector_store %arg18[%swap3A_2271], %add3A_2270 {strides = array<i32>} : memref<128xi32, #tpu.memory_space<vmem>>, vector<16xi32>,
      %add3A_2273 = arith.constant 2 : i32
      %add3A_2274 = vector.broadcast %add3A_2273 : i32 to vector<16xi32>
      %add3A_2275 = arith.addi %mul3A_2265, %add3A_2274 : vector<16xi32>
      %swap3A_2276 = arith.constant 32 : index
      %swap3A_2277 = tpu.vector_load %arg19[%swap3A_2276] {strides = array<i32>} : memref<128xi32, #tpu.memory_space<vmem>>, vector<16xi32>,
      tpu.vector_store %arg19[%swap3A_2276], %add3A_2275 {strides = array<i32>} : memref<128xi32, #tpu.memory_space<vmem>>, vector<16xi32>,
      %add3A_2278 = arith.constant 3 : i32
      %add3A_2279 = vector.broadcast %add3A_2278 : i32 to vector<16xi32>
      %add3A_2280 = arith.addi %mul3A_2265, %add3A_2279 : vector<16xi32>
      %swap3A_2281 = arith.constant 32 : index
      %swap3A_2282 = tpu.vector_load %arg20[%swap3A_2281] {strides = array<i32>} : memref<128xi32, #tpu.memory_space<vmem>>, vector<16xi32>,
      tpu.vector_store %arg20[%swap3A_2281], %add3A_2280 {strides = array<i32>} : memref<128xi32, #tpu.memory_space<vmem>>, vector<16xi32>,
      %add3A_2283 = arith.constant 32 : i32
      %add3A_2284 = arith.addi %mul3A_2092, %add3A_2283 : i32
      %add3A_2285 = vector.broadcast %add3A_2284 : i32 to vector<16xi32>
      %add3A_2286 = arith.addi %add3A_2285, %iota3A : vector<16xi32>
      %lt3A_2287 = vector.broadcast %reduce_max3A_1719 : i32 to vector<16xi32>
      %lt3A_2288 = arith.cmpi slt, %add3A_2286, %lt3A_2287 : vector<16xi32>
      %add3A_2289 = vector.broadcast %add3A_2049 : i32 to vector<16xi32>
      %add3A_2290 = arith.addi %add3A_2289, %add3A_2286 : vector<16xi32>
      %jit3A_2291 = arith.constant 4096 : i32
      %broadcast_in_dim3A_2292 = vector.broadcast %jit3A_2291 : i32 to vector<16xi32>
      %select_n3A_2293 = arith.select %lt3A_2288, %add3A_2290, %broadcast_in_dim3A_2292 : vector<16xi1>, vector<16xi32>
      %swap3A_2294 = arith.constant 32 : index
      %swap3A_2295 = tpu.vector_load %arg25[%swap3A_2294] {strides = array<i32>} : memref<128xi32, #tpu.memory_space<vmem>>, vector<16xi32>,
      tpu.vector_store %arg25[%swap3A_2294], %select_n3A_2293 {strides = array<i32>} : memref<128xi32, #tpu.memory_space<vmem>>, vector<16xi32>,
      %add3A_2296 = arith.constant 48 : i32
      %add3A_2297 = arith.addi %mul3A_2092, %add3A_2296 : i32
      %get3A_2298 = arith.index_cast %add3A_2297 : i32 to index
      %get3A_2299 = tpu.vector_load %arg13[%get3A_2298] {strides = array<i32>} : memref<2208xi32, #tpu.memory_space<vmem>>, vector<16xi32>,
      %jit3A_2300 = arith.constant 80 : i32
      %div3A_2301 = vector.broadcast %jit3A_2300 : i32 to vector<16xi32>
      %div3A_2302 = arith.divsi %get3A_2299, %div3A_2301 : vector<16xi32>
      %sign3A_2303 = arith.constant 0 : i32
      %sign3A_2304 = vector.broadcast %sign3A_2303 : i32 to vector<16xi32>
      %sign3A_2305 = arith.cmpi sgt, %get3A_2299, %sign3A_2304 : vector<16xi32>
      %sign3A_2306 = arith.extui %sign3A_2305 : vector<16xi1> to vector<16xi32>
      %sign3A_2307 = arith.constant 0 : i32
      %sign3A_2308 = vector.broadcast %sign3A_2307 : i32 to vector<16xi32>
      %sign3A_2309 = arith.cmpi slt, %get3A_2299, %sign3A_2308 : vector<16xi32>
      %sign3A_2310 = arith.extui %sign3A_2309 : vector<16xi1> to vector<16xi32>
      %sign3A_2311 = arith.subi %sign3A_2306, %sign3A_2310 : vector<16xi32>
      %sign3A_2312 = arith.constant 0 : i32
      %sign3A_2313 = arith.cmpi sgt, %jit3A_2300, %sign3A_2312 : i32
      %sign3A_2314 = arith.extui %sign3A_2313 : i1 to i32
      %sign3A_2315 = arith.constant 0 : i32
      %sign3A_2316 = arith.cmpi slt, %jit3A_2300, %sign3A_2315 : i32
      %sign3A_2317 = arith.extui %sign3A_2316 : i1 to i32
      %sign3A_2318 = arith.subi %sign3A_2314, %sign3A_2317 : i32
      %ne3A_2319 = vector.broadcast %sign3A_2318 : i32 to vector<16xi32>
      %ne3A_2320 = arith.cmpi ne, %sign3A_2311, %ne3A_2319 : vector<16xi32>
      %rem3A_2321 = vector.broadcast %jit3A_2300 : i32 to vector<16xi32>
      %rem3A_2322 = arith.remsi %get3A_2299, %rem3A_2321 : vector<16xi32>
      %ne3A_2323 = arith.constant 0 : i32
      %ne3A_2324 = vector.broadcast %ne3A_2323 : i32 to vector<16xi32>
      %ne3A_2325 = arith.cmpi ne, %rem3A_2322, %ne3A_2324 : vector<16xi32>
      %and3A_2326 = arith.andi %ne3A_2320, %ne3A_2325 : vector<16xi1>
      %sub3A_2327 = arith.constant 1 : i32
      %sub3A_2328 = vector.broadcast %sub3A_2327 : i32 to vector<16xi32>
      %sub3A_2329 = arith.subi %div3A_2302, %sub3A_2328 : vector<16xi32>
      %select_n3A_2330 = arith.select %and3A_2326, %sub3A_2329, %div3A_2302 : vector<16xi1>, vector<16xi32>
      %mul3A_2331 = arith.constant 4 : i32
      %mul3A_2332 = vector.broadcast %mul3A_2331 : i32 to vector<16xi32>
      %mul3A_2333 = arith.muli %select_n3A_2330, %mul3A_2332 : vector<16xi32>
      %swap3A_2334 = arith.constant 48 : index
      %swap3A_2335 = tpu.vector_load %arg17[%swap3A_2334] {strides = array<i32>} : memref<128xi32, #tpu.memory_space<vmem>>, vector<16xi32>,
      tpu.vector_store %arg17[%swap3A_2334], %mul3A_2333 {strides = array<i32>} : memref<128xi32, #tpu.memory_space<vmem>>, vector<16xi32>,
      %add3A_2336 = arith.constant 1 : i32
      %add3A_2337 = vector.broadcast %add3A_2336 : i32 to vector<16xi32>
      %add3A_2338 = arith.addi %mul3A_2333, %add3A_2337 : vector<16xi32>
      %swap3A_2339 = arith.constant 48 : index
      %swap3A_2340 = tpu.vector_load %arg18[%swap3A_2339] {strides = array<i32>} : memref<128xi32, #tpu.memory_space<vmem>>, vector<16xi32>,
      tpu.vector_store %arg18[%swap3A_2339], %add3A_2338 {strides = array<i32>} : memref<128xi32, #tpu.memory_space<vmem>>, vector<16xi32>,
      %add3A_2341 = arith.constant 2 : i32
      %add3A_2342 = vector.broadcast %add3A_2341 : i32 to vector<16xi32>
      %add3A_2343 = arith.addi %mul3A_2333, %add3A_2342 : vector<16xi32>
      %swap3A_2344 = arith.constant 48 : index
      %swap3A_2345 = tpu.vector_load %arg19[%swap3A_2344] {strides = array<i32>} : memref<128xi32, #tpu.memory_space<vmem>>, vector<16xi32>,
      tpu.vector_store %arg19[%swap3A_2344], %add3A_2343 {strides = array<i32>} : memref<128xi32, #tpu.memory_space<vmem>>, vector<16xi32>,
      %add3A_2346 = arith.constant 3 : i32
      %add3A_2347 = vector.broadcast %add3A_2346 : i32 to vector<16xi32>
      %add3A_2348 = arith.addi %mul3A_2333, %add3A_2347 : vector<16xi32>
      %swap3A_2349 = arith.constant 48 : index
      %swap3A_2350 = tpu.vector_load %arg20[%swap3A_2349] {strides = array<i32>} : memref<128xi32, #tpu.memory_space<vmem>>, vector<16xi32>,
      tpu.vector_store %arg20[%swap3A_2349], %add3A_2348 {strides = array<i32>} : memref<128xi32, #tpu.memory_space<vmem>>, vector<16xi32>,
      %add3A_2351 = arith.constant 48 : i32
      %add3A_2352 = arith.addi %mul3A_2092, %add3A_2351 : i32
      %add3A_2353 = vector.broadcast %add3A_2352 : i32 to vector<16xi32>
      %add3A_2354 = arith.addi %add3A_2353, %iota3A : vector<16xi32>
      %lt3A_2355 = vector.broadcast %reduce_max3A_1719 : i32 to vector<16xi32>
      %lt3A_2356 = arith.cmpi slt, %add3A_2354, %lt3A_2355 : vector<16xi32>
      %add3A_2357 = vector.broadcast %add3A_2049 : i32 to vector<16xi32>
      %add3A_2358 = arith.addi %add3A_2357, %add3A_2354 : vector<16xi32>
      %jit3A_2359 = arith.constant 4096 : i32
      %broadcast_in_dim3A_2360 = vector.broadcast %jit3A_2359 : i32 to vector<16xi32>
      %select_n3A_2361 = arith.select %lt3A_2356, %add3A_2358, %broadcast_in_dim3A_2360 : vector<16xi1>, vector<16xi32>
      %swap3A_2362 = arith.constant 48 : index
      %swap3A_2363 = tpu.vector_load %arg25[%swap3A_2362] {strides = array<i32>} : memref<128xi32, #tpu.memory_space<vmem>>, vector<16xi32>,
      tpu.vector_store %arg25[%swap3A_2362], %select_n3A_2361 {strides = array<i32>} : memref<128xi32, #tpu.memory_space<vmem>>, vector<16xi32>,
      %add3A_2364 = arith.constant 64 : i32
      %add3A_2365 = arith.addi %mul3A_2092, %add3A_2364 : i32
      %get3A_2366 = arith.index_cast %add3A_2365 : i32 to index
      %get3A_2367 = tpu.vector_load %arg13[%get3A_2366] {strides = array<i32>} : memref<2208xi32, #tpu.memory_space<vmem>>, vector<16xi32>,
      %jit3A_2368 = arith.constant 80 : i32
      %div3A_2369 = vector.broadcast %jit3A_2368 : i32 to vector<16xi32>
      %div3A_2370 = arith.divsi %get3A_2367, %div3A_2369 : vector<16xi32>
      %sign3A_2371 = arith.constant 0 : i32
      %sign3A_2372 = vector.broadcast %sign3A_2371 : i32 to vector<16xi32>
      %sign3A_2373 = arith.cmpi sgt, %get3A_2367, %sign3A_2372 : vector<16xi32>
      %sign3A_2374 = arith.extui %sign3A_2373 : vector<16xi1> to vector<16xi32>
      %sign3A_2375 = arith.constant 0 : i32
      %sign3A_2376 = vector.broadcast %sign3A_2375 : i32 to vector<16xi32>
      %sign3A_2377 = arith.cmpi slt, %get3A_2367, %sign3A_2376 : vector<16xi32>
      %sign3A_2378 = arith.extui %sign3A_2377 : vector<16xi1> to vector<16xi32>
      %sign3A_2379 = arith.subi %sign3A_2374, %sign3A_2378 : vector<16xi32>
      %sign3A_2380 = arith.constant 0 : i32
      %sign3A_2381 = arith.cmpi sgt, %jit3A_2368, %sign3A_2380 : i32
      %sign3A_2382 = arith.extui %sign3A_2381 : i1 to i32
      %sign3A_2383 = arith.constant 0 : i32
      %sign3A_2384 = arith.cmpi slt, %jit3A_2368, %sign3A_2383 : i32
      %sign3A_2385 = arith.extui %sign3A_2384 : i1 to i32
      %sign3A_2386 = arith.subi %sign3A_2382, %sign3A_2385 : i32
      %ne3A_2387 = vector.broadcast %sign3A_2386 : i32 to vector<16xi32>
      %ne3A_2388 = arith.cmpi ne, %sign3A_2379, %ne3A_2387 : vector<16xi32>
      %rem3A_2389 = vector.broadcast %jit3A_2368 : i32 to vector<16xi32>
      %rem3A_2390 = arith.remsi %get3A_2367, %rem3A_2389 : vector<16xi32>
      %ne3A_2391 = arith.constant 0 : i32
      %ne3A_2392 = vector.broadcast %ne3A_2391 : i32 to vector<16xi32>
      %ne3A_2393 = arith.cmpi ne, %rem3A_2390, %ne3A_2392 : vector<16xi32>
      %and3A_2394 = arith.andi %ne3A_2388, %ne3A_2393 : vector<16xi1>
      %sub3A_2395 = arith.constant 1 : i32
      %sub3A_2396 = vector.broadcast %sub3A_2395 : i32 to vector<16xi32>
      %sub3A_2397 = arith.subi %div3A_2370, %sub3A_2396 : vector<16xi32>
      %select_n3A_2398 = arith.select %and3A_2394, %sub3A_2397, %div3A_2370 : vector<16xi1>, vector<16xi32>
      %mul3A_2399 = arith.constant 4 : i32
      %mul3A_2400 = vector.broadcast %mul3A_2399 : i32 to vector<16xi32>
      %mul3A_2401 = arith.muli %select_n3A_2398, %mul3A_2400 : vector<16xi32>
      %swap3A_2402 = arith.constant 64 : index
      %swap3A_2403 = tpu.vector_load %arg17[%swap3A_2402] {strides = array<i32>} : memref<128xi32, #tpu.memory_space<vmem>>, vector<16xi32>,
      tpu.vector_store %arg17[%swap3A_2402], %mul3A_2401 {strides = array<i32>} : memref<128xi32, #tpu.memory_space<vmem>>, vector<16xi32>,
      %add3A_2404 = arith.constant 1 : i32
      %add3A_2405 = vector.broadcast %add3A_2404 : i32 to vector<16xi32>
      %add3A_2406 = arith.addi %mul3A_2401, %add3A_2405 : vector<16xi32>
      %swap3A_2407 = arith.constant 64 : index
      %swap3A_2408 = tpu.vector_load %arg18[%swap3A_2407] {strides = array<i32>} : memref<128xi32, #tpu.memory_space<vmem>>, vector<16xi32>,
      tpu.vector_store %arg18[%swap3A_2407], %add3A_2406 {strides = array<i32>} : memref<128xi32, #tpu.memory_space<vmem>>, vector<16xi32>,
      %add3A_2409 = arith.constant 2 : i32
      %add3A_2410 = vector.broadcast %add3A_2409 : i32 to vector<16xi32>
      %add3A_2411 = arith.addi %mul3A_2401, %add3A_2410 : vector<16xi32>
      %swap3A_2412 = arith.constant 64 : index
      %swap3A_2413 = tpu.vector_load %arg19[%swap3A_2412] {strides = array<i32>} : memref<128xi32, #tpu.memory_space<vmem>>, vector<16xi32>,
      tpu.vector_store %arg19[%swap3A_2412], %add3A_2411 {strides = array<i32>} : memref<128xi32, #tpu.memory_space<vmem>>, vector<16xi32>,
      %add3A_2414 = arith.constant 3 : i32
      %add3A_2415 = vector.broadcast %add3A_2414 : i32 to vector<16xi32>
      %add3A_2416 = arith.addi %mul3A_2401, %add3A_2415 : vector<16xi32>
      %swap3A_2417 = arith.constant 64 : index
      %swap3A_2418 = tpu.vector_load %arg20[%swap3A_2417] {strides = array<i32>} : memref<128xi32, #tpu.memory_space<vmem>>, vector<16xi32>,
      tpu.vector_store %arg20[%swap3A_2417], %add3A_2416 {strides = array<i32>} : memref<128xi32, #tpu.memory_space<vmem>>, vector<16xi32>,
      %add3A_2419 = arith.constant 64 : i32
      %add3A_2420 = arith.addi %mul3A_2092, %add3A_2419 : i32
      %add3A_2421 = vector.broadcast %add3A_2420 : i32 to vector<16xi32>
      %add3A_2422 = arith.addi %add3A_2421, %iota3A : vector<16xi32>
      %lt3A_2423 = vector.broadcast %reduce_max3A_1719 : i32 to vector<16xi32>
      %lt3A_2424 = arith.cmpi slt, %add3A_2422, %lt3A_2423 : vector<16xi32>
      %add3A_2425 = vector.broadcast %add3A_2049 : i32 to vector<16xi32>
      %add3A_2426 = arith.addi %add3A_2425, %add3A_2422 : vector<16xi32>
      %jit3A_2427 = arith.constant 4096 : i32
      %broadcast_in_dim3A_2428 = vector.broadcast %jit3A_2427 : i32 to vector<16xi32>
      %select_n3A_2429 = arith.select %lt3A_2424, %add3A_2426, %broadcast_in_dim3A_2428 : vector<16xi1>, vector<16xi32>
      %swap3A_2430 = arith.constant 64 : index
      %swap3A_2431 = tpu.vector_load %arg25[%swap3A_2430] {strides = array<i32>} : memref<128xi32, #tpu.memory_space<vmem>>, vector<16xi32>,
      tpu.vector_store %arg25[%swap3A_2430], %select_n3A_2429 {strides = array<i32>} : memref<128xi32, #tpu.memory_space<vmem>>, vector<16xi32>,
      %add3A_2432 = arith.constant 80 : i32
      %add3A_2433 = arith.addi %mul3A_2092, %add3A_2432 : i32
      %get3A_2434 = arith.index_cast %add3A_2433 : i32 to index
      %get3A_2435 = tpu.vector_load %arg13[%get3A_2434] {strides = array<i32>} : memref<2208xi32, #tpu.memory_space<vmem>>, vector<16xi32>,
      %jit3A_2436 = arith.constant 80 : i32
      %div3A_2437 = vector.broadcast %jit3A_2436 : i32 to vector<16xi32>
      %div3A_2438 = arith.divsi %get3A_2435, %div3A_2437 : vector<16xi32>
      %sign3A_2439 = arith.constant 0 : i32
      %sign3A_2440 = vector.broadcast %sign3A_2439 : i32 to vector<16xi32>
      %sign3A_2441 = arith.cmpi sgt, %get3A_2435, %sign3A_2440 : vector<16xi32>
      %sign3A_2442 = arith.extui %sign3A_2441 : vector<16xi1> to vector<16xi32>
      %sign3A_2443 = arith.constant 0 : i32
      %sign3A_2444 = vector.broadcast %sign3A_2443 : i32 to vector<16xi32>
      %sign3A_2445 = arith.cmpi slt, %get3A_2435, %sign3A_2444 : vector<16xi32>
      %sign3A_2446 = arith.extui %sign3A_2445 : vector<16xi1> to vector<16xi32>
      %sign3A_2447 = arith.subi %sign3A_2442, %sign3A_2446 : vector<16xi32>
      %sign3A_2448 = arith.constant 0 : i32
      %sign3A_2449 = arith.cmpi sgt, %jit3A_2436, %sign3A_2448 : i32
      %sign3A_2450 = arith.extui %sign3A_2449 : i1 to i32
      %sign3A_2451 = arith.constant 0 : i32
      %sign3A_2452 = arith.cmpi slt, %jit3A_2436, %sign3A_2451 : i32
      %sign3A_2453 = arith.extui %sign3A_2452 : i1 to i32
      %sign3A_2454 = arith.subi %sign3A_2450, %sign3A_2453 : i32
      %ne3A_2455 = vector.broadcast %sign3A_2454 : i32 to vector<16xi32>
      %ne3A_2456 = arith.cmpi ne, %sign3A_2447, %ne3A_2455 : vector<16xi32>
      %rem3A_2457 = vector.broadcast %jit3A_2436 : i32 to vector<16xi32>
      %rem3A_2458 = arith.remsi %get3A_2435, %rem3A_2457 : vector<16xi32>
      %ne3A_2459 = arith.constant 0 : i32
      %ne3A_2460 = vector.broadcast %ne3A_2459 : i32 to vector<16xi32>
      %ne3A_2461 = arith.cmpi ne, %rem3A_2458, %ne3A_2460 : vector<16xi32>
      %and3A_2462 = arith.andi %ne3A_2456, %ne3A_2461 : vector<16xi1>
      %sub3A_2463 = arith.constant 1 : i32
      %sub3A_2464 = vector.broadcast %sub3A_2463 : i32 to vector<16xi32>
      %sub3A_2465 = arith.subi %div3A_2438, %sub3A_2464 : vector<16xi32>
      %select_n3A_2466 = arith.select %and3A_2462, %sub3A_2465, %div3A_2438 : vector<16xi1>, vector<16xi32>
      %mul3A_2467 = arith.constant 4 : i32
      %mul3A_2468 = vector.broadcast %mul3A_2467 : i32 to vector<16xi32>
      %mul3A_2469 = arith.muli %select_n3A_2466, %mul3A_2468 : vector<16xi32>
      %swap3A_2470 = arith.constant 80 : index
      %swap3A_2471 = tpu.vector_load %arg17[%swap3A_2470] {strides = array<i32>} : memref<128xi32, #tpu.memory_space<vmem>>, vector<16xi32>,
      tpu.vector_store %arg17[%swap3A_2470], %mul3A_2469 {strides = array<i32>} : memref<128xi32, #tpu.memory_space<vmem>>, vector<16xi32>,
      %add3A_2472 = arith.constant 1 : i32
      %add3A_2473 = vector.broadcast %add3A_2472 : i32 to vector<16xi32>
      %add3A_2474 = arith.addi %mul3A_2469, %add3A_2473 : vector<16xi32>
      %swap3A_2475 = arith.constant 80 : index
      %swap3A_2476 = tpu.vector_load %arg18[%swap3A_2475] {strides = array<i32>} : memref<128xi32, #tpu.memory_space<vmem>>, vector<16xi32>,
      tpu.vector_store %arg18[%swap3A_2475], %add3A_2474 {strides = array<i32>} : memref<128xi32, #tpu.memory_space<vmem>>, vector<16xi32>,
      %add3A_2477 = arith.constant 2 : i32
      %add3A_2478 = vector.broadcast %add3A_2477 : i32 to vector<16xi32>
      %add3A_2479 = arith.addi %mul3A_2469, %add3A_2478 : vector<16xi32>
      %swap3A_2480 = arith.constant 80 : index
      %swap3A_2481 = tpu.vector_load %arg19[%swap3A_2480] {strides = array<i32>} : memref<128xi32, #tpu.memory_space<vmem>>, vector<16xi32>,
      tpu.vector_store %arg19[%swap3A_2480], %add3A_2479 {strides = array<i32>} : memref<128xi32, #tpu.memory_space<vmem>>, vector<16xi32>,
      %add3A_2482 = arith.constant 3 : i32
      %add3A_2483 = vector.broadcast %add3A_2482 : i32 to vector<16xi32>
      %add3A_2484 = arith.addi %mul3A_2469, %add3A_2483 : vector<16xi32>
      %swap3A_2485 = arith.constant 80 : index
      %swap3A_2486 = tpu.vector_load %arg20[%swap3A_2485] {strides = array<i32>} : memref<128xi32, #tpu.memory_space<vmem>>, vector<16xi32>,
      tpu.vector_store %arg20[%swap3A_2485], %add3A_2484 {strides = array<i32>} : memref<128xi32, #tpu.memory_space<vmem>>, vector<16xi32>,
      %add3A_2487 = arith.constant 80 : i32
      %add3A_2488 = arith.addi %mul3A_2092, %add3A_2487 : i32
      %add3A_2489 = vector.broadcast %add3A_2488 : i32 to vector<16xi32>
      %add3A_2490 = arith.addi %add3A_2489, %iota3A : vector<16xi32>
      %lt3A_2491 = vector.broadcast %reduce_max3A_1719 : i32 to vector<16xi32>
      %lt3A_2492 = arith.cmpi slt, %add3A_2490, %lt3A_2491 : vector<16xi32>
      %add3A_2493 = vector.broadcast %add3A_2049 : i32 to vector<16xi32>
      %add3A_2494 = arith.addi %add3A_2493, %add3A_2490 : vector<16xi32>
      %jit3A_2495 = arith.constant 4096 : i32
      %broadcast_in_dim3A_2496 = vector.broadcast %jit3A_2495 : i32 to vector<16xi32>
      %select_n3A_2497 = arith.select %lt3A_2492, %add3A_2494, %broadcast_in_dim3A_2496 : vector<16xi1>, vector<16xi32>
      %swap3A_2498 = arith.constant 80 : index
      %swap3A_2499 = tpu.vector_load %arg25[%swap3A_2498] {strides = array<i32>} : memref<128xi32, #tpu.memory_space<vmem>>, vector<16xi32>,
      tpu.vector_store %arg25[%swap3A_2498], %select_n3A_2497 {strides = array<i32>} : memref<128xi32, #tpu.memory_space<vmem>>, vector<16xi32>,
      %add3A_2500 = arith.constant 96 : i32
      %add3A_2501 = arith.addi %mul3A_2092, %add3A_2500 : i32
      %get3A_2502 = arith.index_cast %add3A_2501 : i32 to index
      %get3A_2503 = tpu.vector_load %arg13[%get3A_2502] {strides = array<i32>} : memref<2208xi32, #tpu.memory_space<vmem>>, vector<16xi32>,
      %jit3A_2504 = arith.constant 80 : i32
      %div3A_2505 = vector.broadcast %jit3A_2504 : i32 to vector<16xi32>
      %div3A_2506 = arith.divsi %get3A_2503, %div3A_2505 : vector<16xi32>
      %sign3A_2507 = arith.constant 0 : i32
      %sign3A_2508 = vector.broadcast %sign3A_2507 : i32 to vector<16xi32>
      %sign3A_2509 = arith.cmpi sgt, %get3A_2503, %sign3A_2508 : vector<16xi32>
      %sign3A_2510 = arith.extui %sign3A_2509 : vector<16xi1> to vector<16xi32>
      %sign3A_2511 = arith.constant 0 : i32
      %sign3A_2512 = vector.broadcast %sign3A_2511 : i32 to vector<16xi32>
      %sign3A_2513 = arith.cmpi slt, %get3A_2503, %sign3A_2512 : vector<16xi32>
      %sign3A_2514 = arith.extui %sign3A_2513 : vector<16xi1> to vector<16xi32>
      %sign3A_2515 = arith.subi %sign3A_2510, %sign3A_2514 : vector<16xi32>
      %sign3A_2516 = arith.constant 0 : i32
      %sign3A_2517 = arith.cmpi sgt, %jit3A_2504, %sign3A_2516 : i32
      %sign3A_2518 = arith.extui %sign3A_2517 : i1 to i32
      %sign3A_2519 = arith.constant 0 : i32
      %sign3A_2520 = arith.cmpi slt, %jit3A_2504, %sign3A_2519 : i32
      %sign3A_2521 = arith.extui %sign3A_2520 : i1 to i32
      %sign3A_2522 = arith.subi %sign3A_2518, %sign3A_2521 : i32
      %ne3A_2523 = vector.broadcast %sign3A_2522 : i32 to vector<16xi32>
      %ne3A_2524 = arith.cmpi ne, %sign3A_2515, %ne3A_2523 : vector<16xi32>
      %rem3A_2525 = vector.broadcast %jit3A_2504 : i32 to vector<16xi32>
      %rem3A_2526 = arith.remsi %get3A_2503, %rem3A_2525 : vector<16xi32>
      %ne3A_2527 = arith.constant 0 : i32
      %ne3A_2528 = vector.broadcast %ne3A_2527 : i32 to vector<16xi32>
      %ne3A_2529 = arith.cmpi ne, %rem3A_2526, %ne3A_2528 : vector<16xi32>
      %and3A_2530 = arith.andi %ne3A_2524, %ne3A_2529 : vector<16xi1>
      %sub3A_2531 = arith.constant 1 : i32
      %sub3A_2532 = vector.broadcast %sub3A_2531 : i32 to vector<16xi32>
      %sub3A_2533 = arith.subi %div3A_2506, %sub3A_2532 : vector<16xi32>
      %select_n3A_2534 = arith.select %and3A_2530, %sub3A_2533, %div3A_2506 : vector<16xi1>, vector<16xi32>
      %mul3A_2535 = arith.constant 4 : i32
      %mul3A_2536 = vector.broadcast %mul3A_2535 : i32 to vector<16xi32>
      %mul3A_2537 = arith.muli %select_n3A_2534, %mul3A_2536 : vector<16xi32>
      %swap3A_2538 = arith.constant 96 : index
      %swap3A_2539 = tpu.vector_load %arg17[%swap3A_2538] {strides = array<i32>} : memref<128xi32, #tpu.memory_space<vmem>>, vector<16xi32>,
      tpu.vector_store %arg17[%swap3A_2538], %mul3A_2537 {strides = array<i32>} : memref<128xi32, #tpu.memory_space<vmem>>, vector<16xi32>,
      %add3A_2540 = arith.constant 1 : i32
      %add3A_2541 = vector.broadcast %add3A_2540 : i32 to vector<16xi32>
      %add3A_2542 = arith.addi %mul3A_2537, %add3A_2541 : vector<16xi32>
      %swap3A_2543 = arith.constant 96 : index
      %swap3A_2544 = tpu.vector_load %arg18[%swap3A_2543] {strides = array<i32>} : memref<128xi32, #tpu.memory_space<vmem>>, vector<16xi32>,
      tpu.vector_store %arg18[%swap3A_2543], %add3A_2542 {strides = array<i32>} : memref<128xi32, #tpu.memory_space<vmem>>, vector<16xi32>,
      %add3A_2545 = arith.constant 2 : i32
      %add3A_2546 = vector.broadcast %add3A_2545 : i32 to vector<16xi32>
      %add3A_2547 = arith.addi %mul3A_2537, %add3A_2546 : vector<16xi32>
      %swap3A_2548 = arith.constant 96 : index
      %swap3A_2549 = tpu.vector_load %arg19[%swap3A_2548] {strides = array<i32>} : memref<128xi32, #tpu.memory_space<vmem>>, vector<16xi32>,
      tpu.vector_store %arg19[%swap3A_2548], %add3A_2547 {strides = array<i32>} : memref<128xi32, #tpu.memory_space<vmem>>, vector<16xi32>,
      %add3A_2550 = arith.constant 3 : i32
      %add3A_2551 = vector.broadcast %add3A_2550 : i32 to vector<16xi32>
      %add3A_2552 = arith.addi %mul3A_2537, %add3A_2551 : vector<16xi32>
      %swap3A_2553 = arith.constant 96 : index
      %swap3A_2554 = tpu.vector_load %arg20[%swap3A_2553] {strides = array<i32>} : memref<128xi32, #tpu.memory_space<vmem>>, vector<16xi32>,
      tpu.vector_store %arg20[%swap3A_2553], %add3A_2552 {strides = array<i32>} : memref<128xi32, #tpu.memory_space<vmem>>, vector<16xi32>,
      %add3A_2555 = arith.constant 96 : i32
      %add3A_2556 = arith.addi %mul3A_2092, %add3A_2555 : i32
      %add3A_2557 = vector.broadcast %add3A_2556 : i32 to vector<16xi32>
      %add3A_2558 = arith.addi %add3A_2557, %iota3A : vector<16xi32>
      %lt3A_2559 = vector.broadcast %reduce_max3A_1719 : i32 to vector<16xi32>
      %lt3A_2560 = arith.cmpi slt, %add3A_2558, %lt3A_2559 : vector<16xi32>
      %add3A_2561 = vector.broadcast %add3A_2049 : i32 to vector<16xi32>
      %add3A_2562 = arith.addi %add3A_2561, %add3A_2558 : vector<16xi32>
      %jit3A_2563 = arith.constant 4096 : i32
      %broadcast_in_dim3A_2564 = vector.broadcast %jit3A_2563 : i32 to vector<16xi32>
      %select_n3A_2565 = arith.select %lt3A_2560, %add3A_2562, %broadcast_in_dim3A_2564 : vector<16xi1>, vector<16xi32>
      %swap3A_2566 = arith.constant 96 : index
      %swap3A_2567 = tpu.vector_load %arg25[%swap3A_2566] {strides = array<i32>} : memref<128xi32, #tpu.memory_space<vmem>>, vector<16xi32>,
      tpu.vector_store %arg25[%swap3A_2566], %select_n3A_2565 {strides = array<i32>} : memref<128xi32, #tpu.memory_space<vmem>>, vector<16xi32>,
      %add3A_2568 = arith.constant 112 : i32
      %add3A_2569 = arith.addi %mul3A_2092, %add3A_2568 : i32
      %get3A_2570 = arith.index_cast %add3A_2569 : i32 to index
      %get3A_2571 = tpu.vector_load %arg13[%get3A_2570] {strides = array<i32>} : memref<2208xi32, #tpu.memory_space<vmem>>, vector<16xi32>,
      %jit3A_2572 = arith.constant 80 : i32
      %div3A_2573 = vector.broadcast %jit3A_2572 : i32 to vector<16xi32>
      %div3A_2574 = arith.divsi %get3A_2571, %div3A_2573 : vector<16xi32>
      %sign3A_2575 = arith.constant 0 : i32
      %sign3A_2576 = vector.broadcast %sign3A_2575 : i32 to vector<16xi32>
      %sign3A_2577 = arith.cmpi sgt, %get3A_2571, %sign3A_2576 : vector<16xi32>
      %sign3A_2578 = arith.extui %sign3A_2577 : vector<16xi1> to vector<16xi32>
      %sign3A_2579 = arith.constant 0 : i32
      %sign3A_2580 = vector.broadcast %sign3A_2579 : i32 to vector<16xi32>
      %sign3A_2581 = arith.cmpi slt, %get3A_2571, %sign3A_2580 : vector<16xi32>
      %sign3A_2582 = arith.extui %sign3A_2581 : vector<16xi1> to vector<16xi32>
      %sign3A_2583 = arith.subi %sign3A_2578, %sign3A_2582 : vector<16xi32>
      %sign3A_2584 = arith.constant 0 : i32
      %sign3A_2585 = arith.cmpi sgt, %jit3A_2572, %sign3A_2584 : i32
      %sign3A_2586 = arith.extui %sign3A_2585 : i1 to i32
      %sign3A_2587 = arith.constant 0 : i32
      %sign3A_2588 = arith.cmpi slt, %jit3A_2572, %sign3A_2587 : i32
      %sign3A_2589 = arith.extui %sign3A_2588 : i1 to i32
      %sign3A_2590 = arith.subi %sign3A_2586, %sign3A_2589 : i32
      %ne3A_2591 = vector.broadcast %sign3A_2590 : i32 to vector<16xi32>
      %ne3A_2592 = arith.cmpi ne, %sign3A_2583, %ne3A_2591 : vector<16xi32>
      %rem3A_2593 = vector.broadcast %jit3A_2572 : i32 to vector<16xi32>
      %rem3A_2594 = arith.remsi %get3A_2571, %rem3A_2593 : vector<16xi32>
      %ne3A_2595 = arith.constant 0 : i32
      %ne3A_2596 = vector.broadcast %ne3A_2595 : i32 to vector<16xi32>
      %ne3A_2597 = arith.cmpi ne, %rem3A_2594, %ne3A_2596 : vector<16xi32>
      %and3A_2598 = arith.andi %ne3A_2592, %ne3A_2597 : vector<16xi1>
      %sub3A_2599 = arith.constant 1 : i32
      %sub3A_2600 = vector.broadcast %sub3A_2599 : i32 to vector<16xi32>
      %sub3A_2601 = arith.subi %div3A_2574, %sub3A_2600 : vector<16xi32>
      %select_n3A_2602 = arith.select %and3A_2598, %sub3A_2601, %div3A_2574 : vector<16xi1>, vector<16xi32>
      %mul3A_2603 = arith.constant 4 : i32
      %mul3A_2604 = vector.broadcast %mul3A_2603 : i32 to vector<16xi32>
      %mul3A_2605 = arith.muli %select_n3A_2602, %mul3A_2604 : vector<16xi32>
      %swap3A_2606 = arith.constant 112 : index
      %swap3A_2607 = tpu.vector_load %arg17[%swap3A_2606] {strides = array<i32>} : memref<128xi32, #tpu.memory_space<vmem>>, vector<16xi32>,
      tpu.vector_store %arg17[%swap3A_2606], %mul3A_2605 {strides = array<i32>} : memref<128xi32, #tpu.memory_space<vmem>>, vector<16xi32>,
      %add3A_2608 = arith.constant 1 : i32
      %add3A_2609 = vector.broadcast %add3A_2608 : i32 to vector<16xi32>
      %add3A_2610 = arith.addi %mul3A_2605, %add3A_2609 : vector<16xi32>
      %swap3A_2611 = arith.constant 112 : index
      %swap3A_2612 = tpu.vector_load %arg18[%swap3A_2611] {strides = array<i32>} : memref<128xi32, #tpu.memory_space<vmem>>, vector<16xi32>,
      tpu.vector_store %arg18[%swap3A_2611], %add3A_2610 {strides = array<i32>} : memref<128xi32, #tpu.memory_space<vmem>>, vector<16xi32>,
      %add3A_2613 = arith.constant 2 : i32
      %add3A_2614 = vector.broadcast %add3A_2613 : i32 to vector<16xi32>
      %add3A_2615 = arith.addi %mul3A_2605, %add3A_2614 : vector<16xi32>
      %swap3A_2616 = arith.constant 112 : index
      %swap3A_2617 = tpu.vector_load %arg19[%swap3A_2616] {strides = array<i32>} : memref<128xi32, #tpu.memory_space<vmem>>, vector<16xi32>,
      tpu.vector_store %arg19[%swap3A_2616], %add3A_2615 {strides = array<i32>} : memref<128xi32, #tpu.memory_space<vmem>>, vector<16xi32>,
      %add3A_2618 = arith.constant 3 : i32
      %add3A_2619 = vector.broadcast %add3A_2618 : i32 to vector<16xi32>
      %add3A_2620 = arith.addi %mul3A_2605, %add3A_2619 : vector<16xi32>
      %swap3A_2621 = arith.constant 112 : index
      %swap3A_2622 = tpu.vector_load %arg20[%swap3A_2621] {strides = array<i32>} : memref<128xi32, #tpu.memory_space<vmem>>, vector<16xi32>,
      tpu.vector_store %arg20[%swap3A_2621], %add3A_2620 {strides = array<i32>} : memref<128xi32, #tpu.memory_space<vmem>>, vector<16xi32>,
      %add3A_2623 = arith.constant 112 : i32
      %add3A_2624 = arith.addi %mul3A_2092, %add3A_2623 : i32
      %add3A_2625 = vector.broadcast %add3A_2624 : i32 to vector<16xi32>
      %add3A_2626 = arith.addi %add3A_2625, %iota3A : vector<16xi32>
      %lt3A_2627 = vector.broadcast %reduce_max3A_1719 : i32 to vector<16xi32>
      %lt3A_2628 = arith.cmpi slt, %add3A_2626, %lt3A_2627 : vector<16xi32>
      %add3A_2629 = vector.broadcast %add3A_2049 : i32 to vector<16xi32>
      %add3A_2630 = arith.addi %add3A_2629, %add3A_2626 : vector<16xi32>
      %jit3A_2631 = arith.constant 4096 : i32
      %broadcast_in_dim3A_2632 = vector.broadcast %jit3A_2631 : i32 to vector<16xi32>
      %select_n3A_2633 = arith.select %lt3A_2628, %add3A_2630, %broadcast_in_dim3A_2632 : vector<16xi1>, vector<16xi32>
      %swap3A_2634 = arith.constant 112 : index
      %swap3A_2635 = tpu.vector_load %arg25[%swap3A_2634] {strides = array<i32>} : memref<128xi32, #tpu.memory_space<vmem>>, vector<16xi32>,
      tpu.vector_store %arg25[%swap3A_2634], %select_n3A_2633 {strides = array<i32>} : memref<128xi32, #tpu.memory_space<vmem>>, vector<16xi32>,
      %dma_start3A = arith.constant 0 : i32
      %dma_start3A_2636 = tpu.memref_slice %arg3[%dma_start3A] : memref<80000xf32, #tpu.memory_space<hbm>> -> memref<80000xf32, #tpu.memory_space<hbm>>
      tpu.enqueue_indirect_dma source(%dma_start3A_2636 : memref<80000xf32, #tpu.memory_space<hbm>>) target(%arg21 : memref<128xf32, #tpu.memory_space<vmem>>) offsets(%arg17 : memref<128xi32, #tpu.memory_space<vmem>>) semaphore(%arg32 : memref<!tpu.dma_semaphore, #tpu.memory_space<semaphore_mem>>)
      %dma_start3A_2637 = arith.constant 0 : i32
      %dma_start3A_2638 = tpu.memref_slice %arg3[%dma_start3A_2637] : memref<80000xf32, #tpu.memory_space<hbm>> -> memref<80000xf32, #tpu.memory_space<hbm>>
      tpu.enqueue_indirect_dma source(%dma_start3A_2638 : memref<80000xf32, #tpu.memory_space<hbm>>) target(%arg22 : memref<128xf32, #tpu.memory_space<vmem>>) offsets(%arg18 : memref<128xi32, #tpu.memory_space<vmem>>) semaphore(%arg32 : memref<!tpu.dma_semaphore, #tpu.memory_space<semaphore_mem>>)
      %dma_start3A_2639 = arith.constant 0 : i32
      %dma_start3A_2640 = tpu.memref_slice %arg3[%dma_start3A_2639] : memref<80000xf32, #tpu.memory_space<hbm>> -> memref<80000xf32, #tpu.memory_space<hbm>>
      tpu.enqueue_indirect_dma source(%dma_start3A_2640 : memref<80000xf32, #tpu.memory_space<hbm>>) target(%arg23 : memref<128xf32, #tpu.memory_space<vmem>>) offsets(%arg19 : memref<128xi32, #tpu.memory_space<vmem>>) semaphore(%arg32 : memref<!tpu.dma_semaphore, #tpu.memory_space<semaphore_mem>>)
      %dma_start3A_2641 = arith.constant 0 : i32
      %dma_start3A_2642 = tpu.memref_slice %arg3[%dma_start3A_2641] : memref<80000xf32, #tpu.memory_space<hbm>> -> memref<80000xf32, #tpu.memory_space<hbm>>
      tpu.enqueue_indirect_dma source(%dma_start3A_2642 : memref<80000xf32, #tpu.memory_space<hbm>>) target(%arg24 : memref<128xf32, #tpu.memory_space<vmem>>) offsets(%arg20 : memref<128xi32, #tpu.memory_space<vmem>>) semaphore(%arg32 : memref<!tpu.dma_semaphore, #tpu.memory_space<semaphore_mem>>)
      %dma_wait3A = arith.constant 0 : i32
      %dma_wait3A_2643 = tpu.memref_slice %arg3[%dma_wait3A] : memref<80000xf32, #tpu.memory_space<hbm>> -> memref<80000xf32, #tpu.memory_space<hbm>>
      tpu.wait_indirect_dma semaphore(%arg32 : memref<!tpu.dma_semaphore, #tpu.memory_space<semaphore_mem>>) src(%dma_wait3A_2643 : memref<80000xf32, #tpu.memory_space<hbm>>) dst(%arg21 : memref<128xf32, #tpu.memory_space<vmem>>)
      %dma_wait3A_2644 = arith.constant 0 : i32
      %dma_wait3A_2645 = tpu.memref_slice %arg3[%dma_wait3A_2644] : memref<80000xf32, #tpu.memory_space<hbm>> -> memref<80000xf32, #tpu.memory_space<hbm>>
      tpu.wait_indirect_dma semaphore(%arg32 : memref<!tpu.dma_semaphore, #tpu.memory_space<semaphore_mem>>) src(%dma_wait3A_2645 : memref<80000xf32, #tpu.memory_space<hbm>>) dst(%arg22 : memref<128xf32, #tpu.memory_space<vmem>>)
      %dma_wait3A_2646 = arith.constant 0 : i32
      %dma_wait3A_2647 = tpu.memref_slice %arg3[%dma_wait3A_2646] : memref<80000xf32, #tpu.memory_space<hbm>> -> memref<80000xf32, #tpu.memory_space<hbm>>
      tpu.wait_indirect_dma semaphore(%arg32 : memref<!tpu.dma_semaphore, #tpu.memory_space<semaphore_mem>>) src(%dma_wait3A_2647 : memref<80000xf32, #tpu.memory_space<hbm>>) dst(%arg23 : memref<128xf32, #tpu.memory_space<vmem>>)
      %dma_wait3A_2648 = arith.constant 0 : i32
      %dma_wait3A_2649 = tpu.memref_slice %arg3[%dma_wait3A_2648] : memref<80000xf32, #tpu.memory_space<hbm>> -> memref<80000xf32, #tpu.memory_space<hbm>>
      tpu.wait_indirect_dma semaphore(%arg32 : memref<!tpu.dma_semaphore, #tpu.memory_space<semaphore_mem>>) src(%dma_wait3A_2649 : memref<80000xf32, #tpu.memory_space<hbm>>) dst(%arg24 : memref<128xf32, #tpu.memory_space<vmem>>)
      %dma_start3A_2650 = tpu.memref_slice %arg12[%mul3A_2092] : memref<2208xf32, #tpu.memory_space<vmem>> -> memref<128xf32, #tpu.memory_space<vmem>>
      %dma_start3A_2651 = arith.constant 0 : i32
      %dma_start3A_2652 = tpu.memref_slice %arg4[%dma_start3A_2651] : memref<4104xf32, #tpu.memory_space<hbm>> -> memref<4104xf32, #tpu.memory_space<hbm>>
      tpu.enqueue_indirect_dma source(%dma_start3A_2650 : memref<128xf32, #tpu.memory_space<vmem>>) target(%dma_start3A_2652 : memref<4104xf32, #tpu.memory_space<hbm>>) offsets(%arg25 : memref<128xi32, #tpu.memory_space<vmem>>) semaphore(%arg32 : memref<!tpu.dma_semaphore, #tpu.memory_space<semaphore_mem>>)
      %dma_start3A_2653 = tpu.memref_slice %arg13[%mul3A_2092] : memref<2208xi32, #tpu.memory_space<vmem>> -> memref<128xi32, #tpu.memory_space<vmem>>
      %dma_start3A_2654 = arith.constant 0 : i32
      %dma_start3A_2655 = tpu.memref_slice %arg5[%dma_start3A_2654] : memref<4104xi32, #tpu.memory_space<hbm>> -> memref<4104xi32, #tpu.memory_space<hbm>>
      tpu.enqueue_indirect_dma source(%dma_start3A_2653 : memref<128xi32, #tpu.memory_space<vmem>>) target(%dma_start3A_2655 : memref<4104xi32, #tpu.memory_space<hbm>>) offsets(%arg25 : memref<128xi32, #tpu.memory_space<vmem>>) semaphore(%arg32 : memref<!tpu.dma_semaphore, #tpu.memory_space<semaphore_mem>>)
      %dma_start3A_2656 = arith.constant 0 : i32
      %dma_start3A_2657 = tpu.memref_slice %arg6[%dma_start3A_2656] : memref<4104xf32, #tpu.memory_space<hbm>> -> memref<4104xf32, #tpu.memory_space<hbm>>
      tpu.enqueue_indirect_dma source(%arg21 : memref<128xf32, #tpu.memory_space<vmem>>) target(%dma_start3A_2657 : memref<4104xf32, #tpu.memory_space<hbm>>) offsets(%arg25 : memref<128xi32, #tpu.memory_space<vmem>>) semaphore(%arg32 : memref<!tpu.dma_semaphore, #tpu.memory_space<semaphore_mem>>)
      %dma_start3A_2658 = arith.constant 0 : i32
      %dma_start3A_2659 = tpu.memref_slice %arg7[%dma_start3A_2658] : memref<4104xf32, #tpu.memory_space<hbm>> -> memref<4104xf32, #tpu.memory_space<hbm>>
      tpu.enqueue_indirect_dma source(%arg22 : memref<128xf32, #tpu.memory_space<vmem>>) target(%dma_start3A_2659 : memref<4104xf32, #tpu.memory_space<hbm>>) offsets(%arg25 : memref<128xi32, #tpu.memory_space<vmem>>) semaphore(%arg32 : memref<!tpu.dma_semaphore, #tpu.memory_space<semaphore_mem>>)
      %dma_start3A_2660 = arith.constant 0 : i32
      %dma_start3A_2661 = tpu.memref_slice %arg8[%dma_start3A_2660] : memref<4104xf32, #tpu.memory_space<hbm>> -> memref<4104xf32, #tpu.memory_space<hbm>>
      tpu.enqueue_indirect_dma source(%arg23 : memref<128xf32, #tpu.memory_space<vmem>>) target(%dma_start3A_2661 : memref<4104xf32, #tpu.memory_space<hbm>>) offsets(%arg25 : memref<128xi32, #tpu.memory_space<vmem>>) semaphore(%arg32 : memref<!tpu.dma_semaphore, #tpu.memory_space<semaphore_mem>>)
      %dma_start3A_2662 = arith.constant 0 : i32
      %dma_start3A_2663 = tpu.memref_slice %arg9[%dma_start3A_2662] : memref<4104xf32, #tpu.memory_space<hbm>> -> memref<4104xf32, #tpu.memory_space<hbm>>
      tpu.enqueue_indirect_dma source(%arg24 : memref<128xf32, #tpu.memory_space<vmem>>) target(%dma_start3A_2663 : memref<4104xf32, #tpu.memory_space<hbm>>) offsets(%arg25 : memref<128xi32, #tpu.memory_space<vmem>>) semaphore(%arg32 : memref<!tpu.dma_semaphore, #tpu.memory_space<semaphore_mem>>)
      %dma_wait3A_2664 = tpu.memref_slice %arg12[%mul3A_2092] : memref<2208xf32, #tpu.memory_space<vmem>> -> memref<128xf32, #tpu.memory_space<vmem>>
      %dma_wait3A_2665 = arith.constant 0 : i32
      %dma_wait3A_2666 = tpu.memref_slice %arg4[%dma_wait3A_2665] : memref<4104xf32, #tpu.memory_space<hbm>> -> memref<4104xf32, #tpu.memory_space<hbm>>
      tpu.wait_indirect_dma semaphore(%arg32 : memref<!tpu.dma_semaphore, #tpu.memory_space<semaphore_mem>>) src(%dma_wait3A_2664 : memref<128xf32, #tpu.memory_space<vmem>>) dst(%dma_wait3A_2666 : memref<4104xf32, #tpu.memory_space<hbm>>)
      %dma_wait3A_2667 = tpu.memref_slice %arg13[%mul3A_2092] : memref<2208xi32, #tpu.memory_space<vmem>> -> memref<128xi32, #tpu.memory_space<vmem>>
      %dma_wait3A_2668 = arith.constant 0 : i32
      %dma_wait3A_2669 = tpu.memref_slice %arg5[%dma_wait3A_2668] : memref<4104xi32, #tpu.memory_space<hbm>> -> memref<4104xi32, #tpu.memory_space<hbm>>
      tpu.wait_indirect_dma semaphore(%arg32 : memref<!tpu.dma_semaphore, #tpu.memory_space<semaphore_mem>>) src(%dma_wait3A_2667 : memref<128xi32, #tpu.memory_space<vmem>>) dst(%dma_wait3A_2669 : memref<4104xi32, #tpu.memory_space<hbm>>)
      %dma_wait3A_2670 = arith.constant 0 : i32
      %dma_wait3A_2671 = tpu.memref_slice %arg6[%dma_wait3A_2670] : memref<4104xf32, #tpu.memory_space<hbm>> -> memref<4104xf32, #tpu.memory_space<hbm>>
      tpu.wait_indirect_dma semaphore(%arg32 : memref<!tpu.dma_semaphore, #tpu.memory_space<semaphore_mem>>) src(%arg21 : memref<128xf32, #tpu.memory_space<vmem>>) dst(%dma_wait3A_2671 : memref<4104xf32, #tpu.memory_space<hbm>>)
      %dma_wait3A_2672 = arith.constant 0 : i32
      %dma_wait3A_2673 = tpu.memref_slice %arg7[%dma_wait3A_2672] : memref<4104xf32, #tpu.memory_space<hbm>> -> memref<4104xf32, #tpu.memory_space<hbm>>
      tpu.wait_indirect_dma semaphore(%arg32 : memref<!tpu.dma_semaphore, #tpu.memory_space<semaphore_mem>>) src(%arg22 : memref<128xf32, #tpu.memory_space<vmem>>) dst(%dma_wait3A_2673 : memref<4104xf32, #tpu.memory_space<hbm>>)
      %dma_wait3A_2674 = arith.constant 0 : i32
      %dma_wait3A_2675 = tpu.memref_slice %arg8[%dma_wait3A_2674] : memref<4104xf32, #tpu.memory_space<hbm>> -> memref<4104xf32, #tpu.memory_space<hbm>>
      tpu.wait_indirect_dma semaphore(%arg32 : memref<!tpu.dma_semaphore, #tpu.memory_space<semaphore_mem>>) src(%arg23 : memref<128xf32, #tpu.memory_space<vmem>>) dst(%dma_wait3A_2675 : memref<4104xf32, #tpu.memory_space<hbm>>)
      %dma_wait3A_2676 = arith.constant 0 : i32
      %dma_wait3A_2677 = tpu.memref_slice %arg9[%dma_wait3A_2676] : memref<4104xf32, #tpu.memory_space<hbm>> -> memref<4104xf32, #tpu.memory_space<hbm>>
      tpu.wait_indirect_dma semaphore(%arg32 : memref<!tpu.dma_semaphore, #tpu.memory_space<semaphore_mem>>) src(%arg24 : memref<128xf32, #tpu.memory_space<vmem>>) dst(%dma_wait3A_2677 : memref<4104xf32, #tpu.memory_space<hbm>>)
      %while3A_2678 = arith.constant 0 : i32
      scf.yield %while3A_2678 : i32
    }
    %while3A_2087 = arith.constant 1 : i32
    %while3A_2088 = scf.for %while3A_2089 = %while3A_2084 to %while3A_2080 step %while3A_2087 iter_args(%while3A_2090 = %while3A_2086) -> (i32)  : i32 {
      %mul3A_2091 = arith.constant 128 : i32
      %mul3A_2092 = arith.muli %while3A_2089, %mul3A_2091 : i32
      %add3A_2093 = arith.constant 0 : i32
      %add3A_2094 = arith.addi %mul3A_2092, %add3A_2093 : i32
      %get3A_2095 = arith.index_cast %add3A_2094 : i32 to index
      %get3A_2096 = tpu.vector_load %arg13[%get3A_2095] {strides = array<i32>} : memref<2208xi32, #tpu.memory_space<vmem>>, vector<16xi32>,
      %jit3A_2097 = arith.constant 80 : i32
      %div3A_2098 = vector.broadcast %jit3A_2097 : i32 to vector<16xi32>
      %div3A_2099 = arith.divsi %get3A_2096, %div3A_2098 : vector<16xi32>
      %sign3A_2100 = arith.constant 0 : i32
      %sign3A_2101 = vector.broadcast %sign3A_2100 : i32 to vector<16xi32>
      %sign3A_2102 = arith.cmpi sgt, %get3A_2096, %sign3A_2101 : vector<16xi32>
      %sign3A_2103 = arith.extui %sign3A_2102 : vector<16xi1> to vector<16xi32>
      %sign3A_2104 = arith.constant 0 : i32
      %sign3A_2105 = vector.broadcast %sign3A_2104 : i32 to vector<16xi32>
      %sign3A_2106 = arith.cmpi slt, %get3A_2096, %sign3A_2105 : vector<16xi32>
      %sign3A_2107 = arith.extui %sign3A_2106 : vector<16xi1> to vector<16xi32>
      %sign3A_2108 = arith.subi %sign3A_2103, %sign3A_2107 : vector<16xi32>
      %sign3A_2109 = arith.constant 0 : i32
      %sign3A_2110 = arith.cmpi sgt, %jit3A_2097, %sign3A_2109 : i32
      %sign3A_2111 = arith.extui %sign3A_2110 : i1 to i32
      %sign3A_2112 = arith.constant 0 : i32
      %sign3A_2113 = arith.cmpi slt, %jit3A_2097, %sign3A_2112 : i32
      %sign3A_2114 = arith.extui %sign3A_2113 : i1 to i32
      %sign3A_2115 = arith.subi %sign3A_2111, %sign3A_2114 : i32
      %ne3A_2116 = vector.broadcast %sign3A_2115 : i32 to vector<16xi32>
      %ne3A_2117 = arith.cmpi ne, %sign3A_2108, %ne3A_2116 : vector<16xi32>
      %rem3A_2118 = vector.broadcast %jit3A_2097 : i32 to vector<16xi32>
      %rem3A_2119 = arith.remsi %get3A_2096, %rem3A_2118 : vector<16xi32>
      %ne3A_2120 = arith.constant 0 : i32
      %ne3A_2121 = vector.broadcast %ne3A_2120 : i32 to vector<16xi32>
      %ne3A_2122 = arith.cmpi ne, %rem3A_2119, %ne3A_2121 : vector<16xi32>
      %and3A_2123 = arith.andi %ne3A_2117, %ne3A_2122 : vector<16xi1>
      %sub3A_2124 = arith.constant 1 : i32
      %sub3A_2125 = vector.broadcast %sub3A_2124 : i32 to vector<16xi32>
      %sub3A_2126 = arith.subi %div3A_2099, %sub3A_2125 : vector<16xi32>
      %select_n3A_2127 = arith.select %and3A_2123, %sub3A_2126, %div3A_2099 : vector<16xi1>, vector<16xi32>
      %mul3A_2128 = arith.constant 4 : i32
      %mul3A_2129 = vector.broadcast %mul3A_2128 : i32 to vector<16xi32>
      %mul3A_2130 = arith.muli %select_n3A_2127, %mul3A_2129 : vector<16xi32>
      %swap3A_2131 = arith.constant 0 : index
      %swap3A_2132 = tpu.vector_load %arg17[%swap3A_2131] {strides = array<i32>} : memref<128xi32, #tpu.memory_space<vmem>>, vector<16xi32>,
      tpu.vector_store %arg17[%swap3A_2131], %mul3A_2130 {strides = array<i32>} : memref<128xi32, #tpu.memory_space<vmem>>, vector<16xi32>,
      %add3A_2133 = arith.constant 1 : i32
      %add3A_2134 = vector.broadcast %add3A_2133 : i32 to vector<16xi32>
      %add3A_2135 = arith.addi %mul3A_2130, %add3A_2134 : vector<16xi32>
      %swap3A_2136 = arith.constant 0 : index
      %swap3A_2137 = tpu.vector_load %arg18[%swap3A_2136] {strides = array<i32>} : memref<128xi32, #tpu.memory_space<vmem>>, vector<16xi32>,
      tpu.vector_store %arg18[%swap3A_2136], %add3A_2135 {strides = array<i32>} : memref<128xi32, #tpu.memory_space<vmem>>, vector<16xi32>,
      %add3A_2138 = arith.constant 2 : i32
      %add3A_2139 = vector.broadcast %add3A_2138 : i32 to vector<16xi32>
      %add3A_2140 = arith.addi %mul3A_2130, %add3A_2139 : vector<16xi32>
      %swap3A_2141 = arith.constant 0 : index
      %swap3A_2142 = tpu.vector_load %arg19[%swap3A_2141] {strides = array<i32>} : memref<128xi32, #tpu.memory_space<vmem>>, vector<16xi32>,
      tpu.vector_store %arg19[%swap3A_2141], %add3A_2140 {strides = array<i32>} : memref<128xi32, #tpu.memory_space<vmem>>, vector<16xi32>,
      %add3A_2143 = arith.constant 3 : i32
      %add3A_2144 = vector.broadcast %add3A_2143 : i32 to vector<16xi32>
      %add3A_2145 = arith.addi %mul3A_2130, %add3A_2144 : vector<16xi32>
      %swap3A_2146 = arith.constant 0 : index
      %swap3A_2147 = tpu.vector_load %arg20[%swap3A_2146] {strides = array<i32>} : memref<128xi32, #tpu.memory_space<vmem>>, vector<16xi32>,
      tpu.vector_store %arg20[%swap3A_2146], %add3A_2145 {strides = array<i32>} : memref<128xi32, #tpu.memory_space<vmem>>, vector<16xi32>,
      %add3A_2148 = arith.constant 0 : i32
      %add3A_2149 = arith.addi %mul3A_2092, %add3A_2148 : i32
      %add3A_2150 = vector.broadcast %add3A_2149 : i32 to vector<16xi32>
      %add3A_2151 = arith.addi %add3A_2150, %iota3A : vector<16xi32>
      %lt3A = vector.broadcast %reduce_max3A_1719 : i32 to vector<16xi32>
      %lt3A_2152 = arith.cmpi slt, %add3A_2151, %lt3A : vector<16xi32>
      %add3A_2153 = vector.broadcast %add3A_2049 : i32 to vector<16xi32>
      %add3A_2154 = arith.addi %add3A_2153, %add3A_2151 : vector<16xi32>
      %jit3A_2155 = arith.constant 4096 : i32
      %broadcast_in_dim3A_2156 = vector.broadcast %jit3A_2155 : i32 to vector<16xi32>
      %select_n3A_2157 = arith.select %lt3A_2152, %add3A_2154, %broadcast_in_dim3A_2156 : vector<16xi1>, vector<16xi32>
      %swap3A_2158 = arith.constant 0 : index
      %swap3A_2159 = tpu.vector_load %arg25[%swap3A_2158] {strides = array<i32>} : memref<128xi32, #tpu.memory_space<vmem>>, vector<16xi32>,
      tpu.vector_store %arg25[%swap3A_2158], %select_n3A_2157 {strides = array<i32>} : memref<128xi32, #tpu.memory_space<vmem>>, vector<16xi32>,
      %add3A_2160 = arith.constant 16 : i32
      %add3A_2161 = arith.addi %mul3A_2092, %add3A_2160 : i32
      %get3A_2162 = arith.index_cast %add3A_2161 : i32 to index
      %get3A_2163 = tpu.vector_load %arg13[%get3A_2162] {strides = array<i32>} : memref<2208xi32, #tpu.memory_space<vmem>>, vector<16xi32>,
      %jit3A_2164 = arith.constant 80 : i32
      %div3A_2165 = vector.broadcast %jit3A_2164 : i32 to vector<16xi32>
      %div3A_2166 = arith.divsi %get3A_2163, %div3A_2165 : vector<16xi32>
      %sign3A_2167 = arith.constant 0 : i32
      %sign3A_2168 = vector.broadcast %sign3A_2167 : i32 to vector<16xi32>
      %sign3A_2169 = arith.cmpi sgt, %get3A_2163, %sign3A_2168 : vector<16xi32>
      %sign3A_2170 = arith.extui %sign3A_2169 : vector<16xi1> to vector<16xi32>
      %sign3A_2171 = arith.constant 0 : i32
      %sign3A_2172 = vector.broadcast %sign3A_2171 : i32 to vector<16xi32>
      %sign3A_2173 = arith.cmpi slt, %get3A_2163, %sign3A_2172 : vector<16xi32>
      %sign3A_2174 = arith.extui %sign3A_2173 : vector<16xi1> to vector<16xi32>
      %sign3A_2175 = arith.subi %sign3A_2170, %sign3A_2174 : vector<16xi32>
      %sign3A_2176 = arith.constant 0 : i32
      %sign3A_2177 = arith.cmpi sgt, %jit3A_2164, %sign3A_2176 : i32
      %sign3A_2178 = arith.extui %sign3A_2177 : i1 to i32
      %sign3A_2179 = arith.constant 0 : i32
      %sign3A_2180 = arith.cmpi slt, %jit3A_2164, %sign3A_2179 : i32
      %sign3A_2181 = arith.extui %sign3A_2180 : i1 to i32
      %sign3A_2182 = arith.subi %sign3A_2178, %sign3A_2181 : i32
      %ne3A_2183 = vector.broadcast %sign3A_2182 : i32 to vector<16xi32>
      %ne3A_2184 = arith.cmpi ne, %sign3A_2175, %ne3A_2183 : vector<16xi32>
      %rem3A_2185 = vector.broadcast %jit3A_2164 : i32 to vector<16xi32>
      %rem3A_2186 = arith.remsi %get3A_2163, %rem3A_2185 : vector<16xi32>
      %ne3A_2187 = arith.constant 0 : i32
      %ne3A_2188 = vector.broadcast %ne3A_2187 : i32 to vector<16xi32>
      %ne3A_2189 = arith.cmpi ne, %rem3A_2186, %ne3A_2188 : vector<16xi32>
      %and3A_2190 = arith.andi %ne3A_2184, %ne3A_2189 : vector<16xi1>
      %sub3A_2191 = arith.constant 1 : i32
      %sub3A_2192 = vector.broadcast %sub3A_2191 : i32 to vector<16xi32>
      %sub3A_2193 = arith.subi %div3A_2166, %sub3A_2192 : vector<16xi32>
      %select_n3A_2194 = arith.select %and3A_2190, %sub3A_2193, %div3A_2166 : vector<16xi1>, vector<16xi32>
      %mul3A_2195 = arith.constant 4 : i32
      %mul3A_2196 = vector.broadcast %mul3A_2195 : i32 to vector<16xi32>
      %mul3A_2197 = arith.muli %select_n3A_2194, %mul3A_2196 : vector<16xi32>
      %swap3A_2198 = arith.constant 16 : index
      %swap3A_2199 = tpu.vector_load %arg17[%swap3A_2198] {strides = array<i32>} : memref<128xi32, #tpu.memory_space<vmem>>, vector<16xi32>,
      tpu.vector_store %arg17[%swap3A_2198], %mul3A_2197 {strides = array<i32>} : memref<128xi32, #tpu.memory_space<vmem>>, vector<16xi32>,
      %add3A_2200 = arith.constant 1 : i32
      %add3A_2201 = vector.broadcast %add3A_2200 : i32 to vector<16xi32>
      %add3A_2202 = arith.addi %mul3A_2197, %add3A_2201 : vector<16xi32>
      %swap3A_2203 = arith.constant 16 : index
      %swap3A_2204 = tpu.vector_load %arg18[%swap3A_2203] {strides = array<i32>} : memref<128xi32, #tpu.memory_space<vmem>>, vector<16xi32>,
      tpu.vector_store %arg18[%swap3A_2203], %add3A_2202 {strides = array<i32>} : memref<128xi32, #tpu.memory_space<vmem>>, vector<16xi32>,
      %add3A_2205 = arith.constant 2 : i32
      %add3A_2206 = vector.broadcast %add3A_2205 : i32 to vector<16xi32>
      %add3A_2207 = arith.addi %mul3A_2197, %add3A_2206 : vector<16xi32>
      %swap3A_2208 = arith.constant 16 : index
      %swap3A_2209 = tpu.vector_load %arg19[%swap3A_2208] {strides = array<i32>} : memref<128xi32, #tpu.memory_space<vmem>>, vector<16xi32>,
      tpu.vector_store %arg19[%swap3A_2208], %add3A_2207 {strides = array<i32>} : memref<128xi32, #tpu.memory_space<vmem>>, vector<16xi32>,
      %add3A_2210 = arith.constant 3 : i32
      %add3A_2211 = vector.broadcast %add3A_2210 : i32 to vector<16xi32>
      %add3A_2212 = arith.addi %mul3A_2197, %add3A_2211 : vector<16xi32>
      %swap3A_2213 = arith.constant 16 : index
      %swap3A_2214 = tpu.vector_load %arg20[%swap3A_2213] {strides = array<i32>} : memref<128xi32, #tpu.memory_space<vmem>>, vector<16xi32>,
      tpu.vector_store %arg20[%swap3A_2213], %add3A_2212 {strides = array<i32>} : memref<128xi32, #tpu.memory_space<vmem>>, vector<16xi32>,
      %add3A_2215 = arith.constant 16 : i32
      %add3A_2216 = arith.addi %mul3A_2092, %add3A_2215 : i32
      %add3A_2217 = vector.broadcast %add3A_2216 : i32 to vector<16xi32>
      %add3A_2218 = arith.addi %add3A_2217, %iota3A : vector<16xi32>
      %lt3A_2219 = vector.broadcast %reduce_max3A_1719 : i32 to vector<16xi32>
      %lt3A_2220 = arith.cmpi slt, %add3A_2218, %lt3A_2219 : vector<16xi32>
      %add3A_2221 = vector.broadcast %add3A_2049 : i32 to vector<16xi32>
      %add3A_2222 = arith.addi %add3A_2221, %add3A_2218 : vector<16xi32>
      %jit3A_2223 = arith.constant 4096 : i32
      %broadcast_in_dim3A_2224 = vector.broadcast %jit3A_2223 : i32 to vector<16xi32>
      %select_n3A_2225 = arith.select %lt3A_2220, %add3A_2222, %broadcast_in_dim3A_2224 : vector<16xi1>, vector<16xi32>
      %swap3A_2226 = arith.constant 16 : index
      %swap3A_2227 = tpu.vector_load %arg25[%swap3A_2226] {strides = array<i32>} : memref<128xi32, #tpu.memory_space<vmem>>, vector<16xi32>,
      tpu.vector_store %arg25[%swap3A_2226], %select_n3A_2225 {strides = array<i32>} : memref<128xi32, #tpu.memory_space<vmem>>, vector<16xi32>,
      %add3A_2228 = arith.constant 32 : i32
      %add3A_2229 = arith.addi %mul3A_2092, %add3A_2228 : i32
      %get3A_2230 = arith.index_cast %add3A_2229 : i32 to index
      %get3A_2231 = tpu.vector_load %arg13[%get3A_2230] {strides = array<i32>} : memref<2208xi32, #tpu.memory_space<vmem>>, vector<16xi32>,
      %jit3A_2232 = arith.constant 80 : i32
      %div3A_2233 = vector.broadcast %jit3A_2232 : i32 to vector<16xi32>
      %div3A_2234 = arith.divsi %get3A_2231, %div3A_2233 : vector<16xi32>
      %sign3A_2235 = arith.constant 0 : i32
      %sign3A_2236 = vector.broadcast %sign3A_2235 : i32 to vector<16xi32>
      %sign3A_2237 = arith.cmpi sgt, %get3A_2231, %sign3A_2236 : vector<16xi32>
      %sign3A_2238 = arith.extui %sign3A_2237 : vector<16xi1> to vector<16xi32>
      %sign3A_2239 = arith.constant 0 : i32
      %sign3A_2240 = vector.broadcast %sign3A_2239 : i32 to vector<16xi32>
      %sign3A_2241 = arith.cmpi slt, %get3A_2231, %sign3A_2240 : vector<16xi32>
      %sign3A_2242 = arith.extui %sign3A_2241 : vector<16xi1> to vector<16xi32>
      %sign3A_2243 = arith.subi %sign3A_2238, %sign3A_2242 : vector<16xi32>
      %sign3A_2244 = arith.constant 0 : i32
      %sign3A_2245 = arith.cmpi sgt, %jit3A_2232, %sign3A_2244 : i32
      %sign3A_2246 = arith.extui %sign3A_2245 : i1 to i32
      %sign3A_2247 = arith.constant 0 : i32
      %sign3A_2248 = arith.cmpi slt, %jit3A_2232, %sign3A_2247 : i32
      %sign3A_2249 = arith.extui %sign3A_2248 : i1 to i32
      %sign3A_2250 = arith.subi %sign3A_2246, %sign3A_2249 : i32
      %ne3A_2251 = vector.broadcast %sign3A_2250 : i32 to vector<16xi32>
      %ne3A_2252 = arith.cmpi ne, %sign3A_2243, %ne3A_2251 : vector<16xi32>
      %rem3A_2253 = vector.broadcast %jit3A_2232 : i32 to vector<16xi32>
      %rem3A_2254 = arith.remsi %get3A_2231, %rem3A_2253 : vector<16xi32>
      %ne3A_2255 = arith.constant 0 : i32
      %ne3A_2256 = vector.broadcast %ne3A_2255 : i32 to vector<16xi32>
      %ne3A_2257 = arith.cmpi ne, %rem3A_2254, %ne3A_2256 : vector<16xi32>
      %and3A_2258 = arith.andi %ne3A_2252, %ne3A_2257 : vector<16xi1>
      %sub3A_2259 = arith.constant 1 : i32
      %sub3A_2260 = vector.broadcast %sub3A_2259 : i32 to vector<16xi32>
      %sub3A_2261 = arith.subi %div3A_2234, %sub3A_2260 : vector<16xi32>
      %select_n3A_2262 = arith.select %and3A_2258, %sub3A_2261, %div3A_2234 : vector<16xi1>, vector<16xi32>
      %mul3A_2263 = arith.constant 4 : i32
      %mul3A_2264 = vector.broadcast %mul3A_2263 : i32 to vector<16xi32>
      %mul3A_2265 = arith.muli %select_n3A_2262, %mul3A_2264 : vector<16xi32>
      %swap3A_2266 = arith.constant 32 : index
      %swap3A_2267 = tpu.vector_load %arg17[%swap3A_2266] {strides = array<i32>} : memref<128xi32, #tpu.memory_space<vmem>>, vector<16xi32>,
      tpu.vector_store %arg17[%swap3A_2266], %mul3A_2265 {strides = array<i32>} : memref<128xi32, #tpu.memory_space<vmem>>, vector<16xi32>,
      %add3A_2268 = arith.constant 1 : i32
      %add3A_2269 = vector.broadcast %add3A_2268 : i32 to vector<16xi32>
      %add3A_2270 = arith.addi %mul3A_2265, %add3A_2269 : vector<16xi32>
      %swap3A_2271 = arith.constant 32 : index
      %swap3A_2272 = tpu.vector_load %arg18[%swap3A_2271] {strides = array<i32>} : memref<128xi32, #tpu.memory_space<vmem>>, vector<16xi32>,
      tpu.vector_store %arg18[%swap3A_2271], %add3A_2270 {strides = array<i32>} : memref<128xi32, #tpu.memory_space<vmem>>, vector<16xi32>,
      %add3A_2273 = arith.constant 2 : i32
      %add3A_2274 = vector.broadcast %add3A_2273 : i32 to vector<16xi32>
      %add3A_2275 = arith.addi %mul3A_2265, %add3A_2274 : vector<16xi32>
      %swap3A_2276 = arith.constant 32 : index
      %swap3A_2277 = tpu.vector_load %arg19[%swap3A_2276] {strides = array<i32>} : memref<128xi32, #tpu.memory_space<vmem>>, vector<16xi32>,
      tpu.vector_store %arg19[%swap3A_2276], %add3A_2275 {strides = array<i32>} : memref<128xi32, #tpu.memory_space<vmem>>, vector<16xi32>,
      %add3A_2278 = arith.constant 3 : i32
      %add3A_2279 = vector.broadcast %add3A_2278 : i32 to vector<16xi32>
      %add3A_2280 = arith.addi %mul3A_2265, %add3A_2279 : vector<16xi32>
      %swap3A_2281 = arith.constant 32 : index
      %swap3A_2282 = tpu.vector_load %arg20[%swap3A_2281] {strides = array<i32>} : memref<128xi32, #tpu.memory_space<vmem>>, vector<16xi32>,
      tpu.vector_store %arg20[%swap3A_2281], %add3A_2280 {strides = array<i32>} : memref<128xi32, #tpu.memory_space<vmem>>, vector<16xi32>,
      %add3A_2283 = arith.constant 32 : i32
      %add3A_2284 = arith.addi %mul3A_2092, %add3A_2283 : i32
      %add3A_2285 = vector.broadcast %add3A_2284 : i32 to vector<16xi32>
      %add3A_2286 = arith.addi %add3A_2285, %iota3A : vector<16xi32>
      %lt3A_2287 = vector.broadcast %reduce_max3A_1719 : i32 to vector<16xi32>
      %lt3A_2288 = arith.cmpi slt, %add3A_2286, %lt3A_2287 : vector<16xi32>
      %add3A_2289 = vector.broadcast %add3A_2049 : i32 to vector<16xi32>
      %add3A_2290 = arith.addi %add3A_2289, %add3A_2286 : vector<16xi32>
      %jit3A_2291 = arith.constant 4096 : i32
      %broadcast_in_dim3A_2292 = vector.broadcast %jit3A_2291 : i32 to vector<16xi32>
      %select_n3A_2293 = arith.select %lt3A_2288, %add3A_2290, %broadcast_in_dim3A_2292 : vector<16xi1>, vector<16xi32>
      %swap3A_2294 = arith.constant 32 : index
      %swap3A_2295 = tpu.vector_load %arg25[%swap3A_2294] {strides = array<i32>} : memref<128xi32, #tpu.memory_space<vmem>>, vector<16xi32>,
      tpu.vector_store %arg25[%swap3A_2294], %select_n3A_2293 {strides = array<i32>} : memref<128xi32, #tpu.memory_space<vmem>>, vector<16xi32>,
      %add3A_2296 = arith.constant 48 : i32
      %add3A_2297 = arith.addi %mul3A_2092, %add3A_2296 : i32
      %get3A_2298 = arith.index_cast %add3A_2297 : i32 to index
      %get3A_2299 = tpu.vector_load %arg13[%get3A_2298] {strides = array<i32>} : memref<2208xi32, #tpu.memory_space<vmem>>, vector<16xi32>,
      %jit3A_2300 = arith.constant 80 : i32
      %div3A_2301 = vector.broadcast %jit3A_2300 : i32 to vector<16xi32>
      %div3A_2302 = arith.divsi %get3A_2299, %div3A_2301 : vector<16xi32>
      %sign3A_2303 = arith.constant 0 : i32
      %sign3A_2304 = vector.broadcast %sign3A_2303 : i32 to vector<16xi32>
      %sign3A_2305 = arith.cmpi sgt, %get3A_2299, %sign3A_2304 : vector<16xi32>
      %sign3A_2306 = arith.extui %sign3A_2305 : vector<16xi1> to vector<16xi32>
      %sign3A_2307 = arith.constant 0 : i32
      %sign3A_2308 = vector.broadcast %sign3A_2307 : i32 to vector<16xi32>
      %sign3A_2309 = arith.cmpi slt, %get3A_2299, %sign3A_2308 : vector<16xi32>
      %sign3A_2310 = arith.extui %sign3A_2309 : vector<16xi1> to vector<16xi32>
      %sign3A_2311 = arith.subi %sign3A_2306, %sign3A_2310 : vector<16xi32>
      %sign3A_2312 = arith.constant 0 : i32
      %sign3A_2313 = arith.cmpi sgt, %jit3A_2300, %sign3A_2312 : i32
      %sign3A_2314 = arith.extui %sign3A_2313 : i1 to i32
      %sign3A_2315 = arith.constant 0 : i32
      %sign3A_2316 = arith.cmpi slt, %jit3A_2300, %sign3A_2315 : i32
      %sign3A_2317 = arith.extui %sign3A_2316 : i1 to i32
      %sign3A_2318 = arith.subi %sign3A_2314, %sign3A_2317 : i32
      %ne3A_2319 = vector.broadcast %sign3A_2318 : i32 to vector<16xi32>
      %ne3A_2320 = arith.cmpi ne, %sign3A_2311, %ne3A_2319 : vector<16xi32>
      %rem3A_2321 = vector.broadcast %jit3A_2300 : i32 to vector<16xi32>
      %rem3A_2322 = arith.remsi %get3A_2299, %rem3A_2321 : vector<16xi32>
      %ne3A_2323 = arith.constant 0 : i32
      %ne3A_2324 = vector.broadcast %ne3A_2323 : i32 to vector<16xi32>
      %ne3A_2325 = arith.cmpi ne, %rem3A_2322, %ne3A_2324 : vector<16xi32>
      %and3A_2326 = arith.andi %ne3A_2320, %ne3A_2325 : vector<16xi1>
      %sub3A_2327 = arith.constant 1 : i32
      %sub3A_2328 = vector.broadcast %sub3A_2327 : i32 to vector<16xi32>
      %sub3A_2329 = arith.subi %div3A_2302, %sub3A_2328 : vector<16xi32>
      %select_n3A_2330 = arith.select %and3A_2326, %sub3A_2329, %div3A_2302 : vector<16xi1>, vector<16xi32>
      %mul3A_2331 = arith.constant 4 : i32
      %mul3A_2332 = vector.broadcast %mul3A_2331 : i32 to vector<16xi32>
      %mul3A_2333 = arith.muli %select_n3A_2330, %mul3A_2332 : vector<16xi32>
      %swap3A_2334 = arith.constant 48 : index
      %swap3A_2335 = tpu.vector_load %arg17[%swap3A_2334] {strides = array<i32>} : memref<128xi32, #tpu.memory_space<vmem>>, vector<16xi32>,
      tpu.vector_store %arg17[%swap3A_2334], %mul3A_2333 {strides = array<i32>} : memref<128xi32, #tpu.memory_space<vmem>>, vector<16xi32>,
      %add3A_2336 = arith.constant 1 : i32
      %add3A_2337 = vector.broadcast %add3A_2336 : i32 to vector<16xi32>
      %add3A_2338 = arith.addi %mul3A_2333, %add3A_2337 : vector<16xi32>
      %swap3A_2339 = arith.constant 48 : index
      %swap3A_2340 = tpu.vector_load %arg18[%swap3A_2339] {strides = array<i32>} : memref<128xi32, #tpu.memory_space<vmem>>, vector<16xi32>,
      tpu.vector_store %arg18[%swap3A_2339], %add3A_2338 {strides = array<i32>} : memref<128xi32, #tpu.memory_space<vmem>>, vector<16xi32>,
      %add3A_2341 = arith.constant 2 : i32
      %add3A_2342 = vector.broadcast %add3A_2341 : i32 to vector<16xi32>
      %add3A_2343 = arith.addi %mul3A_2333, %add3A_2342 : vector<16xi32>
      %swap3A_2344 = arith.constant 48 : index
      %swap3A_2345 = tpu.vector_load %arg19[%swap3A_2344] {strides = array<i32>} : memref<128xi32, #tpu.memory_space<vmem>>, vector<16xi32>,
      tpu.vector_store %arg19[%swap3A_2344], %add3A_2343 {strides = array<i32>} : memref<128xi32, #tpu.memory_space<vmem>>, vector<16xi32>,
      %add3A_2346 = arith.constant 3 : i32
      %add3A_2347 = vector.broadcast %add3A_2346 : i32 to vector<16xi32>
      %add3A_2348 = arith.addi %mul3A_2333, %add3A_2347 : vector<16xi32>
      %swap3A_2349 = arith.constant 48 : index
      %swap3A_2350 = tpu.vector_load %arg20[%swap3A_2349] {strides = array<i32>} : memref<128xi32, #tpu.memory_space<vmem>>, vector<16xi32>,
      tpu.vector_store %arg20[%swap3A_2349], %add3A_2348 {strides = array<i32>} : memref<128xi32, #tpu.memory_space<vmem>>, vector<16xi32>,
      %add3A_2351 = arith.constant 48 : i32
      %add3A_2352 = arith.addi %mul3A_2092, %add3A_2351 : i32
      %add3A_2353 = vector.broadcast %add3A_2352 : i32 to vector<16xi32>
      %add3A_2354 = arith.addi %add3A_2353, %iota3A : vector<16xi32>
      %lt3A_2355 = vector.broadcast %reduce_max3A_1719 : i32 to vector<16xi32>
      %lt3A_2356 = arith.cmpi slt, %add3A_2354, %lt3A_2355 : vector<16xi32>
      %add3A_2357 = vector.broadcast %add3A_2049 : i32 to vector<16xi32>
      %add3A_2358 = arith.addi %add3A_2357, %add3A_2354 : vector<16xi32>
      %jit3A_2359 = arith.constant 4096 : i32
      %broadcast_in_dim3A_2360 = vector.broadcast %jit3A_2359 : i32 to vector<16xi32>
      %select_n3A_2361 = arith.select %lt3A_2356, %add3A_2358, %broadcast_in_dim3A_2360 : vector<16xi1>, vector<16xi32>
      %swap3A_2362 = arith.constant 48 : index
      %swap3A_2363 = tpu.vector_load %arg25[%swap3A_2362] {strides = array<i32>} : memref<128xi32, #tpu.memory_space<vmem>>, vector<16xi32>,
      tpu.vector_store %arg25[%swap3A_2362], %select_n3A_2361 {strides = array<i32>} : memref<128xi32, #tpu.memory_space<vmem>>, vector<16xi32>,
      %add3A_2364 = arith.constant 64 : i32
      %add3A_2365 = arith.addi %mul3A_2092, %add3A_2364 : i32
      %get3A_2366 = arith.index_cast %add3A_2365 : i32 to index
      %get3A_2367 = tpu.vector_load %arg13[%get3A_2366] {strides = array<i32>} : memref<2208xi32, #tpu.memory_space<vmem>>, vector<16xi32>,
      %jit3A_2368 = arith.constant 80 : i32
      %div3A_2369 = vector.broadcast %jit3A_2368 : i32 to vector<16xi32>
      %div3A_2370 = arith.divsi %get3A_2367, %div3A_2369 : vector<16xi32>
      %sign3A_2371 = arith.constant 0 : i32
      %sign3A_2372 = vector.broadcast %sign3A_2371 : i32 to vector<16xi32>
      %sign3A_2373 = arith.cmpi sgt, %get3A_2367, %sign3A_2372 : vector<16xi32>
      %sign3A_2374 = arith.extui %sign3A_2373 : vector<16xi1> to vector<16xi32>
      %sign3A_2375 = arith.constant 0 : i32
      %sign3A_2376 = vector.broadcast %sign3A_2375 : i32 to vector<16xi32>
      %sign3A_2377 = arith.cmpi slt, %get3A_2367, %sign3A_2376 : vector<16xi32>
      %sign3A_2378 = arith.extui %sign3A_2377 : vector<16xi1> to vector<16xi32>
      %sign3A_2379 = arith.subi %sign3A_2374, %sign3A_2378 : vector<16xi32>
      %sign3A_2380 = arith.constant 0 : i32
      %sign3A_2381 = arith.cmpi sgt, %jit3A_2368, %sign3A_2380 : i32
      %sign3A_2382 = arith.extui %sign3A_2381 : i1 to i32
      %sign3A_2383 = arith.constant 0 : i32
      %sign3A_2384 = arith.cmpi slt, %jit3A_2368, %sign3A_2383 : i32
      %sign3A_2385 = arith.extui %sign3A_2384 : i1 to i32
      %sign3A_2386 = arith.subi %sign3A_2382, %sign3A_2385 : i32
      %ne3A_2387 = vector.broadcast %sign3A_2386 : i32 to vector<16xi32>
      %ne3A_2388 = arith.cmpi ne, %sign3A_2379, %ne3A_2387 : vector<16xi32>
      %rem3A_2389 = vector.broadcast %jit3A_2368 : i32 to vector<16xi32>
      %rem3A_2390 = arith.remsi %get3A_2367, %rem3A_2389 : vector<16xi32>
      %ne3A_2391 = arith.constant 0 : i32
      %ne3A_2392 = vector.broadcast %ne3A_2391 : i32 to vector<16xi32>
      %ne3A_2393 = arith.cmpi ne, %rem3A_2390, %ne3A_2392 : vector<16xi32>
      %and3A_2394 = arith.andi %ne3A_2388, %ne3A_2393 : vector<16xi1>
      %sub3A_2395 = arith.constant 1 : i32
      %sub3A_2396 = vector.broadcast %sub3A_2395 : i32 to vector<16xi32>
      %sub3A_2397 = arith.subi %div3A_2370, %sub3A_2396 : vector<16xi32>
      %select_n3A_2398 = arith.select %and3A_2394, %sub3A_2397, %div3A_2370 : vector<16xi1>, vector<16xi32>
      %mul3A_2399 = arith.constant 4 : i32
      %mul3A_2400 = vector.broadcast %mul3A_2399 : i32 to vector<16xi32>
      %mul3A_2401 = arith.muli %select_n3A_2398, %mul3A_2400 : vector<16xi32>
      %swap3A_2402 = arith.constant 64 : index
      %swap3A_2403 = tpu.vector_load %arg17[%swap3A_2402] {strides = array<i32>} : memref<128xi32, #tpu.memory_space<vmem>>, vector<16xi32>,
      tpu.vector_store %arg17[%swap3A_2402], %mul3A_2401 {strides = array<i32>} : memref<128xi32, #tpu.memory_space<vmem>>, vector<16xi32>,
      %add3A_2404 = arith.constant 1 : i32
      %add3A_2405 = vector.broadcast %add3A_2404 : i32 to vector<16xi32>
      %add3A_2406 = arith.addi %mul3A_2401, %add3A_2405 : vector<16xi32>
      %swap3A_2407 = arith.constant 64 : index
      %swap3A_2408 = tpu.vector_load %arg18[%swap3A_2407] {strides = array<i32>} : memref<128xi32, #tpu.memory_space<vmem>>, vector<16xi32>,
      tpu.vector_store %arg18[%swap3A_2407], %add3A_2406 {strides = array<i32>} : memref<128xi32, #tpu.memory_space<vmem>>, vector<16xi32>,
      %add3A_2409 = arith.constant 2 : i32
      %add3A_2410 = vector.broadcast %add3A_2409 : i32 to vector<16xi32>
      %add3A_2411 = arith.addi %mul3A_2401, %add3A_2410 : vector<16xi32>
      %swap3A_2412 = arith.constant 64 : index
      %swap3A_2413 = tpu.vector_load %arg19[%swap3A_2412] {strides = array<i32>} : memref<128xi32, #tpu.memory_space<vmem>>, vector<16xi32>,
      tpu.vector_store %arg19[%swap3A_2412], %add3A_2411 {strides = array<i32>} : memref<128xi32, #tpu.memory_space<vmem>>, vector<16xi32>,
      %add3A_2414 = arith.constant 3 : i32
      %add3A_2415 = vector.broadcast %add3A_2414 : i32 to vector<16xi32>
      %add3A_2416 = arith.addi %mul3A_2401, %add3A_2415 : vector<16xi32>
      %swap3A_2417 = arith.constant 64 : index
      %swap3A_2418 = tpu.vector_load %arg20[%swap3A_2417] {strides = array<i32>} : memref<128xi32, #tpu.memory_space<vmem>>, vector<16xi32>,
      tpu.vector_store %arg20[%swap3A_2417], %add3A_2416 {strides = array<i32>} : memref<128xi32, #tpu.memory_space<vmem>>, vector<16xi32>,
      %add3A_2419 = arith.constant 64 : i32
      %add3A_2420 = arith.addi %mul3A_2092, %add3A_2419 : i32
      %add3A_2421 = vector.broadcast %add3A_2420 : i32 to vector<16xi32>
      %add3A_2422 = arith.addi %add3A_2421, %iota3A : vector<16xi32>
      %lt3A_2423 = vector.broadcast %reduce_max3A_1719 : i32 to vector<16xi32>
      %lt3A_2424 = arith.cmpi slt, %add3A_2422, %lt3A_2423 : vector<16xi32>
      %add3A_2425 = vector.broadcast %add3A_2049 : i32 to vector<16xi32>
      %add3A_2426 = arith.addi %add3A_2425, %add3A_2422 : vector<16xi32>
      %jit3A_2427 = arith.constant 4096 : i32
      %broadcast_in_dim3A_2428 = vector.broadcast %jit3A_2427 : i32 to vector<16xi32>
      %select_n3A_2429 = arith.select %lt3A_2424, %add3A_2426, %broadcast_in_dim3A_2428 : vector<16xi1>, vector<16xi32>
      %swap3A_2430 = arith.constant 64 : index
      %swap3A_2431 = tpu.vector_load %arg25[%swap3A_2430] {strides = array<i32>} : memref<128xi32, #tpu.memory_space<vmem>>, vector<16xi32>,
      tpu.vector_store %arg25[%swap3A_2430], %select_n3A_2429 {strides = array<i32>} : memref<128xi32, #tpu.memory_space<vmem>>, vector<16xi32>,
      %add3A_2432 = arith.constant 80 : i32
      %add3A_2433 = arith.addi %mul3A_2092, %add3A_2432 : i32
      %get3A_2434 = arith.index_cast %add3A_2433 : i32 to index
      %get3A_2435 = tpu.vector_load %arg13[%get3A_2434] {strides = array<i32>} : memref<2208xi32, #tpu.memory_space<vmem>>, vector<16xi32>,
      %jit3A_2436 = arith.constant 80 : i32
      %div3A_2437 = vector.broadcast %jit3A_2436 : i32 to vector<16xi32>
      %div3A_2438 = arith.divsi %get3A_2435, %div3A_2437 : vector<16xi32>
      %sign3A_2439 = arith.constant 0 : i32
      %sign3A_2440 = vector.broadcast %sign3A_2439 : i32 to vector<16xi32>
      %sign3A_2441 = arith.cmpi sgt, %get3A_2435, %sign3A_2440 : vector<16xi32>
      %sign3A_2442 = arith.extui %sign3A_2441 : vector<16xi1> to vector<16xi32>
      %sign3A_2443 = arith.constant 0 : i32
      %sign3A_2444 = vector.broadcast %sign3A_2443 : i32 to vector<16xi32>
      %sign3A_2445 = arith.cmpi slt, %get3A_2435, %sign3A_2444 : vector<16xi32>
      %sign3A_2446 = arith.extui %sign3A_2445 : vector<16xi1> to vector<16xi32>
      %sign3A_2447 = arith.subi %sign3A_2442, %sign3A_2446 : vector<16xi32>
      %sign3A_2448 = arith.constant 0 : i32
      %sign3A_2449 = arith.cmpi sgt, %jit3A_2436, %sign3A_2448 : i32
      %sign3A_2450 = arith.extui %sign3A_2449 : i1 to i32
      %sign3A_2451 = arith.constant 0 : i32
      %sign3A_2452 = arith.cmpi slt, %jit3A_2436, %sign3A_2451 : i32
      %sign3A_2453 = arith.extui %sign3A_2452 : i1 to i32
      %sign3A_2454 = arith.subi %sign3A_2450, %sign3A_2453 : i32
      %ne3A_2455 = vector.broadcast %sign3A_2454 : i32 to vector<16xi32>
      %ne3A_2456 = arith.cmpi ne, %sign3A_2447, %ne3A_2455 : vector<16xi32>
      %rem3A_2457 = vector.broadcast %jit3A_2436 : i32 to vector<16xi32>
      %rem3A_2458 = arith.remsi %get3A_2435, %rem3A_2457 : vector<16xi32>
      %ne3A_2459 = arith.constant 0 : i32
      %ne3A_2460 = vector.broadcast %ne3A_2459 : i32 to vector<16xi32>
      %ne3A_2461 = arith.cmpi ne, %rem3A_2458, %ne3A_2460 : vector<16xi32>
      %and3A_2462 = arith.andi %ne3A_2456, %ne3A_2461 : vector<16xi1>
      %sub3A_2463 = arith.constant 1 : i32
      %sub3A_2464 = vector.broadcast %sub3A_2463 : i32 to vector<16xi32>
      %sub3A_2465 = arith.subi %div3A_2438, %sub3A_2464 : vector<16xi32>
      %select_n3A_2466 = arith.select %and3A_2462, %sub3A_2465, %div3A_2438 : vector<16xi1>, vector<16xi32>
      %mul3A_2467 = arith.constant 4 : i32
      %mul3A_2468 = vector.broadcast %mul3A_2467 : i32 to vector<16xi32>
      %mul3A_2469 = arith.muli %select_n3A_2466, %mul3A_2468 : vector<16xi32>
      %swap3A_2470 = arith.constant 80 : index
      %swap3A_2471 = tpu.vector_load %arg17[%swap3A_2470] {strides = array<i32>} : memref<128xi32, #tpu.memory_space<vmem>>, vector<16xi32>,
      tpu.vector_store %arg17[%swap3A_2470], %mul3A_2469 {strides = array<i32>} : memref<128xi32, #tpu.memory_space<vmem>>, vector<16xi32>,
      %add3A_2472 = arith.constant 1 : i32
      %add3A_2473 = vector.broadcast %add3A_2472 : i32 to vector<16xi32>
      %add3A_2474 = arith.addi %mul3A_2469, %add3A_2473 : vector<16xi32>
      %swap3A_2475 = arith.constant 80 : index
      %swap3A_2476 = tpu.vector_load %arg18[%swap3A_2475] {strides = array<i32>} : memref<128xi32, #tpu.memory_space<vmem>>, vector<16xi32>,
      tpu.vector_store %arg18[%swap3A_2475], %add3A_2474 {strides = array<i32>} : memref<128xi32, #tpu.memory_space<vmem>>, vector<16xi32>,
      %add3A_2477 = arith.constant 2 : i32
      %add3A_2478 = vector.broadcast %add3A_2477 : i32 to vector<16xi32>
      %add3A_2479 = arith.addi %mul3A_2469, %add3A_2478 : vector<16xi32>
      %swap3A_2480 = arith.constant 80 : index
      %swap3A_2481 = tpu.vector_load %arg19[%swap3A_2480] {strides = array<i32>} : memref<128xi32, #tpu.memory_space<vmem>>, vector<16xi32>,
      tpu.vector_store %arg19[%swap3A_2480], %add3A_2479 {strides = array<i32>} : memref<128xi32, #tpu.memory_space<vmem>>, vector<16xi32>,
      %add3A_2482 = arith.constant 3 : i32
      %add3A_2483 = vector.broadcast %add3A_2482 : i32 to vector<16xi32>
      %add3A_2484 = arith.addi %mul3A_2469, %add3A_2483 : vector<16xi32>
      %swap3A_2485 = arith.constant 80 : index
      %swap3A_2486 = tpu.vector_load %arg20[%swap3A_2485] {strides = array<i32>} : memref<128xi32, #tpu.memory_space<vmem>>, vector<16xi32>,
      tpu.vector_store %arg20[%swap3A_2485], %add3A_2484 {strides = array<i32>} : memref<128xi32, #tpu.memory_space<vmem>>, vector<16xi32>,
      %add3A_2487 = arith.constant 80 : i32
      %add3A_2488 = arith.addi %mul3A_2092, %add3A_2487 : i32
      %add3A_2489 = vector.broadcast %add3A_2488 : i32 to vector<16xi32>
      %add3A_2490 = arith.addi %add3A_2489, %iota3A : vector<16xi32>
      %lt3A_2491 = vector.broadcast %reduce_max3A_1719 : i32 to vector<16xi32>
      %lt3A_2492 = arith.cmpi slt, %add3A_2490, %lt3A_2491 : vector<16xi32>
      %add3A_2493 = vector.broadcast %add3A_2049 : i32 to vector<16xi32>
      %add3A_2494 = arith.addi %add3A_2493, %add3A_2490 : vector<16xi32>
      %jit3A_2495 = arith.constant 4096 : i32
      %broadcast_in_dim3A_2496 = vector.broadcast %jit3A_2495 : i32 to vector<16xi32>
      %select_n3A_2497 = arith.select %lt3A_2492, %add3A_2494, %broadcast_in_dim3A_2496 : vector<16xi1>, vector<16xi32>
      %swap3A_2498 = arith.constant 80 : index
      %swap3A_2499 = tpu.vector_load %arg25[%swap3A_2498] {strides = array<i32>} : memref<128xi32, #tpu.memory_space<vmem>>, vector<16xi32>,
      tpu.vector_store %arg25[%swap3A_2498], %select_n3A_2497 {strides = array<i32>} : memref<128xi32, #tpu.memory_space<vmem>>, vector<16xi32>,
      %add3A_2500 = arith.constant 96 : i32
      %add3A_2501 = arith.addi %mul3A_2092, %add3A_2500 : i32
      %get3A_2502 = arith.index_cast %add3A_2501 : i32 to index
      %get3A_2503 = tpu.vector_load %arg13[%get3A_2502] {strides = array<i32>} : memref<2208xi32, #tpu.memory_space<vmem>>, vector<16xi32>,
      %jit3A_2504 = arith.constant 80 : i32
      %div3A_2505 = vector.broadcast %jit3A_2504 : i32 to vector<16xi32>
      %div3A_2506 = arith.divsi %get3A_2503, %div3A_2505 : vector<16xi32>
      %sign3A_2507 = arith.constant 0 : i32
      %sign3A_2508 = vector.broadcast %sign3A_2507 : i32 to vector<16xi32>
      %sign3A_2509 = arith.cmpi sgt, %get3A_2503, %sign3A_2508 : vector<16xi32>
      %sign3A_2510 = arith.extui %sign3A_2509 : vector<16xi1> to vector<16xi32>
      %sign3A_2511 = arith.constant 0 : i32
      %sign3A_2512 = vector.broadcast %sign3A_2511 : i32 to vector<16xi32>
      %sign3A_2513 = arith.cmpi slt, %get3A_2503, %sign3A_2512 : vector<16xi32>
      %sign3A_2514 = arith.extui %sign3A_2513 : vector<16xi1> to vector<16xi32>
      %sign3A_2515 = arith.subi %sign3A_2510, %sign3A_2514 : vector<16xi32>
      %sign3A_2516 = arith.constant 0 : i32
      %sign3A_2517 = arith.cmpi sgt, %jit3A_2504, %sign3A_2516 : i32
      %sign3A_2518 = arith.extui %sign3A_2517 : i1 to i32
      %sign3A_2519 = arith.constant 0 : i32
      %sign3A_2520 = arith.cmpi slt, %jit3A_2504, %sign3A_2519 : i32
      %sign3A_2521 = arith.extui %sign3A_2520 : i1 to i32
      %sign3A_2522 = arith.subi %sign3A_2518, %sign3A_2521 : i32
      %ne3A_2523 = vector.broadcast %sign3A_2522 : i32 to vector<16xi32>
      %ne3A_2524 = arith.cmpi ne, %sign3A_2515, %ne3A_2523 : vector<16xi32>
      %rem3A_2525 = vector.broadcast %jit3A_2504 : i32 to vector<16xi32>
      %rem3A_2526 = arith.remsi %get3A_2503, %rem3A_2525 : vector<16xi32>
      %ne3A_2527 = arith.constant 0 : i32
      %ne3A_2528 = vector.broadcast %ne3A_2527 : i32 to vector<16xi32>
      %ne3A_2529 = arith.cmpi ne, %rem3A_2526, %ne3A_2528 : vector<16xi32>
      %and3A_2530 = arith.andi %ne3A_2524, %ne3A_2529 : vector<16xi1>
      %sub3A_2531 = arith.constant 1 : i32
      %sub3A_2532 = vector.broadcast %sub3A_2531 : i32 to vector<16xi32>
      %sub3A_2533 = arith.subi %div3A_2506, %sub3A_2532 : vector<16xi32>
      %select_n3A_2534 = arith.select %and3A_2530, %sub3A_2533, %div3A_2506 : vector<16xi1>, vector<16xi32>
      %mul3A_2535 = arith.constant 4 : i32
      %mul3A_2536 = vector.broadcast %mul3A_2535 : i32 to vector<16xi32>
      %mul3A_2537 = arith.muli %select_n3A_2534, %mul3A_2536 : vector<16xi32>
      %swap3A_2538 = arith.constant 96 : index
      %swap3A_2539 = tpu.vector_load %arg17[%swap3A_2538] {strides = array<i32>} : memref<128xi32, #tpu.memory_space<vmem>>, vector<16xi32>,
      tpu.vector_store %arg17[%swap3A_2538], %mul3A_2537 {strides = array<i32>} : memref<128xi32, #tpu.memory_space<vmem>>, vector<16xi32>,
      %add3A_2540 = arith.constant 1 : i32
      %add3A_2541 = vector.broadcast %add3A_2540 : i32 to vector<16xi32>
      %add3A_2542 = arith.addi %mul3A_2537, %add3A_2541 : vector<16xi32>
      %swap3A_2543 = arith.constant 96 : index
      %swap3A_2544 = tpu.vector_load %arg18[%swap3A_2543] {strides = array<i32>} : memref<128xi32, #tpu.memory_space<vmem>>, vector<16xi32>,
      tpu.vector_store %arg18[%swap3A_2543], %add3A_2542 {strides = array<i32>} : memref<128xi32, #tpu.memory_space<vmem>>, vector<16xi32>,
      %add3A_2545 = arith.constant 2 : i32
      %add3A_2546 = vector.broadcast %add3A_2545 : i32 to vector<16xi32>
      %add3A_2547 = arith.addi %mul3A_2537, %add3A_2546 : vector<16xi32>
      %swap3A_2548 = arith.constant 96 : index
      %swap3A_2549 = tpu.vector_load %arg19[%swap3A_2548] {strides = array<i32>} : memref<128xi32, #tpu.memory_space<vmem>>, vector<16xi32>,
      tpu.vector_store %arg19[%swap3A_2548], %add3A_2547 {strides = array<i32>} : memref<128xi32, #tpu.memory_space<vmem>>, vector<16xi32>,
      %add3A_2550 = arith.constant 3 : i32
      %add3A_2551 = vector.broadcast %add3A_2550 : i32 to vector<16xi32>
      %add3A_2552 = arith.addi %mul3A_2537, %add3A_2551 : vector<16xi32>
      %swap3A_2553 = arith.constant 96 : index
      %swap3A_2554 = tpu.vector_load %arg20[%swap3A_2553] {strides = array<i32>} : memref<128xi32, #tpu.memory_space<vmem>>, vector<16xi32>,
      tpu.vector_store %arg20[%swap3A_2553], %add3A_2552 {strides = array<i32>} : memref<128xi32, #tpu.memory_space<vmem>>, vector<16xi32>,
      %add3A_2555 = arith.constant 96 : i32
      %add3A_2556 = arith.addi %mul3A_2092, %add3A_2555 : i32
      %add3A_2557 = vector.broadcast %add3A_2556 : i32 to vector<16xi32>
      %add3A_2558 = arith.addi %add3A_2557, %iota3A : vector<16xi32>
      %lt3A_2559 = vector.broadcast %reduce_max3A_1719 : i32 to vector<16xi32>
      %lt3A_2560 = arith.cmpi slt, %add3A_2558, %lt3A_2559 : vector<16xi32>
      %add3A_2561 = vector.broadcast %add3A_2049 : i32 to vector<16xi32>
      %add3A_2562 = arith.addi %add3A_2561, %add3A_2558 : vector<16xi32>
      %jit3A_2563 = arith.constant 4096 : i32
      %broadcast_in_dim3A_2564 = vector.broadcast %jit3A_2563 : i32 to vector<16xi32>
      %select_n3A_2565 = arith.select %lt3A_2560, %add3A_2562, %broadcast_in_dim3A_2564 : vector<16xi1>, vector<16xi32>
      %swap3A_2566 = arith.constant 96 : index
      %swap3A_2567 = tpu.vector_load %arg25[%swap3A_2566] {strides = array<i32>} : memref<128xi32, #tpu.memory_space<vmem>>, vector<16xi32>,
      tpu.vector_store %arg25[%swap3A_2566], %select_n3A_2565 {strides = array<i32>} : memref<128xi32, #tpu.memory_space<vmem>>, vector<16xi32>,
      %add3A_2568 = arith.constant 112 : i32
      %add3A_2569 = arith.addi %mul3A_2092, %add3A_2568 : i32
      %get3A_2570 = arith.index_cast %add3A_2569 : i32 to index
      %get3A_2571 = tpu.vector_load %arg13[%get3A_2570] {strides = array<i32>} : memref<2208xi32, #tpu.memory_space<vmem>>, vector<16xi32>,
      %jit3A_2572 = arith.constant 80 : i32
      %div3A_2573 = vector.broadcast %jit3A_2572 : i32 to vector<16xi32>
      %div3A_2574 = arith.divsi %get3A_2571, %div3A_2573 : vector<16xi32>
      %sign3A_2575 = arith.constant 0 : i32
      %sign3A_2576 = vector.broadcast %sign3A_2575 : i32 to vector<16xi32>
      %sign3A_2577 = arith.cmpi sgt, %get3A_2571, %sign3A_2576 : vector<16xi32>
      %sign3A_2578 = arith.extui %sign3A_2577 : vector<16xi1> to vector<16xi32>
      %sign3A_2579 = arith.constant 0 : i32
      %sign3A_2580 = vector.broadcast %sign3A_2579 : i32 to vector<16xi32>
      %sign3A_2581 = arith.cmpi slt, %get3A_2571, %sign3A_2580 : vector<16xi32>
      %sign3A_2582 = arith.extui %sign3A_2581 : vector<16xi1> to vector<16xi32>
      %sign3A_2583 = arith.subi %sign3A_2578, %sign3A_2582 : vector<16xi32>
      %sign3A_2584 = arith.constant 0 : i32
      %sign3A_2585 = arith.cmpi sgt, %jit3A_2572, %sign3A_2584 : i32
      %sign3A_2586 = arith.extui %sign3A_2585 : i1 to i32
      %sign3A_2587 = arith.constant 0 : i32
      %sign3A_2588 = arith.cmpi slt, %jit3A_2572, %sign3A_2587 : i32
      %sign3A_2589 = arith.extui %sign3A_2588 : i1 to i32
      %sign3A_2590 = arith.subi %sign3A_2586, %sign3A_2589 : i32
      %ne3A_2591 = vector.broadcast %sign3A_2590 : i32 to vector<16xi32>
      %ne3A_2592 = arith.cmpi ne, %sign3A_2583, %ne3A_2591 : vector<16xi32>
      %rem3A_2593 = vector.broadcast %jit3A_2572 : i32 to vector<16xi32>
      %rem3A_2594 = arith.remsi %get3A_2571, %rem3A_2593 : vector<16xi32>
      %ne3A_2595 = arith.constant 0 : i32
      %ne3A_2596 = vector.broadcast %ne3A_2595 : i32 to vector<16xi32>
      %ne3A_2597 = arith.cmpi ne, %rem3A_2594, %ne3A_2596 : vector<16xi32>
      %and3A_2598 = arith.andi %ne3A_2592, %ne3A_2597 : vector<16xi1>
      %sub3A_2599 = arith.constant 1 : i32
      %sub3A_2600 = vector.broadcast %sub3A_2599 : i32 to vector<16xi32>
      %sub3A_2601 = arith.subi %div3A_2574, %sub3A_2600 : vector<16xi32>
      %select_n3A_2602 = arith.select %and3A_2598, %sub3A_2601, %div3A_2574 : vector<16xi1>, vector<16xi32>
      %mul3A_2603 = arith.constant 4 : i32
      %mul3A_2604 = vector.broadcast %mul3A_2603 : i32 to vector<16xi32>
      %mul3A_2605 = arith.muli %select_n3A_2602, %mul3A_2604 : vector<16xi32>
      %swap3A_2606 = arith.constant 112 : index
      %swap3A_2607 = tpu.vector_load %arg17[%swap3A_2606] {strides = array<i32>} : memref<128xi32, #tpu.memory_space<vmem>>, vector<16xi32>,
      tpu.vector_store %arg17[%swap3A_2606], %mul3A_2605 {strides = array<i32>} : memref<128xi32, #tpu.memory_space<vmem>>, vector<16xi32>,
      %add3A_2608 = arith.constant 1 : i32
      %add3A_2609 = vector.broadcast %add3A_2608 : i32 to vector<16xi32>
      %add3A_2610 = arith.addi %mul3A_2605, %add3A_2609 : vector<16xi32>
      %swap3A_2611 = arith.constant 112 : index
      %swap3A_2612 = tpu.vector_load %arg18[%swap3A_2611] {strides = array<i32>} : memref<128xi32, #tpu.memory_space<vmem>>, vector<16xi32>,
      tpu.vector_store %arg18[%swap3A_2611], %add3A_2610 {strides = array<i32>} : memref<128xi32, #tpu.memory_space<vmem>>, vector<16xi32>,
      %add3A_2613 = arith.constant 2 : i32
      %add3A_2614 = vector.broadcast %add3A_2613 : i32 to vector<16xi32>
      %add3A_2615 = arith.addi %mul3A_2605, %add3A_2614 : vector<16xi32>
      %swap3A_2616 = arith.constant 112 : index
      %swap3A_2617 = tpu.vector_load %arg19[%swap3A_2616] {strides = array<i32>} : memref<128xi32, #tpu.memory_space<vmem>>, vector<16xi32>,
      tpu.vector_store %arg19[%swap3A_2616], %add3A_2615 {strides = array<i32>} : memref<128xi32, #tpu.memory_space<vmem>>, vector<16xi32>,
      %add3A_2618 = arith.constant 3 : i32
      %add3A_2619 = vector.broadcast %add3A_2618 : i32 to vector<16xi32>
      %add3A_2620 = arith.addi %mul3A_2605, %add3A_2619 : vector<16xi32>
      %swap3A_2621 = arith.constant 112 : index
      %swap3A_2622 = tpu.vector_load %arg20[%swap3A_2621] {strides = array<i32>} : memref<128xi32, #tpu.memory_space<vmem>>, vector<16xi32>,
      tpu.vector_store %arg20[%swap3A_2621], %add3A_2620 {strides = array<i32>} : memref<128xi32, #tpu.memory_space<vmem>>, vector<16xi32>,
      %add3A_2623 = arith.constant 112 : i32
      %add3A_2624 = arith.addi %mul3A_2092, %add3A_2623 : i32
      %add3A_2625 = vector.broadcast %add3A_2624 : i32 to vector<16xi32>
      %add3A_2626 = arith.addi %add3A_2625, %iota3A : vector<16xi32>
      %lt3A_2627 = vector.broadcast %reduce_max3A_1719 : i32 to vector<16xi32>
      %lt3A_2628 = arith.cmpi slt, %add3A_2626, %lt3A_2627 : vector<16xi32>
      %add3A_2629 = vector.broadcast %add3A_2049 : i32 to vector<16xi32>
      %add3A_2630 = arith.addi %add3A_2629, %add3A_2626 : vector<16xi32>
      %jit3A_2631 = arith.constant 4096 : i32
      %broadcast_in_dim3A_2632 = vector.broadcast %jit3A_2631 : i32 to vector<16xi32>
      %select_n3A_2633 = arith.select %lt3A_2628, %add3A_2630, %broadcast_in_dim3A_2632 : vector<16xi1>, vector<16xi32>
      %swap3A_2634 = arith.constant 112 : index
      %swap3A_2635 = tpu.vector_load %arg25[%swap3A_2634] {strides = array<i32>} : memref<128xi32, #tpu.memory_space<vmem>>, vector<16xi32>,
      tpu.vector_store %arg25[%swap3A_2634], %select_n3A_2633 {strides = array<i32>} : memref<128xi32, #tpu.memory_space<vmem>>, vector<16xi32>,
      %dma_start3A = arith.constant 0 : i32
      %dma_start3A_2636 = tpu.memref_slice %arg3[%dma_start3A] : memref<80000xf32, #tpu.memory_space<hbm>> -> memref<80000xf32, #tpu.memory_space<hbm>>
      tpu.enqueue_indirect_dma source(%dma_start3A_2636 : memref<80000xf32, #tpu.memory_space<hbm>>) target(%arg21 : memref<128xf32, #tpu.memory_space<vmem>>) offsets(%arg17 : memref<128xi32, #tpu.memory_space<vmem>>) semaphore(%arg32 : memref<!tpu.dma_semaphore, #tpu.memory_space<semaphore_mem>>)
      %dma_start3A_2637 = arith.constant 0 : i32
      %dma_start3A_2638 = tpu.memref_slice %arg3[%dma_start3A_2637] : memref<80000xf32, #tpu.memory_space<hbm>> -> memref<80000xf32, #tpu.memory_space<hbm>>
      tpu.enqueue_indirect_dma source(%dma_start3A_2638 : memref<80000xf32, #tpu.memory_space<hbm>>) target(%arg22 : memref<128xf32, #tpu.memory_space<vmem>>) offsets(%arg18 : memref<128xi32, #tpu.memory_space<vmem>>) semaphore(%arg32 : memref<!tpu.dma_semaphore, #tpu.memory_space<semaphore_mem>>)
      %dma_start3A_2639 = arith.constant 0 : i32
      %dma_start3A_2640 = tpu.memref_slice %arg3[%dma_start3A_2639] : memref<80000xf32, #tpu.memory_space<hbm>> -> memref<80000xf32, #tpu.memory_space<hbm>>
      tpu.enqueue_indirect_dma source(%dma_start3A_2640 : memref<80000xf32, #tpu.memory_space<hbm>>) target(%arg23 : memref<128xf32, #tpu.memory_space<vmem>>) offsets(%arg19 : memref<128xi32, #tpu.memory_space<vmem>>) semaphore(%arg32 : memref<!tpu.dma_semaphore, #tpu.memory_space<semaphore_mem>>)
      %dma_start3A_2641 = arith.constant 0 : i32
      %dma_start3A_2642 = tpu.memref_slice %arg3[%dma_start3A_2641] : memref<80000xf32, #tpu.memory_space<hbm>> -> memref<80000xf32, #tpu.memory_space<hbm>>
      tpu.enqueue_indirect_dma source(%dma_start3A_2642 : memref<80000xf32, #tpu.memory_space<hbm>>) target(%arg24 : memref<128xf32, #tpu.memory_space<vmem>>) offsets(%arg20 : memref<128xi32, #tpu.memory_space<vmem>>) semaphore(%arg32 : memref<!tpu.dma_semaphore, #tpu.memory_space<semaphore_mem>>)
      %dma_wait3A = arith.constant 0 : i32
      %dma_wait3A_2643 = tpu.memref_slice %arg3[%dma_wait3A] : memref<80000xf32, #tpu.memory_space<hbm>> -> memref<80000xf32, #tpu.memory_space<hbm>>
      tpu.wait_indirect_dma semaphore(%arg32 : memref<!tpu.dma_semaphore, #tpu.memory_space<semaphore_mem>>) src(%dma_wait3A_2643 : memref<80000xf32, #tpu.memory_space<hbm>>) dst(%arg21 : memref<128xf32, #tpu.memory_space<vmem>>)
      %dma_wait3A_2644 = arith.constant 0 : i32
      %dma_wait3A_2645 = tpu.memref_slice %arg3[%dma_wait3A_2644] : memref<80000xf32, #tpu.memory_space<hbm>> -> memref<80000xf32, #tpu.memory_space<hbm>>
      tpu.wait_indirect_dma semaphore(%arg32 : memref<!tpu.dma_semaphore, #tpu.memory_space<semaphore_mem>>) src(%dma_wait3A_2645 : memref<80000xf32, #tpu.memory_space<hbm>>) dst(%arg22 : memref<128xf32, #tpu.memory_space<vmem>>)
      %dma_wait3A_2646 = arith.constant 0 : i32
      %dma_wait3A_2647 = tpu.memref_slice %arg3[%dma_wait3A_2646] : memref<80000xf32, #tpu.memory_space<hbm>> -> memref<80000xf32, #tpu.memory_space<hbm>>
      tpu.wait_indirect_dma semaphore(%arg32 : memref<!tpu.dma_semaphore, #tpu.memory_space<semaphore_mem>>) src(%dma_wait3A_2647 : memref<80000xf32, #tpu.memory_space<hbm>>) dst(%arg23 : memref<128xf32, #tpu.memory_space<vmem>>)
      %dma_wait3A_2648 = arith.constant 0 : i32
      %dma_wait3A_2649 = tpu.memref_slice %arg3[%dma_wait3A_2648] : memref<80000xf32, #tpu.memory_space<hbm>> -> memref<80000xf32, #tpu.memory_space<hbm>>
      tpu.wait_indirect_dma semaphore(%arg32 : memref<!tpu.dma_semaphore, #tpu.memory_space<semaphore_mem>>) src(%dma_wait3A_2649 : memref<80000xf32, #tpu.memory_space<hbm>>) dst(%arg24 : memref<128xf32, #tpu.memory_space<vmem>>)
      %dma_start3A_2650 = tpu.memref_slice %arg12[%mul3A_2092] : memref<2208xf32, #tpu.memory_space<vmem>> -> memref<128xf32, #tpu.memory_space<vmem>>
      %dma_start3A_2651 = arith.constant 0 : i32
      %dma_start3A_2652 = tpu.memref_slice %arg4[%dma_start3A_2651] : memref<4104xf32, #tpu.memory_space<hbm>> -> memref<4104xf32, #tpu.memory_space<hbm>>
      tpu.enqueue_indirect_dma source(%dma_start3A_2650 : memref<128xf32, #tpu.memory_space<vmem>>) target(%dma_start3A_2652 : memref<4104xf32, #tpu.memory_space<hbm>>) offsets(%arg25 : memref<128xi32, #tpu.memory_space<vmem>>) semaphore(%arg32 : memref<!tpu.dma_semaphore, #tpu.memory_space<semaphore_mem>>)
      %dma_start3A_2653 = tpu.memref_slice %arg13[%mul3A_2092] : memref<2208xi32, #tpu.memory_space<vmem>> -> memref<128xi32, #tpu.memory_space<vmem>>
      %dma_start3A_2654 = arith.constant 0 : i32
      %dma_start3A_2655 = tpu.memref_slice %arg5[%dma_start3A_2654] : memref<4104xi32, #tpu.memory_space<hbm>> -> memref<4104xi32, #tpu.memory_space<hbm>>
      tpu.enqueue_indirect_dma source(%dma_start3A_2653 : memref<128xi32, #tpu.memory_space<vmem>>) target(%dma_start3A_2655 : memref<4104xi32, #tpu.memory_space<hbm>>) offsets(%arg25 : memref<128xi32, #tpu.memory_space<vmem>>) semaphore(%arg32 : memref<!tpu.dma_semaphore, #tpu.memory_space<semaphore_mem>>)
      %dma_start3A_2656 = arith.constant 0 : i32
      %dma_start3A_2657 = tpu.memref_slice %arg6[%dma_start3A_2656] : memref<4104xf32, #tpu.memory_space<hbm>> -> memref<4104xf32, #tpu.memory_space<hbm>>
      tpu.enqueue_indirect_dma source(%arg21 : memref<128xf32, #tpu.memory_space<vmem>>) target(%dma_start3A_2657 : memref<4104xf32, #tpu.memory_space<hbm>>) offsets(%arg25 : memref<128xi32, #tpu.memory_space<vmem>>) semaphore(%arg32 : memref<!tpu.dma_semaphore, #tpu.memory_space<semaphore_mem>>)
      %dma_start3A_2658 = arith.constant 0 : i32
      %dma_start3A_2659 = tpu.memref_slice %arg7[%dma_start3A_2658] : memref<4104xf32, #tpu.memory_space<hbm>> -> memref<4104xf32, #tpu.memory_space<hbm>>
      tpu.enqueue_indirect_dma source(%arg22 : memref<128xf32, #tpu.memory_space<vmem>>) target(%dma_start3A_2659 : memref<4104xf32, #tpu.memory_space<hbm>>) offsets(%arg25 : memref<128xi32, #tpu.memory_space<vmem>>) semaphore(%arg32 : memref<!tpu.dma_semaphore, #tpu.memory_space<semaphore_mem>>)
      %dma_start3A_2660 = arith.constant 0 : i32
      %dma_start3A_2661 = tpu.memref_slice %arg8[%dma_start3A_2660] : memref<4104xf32, #tpu.memory_space<hbm>> -> memref<4104xf32, #tpu.memory_space<hbm>>
      tpu.enqueue_indirect_dma source(%arg23 : memref<128xf32, #tpu.memory_space<vmem>>) target(%dma_start3A_2661 : memref<4104xf32, #tpu.memory_space<hbm>>) offsets(%arg25 : memref<128xi32, #tpu.memory_space<vmem>>) semaphore(%arg32 : memref<!tpu.dma_semaphore, #tpu.memory_space<semaphore_mem>>)
      %dma_start3A_2662 = arith.constant 0 : i32
      %dma_start3A_2663 = tpu.memref_slice %arg9[%dma_start3A_2662] : memref<4104xf32, #tpu.memory_space<hbm>> -> memref<4104xf32, #tpu.memory_space<hbm>>
      tpu.enqueue_indirect_dma source(%arg24 : memref<128xf32, #tpu.memory_space<vmem>>) target(%dma_start3A_2663 : memref<4104xf32, #tpu.memory_space<hbm>>) offsets(%arg25 : memref<128xi32, #tpu.memory_space<vmem>>) semaphore(%arg32 : memref<!tpu.dma_semaphore, #tpu.memory_space<semaphore_mem>>)
      %dma_wait3A_2664 = tpu.memref_slice %arg12[%mul3A_2092] : memref<2208xf32, #tpu.memory_space<vmem>> -> memref<128xf32, #tpu.memory_space<vmem>>
      %dma_wait3A_2665 = arith.constant 0 : i32
      %dma_wait3A_2666 = tpu.memref_slice %arg4[%dma_wait3A_2665] : memref<4104xf32, #tpu.memory_space<hbm>> -> memref<4104xf32, #tpu.memory_space<hbm>>
      tpu.wait_indirect_dma semaphore(%arg32 : memref<!tpu.dma_semaphore, #tpu.memory_space<semaphore_mem>>) src(%dma_wait3A_2664 : memref<128xf32, #tpu.memory_space<vmem>>) dst(%dma_wait3A_2666 : memref<4104xf32, #tpu.memory_space<hbm>>)
      %dma_wait3A_2667 = tpu.memref_slice %arg13[%mul3A_2092] : memref<2208xi32, #tpu.memory_space<vmem>> -> memref<128xi32, #tpu.memory_space<vmem>>
      %dma_wait3A_2668 = arith.constant 0 : i32
      %dma_wait3A_2669 = tpu.memref_slice %arg5[%dma_wait3A_2668] : memref<4104xi32, #tpu.memory_space<hbm>> -> memref<4104xi32, #tpu.memory_space<hbm>>
      tpu.wait_indirect_dma semaphore(%arg32 : memref<!tpu.dma_semaphore, #tpu.memory_space<semaphore_mem>>) src(%dma_wait3A_2667 : memref<128xi32, #tpu.memory_space<vmem>>) dst(%dma_wait3A_2669 : memref<4104xi32, #tpu.memory_space<hbm>>)
      %dma_wait3A_2670 = arith.constant 0 : i32
      %dma_wait3A_2671 = tpu.memref_slice %arg6[%dma_wait3A_2670] : memref<4104xf32, #tpu.memory_space<hbm>> -> memref<4104xf32, #tpu.memory_space<hbm>>
      tpu.wait_indirect_dma semaphore(%arg32 : memref<!tpu.dma_semaphore, #tpu.memory_space<semaphore_mem>>) src(%arg21 : memref<128xf32, #tpu.memory_space<vmem>>) dst(%dma_wait3A_2671 : memref<4104xf32, #tpu.memory_space<hbm>>)
      %dma_wait3A_2672 = arith.constant 0 : i32
      %dma_wait3A_2673 = tpu.memref_slice %arg7[%dma_wait3A_2672] : memref<4104xf32, #tpu.memory_space<hbm>> -> memref<4104xf32, #tpu.memory_space<hbm>>
      tpu.wait_indirect_dma semaphore(%arg32 : memref<!tpu.dma_semaphore, #tpu.memory_space<semaphore_mem>>) src(%arg22 : memref<128xf32, #tpu.memory_space<vmem>>) dst(%dma_wait3A_2673 : memref<4104xf32, #tpu.memory_space<hbm>>)
      %dma_wait3A_2674 = arith.constant 0 : i32
      %dma_wait3A_2675 = tpu.memref_slice %arg8[%dma_wait3A_2674] : memref<4104xf32, #tpu.memory_space<hbm>> -> memref<4104xf32, #tpu.memory_space<hbm>>
      tpu.wait_indirect_dma semaphore(%arg32 : memref<!tpu.dma_semaphore, #tpu.memory_space<semaphore_mem>>) src(%arg23 : memref<128xf32, #tpu.memory_space<vmem>>) dst(%dma_wait3A_2675 : memref<4104xf32, #tpu.memory_space<hbm>>)
      %dma_wait3A_2676 = arith.constant 0 : i32
      %dma_wait3A_2677 = tpu.memref_slice %arg9[%dma_wait3A_2676] : memref<4104xf32, #tpu.memory_space<hbm>> -> memref<4104xf32, #tpu.memory_space<hbm>>
      tpu.wait_indirect_dma semaphore(%arg32 : memref<!tpu.dma_semaphore, #tpu.memory_space<semaphore_mem>>) src(%arg24 : memref<128xf32, #tpu.memory_space<vmem>>) dst(%dma_wait3A_2677 : memref<4104xf32, #tpu.memory_space<hbm>>)
      %while3A_2678 = arith.constant 0 : i32
      scf.yield %while3A_2678 : i32
    }
    return
  }
}

module attributes {stable_mosaic.version = 14 : i64} {
  func.func @_nms_body(%arg0: memref<1xi32, #tpu.memory_space<smem>>, %arg1: memref<32x128xf32, #tpu.memory_space<vmem>>, %arg2: memref<32x128xi32, #tpu.memory_space<vmem>>, %arg3: memref<32x128xf32, #tpu.memory_space<vmem>>, %arg4: memref<32x128xf32, #tpu.memory_space<vmem>>, %arg5: memref<32x128xf32, #tpu.memory_space<vmem>>, %arg6: memref<32x128xf32, #tpu.memory_space<vmem>>, %arg7: memref<100x8xf32, #tpu.memory_space<vmem>>, %arg8: memref<32x128xf32, #tpu.memory_space<vmem>>, %arg9: memref<32x128xf32, #tpu.memory_space<vmem>>, %arg10: memref<32x128xf32, #tpu.memory_space<vmem>>, %arg11: memref<32x128xf32, #tpu.memory_space<vmem>>, %arg12: memref<32x128xf32, #tpu.memory_space<vmem>>, %arg13: memref<32x128xf32, #tpu.memory_space<vmem>>, %arg14: memref<32x128xf32, #tpu.memory_space<vmem>>, %arg15: memref<32x128xf32, #tpu.memory_space<vmem>>, %arg16: memref<32x128xf32, #tpu.memory_space<vmem>>, %arg17: memref<32x128xf32, #tpu.memory_space<vmem>>, %arg18: memref<32x128xf32, #tpu.memory_space<vmem>>) attributes {dimension_semantics = [], scalar_prefetch = 0 : i64, scratch_operands = 11 : i64, tpu.core_type = #tpu.core_type<tc>} {
    %get3A = arith.constant 0 : index
    %get3A_0 = memref.load %arg0[%get3A] : memref<1xi32, #tpu.memory_space<smem>>
    %get3A_1 = arith.constant 0 : index
    %get3A_2 = arith.constant 0 : index
    %get3A_3 = vector.load %arg1[%get3A_1, %get3A_2] : memref<32x128xf32, #tpu.memory_space<vmem>>, vector<32x128xf32>
    %get3A_4 = arith.constant 0 : index
    %get3A_5 = arith.constant 0 : index
    %get3A_6 = vector.load %arg2[%get3A_4, %get3A_5] : memref<32x128xi32, #tpu.memory_space<vmem>>, vector<32x128xi32>
    %iota3A = tpu.iota {dimensions = array<i32: 0>} : vector<32x128xi32>
    %iota3A_7 = tpu.iota {dimensions = array<i32: 1>} : vector<32x128xi32>
    %mul3A = arith.constant 128 : i32
    %mul3A_8 = vector.broadcast %mul3A : i32 to vector<32x128xi32>
    %mul3A_9 = arith.muli %iota3A, %mul3A_8 : vector<32x128xi32>
    %add3A = arith.addi %mul3A_9, %iota3A_7 : vector<32x128xi32>
    %bitcast_convert_type3A = tpu.bitcast %get3A_3 : vector<32x128xf32> -> vector<32x128xi32>
    %lt3A = vector.broadcast %get3A_0 : i32 to vector<32x128xi32>
    %lt3A_10 = arith.cmpi slt, %add3A, %lt3A : vector<32x128xi32>
    %gt3A = arith.constant 0.000000e+00 : f32
    %gt3A_11 = vector.broadcast %gt3A : f32 to vector<32x128xf32>
    %gt3A_12 = arith.cmpf ogt, %get3A_3, %gt3A_11 : vector<32x128xf32>
    %and3A = arith.andi %lt3A_10, %gt3A_12 : vector<32x128xi1>
    %jit3A = arith.constant -1 : i32
    %broadcast_in_dim3A = vector.broadcast %jit3A : i32 to vector<32x128xi32>
    %select_n3A = arith.select %and3A, %bitcast_convert_type3A, %broadcast_in_dim3A : vector<32x128xi1>, vector<32x128xi32>
    %scan3A = arith.constant 0 : i32
    %scan3A_13 = arith.constant 1065353217 : i32
    %scan3A_14 = arith.constant 0 : i32
    %scan3A_15 = arith.constant 31 : i32
    %scan3A_16 = arith.addi %scan3A_14, %scan3A_15 : i32
    %scan3A_17 = arith.constant 1 : i32
    %scan3A_18:2 = scf.for %scan3A_159 = %scan3A_14 to %scan3A_16 step %scan3A_17 iter_args(%scan3A_160 = %scan3A, %scan3A_161 = %scan3A_13) -> (i32, i32)  : i32 {
      %add3A_162 = arith.addi %scan3A_160, %scan3A_161 : i32
      %jit3A_163 = arith.constant 2 : i32
      %div3A = arith.divsi %add3A_162, %jit3A_163 : i32
      %sign3A = arith.constant 0 : i32
      %sign3A_164 = arith.cmpi sgt, %add3A_162, %sign3A : i32
      %sign3A_165 = arith.extui %sign3A_164 : i1 to i32
      %sign3A_166 = arith.constant 0 : i32
      %sign3A_167 = arith.cmpi slt, %add3A_162, %sign3A_166 : i32
      %sign3A_168 = arith.extui %sign3A_167 : i1 to i32
      %sign3A_169 = arith.subi %sign3A_165, %sign3A_168 : i32
      %sign3A_170 = arith.constant 0 : i32
      %sign3A_171 = arith.cmpi sgt, %jit3A_163, %sign3A_170 : i32
      %sign3A_172 = arith.extui %sign3A_171 : i1 to i32
      %sign3A_173 = arith.constant 0 : i32
      %sign3A_174 = arith.cmpi slt, %jit3A_163, %sign3A_173 : i32
      %sign3A_175 = arith.extui %sign3A_174 : i1 to i32
      %sign3A_176 = arith.subi %sign3A_172, %sign3A_175 : i32
      %ne3A_177 = arith.cmpi ne, %sign3A_169, %sign3A_176 : i32
      %rem3A_178 = arith.remsi %add3A_162, %jit3A_163 : i32
      %ne3A_179 = arith.constant 0 : i32
      %ne3A_180 = arith.cmpi ne, %rem3A_178, %ne3A_179 : i32
      %and3A_181 = arith.andi %ne3A_177, %ne3A_180 : i1
      %sub3A_182 = arith.constant 1 : i32
      %sub3A_183 = arith.subi %div3A, %sub3A_182 : i32
      %select_n3A_184 = arith.select %and3A_181, %sub3A_183, %div3A : i32
      %ge3A = vector.broadcast %select_n3A_184 : i32 to vector<32x128xi32>
      %ge3A_185 = arith.cmpi sge, %select_n3A, %ge3A : vector<32x128xi32>
      %convert_element_type3A_186 = arith.extui %ge3A_185 : vector<32x128xi1> to vector<32x128xi32>
      %reduce_sum3A_187 = vector.shape_cast %convert_element_type3A_186 : vector<32x128xi32> to vector<1x32x128xi32>
      %reduce_sum3A_188 = arith.constant dense<0> : vector<1xi32>
      %reduce_sum3A_189 = vector.multi_reduction <add>, %reduce_sum3A_187, %reduce_sum3A_188 [1, 2] : vector<1x32x128xi32> to vector<1xi32>
      %reduce_sum3A_190 = vector.shape_cast %reduce_sum3A_189 : vector<1xi32> to vector<1x1x1xi32>
      %reduce_sum3A_191 = vector.extract %reduce_sum3A_190[0, 0, 0] : i32 from vector<1x1x1xi32>
      %ge3A_192 = arith.constant 2000 : i32
      %ge3A_193 = arith.cmpi sge, %reduce_sum3A_191, %ge3A_192 : i32
      %select_n3A_194 = arith.select %ge3A_193, %select_n3A_184, %scan3A_160 : i32
      %select_n3A_195 = arith.select %ge3A_193, %scan3A_161, %select_n3A_184 : i32
      scf.yield %select_n3A_194, %select_n3A_195 : i32, i32
    }
    %gt3A_19 = vector.broadcast %scan3A_18#0 : i32 to vector<32x128xi32>
    %gt3A_20 = arith.cmpi sgt, %select_n3A, %gt3A_19 : vector<32x128xi32>
    %convert_element_type3A = arith.extui %gt3A_20 : vector<32x128xi1> to vector<32x128xi32>
    %reduce_sum3A = vector.shape_cast %convert_element_type3A : vector<32x128xi32> to vector<1x32x128xi32>
    %reduce_sum3A_21 = arith.constant dense<0> : vector<1xi32>
    %reduce_sum3A_22 = vector.multi_reduction <add>, %reduce_sum3A, %reduce_sum3A_21 [1, 2] : vector<1x32x128xi32> to vector<1xi32>
    %reduce_sum3A_23 = vector.shape_cast %reduce_sum3A_22 : vector<1xi32> to vector<1x1x1xi32>
    %reduce_sum3A_24 = vector.extract %reduce_sum3A_23[0, 0, 0] : i32 from vector<1x1x1xi32>
    %eq3A = vector.broadcast %scan3A_18#0 : i32 to vector<32x128xi32>
    %eq3A_25 = arith.cmpi eq, %select_n3A, %eq3A : vector<32x128xi32>
    %convert_element_type3A_26 = arith.extui %eq3A_25 : vector<32x128xi1> to vector<32x128xi32>
    %reduce_sum3A_27 = vector.shape_cast %convert_element_type3A_26 : vector<32x128xi32> to vector<1x32x128xi32>
    %reduce_sum3A_28 = arith.constant dense<0> : vector<1xi32>
    %reduce_sum3A_29 = vector.multi_reduction <add>, %reduce_sum3A_27, %reduce_sum3A_28 [1, 2] : vector<1x32x128xi32> to vector<1xi32>
    %reduce_sum3A_30 = vector.shape_cast %reduce_sum3A_29 : vector<1xi32> to vector<1x1x1xi32>
    %reduce_sum3A_31 = vector.extract %reduce_sum3A_30[0, 0, 0] : i32 from vector<1x1x1xi32>
    %sub3A = arith.constant 2000 : i32
    %sub3A_32 = arith.subi %sub3A, %reduce_sum3A_24 : i32
    %min3A = arith.minsi %sub3A_32, %reduce_sum3A_31 : i32
    %scan3A_33 = arith.constant -1 : i32
    %scan3A_34 = arith.constant 1600000 : i32
    %scan3A_35 = arith.constant 0 : i32
    %scan3A_36 = arith.constant 22 : i32
    %scan3A_37 = arith.addi %scan3A_35, %scan3A_36 : i32
    %scan3A_38 = arith.constant 1 : i32
    %scan3A_39:2 = scf.for %scan3A_159 = %scan3A_35 to %scan3A_37 step %scan3A_38 iter_args(%scan3A_160 = %scan3A_33, %scan3A_161 = %scan3A_34) -> (i32, i32)  : i32 {
      %add3A_162 = arith.addi %scan3A_160, %scan3A_161 : i32
      %jit3A_163 = arith.constant 2 : i32
      %div3A = arith.divsi %add3A_162, %jit3A_163 : i32
      %sign3A = arith.constant 0 : i32
      %sign3A_164 = arith.cmpi sgt, %add3A_162, %sign3A : i32
      %sign3A_165 = arith.extui %sign3A_164 : i1 to i32
      %sign3A_166 = arith.constant 0 : i32
      %sign3A_167 = arith.cmpi slt, %add3A_162, %sign3A_166 : i32
      %sign3A_168 = arith.extui %sign3A_167 : i1 to i32
      %sign3A_169 = arith.subi %sign3A_165, %sign3A_168 : i32
      %sign3A_170 = arith.constant 0 : i32
      %sign3A_171 = arith.cmpi sgt, %jit3A_163, %sign3A_170 : i32
      %sign3A_172 = arith.extui %sign3A_171 : i1 to i32
      %sign3A_173 = arith.constant 0 : i32
      %sign3A_174 = arith.cmpi slt, %jit3A_163, %sign3A_173 : i32
      %sign3A_175 = arith.extui %sign3A_174 : i1 to i32
      %sign3A_176 = arith.subi %sign3A_172, %sign3A_175 : i32
      %ne3A_177 = arith.cmpi ne, %sign3A_169, %sign3A_176 : i32
      %rem3A_178 = arith.remsi %add3A_162, %jit3A_163 : i32
      %ne3A_179 = arith.constant 0 : i32
      %ne3A_180 = arith.cmpi ne, %rem3A_178, %ne3A_179 : i32
      %and3A_181 = arith.andi %ne3A_177, %ne3A_180 : i1
      %sub3A_182 = arith.constant 1 : i32
      %sub3A_183 = arith.subi %div3A, %sub3A_182 : i32
      %select_n3A_184 = arith.select %and3A_181, %sub3A_183, %div3A : i32
      %le3A_185 = vector.broadcast %select_n3A_184 : i32 to vector<32x128xi32>
      %le3A_186 = arith.cmpi sle, %get3A_6, %le3A_185 : vector<32x128xi32>
      %and3A_187 = arith.andi %eq3A_25, %le3A_186 : vector<32x128xi1>
      %convert_element_type3A_188 = arith.extui %and3A_187 : vector<32x128xi1> to vector<32x128xi32>
      %reduce_sum3A_189 = vector.shape_cast %convert_element_type3A_188 : vector<32x128xi32> to vector<1x32x128xi32>
      %reduce_sum3A_190 = arith.constant dense<0> : vector<1xi32>
      %reduce_sum3A_191 = vector.multi_reduction <add>, %reduce_sum3A_189, %reduce_sum3A_190 [1, 2] : vector<1x32x128xi32> to vector<1xi32>
      %reduce_sum3A_192 = vector.shape_cast %reduce_sum3A_191 : vector<1xi32> to vector<1x1x1xi32>
      %reduce_sum3A_193 = vector.extract %reduce_sum3A_192[0, 0, 0] : i32 from vector<1x1x1xi32>
      %ge3A = arith.cmpi sge, %reduce_sum3A_193, %min3A : i32
      %select_n3A_194 = arith.select %ge3A, %scan3A_160, %select_n3A_184 : i32
      %select_n3A_195 = arith.select %ge3A, %select_n3A_184, %scan3A_161 : i32
      scf.yield %select_n3A_194, %select_n3A_195 : i32, i32
    }
    %le3A = vector.broadcast %scan3A_39#1 : i32 to vector<32x128xi32>
    %le3A_40 = arith.cmpi sle, %get3A_6, %le3A : vector<32x128xi32>
    %and3A_41 = arith.andi %eq3A_25, %le3A_40 : vector<32x128xi1>
    %gt3A_42 = arith.constant 0 : i32
    %gt3A_43 = arith.cmpi sgt, %min3A, %gt3A_42 : i32
    %and3A_44 = vector.broadcast %gt3A_43 : i1 to vector<32x128xi1>
    %and3A_45 = arith.andi %and3A_41, %and3A_44 : vector<32x128xi1>
    %gt3A_46 = vector.broadcast %scan3A_18#0 : i32 to vector<32x128xi32>
    %gt3A_47 = arith.cmpi sgt, %select_n3A, %gt3A_46 : vector<32x128xi32>
    %or3A = arith.ori %gt3A_47, %and3A_45 : vector<32x128xi1>
    %jit3A_48 = arith.constant 0xFF800000 : f32
    %broadcast_in_dim3A_49 = vector.broadcast %jit3A_48 : f32 to vector<32x128xf32>
    %select_n3A_50 = arith.select %or3A, %get3A_3, %broadcast_in_dim3A_49 : vector<32x128xi1>, vector<32x128xf32>
    %get3A_51 = arith.constant 0 : index
    %get3A_52 = arith.constant 0 : index
    %get3A_53 = vector.load %arg3[%get3A_51, %get3A_52] : memref<32x128xf32, #tpu.memory_space<vmem>>, vector<32x128xf32>
    %jit3A_54 = arith.constant 0.000000e+00 : f32
    %jit3A_55 = arith.constant 1.333000e+03 : f32
    %max3A = vector.broadcast %jit3A_54 : f32 to vector<32x128xf32>
    %max3A_56 = arith.maximumf %max3A, %get3A_53 : vector<32x128xf32>
    %min3A_57 = vector.broadcast %jit3A_55 : f32 to vector<32x128xf32>
    %min3A_58 = arith.minimumf %min3A_57, %max3A_56 : vector<32x128xf32>
    %get3A_59 = arith.constant 0 : index
    %get3A_60 = arith.constant 0 : index
    %get3A_61 = vector.load %arg4[%get3A_59, %get3A_60] : memref<32x128xf32, #tpu.memory_space<vmem>>, vector<32x128xf32>
    %jit3A_62 = arith.constant 0.000000e+00 : f32
    %jit3A_63 = arith.constant 8.000000e+02 : f32
    %max3A_64 = vector.broadcast %jit3A_62 : f32 to vector<32x128xf32>
    %max3A_65 = arith.maximumf %max3A_64, %get3A_61 : vector<32x128xf32>
    %min3A_66 = vector.broadcast %jit3A_63 : f32 to vector<32x128xf32>
    %min3A_67 = arith.minimumf %min3A_66, %max3A_65 : vector<32x128xf32>
    %get3A_68 = arith.constant 0 : index
    %get3A_69 = arith.constant 0 : index
    %get3A_70 = vector.load %arg5[%get3A_68, %get3A_69] : memref<32x128xf32, #tpu.memory_space<vmem>>, vector<32x128xf32>
    %jit3A_71 = arith.constant 0.000000e+00 : f32
    %jit3A_72 = arith.constant 1.333000e+03 : f32
    %max3A_73 = vector.broadcast %jit3A_71 : f32 to vector<32x128xf32>
    %max3A_74 = arith.maximumf %max3A_73, %get3A_70 : vector<32x128xf32>
    %min3A_75 = vector.broadcast %jit3A_72 : f32 to vector<32x128xf32>
    %min3A_76 = arith.minimumf %min3A_75, %max3A_74 : vector<32x128xf32>
    %get3A_77 = arith.constant 0 : index
    %get3A_78 = arith.constant 0 : index
    %get3A_79 = vector.load %arg6[%get3A_77, %get3A_78] : memref<32x128xf32, #tpu.memory_space<vmem>>, vector<32x128xf32>
    %jit3A_80 = arith.constant 0.000000e+00 : f32
    %jit3A_81 = arith.constant 8.000000e+02 : f32
    %max3A_82 = vector.broadcast %jit3A_80 : f32 to vector<32x128xf32>
    %max3A_83 = arith.maximumf %max3A_82, %get3A_79 : vector<32x128xf32>
    %min3A_84 = vector.broadcast %jit3A_81 : f32 to vector<32x128xf32>
    %min3A_85 = arith.minimumf %min3A_84, %max3A_83 : vector<32x128xf32>
    %jit3A_86 = arith.constant 80 : i32
    %eq3A_87 = arith.constant 0 : i32
    %eq3A_88 = arith.cmpi eq, %jit3A_86, %eq3A_87 : i32
    %jit3A_89 = arith.constant 1 : i32
    %select_n3A_90 = arith.select %eq3A_88, %jit3A_89, %jit3A_86 : i32
    %rem3A = vector.broadcast %select_n3A_90 : i32 to vector<32x128xi32>
    %rem3A_91 = arith.remsi %get3A_6, %rem3A : vector<32x128xi32>
    %ne3A = arith.constant 0 : i32
    %ne3A_92 = vector.broadcast %ne3A : i32 to vector<32x128xi32>
    %ne3A_93 = arith.cmpi ne, %rem3A_91, %ne3A_92 : vector<32x128xi32>
    %lt3A_94 = arith.constant 0 : i32
    %lt3A_95 = vector.broadcast %lt3A_94 : i32 to vector<32x128xi32>
    %lt3A_96 = arith.cmpi slt, %rem3A_91, %lt3A_95 : vector<32x128xi32>
    %lt3A_97 = arith.constant 0 : i32
    %lt3A_98 = arith.cmpi slt, %select_n3A_90, %lt3A_97 : i32
    %ne3A_99 = vector.broadcast %lt3A_98 : i1 to vector<32x128xi1>
    %ne3A_100 = vector.broadcast %ne3A_99 : vector<32x128xi1> to vector<32x128xi1>
    %ne3A_101 = arith.xori %lt3A_96, %ne3A_100 : vector<32x128xi1>
    %and3A_102 = arith.andi %ne3A_101, %ne3A_93 : vector<32x128xi1>
    %add3A_103 = vector.broadcast %select_n3A_90 : i32 to vector<32x128xi32>
    %add3A_104 = arith.addi %rem3A_91, %add3A_103 : vector<32x128xi32>
    %select_n3A_105 = arith.select %and3A_102, %add3A_104, %rem3A_91 : vector<32x128xi1>, vector<32x128xi32>
    %jit3A_106 = arith.constant 0 : i32
    %broadcast_in_dim3A_107 = vector.broadcast %jit3A_106 : i32 to vector<32x128xi32>
    %select_n3A_108 = arith.select %and3A, %select_n3A_105, %broadcast_in_dim3A_107 : vector<32x128xi1>, vector<32x128xi32>
    %convert_element_type3A_109 = arith.sitofp %select_n3A_108 : vector<32x128xi32> to vector<32x128xf32>
    %mul3A_110 = arith.constant 1.334000e+03 : f32
    %mul3A_111 = vector.broadcast %mul3A_110 : f32 to vector<32x128xf32>
    %mul3A_112 = arith.mulf %convert_element_type3A_109, %mul3A_111 : vector<32x128xf32>
    %add3A_113 = arith.addf %min3A_58, %mul3A_112 : vector<32x128xf32>
    %add3A_114 = arith.addf %min3A_67, %mul3A_112 : vector<32x128xf32>
    %add3A_115 = arith.addf %min3A_76, %mul3A_112 : vector<32x128xf32>
    %add3A_116 = arith.addf %min3A_85, %mul3A_112 : vector<32x128xf32>
    %sub3A_117 = arith.subf %add3A_115, %add3A_113 : vector<32x128xf32>
    %sub3A_118 = arith.subf %add3A_116, %add3A_114 : vector<32x128xf32>
    %mul3A_119 = arith.mulf %sub3A_117, %sub3A_118 : vector<32x128xf32>
    %swap3A = arith.constant 0 : index
    %swap3A_120 = arith.constant 0 : index
    %swap3A_121 = vector.load %arg8[%swap3A, %swap3A_120] : memref<32x128xf32, #tpu.memory_space<vmem>>, vector<32x128xf32>
    tpu.vector_store %arg8[%swap3A, %swap3A_120], %add3A_113 {strides = array<i32>} : memref<32x128xf32, #tpu.memory_space<vmem>>, vector<32x128xf32>,
    %swap3A_122 = arith.constant 0 : index
    %swap3A_123 = arith.constant 0 : index
    %swap3A_124 = vector.load %arg9[%swap3A_122, %swap3A_123] : memref<32x128xf32, #tpu.memory_space<vmem>>, vector<32x128xf32>
    tpu.vector_store %arg9[%swap3A_122, %swap3A_123], %add3A_114 {strides = array<i32>} : memref<32x128xf32, #tpu.memory_space<vmem>>, vector<32x128xf32>,
    %swap3A_125 = arith.constant 0 : index
    %swap3A_126 = arith.constant 0 : index
    %swap3A_127 = vector.load %arg10[%swap3A_125, %swap3A_126] : memref<32x128xf32, #tpu.memory_space<vmem>>, vector<32x128xf32>
    tpu.vector_store %arg10[%swap3A_125, %swap3A_126], %add3A_115 {strides = array<i32>} : memref<32x128xf32, #tpu.memory_space<vmem>>, vector<32x128xf32>,
    %swap3A_128 = arith.constant 0 : index
    %swap3A_129 = arith.constant 0 : index
    %swap3A_130 = vector.load %arg11[%swap3A_128, %swap3A_129] : memref<32x128xf32, #tpu.memory_space<vmem>>, vector<32x128xf32>
    tpu.vector_store %arg11[%swap3A_128, %swap3A_129], %add3A_116 {strides = array<i32>} : memref<32x128xf32, #tpu.memory_space<vmem>>, vector<32x128xf32>,
    %swap3A_131 = arith.constant 0 : index
    %swap3A_132 = arith.constant 0 : index
    %swap3A_133 = vector.load %arg12[%swap3A_131, %swap3A_132] : memref<32x128xf32, #tpu.memory_space<vmem>>, vector<32x128xf32>
    tpu.vector_store %arg12[%swap3A_131, %swap3A_132], %mul3A_119 {strides = array<i32>} : memref<32x128xf32, #tpu.memory_space<vmem>>, vector<32x128xf32>,
    %swap3A_134 = arith.constant 0 : index
    %swap3A_135 = arith.constant 0 : index
    %swap3A_136 = vector.load %arg13[%swap3A_134, %swap3A_135] : memref<32x128xf32, #tpu.memory_space<vmem>>, vector<32x128xf32>
    tpu.vector_store %arg13[%swap3A_134, %swap3A_135], %min3A_58 {strides = array<i32>} : memref<32x128xf32, #tpu.memory_space<vmem>>, vector<32x128xf32>,
    %swap3A_137 = arith.constant 0 : index
    %swap3A_138 = arith.constant 0 : index
    %swap3A_139 = vector.load %arg14[%swap3A_137, %swap3A_138] : memref<32x128xf32, #tpu.memory_space<vmem>>, vector<32x128xf32>
    tpu.vector_store %arg14[%swap3A_137, %swap3A_138], %min3A_67 {strides = array<i32>} : memref<32x128xf32, #tpu.memory_space<vmem>>, vector<32x128xf32>,
    %swap3A_140 = arith.constant 0 : index
    %swap3A_141 = arith.constant 0 : index
    %swap3A_142 = vector.load %arg15[%swap3A_140, %swap3A_141] : memref<32x128xf32, #tpu.memory_space<vmem>>, vector<32x128xf32>
    tpu.vector_store %arg15[%swap3A_140, %swap3A_141], %min3A_76 {strides = array<i32>} : memref<32x128xf32, #tpu.memory_space<vmem>>, vector<32x128xf32>,
    %swap3A_143 = arith.constant 0 : index
    %swap3A_144 = arith.constant 0 : index
    %swap3A_145 = vector.load %arg16[%swap3A_143, %swap3A_144] : memref<32x128xf32, #tpu.memory_space<vmem>>, vector<32x128xf32>
    tpu.vector_store %arg16[%swap3A_143, %swap3A_144], %min3A_85 {strides = array<i32>} : memref<32x128xf32, #tpu.memory_space<vmem>>, vector<32x128xf32>,
    %swap3A_146 = arith.constant 0 : index
    %swap3A_147 = arith.constant 0 : index
    %swap3A_148 = vector.load %arg17[%swap3A_146, %swap3A_147] : memref<32x128xf32, #tpu.memory_space<vmem>>, vector<32x128xf32>
    tpu.vector_store %arg17[%swap3A_146, %swap3A_147], %get3A_3 {strides = array<i32>} : memref<32x128xf32, #tpu.memory_space<vmem>>, vector<32x128xf32>,
    %swap3A_149 = arith.constant 0 : index
    %swap3A_150 = arith.constant 0 : index
    %swap3A_151 = vector.load %arg18[%swap3A_149, %swap3A_150] : memref<32x128xf32, #tpu.memory_space<vmem>>, vector<32x128xf32>
    tpu.vector_store %arg18[%swap3A_149, %swap3A_150], %convert_element_type3A_109 {strides = array<i32>} : memref<32x128xf32, #tpu.memory_space<vmem>>, vector<32x128xf32>,
    %iota3A_152 = tpu.iota {dimensions = array<i32: 1>} : vector<1x8xi32>
    %scan3A_153 = arith.constant 0 : i32
    %scan3A_154 = arith.constant 100 : i32
    %scan3A_155 = arith.addi %scan3A_153, %scan3A_154 : i32
    %scan3A_156 = arith.constant 1 : i32
    %scan3A_157 = scf.for %scan3A_159 = %scan3A_153 to %scan3A_155 step %scan3A_156 iter_args(%scan3A_160 = %select_n3A_50) -> (vector<32x128xf32>)  : i32 {
      %reduce_max3A = vector.shape_cast %scan3A_160 : vector<32x128xf32> to vector<1x32x128xf32>
      %reduce_max3A_161 = arith.constant dense<0xFF800000> : vector<1xf32>
      %reduce_max3A_162 = vector.multi_reduction <maximumf>, %reduce_max3A, %reduce_max3A_161 [1, 2] : vector<1x32x128xf32> to vector<1xf32>
      %reduce_max3A_163 = vector.shape_cast %reduce_max3A_162 : vector<1xf32> to vector<1x1x1xf32>
      %reduce_max3A_164 = vector.extract %reduce_max3A_163[0, 0, 0] : f32 from vector<1x1x1xf32>
      %eq3A_165 = vector.broadcast %reduce_max3A_164 : f32 to vector<32x128xf32>
      %eq3A_166 = arith.cmpf oeq, %scan3A_160, %eq3A_165 : vector<32x128xf32>
      %jit3A_167 = arith.constant 4096 : i32
      %broadcast_in_dim3A_168 = vector.broadcast %jit3A_167 : i32 to vector<32x128xi32>
      %select_n3A_169 = arith.select %eq3A_166, %add3A, %broadcast_in_dim3A_168 : vector<32x128xi1>, vector<32x128xi32>
      %reduce_min3A = vector.shape_cast %select_n3A_169 : vector<32x128xi32> to vector<1x32x128xi32>
      %reduce_min3A_170 = arith.constant dense<2147483647> : vector<1xi32>
      %reduce_min3A_171 = vector.multi_reduction <minsi>, %reduce_min3A, %reduce_min3A_170 [1, 2] : vector<1x32x128xi32> to vector<1xi32>
      %reduce_min3A_172 = vector.shape_cast %reduce_min3A_171 : vector<1xi32> to vector<1x1x1xi32>
      %reduce_min3A_173 = vector.extract %reduce_min3A_172[0, 0, 0] : i32 from vector<1x1x1xi32>
      %jit3A_174 = arith.constant 128 : i32
      %div3A = arith.divsi %reduce_min3A_173, %jit3A_174 : i32
      %sign3A = arith.constant 0 : i32
      %sign3A_175 = arith.cmpi sgt, %reduce_min3A_173, %sign3A : i32
      %sign3A_176 = arith.extui %sign3A_175 : i1 to i32
      %sign3A_177 = arith.constant 0 : i32
      %sign3A_178 = arith.cmpi slt, %reduce_min3A_173, %sign3A_177 : i32
      %sign3A_179 = arith.extui %sign3A_178 : i1 to i32
      %sign3A_180 = arith.subi %sign3A_176, %sign3A_179 : i32
      %sign3A_181 = arith.constant 0 : i32
      %sign3A_182 = arith.cmpi sgt, %jit3A_174, %sign3A_181 : i32
      %sign3A_183 = arith.extui %sign3A_182 : i1 to i32
      %sign3A_184 = arith.constant 0 : i32
      %sign3A_185 = arith.cmpi slt, %jit3A_174, %sign3A_184 : i32
      %sign3A_186 = arith.extui %sign3A_185 : i1 to i32
      %sign3A_187 = arith.subi %sign3A_183, %sign3A_186 : i32
      %ne3A_188 = arith.cmpi ne, %sign3A_180, %sign3A_187 : i32
      %rem3A_189 = arith.remsi %reduce_min3A_173, %jit3A_174 : i32
      %ne3A_190 = arith.constant 0 : i32
      %ne3A_191 = arith.cmpi ne, %rem3A_189, %ne3A_190 : i32
      %and3A_192 = arith.andi %ne3A_188, %ne3A_191 : i1
      %sub3A_193 = arith.constant 1 : i32
      %sub3A_194 = arith.subi %div3A, %sub3A_193 : i32
      %select_n3A_195 = arith.select %and3A_192, %sub3A_194, %div3A : i32
      %jit3A_196 = arith.constant 128 : i32
      %eq3A_197 = arith.constant 0 : i32
      %eq3A_198 = arith.cmpi eq, %jit3A_196, %eq3A_197 : i32
      %jit3A_199 = arith.constant 1 : i32
      %select_n3A_200 = arith.select %eq3A_198, %jit3A_199, %jit3A_196 : i32
      %rem3A_201 = arith.remsi %reduce_min3A_173, %select_n3A_200 : i32
      %ne3A_202 = arith.constant 0 : i32
      %ne3A_203 = arith.cmpi ne, %rem3A_201, %ne3A_202 : i32
      %lt3A_204 = arith.constant 0 : i32
      %lt3A_205 = arith.cmpi slt, %rem3A_201, %lt3A_204 : i32
      %lt3A_206 = arith.constant 0 : i32
      %lt3A_207 = arith.cmpi slt, %select_n3A_200, %lt3A_206 : i32
      %ne3A_208 = arith.xori %lt3A_205, %lt3A_207 : i1
      %and3A_209 = arith.andi %ne3A_208, %ne3A_203 : i1
      %add3A_210 = arith.addi %rem3A_201, %select_n3A_200 : i32
      %select_n3A_211 = arith.select %and3A_209, %add3A_210, %rem3A_201 : i32
      %slice3A = vector.extract_strided_slice %iota3A_7 {offsets = [0, 0], sizes = [1, 128], strides = [1, 1]} : vector<32x128xi32> to vector<1x128xi32>
      %eq3A_212 = vector.broadcast %select_n3A_211 : i32 to vector<1x128xi32>
      %eq3A_213 = arith.cmpi eq, %slice3A, %eq3A_212 : vector<1x128xi32>
      %get3A_214 = arith.index_cast %select_n3A_195 : i32 to index
      %get3A_215 = arith.constant 0 : index
      %get3A_216 = vector.load %arg8[%get3A_214, %get3A_215] : memref<32x128xf32, #tpu.memory_space<vmem>>, vector<1x128xf32>
      %jit3A_217 = arith.constant 0.000000e+00 : f32
      %broadcast_in_dim3A_218 = vector.broadcast %jit3A_217 : f32 to vector<1x128xf32>
      %select_n3A_219 = arith.select %eq3A_213, %get3A_216, %broadcast_in_dim3A_218 : vector<1x128xi1>, vector<1x128xf32>
      %reduce_sum3A_220 = vector.shape_cast %select_n3A_219 : vector<1x128xf32> to vector<1x1x128xf32>
      %reduce_sum3A_221 = arith.constant dense<0.000000e+00> : vector<1xf32>
      %reduce_sum3A_222 = vector.multi_reduction <add>, %reduce_sum3A_220, %reduce_sum3A_221 [1, 2] : vector<1x1x128xf32> to vector<1xf32>
      %reduce_sum3A_223 = vector.shape_cast %reduce_sum3A_222 : vector<1xf32> to vector<1x1x1xf32>
      %reduce_sum3A_224 = vector.extract %reduce_sum3A_223[0, 0, 0] : f32 from vector<1x1x1xf32>
      %get3A_225 = arith.index_cast %select_n3A_195 : i32 to index
      %get3A_226 = arith.constant 0 : index
      %get3A_227 = vector.load %arg9[%get3A_225, %get3A_226] : memref<32x128xf32, #tpu.memory_space<vmem>>, vector<1x128xf32>
      %jit3A_228 = arith.constant 0.000000e+00 : f32
      %broadcast_in_dim3A_229 = vector.broadcast %jit3A_228 : f32 to vector<1x128xf32>
      %select_n3A_230 = arith.select %eq3A_213, %get3A_227, %broadcast_in_dim3A_229 : vector<1x128xi1>, vector<1x128xf32>
      %reduce_sum3A_231 = vector.shape_cast %select_n3A_230 : vector<1x128xf32> to vector<1x1x128xf32>
      %reduce_sum3A_232 = arith.constant dense<0.000000e+00> : vector<1xf32>
      %reduce_sum3A_233 = vector.multi_reduction <add>, %reduce_sum3A_231, %reduce_sum3A_232 [1, 2] : vector<1x1x128xf32> to vector<1xf32>
      %reduce_sum3A_234 = vector.shape_cast %reduce_sum3A_233 : vector<1xf32> to vector<1x1x1xf32>
      %reduce_sum3A_235 = vector.extract %reduce_sum3A_234[0, 0, 0] : f32 from vector<1x1x1xf32>
      %get3A_236 = arith.index_cast %select_n3A_195 : i32 to index
      %get3A_237 = arith.constant 0 : index
      %get3A_238 = vector.load %arg10[%get3A_236, %get3A_237] : memref<32x128xf32, #tpu.memory_space<vmem>>, vector<1x128xf32>
      %jit3A_239 = arith.constant 0.000000e+00 : f32
      %broadcast_in_dim3A_240 = vector.broadcast %jit3A_239 : f32 to vector<1x128xf32>
      %select_n3A_241 = arith.select %eq3A_213, %get3A_238, %broadcast_in_dim3A_240 : vector<1x128xi1>, vector<1x128xf32>
      %reduce_sum3A_242 = vector.shape_cast %select_n3A_241 : vector<1x128xf32> to vector<1x1x128xf32>
      %reduce_sum3A_243 = arith.constant dense<0.000000e+00> : vector<1xf32>
      %reduce_sum3A_244 = vector.multi_reduction <add>, %reduce_sum3A_242, %reduce_sum3A_243 [1, 2] : vector<1x1x128xf32> to vector<1xf32>
      %reduce_sum3A_245 = vector.shape_cast %reduce_sum3A_244 : vector<1xf32> to vector<1x1x1xf32>
      %reduce_sum3A_246 = vector.extract %reduce_sum3A_245[0, 0, 0] : f32 from vector<1x1x1xf32>
      %get3A_247 = arith.index_cast %select_n3A_195 : i32 to index
      %get3A_248 = arith.constant 0 : index
      %get3A_249 = vector.load %arg11[%get3A_247, %get3A_248] : memref<32x128xf32, #tpu.memory_space<vmem>>, vector<1x128xf32>
      %jit3A_250 = arith.constant 0.000000e+00 : f32
      %broadcast_in_dim3A_251 = vector.broadcast %jit3A_250 : f32 to vector<1x128xf32>
      %select_n3A_252 = arith.select %eq3A_213, %get3A_249, %broadcast_in_dim3A_251 : vector<1x128xi1>, vector<1x128xf32>
      %reduce_sum3A_253 = vector.shape_cast %select_n3A_252 : vector<1x128xf32> to vector<1x1x128xf32>
      %reduce_sum3A_254 = arith.constant dense<0.000000e+00> : vector<1xf32>
      %reduce_sum3A_255 = vector.multi_reduction <add>, %reduce_sum3A_253, %reduce_sum3A_254 [1, 2] : vector<1x1x128xf32> to vector<1xf32>
      %reduce_sum3A_256 = vector.shape_cast %reduce_sum3A_255 : vector<1xf32> to vector<1x1x1xf32>
      %reduce_sum3A_257 = vector.extract %reduce_sum3A_256[0, 0, 0] : f32 from vector<1x1x1xf32>
      %get3A_258 = arith.index_cast %select_n3A_195 : i32 to index
      %get3A_259 = arith.constant 0 : index
      %get3A_260 = vector.load %arg12[%get3A_258, %get3A_259] : memref<32x128xf32, #tpu.memory_space<vmem>>, vector<1x128xf32>
      %jit3A_261 = arith.constant 0.000000e+00 : f32
      %broadcast_in_dim3A_262 = vector.broadcast %jit3A_261 : f32 to vector<1x128xf32>
      %select_n3A_263 = arith.select %eq3A_213, %get3A_260, %broadcast_in_dim3A_262 : vector<1x128xi1>, vector<1x128xf32>
      %reduce_sum3A_264 = vector.shape_cast %select_n3A_263 : vector<1x128xf32> to vector<1x1x128xf32>
      %reduce_sum3A_265 = arith.constant dense<0.000000e+00> : vector<1xf32>
      %reduce_sum3A_266 = vector.multi_reduction <add>, %reduce_sum3A_264, %reduce_sum3A_265 [1, 2] : vector<1x1x128xf32> to vector<1xf32>
      %reduce_sum3A_267 = vector.shape_cast %reduce_sum3A_266 : vector<1xf32> to vector<1x1x1xf32>
      %reduce_sum3A_268 = vector.extract %reduce_sum3A_267[0, 0, 0] : f32 from vector<1x1x1xf32>
      %gt3A_269 = arith.constant 0xFF800000 : f32
      %gt3A_270 = arith.cmpf ogt, %reduce_max3A_164, %gt3A_269 : f32
      %max3A_271 = vector.broadcast %reduce_sum3A_224 : f32 to vector<32x128xf32>
      %max3A_272 = arith.maximumf %max3A_271, %add3A_113 : vector<32x128xf32>
      %max3A_273 = vector.broadcast %reduce_sum3A_235 : f32 to vector<32x128xf32>
      %max3A_274 = arith.maximumf %max3A_273, %add3A_114 : vector<32x128xf32>
      %min3A_275 = vector.broadcast %reduce_sum3A_246 : f32 to vector<32x128xf32>
      %min3A_276 = arith.minimumf %min3A_275, %add3A_115 : vector<32x128xf32>
      %min3A_277 = vector.broadcast %reduce_sum3A_257 : f32 to vector<32x128xf32>
      %min3A_278 = arith.minimumf %min3A_277, %add3A_116 : vector<32x128xf32>
      %sub3A_279 = arith.subf %min3A_276, %max3A_272 : vector<32x128xf32>
      %max3A_280 = arith.constant 0.000000e+00 : f32
      %max3A_281 = vector.broadcast %max3A_280 : f32 to vector<32x128xf32>
      %max3A_282 = arith.maximumf %sub3A_279, %max3A_281 : vector<32x128xf32>
      %sub3A_283 = arith.subf %min3A_278, %max3A_274 : vector<32x128xf32>
      %max3A_284 = arith.constant 0.000000e+00 : f32
      %max3A_285 = vector.broadcast %max3A_284 : f32 to vector<32x128xf32>
      %max3A_286 = arith.maximumf %sub3A_283, %max3A_285 : vector<32x128xf32>
      %mul3A_287 = arith.mulf %max3A_282, %max3A_286 : vector<32x128xf32>
      %add3A_288 = vector.broadcast %reduce_sum3A_268 : f32 to vector<32x128xf32>
      %add3A_289 = arith.addf %mul3A_119, %add3A_288 : vector<32x128xf32>
      %sub3A_290 = arith.subf %add3A_289, %mul3A_287 : vector<32x128xf32>
      %max3A_291 = arith.constant 9.99999997E-7 : f32
      %max3A_292 = vector.broadcast %max3A_291 : f32 to vector<32x128xf32>
      %max3A_293 = arith.maximumf %sub3A_290, %max3A_292 : vector<32x128xf32>
      %div3A_294 = arith.divf %mul3A_287, %max3A_293 : vector<32x128xf32>
      %gt3A_295 = arith.constant 5.000000e-01 : f32
      %gt3A_296 = vector.broadcast %gt3A_295 : f32 to vector<32x128xf32>
      %gt3A_297 = arith.cmpf ogt, %div3A_294, %gt3A_296 : vector<32x128xf32>
      %jit3A_298 = arith.constant 0xFF800000 : f32
      %broadcast_in_dim3A_299 = vector.broadcast %jit3A_298 : f32 to vector<32x128xf32>
      %select_n3A_300 = arith.select %gt3A_297, %broadcast_in_dim3A_299, %scan3A_160 : vector<32x128xi1>, vector<32x128xf32>
      %get3A_301 = arith.index_cast %select_n3A_195 : i32 to index
      %get3A_302 = arith.constant 0 : index
      %get3A_303 = vector.load %arg13[%get3A_301, %get3A_302] : memref<32x128xf32, #tpu.memory_space<vmem>>, vector<1x128xf32>
      %jit3A_304 = arith.constant 0.000000e+00 : f32
      %broadcast_in_dim3A_305 = vector.broadcast %jit3A_304 : f32 to vector<1x128xf32>
      %select_n3A_306 = arith.select %eq3A_213, %get3A_303, %broadcast_in_dim3A_305 : vector<1x128xi1>, vector<1x128xf32>
      %reduce_sum3A_307 = vector.shape_cast %select_n3A_306 : vector<1x128xf32> to vector<1x1x128xf32>
      %reduce_sum3A_308 = arith.constant dense<0.000000e+00> : vector<1xf32>
      %reduce_sum3A_309 = vector.multi_reduction <add>, %reduce_sum3A_307, %reduce_sum3A_308 [1, 2] : vector<1x1x128xf32> to vector<1xf32>
      %reduce_sum3A_310 = vector.shape_cast %reduce_sum3A_309 : vector<1xf32> to vector<1x1x1xf32>
      %reduce_sum3A_311 = vector.extract %reduce_sum3A_310[0, 0, 0] : f32 from vector<1x1x1xf32>
      %get3A_312 = arith.index_cast %select_n3A_195 : i32 to index
      %get3A_313 = arith.constant 0 : index
      %get3A_314 = vector.load %arg14[%get3A_312, %get3A_313] : memref<32x128xf32, #tpu.memory_space<vmem>>, vector<1x128xf32>
      %jit3A_315 = arith.constant 0.000000e+00 : f32
      %broadcast_in_dim3A_316 = vector.broadcast %jit3A_315 : f32 to vector<1x128xf32>
      %select_n3A_317 = arith.select %eq3A_213, %get3A_314, %broadcast_in_dim3A_316 : vector<1x128xi1>, vector<1x128xf32>
      %reduce_sum3A_318 = vector.shape_cast %select_n3A_317 : vector<1x128xf32> to vector<1x1x128xf32>
      %reduce_sum3A_319 = arith.constant dense<0.000000e+00> : vector<1xf32>
      %reduce_sum3A_320 = vector.multi_reduction <add>, %reduce_sum3A_318, %reduce_sum3A_319 [1, 2] : vector<1x1x128xf32> to vector<1xf32>
      %reduce_sum3A_321 = vector.shape_cast %reduce_sum3A_320 : vector<1xf32> to vector<1x1x1xf32>
      %reduce_sum3A_322 = vector.extract %reduce_sum3A_321[0, 0, 0] : f32 from vector<1x1x1xf32>
      %get3A_323 = arith.index_cast %select_n3A_195 : i32 to index
      %get3A_324 = arith.constant 0 : index
      %get3A_325 = vector.load %arg15[%get3A_323, %get3A_324] : memref<32x128xf32, #tpu.memory_space<vmem>>, vector<1x128xf32>
      %jit3A_326 = arith.constant 0.000000e+00 : f32
      %broadcast_in_dim3A_327 = vector.broadcast %jit3A_326 : f32 to vector<1x128xf32>
      %select_n3A_328 = arith.select %eq3A_213, %get3A_325, %broadcast_in_dim3A_327 : vector<1x128xi1>, vector<1x128xf32>
      %reduce_sum3A_329 = vector.shape_cast %select_n3A_328 : vector<1x128xf32> to vector<1x1x128xf32>
      %reduce_sum3A_330 = arith.constant dense<0.000000e+00> : vector<1xf32>
      %reduce_sum3A_331 = vector.multi_reduction <add>, %reduce_sum3A_329, %reduce_sum3A_330 [1, 2] : vector<1x1x128xf32> to vector<1xf32>
      %reduce_sum3A_332 = vector.shape_cast %reduce_sum3A_331 : vector<1xf32> to vector<1x1x1xf32>
      %reduce_sum3A_333 = vector.extract %reduce_sum3A_332[0, 0, 0] : f32 from vector<1x1x1xf32>
      %get3A_334 = arith.index_cast %select_n3A_195 : i32 to index
      %get3A_335 = arith.constant 0 : index
      %get3A_336 = vector.load %arg16[%get3A_334, %get3A_335] : memref<32x128xf32, #tpu.memory_space<vmem>>, vector<1x128xf32>
      %jit3A_337 = arith.constant 0.000000e+00 : f32
      %broadcast_in_dim3A_338 = vector.broadcast %jit3A_337 : f32 to vector<1x128xf32>
      %select_n3A_339 = arith.select %eq3A_213, %get3A_336, %broadcast_in_dim3A_338 : vector<1x128xi1>, vector<1x128xf32>
      %reduce_sum3A_340 = vector.shape_cast %select_n3A_339 : vector<1x128xf32> to vector<1x1x128xf32>
      %reduce_sum3A_341 = arith.constant dense<0.000000e+00> : vector<1xf32>
      %reduce_sum3A_342 = vector.multi_reduction <add>, %reduce_sum3A_340, %reduce_sum3A_341 [1, 2] : vector<1x1x128xf32> to vector<1xf32>
      %reduce_sum3A_343 = vector.shape_cast %reduce_sum3A_342 : vector<1xf32> to vector<1x1x1xf32>
      %reduce_sum3A_344 = vector.extract %reduce_sum3A_343[0, 0, 0] : f32 from vector<1x1x1xf32>
      %get3A_345 = arith.index_cast %select_n3A_195 : i32 to index
      %get3A_346 = arith.constant 0 : index
      %get3A_347 = vector.load %arg17[%get3A_345, %get3A_346] : memref<32x128xf32, #tpu.memory_space<vmem>>, vector<1x128xf32>
      %jit3A_348 = arith.constant 0.000000e+00 : f32
      %broadcast_in_dim3A_349 = vector.broadcast %jit3A_348 : f32 to vector<1x128xf32>
      %select_n3A_350 = arith.select %eq3A_213, %get3A_347, %broadcast_in_dim3A_349 : vector<1x128xi1>, vector<1x128xf32>
      %reduce_sum3A_351 = vector.shape_cast %select_n3A_350 : vector<1x128xf32> to vector<1x1x128xf32>
      %reduce_sum3A_352 = arith.constant dense<0.000000e+00> : vector<1xf32>
      %reduce_sum3A_353 = vector.multi_reduction <add>, %reduce_sum3A_351, %reduce_sum3A_352 [1, 2] : vector<1x1x128xf32> to vector<1xf32>
      %reduce_sum3A_354 = vector.shape_cast %reduce_sum3A_353 : vector<1xf32> to vector<1x1x1xf32>
      %reduce_sum3A_355 = vector.extract %reduce_sum3A_354[0, 0, 0] : f32 from vector<1x1x1xf32>
      %get3A_356 = arith.index_cast %select_n3A_195 : i32 to index
      %get3A_357 = arith.constant 0 : index
      %get3A_358 = vector.load %arg18[%get3A_356, %get3A_357] : memref<32x128xf32, #tpu.memory_space<vmem>>, vector<1x128xf32>
      %jit3A_359 = arith.constant 0.000000e+00 : f32
      %broadcast_in_dim3A_360 = vector.broadcast %jit3A_359 : f32 to vector<1x128xf32>
      %select_n3A_361 = arith.select %eq3A_213, %get3A_358, %broadcast_in_dim3A_360 : vector<1x128xi1>, vector<1x128xf32>
      %reduce_sum3A_362 = vector.shape_cast %select_n3A_361 : vector<1x128xf32> to vector<1x1x128xf32>
      %reduce_sum3A_363 = arith.constant dense<0.000000e+00> : vector<1xf32>
      %reduce_sum3A_364 = vector.multi_reduction <add>, %reduce_sum3A_362, %reduce_sum3A_363 [1, 2] : vector<1x1x128xf32> to vector<1xf32>
      %reduce_sum3A_365 = vector.shape_cast %reduce_sum3A_364 : vector<1xf32> to vector<1x1x1xf32>
      %reduce_sum3A_366 = vector.extract %reduce_sum3A_365[0, 0, 0] : f32 from vector<1x1x1xf32>
      %eq3A_367 = arith.constant 0 : i32
      %eq3A_368 = vector.broadcast %eq3A_367 : i32 to vector<1x8xi32>
      %eq3A_369 = arith.cmpi eq, %iota3A_152, %eq3A_368 : vector<1x8xi32>
      %jit3A_370 = arith.constant 0.000000e+00 : f32
      %broadcast_in_dim3A_371 = vector.broadcast %reduce_sum3A_311 : f32 to vector<1x8xf32>
      %broadcast_in_dim3A_372 = vector.broadcast %jit3A_370 : f32 to vector<1x8xf32>
      %select_n3A_373 = arith.select %eq3A_369, %broadcast_in_dim3A_371, %broadcast_in_dim3A_372 : vector<1x8xi1>, vector<1x8xf32>
      %eq3A_374 = arith.constant 1 : i32
      %eq3A_375 = vector.broadcast %eq3A_374 : i32 to vector<1x8xi32>
      %eq3A_376 = arith.cmpi eq, %iota3A_152, %eq3A_375 : vector<1x8xi32>
      %jit3A_377 = arith.constant 0.000000e+00 : f32
      %broadcast_in_dim3A_378 = vector.broadcast %reduce_sum3A_322 : f32 to vector<1x8xf32>
      %broadcast_in_dim3A_379 = vector.broadcast %jit3A_377 : f32 to vector<1x8xf32>
      %select_n3A_380 = arith.select %eq3A_376, %broadcast_in_dim3A_378, %broadcast_in_dim3A_379 : vector<1x8xi1>, vector<1x8xf32>
      %add3A_381 = arith.addf %select_n3A_373, %select_n3A_380 : vector<1x8xf32>
      %eq3A_382 = arith.constant 2 : i32
      %eq3A_383 = vector.broadcast %eq3A_382 : i32 to vector<1x8xi32>
      %eq3A_384 = arith.cmpi eq, %iota3A_152, %eq3A_383 : vector<1x8xi32>
      %jit3A_385 = arith.constant 0.000000e+00 : f32
      %broadcast_in_dim3A_386 = vector.broadcast %reduce_sum3A_333 : f32 to vector<1x8xf32>
      %broadcast_in_dim3A_387 = vector.broadcast %jit3A_385 : f32 to vector<1x8xf32>
      %select_n3A_388 = arith.select %eq3A_384, %broadcast_in_dim3A_386, %broadcast_in_dim3A_387 : vector<1x8xi1>, vector<1x8xf32>
      %add3A_389 = arith.addf %add3A_381, %select_n3A_388 : vector<1x8xf32>
      %eq3A_390 = arith.constant 3 : i32
      %eq3A_391 = vector.broadcast %eq3A_390 : i32 to vector<1x8xi32>
      %eq3A_392 = arith.cmpi eq, %iota3A_152, %eq3A_391 : vector<1x8xi32>
      %jit3A_393 = arith.constant 0.000000e+00 : f32
      %broadcast_in_dim3A_394 = vector.broadcast %reduce_sum3A_344 : f32 to vector<1x8xf32>
      %broadcast_in_dim3A_395 = vector.broadcast %jit3A_393 : f32 to vector<1x8xf32>
      %select_n3A_396 = arith.select %eq3A_392, %broadcast_in_dim3A_394, %broadcast_in_dim3A_395 : vector<1x8xi1>, vector<1x8xf32>
      %add3A_397 = arith.addf %add3A_389, %select_n3A_396 : vector<1x8xf32>
      %eq3A_398 = arith.constant 4 : i32
      %eq3A_399 = vector.broadcast %eq3A_398 : i32 to vector<1x8xi32>
      %eq3A_400 = arith.cmpi eq, %iota3A_152, %eq3A_399 : vector<1x8xi32>
      %jit3A_401 = arith.constant 0.000000e+00 : f32
      %broadcast_in_dim3A_402 = vector.broadcast %reduce_sum3A_355 : f32 to vector<1x8xf32>
      %broadcast_in_dim3A_403 = vector.broadcast %jit3A_401 : f32 to vector<1x8xf32>
      %select_n3A_404 = arith.select %eq3A_400, %broadcast_in_dim3A_402, %broadcast_in_dim3A_403 : vector<1x8xi1>, vector<1x8xf32>
      %add3A_405 = arith.addf %add3A_397, %select_n3A_404 : vector<1x8xf32>
      %eq3A_406 = arith.constant 5 : i32
      %eq3A_407 = vector.broadcast %eq3A_406 : i32 to vector<1x8xi32>
      %eq3A_408 = arith.cmpi eq, %iota3A_152, %eq3A_407 : vector<1x8xi32>
      %jit3A_409 = arith.constant 0.000000e+00 : f32
      %broadcast_in_dim3A_410 = vector.broadcast %reduce_sum3A_366 : f32 to vector<1x8xf32>
      %broadcast_in_dim3A_411 = vector.broadcast %jit3A_409 : f32 to vector<1x8xf32>
      %select_n3A_412 = arith.select %eq3A_408, %broadcast_in_dim3A_410, %broadcast_in_dim3A_411 : vector<1x8xi1>, vector<1x8xf32>
      %add3A_413 = arith.addf %add3A_405, %select_n3A_412 : vector<1x8xf32>
      %eq3A_414 = arith.constant 5 : i32
      %eq3A_415 = vector.broadcast %eq3A_414 : i32 to vector<1x8xi32>
      %eq3A_416 = arith.cmpi eq, %iota3A_152, %eq3A_415 : vector<1x8xi32>
      %jit3A_417 = arith.constant -1.000000e+00 : f32
      %jit3A_418 = arith.constant 0.000000e+00 : f32
      %broadcast_in_dim3A_419 = vector.broadcast %jit3A_417 : f32 to vector<1x8xf32>
      %broadcast_in_dim3A_420 = vector.broadcast %jit3A_418 : f32 to vector<1x8xf32>
      %select_n3A_421 = arith.select %eq3A_416, %broadcast_in_dim3A_419, %broadcast_in_dim3A_420 : vector<1x8xi1>, vector<1x8xf32>
      %select_n3A_422 = arith.select %gt3A_270, %add3A_413, %select_n3A_421 : vector<1x8xf32>
      %swap3A_423 = arith.index_cast %scan3A_159 : i32 to index
      %swap3A_424 = arith.constant 0 : index
      %swap3A_425 = vector.load %arg7[%swap3A_423, %swap3A_424] : memref<100x8xf32, #tpu.memory_space<vmem>>, vector<1x8xf32>
      tpu.vector_store %arg7[%swap3A_423, %swap3A_424], %select_n3A_422 {strides = array<i32>} : memref<100x8xf32, #tpu.memory_space<vmem>>, vector<1x8xf32>,
      scf.yield %select_n3A_300 : vector<32x128xf32>
    }
    %scan3A_158 = arith.constant 100 : i32
    return
  }
}

</mosaic_0001>

<sc_bundles>
// kernel: kernel.4.cloned.1.call-start
scs
__scs_entry_jumppad:
0x0: {  	(pc) =	sbr.rel $0x88, $3  }
0x1: {  	(tag) =	ssettag $0x0;
	lr =	simm.s32 $0x1  }
0x2: {  	[smem:$0x3F9F] =	sst lr;
	_ =	strace $0xD0000000  }
0x3: {  	_ = 	snop  }
0x4: {  	_ = 	snop  }
0x5: {  	_ = 	snop  }
0x6: {  	_ = 	snop  }
0x7: {  	_ = 	snop  }
__scs_overlays_trampoline_lowered:
0x8: {  	[smem:$0x3FAE] =	sst s0  }
0x9: {  	[smem:$0x3FAF] =	sst s1  }
0xa: {  	[smem:$0x3FB0] =	sst s2  }
0xb: {  	[smem:$0x3FB1] =	sst s3  }
0xc: {  	[smem:$0x3FB2] =	sst s4  }
0xd: {  	[smem:$0x3FB3] =	sst s5  }
0xe: {  	[smem:$0x3FB4] =	sst s6  }
0xf: {  	[smem:$0x3FB5] =	sst s7  }
0x10: {  	[smem:$0x3FB6] =	sst s8  }
0x11: {  	[smem:$0x3FB7] =	sst s9;
	s0 =	simm.s32 @!p0 $0x0  }
0x12: {  	s1 =	sld [smem:$0x3F9D];
	s0 =	simm.s32 @p0 $0x1  }
0x13: {  	[smem:$0x3FB8] =	sst s0;
	s0 =	simm.s32 @!p1 $0x0  }
0x14: {  	s2 =	sld [smem:$0x3F9C];
	s0 =	simm.s32 @p1 $0x1  }
0x15: {  	[smem:$0x3FB9] =	sst s0;
	s0 =	simm.s32 @!p2 $0x0  }
0x16: {  	s3 =	sld [smem:$0x3FDB];
	s0 =	simm.s32 @p2 $0x1  }
0x17: {  	s4 =	simm.s32 $0x1BF5;
	[smem:$0x3FBB] =	sst s0  }
0x18: {  	s0 =	sld [smem:$0x3F9E];
	_ =	swait.ge [sflag:s4], $0x0  }
0x19: {  	s7 =	sld [smem:$0x3F9F]  }
0x1a: {  	s8 =	sadd.s32 $0xFFFFE003, lr  }
0x1b: {  	s9 =	sadd.s32 $0xFFFFFEF7, lr;
	s5 =	simm.s32 $0xFFFFFFFF;
	p2 =	slt.u32 s8, $0xFFFFF086  }
0x1c: {  	p1 =	slt.u32 s9, $0xF7A;
	s5 =	simm.s32 @!p2 $0x0  }
0x1d: {  	s5 =	simm.s32 @p1 $0x1;
	p0 =	seq.s32 s7, s2  }
0x1e: {  	s7 =	smul.u32 @!p0 $0xF7A, s2;
	p2 =	seq.s32 @!p0 s5, $0x0  }
0x1f: {  	s9 =	smul.u32 $0xF7A, s1;
	s8 =	simm.s32 @!p0 $0x1BF5;
	p2 =	por !p2, p0  }
0x20: {  	[sflag:s8] =	ssyncset.s32 @!p0 $0xFFFFF086;
	s6 =	sadd.s32 @!p0 s3, s7;
	s7 =	simm.s32 @!p0 $0x108  }
0x21: {  	s3 =	sadd.s32 s3, s9;
	s6 =	sadd.s32 @!p0 $0x88, s6;
	s7 =	simm.s32 @p2 $0x1082  }
0x22: {  	[simem:s7], [sflag:s8] =	dma.local @!p0 [hbm:s6], $0xF7A  }
0x23: {  	s9 =	sor.u32 $0xD0000000, s2;
	s6 =	simm.s32 $0x108;
	_ =	swait.ge @!p0 [sflag:s8], $0x0  }
0x24: {  	s3 =	sadd.s32 $0x88, s3;
	s6 =	simm.s32 @!p1 $0x1082;
	[sflag:s4] =	ssyncset.s32 $0xFFFFF086  }
0x25: {  	[simem:s6], [sflag:s4] =	dma.local [hbm:s3], $0xF7A  }
0x26: {  	[smem:$0x3F9F] =	sst s1;
	(tag) =	ssettag s2;
	_ =	strace s9  }
0x27: {  	s1 =	sld [smem:$0x3FAF]  }
0x28: {  	s2 =	sld [smem:$0x3FB0]  }
0x29: {  	s4 =	sld [smem:$0x3FB2]  }
0x2a: {  	p0 =	seq.s32 s5, $0x0;
	s5 =	sld [smem:$0x3FB3]  }
0x2b: {  	s6 =	sld [smem:$0x3FB4]  }
0x2c: {  	s7 =	sld [smem:$0x3FB5]  }
0x2d: {  	s3 =	simm.s32 $0x108;
	s8 =	sld [smem:$0x3FB6]  }
0x2e: {  	s3 =	simm.s32 @!p0 $0x1082;
	s9 =	sld [smem:$0x3FB7]  }
0x2f: {  	lr =	sadd.s32 s0, s3;
	s0 =	sld [smem:$0x3FAE]  }
0x30: {  	s3 =	sld [smem:$0x3FB1]  }
0x31: {  	[smem:$0x3FBA] =	sst s10  }
0x32: {  	s10 =	sld [smem:$0x3FB8];
	_ =	sdelay $0x3  }
0x33: {  	p0 =	seq.s32 s10, $0x1;
	s10 =	sld [smem:$0x3FBA];
	_ =	sdelay $0x3  }
0x34: {  	[smem:$0x3FBA] =	sst s10  }
0x35: {  	s10 =	sld [smem:$0x3FB9];
	_ =	sdelay $0x3  }
0x36: {  	p1 =	seq.s32 s10, $0x1;
	s10 =	sld [smem:$0x3FBA];
	_ =	sdelay $0x3  }
0x37: {  	[smem:$0x3FBA] =	sst s10  }
0x38: {  	s10 =	sld [smem:$0x3FBB]  }
0x39: {  	_ = 	snop;
	(pc) =	sbr.ind lr, $3  }
0x3a: {  	_ = 	snop  }
0x3b: {  	_ = 	snop  }
0x3c: {  	p2 =	seq.s32 s10, $0x1;
	s10 =	sld [smem:$0x3FBA]  }
0x3d: {  	_ =	shalt  }
0x3e: {  	_ =	shalt  }
0x3f: {  	_ =	shalt  }
0x40: {  	_ =	shalt  }
0x41: {  	_ =	shalt  }
0x42: {  	_ =	shalt  }
0x43: {  	_ =	shalt  }
0x44: {  	_ =	shalt  }
0x45: {  	_ =	shalt  }
0x46: {  	_ =	shalt  }
0x47: {  	_ =	shalt  }
0x48: {  	_ =	shalt  }
0x49: {  	_ =	shalt  }
0x4a: {  	_ =	shalt  }
0x4b: {  	_ =	shalt  }
0x4c: {  	_ =	shalt  }
0x4d: {  	_ =	shalt  }
0x4e: {  	_ =	shalt  }
0x4f: {  	_ =	shalt  }
0x50: {  	_ =	shalt  }
0x51: {  	_ =	shalt  }
0x52: {  	_ =	shalt  }
0x53: {  	_ =	shalt  }
0x54: {  	_ =	shalt  }
0x55: {  	_ =	shalt  }
0x56: {  	_ =	shalt  }
0x57: {  	_ =	shalt  }
0x58: {  	_ =	shalt  }
0x59: {  	_ =	shalt  }
0x5a: {  	_ =	shalt  }
0x5b: {  	_ =	shalt  }
0x5c: {  	_ =	shalt  }
0x5d: {  	_ =	shalt  }
0x5e: {  	_ =	shalt  }
0x5f: {  	_ =	shalt  }
0x60: {  	_ =	shalt  }
0x61: {  	_ =	shalt  }
0x62: {  	_ =	shalt  }
0x63: {  	_ =	shalt  }
0x64: {  	_ =	shalt  }
0x65: {  	_ =	shalt  }
0x66: {  	_ =	shalt  }
0x67: {  	_ =	shalt  }
0x68: {  	_ =	shalt  }
0x69: {  	_ =	shalt  }
0x6a: {  	_ =	shalt  }
0x6b: {  	_ =	shalt  }
0x6c: {  	_ =	shalt  }
0x6d: {  	_ =	shalt  }
0x6e: {  	_ =	shalt  }
0x6f: {  	_ =	shalt  }
0x70: {  	_ =	shalt  }
0x71: {  	_ =	shalt  }
0x72: {  	_ =	shalt  }
0x73: {  	_ =	shalt  }
0x74: {  	_ =	shalt  }
0x75: {  	_ =	shalt  }
0x76: {  	_ =	shalt  }
0x77: {  	_ =	shalt  }
0x78: {  	_ =	shalt  }
0x79: {  	_ =	shalt  }
0x7a: {  	_ =	shalt  }
0x7b: {  	_ =	shalt  }
0x7c: {  	_ =	shalt  }
0x7d: {  	_ =	shalt  }
0x7e: {  	_ =	shalt  }
0x7f: {  	_ =	shalt  }
0x80: {  	_ =	shalt  }
0x81: {  	_ =	shalt  }
0x82: {  	_ =	shalt  }
0x83: {  	_ =	shalt  }
0x84: {  	_ =	shalt  }
0x85: {  	_ =	shalt  }
0x86: {  	_ =	shalt  }
0x87: {  	_ =	shalt  }
.Lfunc_end0:
.L_simem_size_0:
called_computation_lowered:
.L_overlay_start_0:
0x88: {  	s0 =	sld [smem:$0x3FD9]  }
0x89: {  	s1 =	sld [smem:$0x3FFE];
	_ =	sdelay $0x3  }
0x8a: {  	s0 =	sadd.s32 s1, s0  }
0x8b: {  	[smem:$0x3FC6] =	sst s0  }
0x8c: {  	_ = 	snop  }
0x8d: {  	s0 =	sld [smem:$0x3FD0];
	(tm) =	ssettm $0x1  }
0x8e: {  	s16 =	sld [smem:$0x3FFB];
	_ =	sdelay $0x3  }
0x8f: {  	_ =	strace s16  }
0x90: {  	s1 =	sld [smem:$0x3FFC];
	_ =	sdelay $0x3  }
0x91: {  	_ =	strace s1  }
0x92: {  	s1 =	sld [smem:$0x3FFD];
	_ =	sdelay $0x3  }
0x93: {  	_ =	strace s1  }
0x94: {  	_ =	strace $0x8FFFFFFF  }
0x95: {  	s17 =	sld [smem:$0x3FDB];
	_ =	sdelay $0x1  }
0x96: {  	s2 =	simm.s32 $_scs_section_size  }
0x97: {  	s3 =	simm.s32 $_size__tile_overlayer_lowered;
	s4 =	simm.s32 $_tile_overlayer_lowered  }
0x98: {  	s20 =	simm.s32 $0x1BFF;
	s19 =	sshll.u32 s4, $0x1;
	s1 =	sadd.s32 s2, s17  }
0x99: {  	s5 =	simm.s32 $0x0;
	s18 =	sshll.u32 s3, $0x1;
	s3 =	sadd.s32 s19, s1  }
0x9a: {  	[timem:s5], [sflag:s20] =	dma.local [hbm:s3], s18  }
0x9b: {  	_ =	swait.ge [sflag:s20], s18  }
0x9c: {  	s2 =	ssub.s32 $0x0, s18;
	[sflag:s20] =	ssyncset.done $0x0  }
0x9d: {  	[sflag:s20] =	ssyncadd.s32 s2;
	_ =	sdelay $0x1  }
0x9e: {  	s21 =	simm.s32 $0x1B8B  }
0x9f: {  	_ =	swait.ge [sflag:s21], $0x1  }
0xa0: {  	[sflag:s21] =	ssyncset.done $0x0  }
0xa1: {  	s23 =	simm.s32 $0x1B8E;
	s22 =	sld [smem:$0x3FFE];
	[sflag:s21] =	ssyncadd.s32 $0xFFFFFFFF  }
0xa2: {  	s24 =	simm.s32 $execute0_lowered;
	[smem:$0x3FD2] =	sst s23  }
0xa3: {  	s3 =	sshll.u32 s24, $0x1;
	_ =	strace $0x80000046;
	[dreg:$0x1] =	wrdreg $0xFFFFFFFF  }
0xa4: {  	s25 =	simm.s32 $_size_execute0_lowered;
	s1 =	sadd.s32 s1, s3;
	[dreg:$0x0] =	wrdreg $0x0  }
0xa5: {  	s3 =	sshll.u32 s25, $0x1;
	[dreg:$0x2] =	wrdreg s1  }
0xa6: {  	[dreg:$0x3] =	wrdreg s3  }
0xa7: {  	[dreg:$0x4] =	wrdreg $0xC0  }
0xa8: {  	_ =	task [dreg:s5], $0x5FFFF  }
0xa9: {  	[dreg:$0x1] =	wrdreg $0xFFFFFFFF  }
0xaa: {  	[dreg:$0x0] =	wrdreg $0x60  }
0xab: {  	[dreg:$0x2] =	wrdreg s22  }
0xac: {  	[dreg:$0x3] =	wrdreg s0  }
0xad: {  	[dreg:$0x4] =	wrdreg $0x1F7C00  }
0xae: {  	[dreg:$0x5] =	wrdreg $0x1F8500  }
0xaf: {  	[dreg:$0x6] =	wrdreg $0x9  }
0xb0: {  	_ =	task.clear_ibuf [dreg:s5], $0x7FFFF;
	_ =	strace $0x90000046  }
0xb1: {  	s26 =	simm.s32 $0x9;
	_ =	strace $0x80000048  }
0xb2: {  	_ =	swait.ge [sflag:s26], $0x1  }
0xb3: {  	[sflag:s26] =	ssyncadd.s32 $0xFFFFFFFF  }
0xb4: {  	_ =	strace $0x90000048  }
0xb5: {  	_ =	sfence  }
0xb6: {  	s28 =	sld [smem:$0x0];
	_ =	sdelay $0x1  }
0xb7: {  	s29 =	srdreg.scid  }
0xb8: {  	s30 =	sshll.u32 s29, $0xD;
	s31 =	sshrl.u32 s29, $0x2  }
0xb9: {  	s2 =	sand.u32 $0x4000, s30;
	s1 =	sand.u32 $0x1, s29;
	s0 =	sadd.s32 s31, s28  }
0xba: {  	s1 =	sor.u32 s2, s1;
	s0 =	sshll.u32 s0, $0x11  }
0xbb: {  	s0 =	sor.u32 s0, s1  }
0xbc: {  	s0 =	sadd.s32 $0x8F2B, s0  }
0xbd: {  	[sflag:s0] =	ssyncadd.remote.s32 $0x1  }
0xbe: {  	_ =	sfence.sel $0xFFFF  }
0xbf: {  	[dreg:$0x0] =	wrdreg $0xFFFFFFFF;
	(pc) =	sbr.abs _section_cstart, $3  }
0xc0: {  	[dreg:$0x1] =	wrdreg $0xFFFFFFFF  }
0xc1: {  	_ =	task.clear_ibuf [dreg:s5], $0x2FFFF;
	_ =	strace $0x9FFFFFFF  }
0xc2: {  	(tm) =	ssettm $0x7FFFFFFF  }
0xc3: {  	_ =	shalt  }
tec
execute0_lowered:
.L_overlay_start_1:
0x0: {  	(tag) =	ssettag $0x1  }
0x1: {  	s1 =	rddreg [dreg:$0x0]  }
0x2: {  	s2 =	rddreg [dreg:$0x1]  }
0x3: {  	s5 =	rddreg [dreg:$0x2]  }
0x4: {  	s3 =	rddreg [dreg:$0x3];
	s6 =	simm.s32 $0x0  }
0x5: {  	[smem:$0x7FF] =	sst s6;
	s7 =	sadd.s32 $0x39400, s1  }
0x6: {  	s25 =	sadd.s32 $0x39800, s1;
	_ =	strace $0x80000047;
	[dreg:$0x5] =	wrdreg s7  }
0x7: {  	s4 =	stileid.u32;
	s26 =	sadd.s32 $0x39C00, s1;
	[dreg:$0x6] =	wrdreg s25  }
0x8: {  	s8 =	smul.u32 $0x35B6, s4;
	s28 =	sadd.s32 $0x3A000, s1;
	[dreg:$0x7] =	wrdreg s26  }
0x9: {  	s29 =	sadd.s32 $0x3A400, s1;
	[dreg:$0x8] =	wrdreg s28  }
0xa: {  	s30 =	sadd.s32 $0x3A800, s1;
	[dreg:$0x9] =	wrdreg s29;
	s8 =	sadd.s32 s8, s1  }
0xb: {  	s31 =	simm.s32 $0x2;
	[dreg:$0xa] =	wrdreg s30;
	s8 =	sadd.s32 $0x1000, s8  }
0xc: {  	[tilespmem:s6], [sflag:$0x2] =	stream.linear.gather [hbm4b:s8+s6], $0x1ADB0, $0x38;
	[tilespmem:$0x1F860] =	vst v63  }
0xd: {  	_ =	swait.ge [sflag:s31], $0x1ADB0  }
0xe: {  	[sflag:s31] =	ssyncset.done $0x0  }
0xf: {  	v0 =	vimm.s32 $0x0;
	s23 =	sadd.s32 $0x36C00, s1;
	[sflag:s31] =	ssyncadd.s32 $0xFFFE5250  }
.LBB2_1:
0x10: {  	p0 =	sne.s32 s6, $0x23C0  }
.Ltmp0:
0x11: {  	_ = 	snop;
	(pc) =	sbr.rel @p0 .LBB2_1-.Ltmp0, $3  }
0x12: {  	_ =	sdelay $0x1  }
0x13: {  	s7 =	sshra.s32 s6, $0x2  }
0x14: {  	s6 =	sadd.s32 $0x40, s6;
	[tilespmem:s7+$0x1BEF0] =	vst v0  }
0x15: {  	v0 =	vimm.s32 $0x0;
	s6 =	simm.s32 $0x40;
	s7 =	simm.s32 $0x0  }
.LBB2_3:
0x16: {  	p0 =	sne.s32 s6, $0x2240;
	[tilespmem:s7+$0x1B650] =	vst v0;
	s7 =	smov.u32 s6;
	s6 =	sadd.s32 $0x40, s6  }
.Ltmp1:
0x17: {  	(pc) =	sbr.rel @p0 .LBB2_3-.Ltmp1, $2  }
0x18: {  	_ =	sdelay $0x2  }
0x19: {  	s7 =	sshra.s32 s7, $0x2  }
0x1a: {  	v1 =	vlaneseq.u32  }
0x1b: {  	v1 =	vmul.u32 $0x90, v1;
	_ =	sdelay $0x1  }
0x1c: {  	[tilespmem:s7+$0x1B650] =	vst v0;
	s6 =	simm.s32 $0x0;
	s7 =	simm.s32 $0x1BEF0;
	v0 =	vadd.s32 $0xFFFFF0AD, v1;
	v1 =	vimm.s32 $0x1  }
.LBB2_5:
0x1d: {  	s8 =	sshra.s32 s6, $0x2  }
0x1e: {  	v2 =	vld [tilespmem:s8+$0x0];
	_ =	sdelay $0x4  }
0x1f: {  	vm0 =	vgt.f32 v2, $5.000000070e-02;
	v2 =	vshrl.u32 v2, $0x12  }
0x20: {  	v2 =	vadd.s32 v0, v2;
	_ =	sdelay $0x4  }
0x21: {  	[tilespmem:v2+s7+$0x0] =	vst.idx.add.s32.msk vm0, v1  }
0x22: {  	v2 =	vld [tilespmem:s8+$0x10];
	_ =	sdelay $0x4  }
0x23: {  	vm12 =	vgt.f32 v2, $5.000000070e-02;
	v2 =	vshrl.u32 v2, $0x12  }
0x24: {  	v2 =	vadd.s32 v0, v2;
	_ =	sdelay $0x4  }
0x25: {  	[tilespmem:v2+s7+$0x0] =	vst.idx.add.s32.msk vm12, v1  }
0x26: {  	v2 =	vld [tilespmem:s8+$0x20];
	_ =	sdelay $0x4  }
0x27: {  	vm13 =	vgt.f32 v2, $5.000000070e-02;
	v2 =	vshrl.u32 v2, $0x12  }
0x28: {  	v2 =	vadd.s32 v0, v2;
	_ =	sdelay $0x4  }
0x29: {  	[tilespmem:v2+s7+$0x0] =	vst.idx.add.s32.msk vm13, v1  }
0x2a: {  	v2 =	vld [tilespmem:s8+$0x30];
	_ =	sdelay $0x4  }
0x2b: {  	vm14 =	vgt.f32 v2, $5.000000070e-02;
	v2 =	vshrl.u32 v2, $0x12  }
0x2c: {  	v2 =	vadd.s32 v0, v2;
	_ =	sdelay $0x4  }
0x2d: {  	[tilespmem:v2+s7+$0x0] =	vst.idx.add.s32.msk vm14, v1  }
0x2e: {  	v2 =	vld [tilespmem:s8+$0x40];
	_ =	sdelay $0x4  }
0x2f: {  	vm15 =	vgt.f32 v2, $5.000000070e-02;
	v2 =	vshrl.u32 v2, $0x12  }
0x30: {  	p0 =	sne.s32 s6, $0x6B560;
	v2 =	vadd.s32 v0, v2  }
.Ltmp2:
0x31: {  	_ = 	snop;
	(pc) =	sbr.rel @p0 .LBB2_5-.Ltmp2, $2  }
0x32: {  	_ =	sdelay $0x2  }
0x33: {  	s6 =	sadd.s32 $0x160, s6;
	[tilespmem:v2+s7+$0x0] =	vst.idx.add.s32.msk vm15, v1  }
0x34: {  	v0 =	vld [tilespmem:$0x1C400]  }
0x35: {  	v19 =	vld [tilespmem:$0x1BEF0]  }
0x36: {  	v7 =	vld [tilespmem:$0x1BF80]  }
0x37: {  	v10 =	vld [tilespmem:$0x1C010]  }
0x38: {  	v12 =	vld [tilespmem:$0x1C0A0]  }
0x39: {  	[tilespmem:$0x1FD90] =	vst v0;
	v0 =	vld [tilespmem:$0x1C490]  }
0x3a: {  	v15 =	vld [tilespmem:$0x1C130]  }
0x3b: {  	v22 =	vld [tilespmem:$0x1C1C0]  }
0x3c: {  	v29 =	vld [tilespmem:$0x1C250]  }
0x3d: {  	v32 =	vld [tilespmem:$0x1C2E0]  }
0x3e: {  	v44 =	vld [tilespmem:$0x1C370];
	[tilespmem:$0x1FDA0] =	vst v0  }
0x3f: {  	v0 =	vld [tilespmem:$0x1C520]  }
0x40: {  	v16 =	vld [tilespmem:$0x1BF00]  }
0x41: {  	v17 =	vld [tilespmem:$0x1BF90]  }
0x42: {  	v18 =	vld [tilespmem:$0x1C020]  }
0x43: {  	v35 =	vld [tilespmem:$0x1C0B0]  }
0x44: {  	v36 =	vld [tilespmem:$0x1C140]  }
0x45: {  	v37 =	vld [tilespmem:$0x1C1D0]  }
0x46: {  	v38 =	vld [tilespmem:$0x1C260]  }
0x47: {  	v39 =	vld [tilespmem:$0x1C2F0]  }
0x48: {  	v40 =	vld [tilespmem:$0x1C380]  }
0x49: {  	v41 =	vld [tilespmem:$0x1C410]  }
0x4a: {  	v42 =	vld [tilespmem:$0x1C4A0]  }
0x4b: {  	v43 =	vld [tilespmem:$0x1C530]  }
0x4c: {  	v48 =	vld [tilespmem:$0x1BF10]  }
0x4d: {  	v49 =	vld [tilespmem:$0x1BFA0]  }
0x4e: {  	v50 =	vld [tilespmem:$0x1C030]  }
0x4f: {  	v51 =	vld [tilespmem:$0x1C0C0]  }
0x50: {  	v52 =	vld [tilespmem:$0x1C150]  }
0x51: {  	[tilespmem:$0x1FDB0] =	vst v0;
	v0 =	vld [tilespmem:$0x1C5B0]  }
0x52: {  	v53 =	vld [tilespmem:$0x1C1E0]  }
0x53: {  	v54 =	vld [tilespmem:$0x1C270]  }
0x54: {  	v55 =	vld [tilespmem:$0x1C300]  }
0x55: {  	v56 =	vld [tilespmem:$0x1C390]  }
0x56: {  	[tilespmem:$0x1FDC0] =	vst v0;
	v0 =	vld [tilespmem:$0x1C640]  }
0x57: {  	v57 =	vld [tilespmem:$0x1C420]  }
0x58: {  	v58 =	vld [tilespmem:$0x1C4B0]  }
0x59: {  	v59 =	vld [tilespmem:$0x1C540]  }
0x5a: {  	v60 =	vld [tilespmem:$0x1C5D0]  }
0x5b: {  	[tilespmem:$0x1FDD0] =	vst v0;
	v0 =	vld [tilespmem:$0x1C6D0]  }
0x5c: {  	v61 =	vld [tilespmem:$0x1C660]  }
0x5d: {  	v62 =	vld [tilespmem:$0x1C6F0]  }
0x5e: {  	v63 =	vld [tilespmem:$0x1C780]  }
0x5f: {  	v26 =	vld [tilespmem:$0x1BF20]  }
0x60: {  	[tilespmem:$0x1FDF0] =	vst v0;
	v0 =	vld [tilespmem:$0x1C760]  }
0x61: {  	v24 =	vld [tilespmem:$0x1BFB0]  }
0x62: {  	v46 =	vld [tilespmem:$0x1C600]  }
0x63: {  	v27 =	vld [tilespmem:$0x1C040]  }
0x64: {  	v31 =	vld [tilespmem:$0x1C0D0]  }
0x65: {  	[tilespmem:$0x1FE10] =	vst v0;
	v0 =	vld [tilespmem:$0x1C5C0]  }
0x66: {  	v45 =	vld [tilespmem:$0x1C160]  }
0x67: {  	[tilespmem:$0x1FF30] =	vst v46;
	v46 =	vld [tilespmem:$0x1C690]  }
0x68: {  	v8 =	vld [tilespmem:$0x1BF30]  }
0x69: {  	v5 =	vld [tilespmem:$0x1BFC0]  }
0x6a: {  	[tilespmem:$0x1FDE0] =	vst v0;
	v0 =	vld [tilespmem:$0x1C650]  }
0x6b: {  	v9 =	vld [tilespmem:$0x1C050]  }
0x6c: {  	[tilespmem:$0x1FF60] =	vst v46;
	v46 =	vld [tilespmem:$0x1C720]  }
0x6d: {  	v14 =	vld [tilespmem:$0x1C0E0]  }
0x6e: {  	v21 =	vld [tilespmem:$0x1C170]  }
0x6f: {  	[tilespmem:$0x1FE00] =	vst v0;
	v0 =	vld [tilespmem:$0x1C6E0]  }
0x70: {  	v23 =	vld [tilespmem:$0x1C200]  }
0x71: {  	[tilespmem:$0x1FF80] =	vst v46;
	v46 =	vld [tilespmem:$0x1C7B0]  }
0x72: {  	v28 =	vld [tilespmem:$0x1C290]  }
0x73: {  	v33 =	vld [tilespmem:$0x1C320]  }
0x74: {  	[tilespmem:$0x1FE20] =	vst v0;
	v0 =	vld [tilespmem:$0x1C770]  }
0x75: {  	v47 =	vld [tilespmem:$0x1C3B0]  }
0x76: {  	[tilespmem:$0x1FFB0] =	vst v46;
	v46 =	vld [tilespmem:$0x1BF50]  }
0x77: {  	v1 =	vld [tilespmem:$0x1BF40]  }
0x78: {  	v2 =	vld [tilespmem:$0x1C060]  }
0x79: {  	[tilespmem:$0x1FE30] =	vst v0;
	v0 =	vld [tilespmem:$0x1C1F0]  }
0x7a: {  	v3 =	vld [tilespmem:$0x1C0F0]  }
0x7b: {  	[tilespmem:$0x1FF90] =	vst v46;
	v46 =	vld [tilespmem:$0x1BFE0]  }
0x7c: {  	v4 =	vld [tilespmem:$0x1C180]  }
0x7d: {  	v6 =	vld [tilespmem:$0x1C210]  }
0x7e: {  	[tilespmem:$0x1FE40] =	vst v0;
	v0 =	vld [tilespmem:$0x1C280]  }
0x7f: {  	v11 =	vld [tilespmem:$0x1C2A0]  }
0x80: {  	[tilespmem:$0x1FFA0] =	vst v46;
	v46 =	vld [tilespmem:$0x1C070]  }
0x81: {  	v13 =	vld [tilespmem:$0x1C330]  }
0x82: {  	v20 =	vld [tilespmem:$0x1C3C0]  }
0x83: {  	[tilespmem:$0x1FE50] =	vst v0;
	v0 =	vld [tilespmem:$0x1C310]  }
0x84: {  	v25 =	vld [tilespmem:$0x1C450]  }
0x85: {  	[tilespmem:$0x1FFC0] =	vst v46;
	v46 =	vld [tilespmem:$0x1C100]  }
0x86: {  	v30 =	vld [tilespmem:$0x1C4E0]  }
0x87: {  	v7 =	vadd.s32 v19, v7;
	v34 =	vld [tilespmem:$0x1C570]  }
0x88: {  	v7 =	vadd.s32 v10, v7;
	[tilespmem:$0x1FE60] =	vst v0;
	v0 =	vld [tilespmem:$0x1C3A0]  }
0x89: {  	v7 =	vadd.s32 v12, v7;
	v19 =	vld [tilespmem:$0x1C2B0]  }
0x8a: {  	v7 =	vadd.s32 v15, v7;
	[tilespmem:$0x1FFD0] =	vst v46;
	v46 =	vld [tilespmem:$0x1C190]  }
0x8b: {  	v7 =	vadd.s32 v22, v7;
	v15 =	vld [tilespmem:$0x1C4F0]  }
0x8c: {  	v22 =	vadd.s32 v29, v7;
	v7 =	vld [tilespmem:$0x1C580];
	v5 =	vadd.s32 v8, v5  }
0x8d: {  	v5 =	vadd.s32 v9, v5;
	[tilespmem:$0x1FE70] =	vst v0;
	v0 =	vld [tilespmem:$0x1C430]  }
0x8e: {  	v24 =	vadd.s32 v26, v24;
	v26 =	vld [tilespmem:$0x1C230];
	v5 =	vadd.s32 v14, v5  }
0x8f: {  	v5 =	vadd.s32 v21, v5;
	[tilespmem:$0x1FFE0] =	vst v46;
	v46 =	vld [tilespmem:$0x1C220]  }
0x90: {  	v8 =	vld [tilespmem:$0x1C2C0];
	v5 =	vadd.s32 v23, v5  }
0x91: {  	v14 =	vld [tilespmem:$0x1C740];
	v5 =	vadd.s32 v28, v5  }
0x92: {  	v5 =	vadd.s32 v33, v5;
	[tilespmem:$0x1FE80] =	vst v0;
	v0 =	vld [tilespmem:$0x1C4C0]  }
0x93: {  	v5 =	vadd.s32 v47, v5;
	v47 =	vld [tilespmem:$0x1C1B0]  }
0x94: {  	[tilespmem:$0x1FFF0] =	vst v46;
	v46 =	vadd.s32 v16, v17;
	v16 =	vld [tilespmem:$0x1C340]  }
0x95: {  	v17 =	vld [tilespmem:$0x1C3D0]  }
0x96: {  	v10 =	vadd.s32 v18, v46;
	v18 =	vld [tilespmem:$0x1C460]  }
0x97: {  	v22 =	vadd.s32 v32, v22;
	[tilespmem:$0x1FE90] =	vst v0;
	v0 =	vld [tilespmem:$0x1C550]  }
0x98: {  	v22 =	vadd.s32 v44, v22;
	v46 =	vadd.s32 v48, v49;
	v44 =	vld [tilespmem:$0x1FE40]  }
0x99: {  	v10 =	vadd.s32 v35, v10;
	v12 =	vadd.s32 v50, v46;
	v50 =	vld [tilespmem:$0x1FD90]  }
0x9a: {  	v10 =	vadd.s32 v36, v10;
	v12 =	vadd.s32 v51, v12;
	v51 =	vld [tilespmem:$0x1FDA0]  }
0x9b: {  	v10 =	vadd.s32 v37, v10;
	v37 =	vld [tilespmem:$0x1BF60]  }
0x9c: {  	[tilespmem:$0x1FEB0] =	vst v0;
	v0 =	vld [tilespmem:$0x1C5E0]  }
0x9d: {  	v12 =	vadd.s32 v52, v12;
	v48 =	vadd.s32 v38, v10;
	v10 =	vld [tilespmem:$0x1C610]  }
0x9e: {  	v12 =	vadd.s32 v53, v12;
	v53 =	vld [tilespmem:$0x1FDB0]  }
0x9f: {  	v38 =	vld [tilespmem:$0x1BFF0]  }
0xa0: {  	v49 =	vadd.s32 v54, v12;
	v12 =	vld [tilespmem:$0x1C6A0]  }
0xa1: {  	[tilespmem:$0x1FED0] =	vst v0;
	v0 =	vld [tilespmem:$0x1C670]  }
0xa2: {  	v54 =	vld [tilespmem:$0x1FDC0]  }
0xa3: {  	v29 =	vadd.s32 v39, v48;
	v39 =	vld [tilespmem:$0x1C080]  }
0xa4: {  	v35 =	vadd.s32 v50, v22;
	v22 =	vld [tilespmem:$0x1C730]  }
0xa5: {  	v32 =	vadd.s32 v55, v49;
	v55 =	vld [tilespmem:$0x1FDD0]  }
0xa6: {  	[tilespmem:$0x1FEF0] =	vst v0;
	v0 =	vld [tilespmem:$0x1C700]  }
0xa7: {  	v29 =	vadd.s32 v40, v29;
	v40 =	vld [tilespmem:$0x1C110]  }
0xa8: {  	v52 =	vadd.s32 v41, v29;
	v29 =	vld [tilespmem:$0x1C7C0]  }
0xa9: {  	v32 =	vadd.s32 v56, v32;
	v56 =	vld [tilespmem:$0x1FDE0]  }
0xaa: {  	v41 =	vld [tilespmem:$0x1C1A0]  }
0xab: {  	[tilespmem:$0x1FF10] =	vst v0;
	v0 =	vld [tilespmem:$0x1C790]  }
0xac: {  	v32 =	vadd.s32 v57, v32;
	v57 =	vld [tilespmem:$0x1FDF0]  }
0xad: {  	v24 =	vadd.s32 v27, v24;
	v36 =	vadd.s32 v42, v52;
	v42 =	vld [tilespmem:$0x1C120]  }
0xae: {  	v24 =	vadd.s32 v31, v24;
	v32 =	vadd.s32 v58, v32;
	v58 =	vld [tilespmem:$0x1FE00]  }
0xaf: {  	v36 =	vadd.s32 v43, v36;
	v43 =	vadd.s32 v45, v24;
	v45 =	vld [tilespmem:$0x1FE50]  }
0xb0: {  	[tilespmem:$0x1FF40] =	vst v0;
	v0 =	vld [tilespmem:$0x1C440]  }
0xb1: {  	v32 =	vadd.s32 v59, v32;
	v59 =	vld [tilespmem:$0x1FE10]  }
0xb2: {  	v46 =	vld [tilespmem:$0x1FE60]  }
0xb3: {  	v9 =	vadd.s32 v44, v43;
	v44 =	vld [tilespmem:$0x1FF80]  }
0xb4: {  	v32 =	vadd.s32 v60, v32;
	v60 =	vld [tilespmem:$0x1FE20]  }
0xb5: {  	[tilespmem:$0x1FEA0] =	vst v0;
	v0 =	vld [tilespmem:$0x1C4D0]  }
0xb6: {  	v32 =	vadd.s32 v61, v32;
	v61 =	vld [tilespmem:$0x1FE30]  }
0xb7: {  	v36 =	vadd.s32 v56, v36;
	v56 =	vld [tilespmem:$0x1BF70]  }
0xb8: {  	v35 =	vadd.s32 v51, v35;
	v32 =	vadd.s32 v62, v32;
	v62 =	vld [tilespmem:$0x1FF30]  }
0xb9: {  	v35 =	vadd.s32 v53, v35;
	v32 =	vadd.s32 v63, v32;
	v63 =	vld [tilespmem:$0x1C090]  }
0xba: {  	v35 =	vadd.s32 v54, v35;
	[tilespmem:$0x1FEC0] =	vst v0;
	v0 =	vld [tilespmem:$0x1C560]  }
0xbb: {  	v35 =	vadd.s32 v55, v35;
	v9 =	vadd.s32 v45, v9;
	v45 =	vld [tilespmem:$0x1FF90]  }
0xbc: {  	v35 =	vadd.s32 v57, v35;
	v48 =	vld [tilespmem:$0x1FE70]  }
0xbd: {  	v35 =	vadd.s32 v59, v35;
	v59 =	vld [tilespmem:$0x1C000]  }
0xbe: {  	v9 =	vadd.s32 v46, v9;
	v46 =	vld [tilespmem:$0x1FFA0]  }
0xbf: {  	[tilespmem:$0x1FEE0] =	vst v0;
	v0 =	vld [tilespmem:$0x1C5F0]  }
0xc0: {  	v49 =	vld [tilespmem:$0x1FE80]  }
0xc1: {  	v9 =	vadd.s32 v48, v9;
	v48 =	vld [tilespmem:$0x1FFB0]  }
0xc2: {  	v21 =	vadd.s32 v56, v59;
	v56 =	vld [tilespmem:$0x1FFF0]  }
0xc3: {  	v21 =	vadd.s32 v63, v21;
	v63 =	vld [tilespmem:$0x1C630]  }
0xc4: {  	[tilespmem:$0x1FF00] =	vst v0;
	v0 =	vld [tilespmem:$0x1C680]  }
0xc5: {  	v50 =	vld [tilespmem:$0x1FE90]  }
0xc6: {  	v52 =	vld [tilespmem:$0x1FEB0]  }
0xc7: {  	v54 =	vld [tilespmem:$0x1FED0]  }
0xc8: {  	v9 =	vadd.s32 v49, v9;
	v49 =	vld [tilespmem:$0x1FFC0]  }
0xc9: {  	[tilespmem:$0x1FF20] =	vst v0;
	v0 =	vld [tilespmem:$0x1C710]  }
0xca: {  	v9 =	vadd.s32 v50, v9;
	v57 =	vld [tilespmem:$0x1FEF0]  }
0xcb: {  	v9 =	vadd.s32 v52, v9;
	v52 =	vld [tilespmem:$0x1FFD0]  }
0xcc: {  	v36 =	vadd.s32 v58, v36;
	v9 =	vadd.s32 v54, v9;
	v54 =	vld [tilespmem:$0x1FFE0]  }
0xcd: {  	v36 =	vadd.s32 v60, v36;
	v60 =	vld [tilespmem:$0x1FF10]  }
0xce: {  	[tilespmem:$0x1FF50] =	vst v0;
	v0 =	vld [tilespmem:$0x1C7A0]  }
0xcf: {  	v9 =	vadd.s32 v57, v9;
	v57 =	vld [tilespmem:$0x1C3F0]  }
0xd0: {  	v31 =	vld [tilespmem:$0x1FF40]  }
0xd1: {  	v51 =	vld [tilespmem:$0x1FEA0]  }
0xd2: {  	v53 =	vld [tilespmem:$0x1FEC0]  }
0xd3: {  	[tilespmem:$0x1FF70] =	vst v0;
	v0 =	vld [tilespmem:$0x1BFD0]  }
0xd4: {  	v55 =	vld [tilespmem:$0x1FEE0]  }
0xd5: {  	v9 =	vadd.s32 v60, v9;
	v60 =	vld [tilespmem:$0x1C510]  }
0xd6: {  	v58 =	vld [tilespmem:$0x1FF00]  }
0xd7: {  	v27 =	vadd.s32 v45, v46;
	v5 =	vadd.s32 v51, v5;
	v51 =	vld [tilespmem:$0x1C240]  }
0xd8: {  	v27 =	vadd.s32 v49, v27;
	v5 =	vadd.s32 v53, v5;
	v53 =	vld [tilespmem:$0x1C2D0];
	v0 =	vadd.s32 v1, v0  }
0xd9: {  	v27 =	vadd.s32 v52, v27;
	v5 =	vadd.s32 v55, v5;
	v55 =	vld [tilespmem:$0x1C360];
	v0 =	vadd.s32 v2, v0  }
0xda: {  	v36 =	vadd.s32 v61, v36;
	v27 =	vadd.s32 v54, v27;
	v61 =	vld [tilespmem:$0x1FF20];
	v0 =	vadd.s32 v3, v0  }
0xdb: {  	v27 =	vadd.s32 v56, v27;
	v5 =	vadd.s32 v58, v5;
	v58 =	vld [tilespmem:$0x1C480];
	v0 =	vadd.s32 v4, v0  }
0xdc: {  	v19 =	vadd.s32 v19, v27;
	v33 =	vld [tilespmem:$0x1FF50];
	v0 =	vadd.s32 v6, v0  }
0xdd: {  	v16 =	vadd.s32 v16, v19;
	v43 =	vld [tilespmem:$0x1FF70];
	v0 =	vadd.s32 v11, v0  }
0xde: {  	v16 =	vadd.s32 v17, v16;
	v1 =	vld [tilespmem:$0x1C350];
	v0 =	vadd.s32 v13, v0  }
0xdf: {  	v16 =	vadd.s32 v18, v16;
	v2 =	vld [tilespmem:$0x1C3E0];
	v0 =	vadd.s32 v20, v0  }
0xe0: {  	v50 =	vadd.s32 v37, v38;
	v15 =	vadd.s32 v15, v16;
	v3 =	vld [tilespmem:$0x1C470];
	v0 =	vadd.s32 v25, v0  }
0xe1: {  	v7 =	vadd.s32 v7, v15;
	v4 =	vld [tilespmem:$0x1C500];
	v0 =	vadd.s32 v30, v0;
	v30 =	vadd.s32 v39, v50  }
0xe2: {  	v21 =	vadd.s32 v42, v21;
	v7 =	vadd.s32 v10, v7;
	v6 =	vld [tilespmem:$0x1C590];
	v30 =	vadd.s32 v40, v30  }
0xe3: {  	v21 =	vadd.s32 v47, v21;
	v7 =	vadd.s32 v12, v7;
	v11 =	vld [tilespmem:$0x1C620];
	v30 =	vadd.s32 v41, v30  }
0xe4: {  	v9 =	vadd.s32 v31, v9;
	v59 =	vadd.s32 v51, v21;
	v13 =	vld [tilespmem:$0x1C6B0];
	v26 =	vadd.s32 v26, v30  }
0xe5: {  	v5 =	vadd.s32 v61, v5;
	v0 =	vadd.s32 v34, v0;
	v34 =	vld [tilespmem:$0x1FF60];
	v8 =	vadd.s32 v8, v26  }
0xe6: {  	v61 =	vadd.s32 v53, v59;
	v0 =	vadd.s32 v62, v0;
	v62 =	vld [tilespmem:$0x1C5A0];
	v1 =	vadd.s32 v1, v8  }
0xe7: {  	v5 =	vadd.s32 v33, v5;
	v20 =	vld [tilespmem:$0x1C7D0];
	v1 =	vadd.s32 v2, v1;
	v2 =	vadd.s32 v55, v61  }
0xe8: {  	[tilespmem:$0x1C810] =	vst v32;
	v5 =	vadd.s32 v43, v5;
	v1 =	vadd.s32 v3, v1;
	v2 =	vadd.s32 v57, v2;
	v3 =	vld [tilespmem:$0x1C6C0]  }
0xe9: {  	[tilespmem:$0x1C830] =	vst v5;
	v5 =	vadd.s32 v22, v7;
	v1 =	vadd.s32 v4, v1;
	v2 =	vadd.s32 v58, v2;
	v4 =	vld [tilespmem:$0x1C750]  }
0xea: {  	[tilespmem:$0x1C7F0] =	vst v35;
	v10 =	vld [tilespmem:$0x1C7E0];
	v0 =	vadd.s32 v34, v0;
	v1 =	vadd.s32 v6, v1;
	v2 =	vadd.s32 v60, v2  }
0xeb: {  	[tilespmem:$0x1C800] =	vst v36;
	v0 =	vadd.s32 v44, v0;
	v1 =	vadd.s32 v11, v1;
	v2 =	vadd.s32 v62, v2  }
0xec: {  	[tilespmem:$0x1C820] =	vst v9;
	v0 =	vadd.s32 v48, v0;
	v1 =	vadd.s32 v13, v1;
	v2 =	vadd.s32 v63, v2  }
0xed: {  	s6 =	smul.u32 $0x240, s4;
	[tilespmem:$0x1C840] =	vst v0;
	v0 =	vadd.s32 v29, v5;
	v1 =	vadd.s32 v14, v1;
	v2 =	vadd.s32 v3, v2  }
0xee: {  	[tilespmem:$0x1C850] =	vst v0;
	v0 =	vadd.s32 v20, v1;
	v1 =	vadd.s32 v4, v2  }
0xef: {  	s6 =	sshrl.u32 s6, $0x2;
	[tilespmem:$0x1C860] =	vst v0;
	v0 =	vadd.s32 v10, v1  }
0xf0: {  	s7 =	simm.s32 $0x1C7F0;
	s21 =	simm.s32 $0x2;
	s6 =	sadd.s32 s6, s5;
	[tilespmem:$0x1C870] =	vst v0  }
0xf1: {  	[spmem:s6] =	stream.linear.scatter [tilespmem:s7], [sflag:$0x2], $0x90, $0x38;
	[tilespmem:$0x1F860] =	vst v63  }
0xf2: {  	_ =	swait.ge [sflag:s21], $0x90  }
0xf3: {  	[sflag:s21] =	ssyncset.done $0x0  }
0xf4: {  	[sflag:s21] =	ssyncadd.s32 $0xFFFFFF70  }
0xf5: {  	s22 =	simm.s32 $0x1C880;
	[bflag:$0x0] =	sbarrier.arrive $0xFFFF  }
0xf6: {  	[tilespmem:s22], [sflag:$0x2] =	stream.linear.gather [spmem:s5], $0x900, $0x38;
	[tilespmem:$0x1F860] =	vst v63  }
0xf7: {  	_ =	swait.ge [sflag:s21], $0x900  }
0xf8: {  	[sflag:s21] =	ssyncset.done $0x0  }
0xf9: {  	[sflag:s21] =	ssyncadd.s32 $0xFFFFF700  }
0xfa: {  	v0 =	vld [tilespmem:$0x1C900]  }
0xfb: {  	v1 =	vld [tilespmem:$0x1C990]  }
0xfc: {  	v2 =	vld [tilespmem:$0x1CA20]  }
0xfd: {  	v3 =	vld [tilespmem:$0x1CAB0]  }
0xfe: {  	v4 =	vld [tilespmem:$0x1CB40]  }
0xff: {  	v5 =	vld [tilespmem:$0x1CBD0]  }
0x100: {  	v12 =	vld [tilespmem:$0x1CC60]  }
0x101: {  	v13 =	vld [tilespmem:$0x1CCF0]  }
0x102: {  	v14 =	vld [tilespmem:$0x1D050];
	v0 =	vadd.s32 v0, v1  }
0x103: {  	v15 =	vld [tilespmem:$0x1D0E0];
	v0 =	vadd.s32 v2, v0  }
0x104: {  	v1 =	vld [tilespmem:$0x1CD80];
	v0 =	vadd.s32 v3, v0  }
0x105: {  	v2 =	vld [tilespmem:$0x1CE10];
	v0 =	vadd.s32 v4, v0  }
0x106: {  	v3 =	vld [tilespmem:$0x1CEA0];
	v0 =	vadd.s32 v5, v0  }
0x107: {  	v4 =	vld [tilespmem:$0x1CF30];
	v0 =	vadd.s32 v12, v0  }
0x108: {  	v5 =	vld [tilespmem:$0x1CFC0];
	v0 =	vadd.s32 v13, v0  }
0x109: {  	v0 =	vadd.s32 v1, v0;
	v1 =	vld [tilespmem:$0x1D170]  }
0x10a: {  	v0 =	vadd.s32 v2, v0;
	v2 =	vld [tilespmem:$0x1C8F0]  }
0x10b: {  	v0 =	vadd.s32 v3, v0;
	v3 =	vld [tilespmem:$0x1C980]  }
0x10c: {  	v0 =	vadd.s32 v4, v0;
	v4 =	vld [tilespmem:$0x1CA10]  }
0x10d: {  	v16 =	vld [tilespmem:$0x1CAA0];
	v5 =	vadd.s32 v5, v0;
	v0 =	vlaneseq.u32  }
0x10e: {  	v18 =	vld [tilespmem:$0x1CB30];
	v5 =	vadd.s32 v14, v5;
	v17 =	vmul.u32 $0xFFFFFFFF, v0  }
0x10f: {  	v19 =	vld [tilespmem:$0x1CBC0];
	v5 =	vadd.s32 v15, v5  }
0x110: {  	v5 =	vadd.s32 v1, v5;
	v1 =	vadd.s32 $0xF, v17;
	v2 =	vadd.s32 v2, v3;
	v3 =	vld [tilespmem:$0x1CC50]  }
0x111: {  	v6 =	vperm.xlane v5, v1;
	v2 =	vadd.s32 v4, v2;
	v4 =	vld [tilespmem:$0x1CCE0]  }
0x112: {  	v20 =	vld [tilespmem:$0x1CD70];
	v2 =	vadd.s32 v16, v2  }
0x113: {  	v21 =	vld [tilespmem:$0x1CE00];
	(xrf0) =	vadd.scan.msk.s32 $0xffff, v6;
	v2 =	vadd.s32 v18, v2  }
0x114: {  	v22 =	vld [tilespmem:$0x1CE90];
	v2 =	vadd.s32 v19, v2  }
0x115: {  	v2 =	vadd.s32 v3, v2;
	v3 =	vld [tilespmem:$0x1CF20]  }
0x116: {  	v2 =	vadd.s32 v4, v2;
	v4 =	vld [tilespmem:$0x1CFB0]  }
0x117: {  	v23 =	vld [tilespmem:$0x1D040];
	v2 =	vadd.s32 v20, v2  }
0x118: {  	v24 =	vld [tilespmem:$0x1D0D0];
	v2 =	vadd.s32 v21, v2  }
0x119: {  	v26 =	vld [tilespmem:$0x1D160];
	v25, _, _ =	vpop (xrf0);
	v2 =	vadd.s32 v22, v2  }
0x11a: {  	v9 =	vperm.xlane v25, v1;
	v2 =	vadd.s32 v3, v2  }
0x11b: {  	v2 =	vadd.s32 v4, v2  }
0x11c: {  	v3 =	vor.u32 $0x80000080, v0;
	vm0 =	vgt.s32 v9, $0x7CF;
	v2 =	vadd.s32 v23, v2  }
0x11d: {  	vm6 =	vgt.s32 v9, $0x1000;
	v4 =	vnsel vm0, $0x7FFFFFFF, v3;
	v2 =	vadd.s32 v24, v2  }
0x11e: {  	v3 =	vnsel vm6, $0x7FFFFFFF, v3;
	(xrf0) =	vmax.scan.msk.u32 $0xffff, v4;
	v2 =	vadd.s32 v26, v2  }
0x11f: {  	(xrf0) =	vmax.scan.msk.u32 $0xffff, v3;
	v3 =	vperm.xlane v2, v1  }
0x120: {  	(xrf0) =	vadd.scan.msk.s32 $0xffff, v5  }
0x121: {  	(xrf0) =	vadd.scan.msk.s32 $0xffff, v3;
	_ =	sdelay $0x2  }
0x122: {  	v3, _, _ =	vpop (xrf0)  }
0x123: {  	v4, _, _ =	vpop (xrf0)  }
0x124: {  	v5, _, _ =	vpop (xrf0)  }
0x125: {  	v28 =	vld [tilespmem:$0x1C8E0];
	v27, _, _ =	vpop (xrf0)  }
0x126: {  	v30 =	vld [tilespmem:$0x1C970];
	v29 =	vbroadcast v5, $0xF;
	v6 =	vperm.xlane v27, v1  }
0x127: {  	v31 =	vld [tilespmem:$0x1CA00]  }
0x128: {  	v32 =	vld [tilespmem:$0x1CA90];
	v6 =	vadd.s32 v29, v6  }
0x129: {  	v34 =	vld [tilespmem:$0x1CB20];
	v33 =	vor.u32 $0x80000070, v0;
	vm7 =	vgt.s32 v6, $0x7CF  }
0x12a: {  	v36 =	vld [tilespmem:$0x1CBB0];
	vm8 =	vgt.s32 v6, $0x1000;
	v35 =	vnsel vm7, $0x7FFFFFFF, v33  }
0x12b: {  	v37 =	vld [tilespmem:$0x1CC40];
	v7 =	vadd.s32 v28, v30;
	v11 =	vnsel vm8, $0x7FFFFFFF, v33;
	(xrf0) =	vmax.scan.msk.u32 $0xffff, v35  }
0x12c: {  	v38 =	vld [tilespmem:$0x1CCD0];
	v7 =	vadd.s32 v31, v7;
	(xrf0) =	vmax.scan.msk.u32 $0xffff, v11  }
0x12d: {  	v39 =	vld [tilespmem:$0x1CD60];
	(xrf0) =	vadd.scan.msk.s32 $0xffff, v2;
	v2 =	vadd.s32 v32, v7  }
0x12e: {  	v40 =	vld [tilespmem:$0x1CDF0];
	v2 =	vadd.s32 v34, v2  }
0x12f: {  	(v2sf) =	vpush v3, $0xF;
	v3 =	vld [tilespmem:$0x1CE80];
	v2 =	vadd.s32 v36, v2  }
0x130: {  	(v2sf) =	vpush v4, $0xF;
	v4 =	vld [tilespmem:$0x1CF10];
	v2 =	vadd.s32 v37, v2  }
0x131: {  	v41 =	vld [tilespmem:$0x1CFA0];
	(v2sf) =	vpush v5, $0xF;
	v5, _, _ =	vpop (xrf0);
	v2 =	vadd.s32 v38, v2  }
0x132: {  	v42 =	vld [tilespmem:$0x1D030];
	(v2sf) =	vpush v5, $0xF;
	v5, _, _ =	vpop (xrf0);
	v2 =	vadd.s32 v39, v2  }
0x133: {  	v43 =	vld [tilespmem:$0x1D0C0];
	(v2sf) =	vpush v5, $0xF;
	v5, _, _ =	vpop (xrf0);
	v2 =	vadd.s32 v40, v2  }
0x134: {  	(v2sf) =	vpush v5, $0xF;
	v2 =	vadd.s32 v3, v2;
	v3 =	vld [tilespmem:$0x1D150]  }
0x135: {  	v2 =	vadd.s32 v4, v2  }
0x136: {  	v2 =	vadd.s32 v41, v2  }
0x137: {  	v2 =	vadd.s32 v42, v2  }
0x138: {  	v2 =	vadd.s32 v43, v2  }
0x139: {  	v2 =	vadd.s32 v3, v2  }
0x13a: {  	v3 =	vperm.xlane v2, v1;
	_ =	sdelay $0x1  }
0x13b: {  	(xrf0) =	vadd.scan.msk.s32 $0xffff, v3;
	_ =	sdelay $0x1  }
0x13c: {  	s5 =	spop (v2sf)  }
0x13d: {  	s7 =	spop (v2sf)  }
0x13e: {  	s9 =	spop (v2sf)  }
0x13f: {  	s6 =	spop (v2sf)  }
0x140: {  	v5 =	vld [tilespmem:$0x1C960];
	s8 =	spop (v2sf);
	v3, _, _ =	vpop (xrf0)  }
0x141: {  	v4 =	vld [tilespmem:$0x1C8D0];
	s10 =	spop (v2sf);
	v3 =	vperm.xlane v3, v1  }
0x142: {  	v44 =	vld [tilespmem:$0x1C9F0];
	s11 =	sadd.s32 s9, s10  }
0x143: {  	v45 =	vld [tilespmem:$0x1CA80];
	v3 =	vadd.s32 s11, v3  }
0x144: {  	v47 =	vld [tilespmem:$0x1CB10];
	v46 =	vor.u32 $0x80000060, v0;
	vm9 =	vgt.s32 v3, $0x7CF  }
0x145: {  	vm10 =	vgt.s32 v3, $0x1000;
	v3 =	vld [tilespmem:$0x1CBA0];
	v48 =	vnsel vm9, $0x7FFFFFFF, v46  }
0x146: {  	v4 =	vadd.s32 v4, v5;
	v5 =	vld [tilespmem:$0x1CC30];
	v8 =	vnsel vm10, $0x7FFFFFFF, v46;
	(xrf0) =	vmax.scan.msk.u32 $0xffff, v48  }
0x147: {  	v49 =	vld [tilespmem:$0x1CCC0];
	v4 =	vadd.s32 v44, v4;
	(xrf0) =	vmax.scan.msk.u32 $0xffff, v8  }
0x148: {  	(xrf0) =	vadd.scan.msk.s32 $0xffff, v2;
	v2 =	vadd.s32 v45, v4;
	v4 =	vld [tilespmem:$0x1CD50]  }
0x149: {  	v50 =	vld [tilespmem:$0x1CDE0];
	v2 =	vadd.s32 v47, v2  }
0x14a: {  	v2 =	vadd.s32 v3, v2;
	v3 =	vld [tilespmem:$0x1CE70]  }
0x14b: {  	v2 =	vadd.s32 v5, v2;
	v5 =	vld [tilespmem:$0x1CF00]  }
0x14c: {  	v52 =	vld [tilespmem:$0x1CF90];
	v51, _, _ =	vpop (xrf0);
	v2 =	vadd.s32 v49, v2  }
0x14d: {  	(v2sf) =	vpush v51, $0xF;
	v53, _, _ =	vpop (xrf0);
	v2 =	vadd.s32 v4, v2;
	v4 =	vld [tilespmem:$0x1D020]  }
0x14e: {  	v55 =	vld [tilespmem:$0x1D0B0];
	(v2sf) =	vpush v53, $0xF;
	v54, _, _ =	vpop (xrf0);
	v2 =	vadd.s32 v50, v2  }
0x14f: {  	(v2sf) =	vpush v54, $0xF;
	v2 =	vadd.s32 v3, v2;
	v3 =	vld [tilespmem:$0x1D140]  }
0x150: {  	v2 =	vadd.s32 v5, v2  }
0x151: {  	v2 =	vadd.s32 v52, v2  }
0x152: {  	v2 =	vadd.s32 v4, v2  }
0x153: {  	v2 =	vadd.s32 v55, v2  }
0x154: {  	v2 =	vadd.s32 v3, v2  }
0x155: {  	v3 =	vperm.xlane v2, v1;
	_ =	sdelay $0x1  }
0x156: {  	(xrf0) =	vadd.scan.msk.s32 $0xffff, v3;
	_ =	sdelay $0x4  }
0x157: {  	s9 =	spop (v2sf)  }
0x158: {  	v5 =	vld [tilespmem:$0x1C950];
	s10 =	spop (v2sf);
	v3, _, _ =	vpop (xrf0)  }
0x159: {  	v4 =	vld [tilespmem:$0x1C8C0];
	s12 =	spop (v2sf);
	v3 =	vperm.xlane v3, v1  }
0x15a: {  	v56 =	vld [tilespmem:$0x1C9E0];
	s13 =	sadd.s32 s11, s12  }
0x15b: {  	v57 =	vld [tilespmem:$0x1CA70];
	v3 =	vadd.s32 s13, v3  }
0x15c: {  	v59 =	vld [tilespmem:$0x1CB00];
	v58 =	vor.u32 $0x80000050, v0;
	vm11 =	vgt.s32 v3, $0x7CF  }
0x15d: {  	vm12 =	vgt.s32 v3, $0x1000;
	v3 =	vld [tilespmem:$0x1CB90];
	v60 =	vnsel vm11, $0x7FFFFFFF, v58  }
0x15e: {  	v4 =	vadd.s32 v4, v5;
	v5 =	vld [tilespmem:$0x1CC20];
	v8 =	vnsel vm12, $0x7FFFFFFF, v58;
	(xrf0) =	vmax.scan.msk.u32 $0xffff, v60  }
0x15f: {  	v61 =	vld [tilespmem:$0x1CCB0];
	v4 =	vadd.s32 v56, v4;
	(xrf0) =	vmax.scan.msk.u32 $0xffff, v8  }
0x160: {  	(xrf0) =	vadd.scan.msk.s32 $0xffff, v2;
	v2 =	vadd.s32 v57, v4;
	v4 =	vld [tilespmem:$0x1CD40]  }
0x161: {  	v62 =	vld [tilespmem:$0x1CDD0];
	v2 =	vadd.s32 v59, v2  }
0x162: {  	v2 =	vadd.s32 v3, v2;
	v3 =	vld [tilespmem:$0x1CE60]  }
0x163: {  	v2 =	vadd.s32 v5, v2;
	v5 =	vld [tilespmem:$0x1CEF0]  }
0x164: {  	v12 =	vld [tilespmem:$0x1CF80];
	v63, _, _ =	vpop (xrf0);
	v2 =	vadd.s32 v61, v2  }
0x165: {  	(v2sf) =	vpush v63, $0xF;
	v13, _, _ =	vpop (xrf0);
	v2 =	vadd.s32 v4, v2;
	v4 =	vld [tilespmem:$0x1D010]  }
0x166: {  	v15 =	vld [tilespmem:$0x1D0A0];
	(v2sf) =	vpush v13, $0xF;
	v14, _, _ =	vpop (xrf0);
	v2 =	vadd.s32 v62, v2  }
0x167: {  	(v2sf) =	vpush v14, $0xF;
	v2 =	vadd.s32 v3, v2;
	v3 =	vld [tilespmem:$0x1D130]  }
0x168: {  	v2 =	vadd.s32 v5, v2  }
0x169: {  	v2 =	vadd.s32 v12, v2  }
0x16a: {  	v2 =	vadd.s32 v4, v2  }
0x16b: {  	v2 =	vadd.s32 v15, v2  }
0x16c: {  	v2 =	vadd.s32 v3, v2  }
0x16d: {  	v3 =	vperm.xlane v2, v1;
	_ =	sdelay $0x1  }
0x16e: {  	(xrf0) =	vadd.scan.msk.s32 $0xffff, v3;
	_ =	sdelay $0x4  }
0x16f: {  	s24 =	spop (v2sf)  }
0x170: {  	v5 =	vld [tilespmem:$0x1C940];
	s25 =	spop (v2sf);
	v3, _, _ =	vpop (xrf0)  }
0x171: {  	v4 =	vld [tilespmem:$0x1C8B0];
	s14 =	spop (v2sf);
	v3 =	vperm.xlane v3, v1  }
0x172: {  	v16 =	vld [tilespmem:$0x1C9D0];
	s15 =	sadd.s32 s13, s14  }
0x173: {  	v17 =	vld [tilespmem:$0x1CA60];
	v3 =	vadd.s32 s15, v3  }
0x174: {  	v18 =	vor.u32 $0x80000040, v0;
	v19 =	vld [tilespmem:$0x1CAF0];
	vm13 =	vgt.s32 v3, $0x7CF  }
0x175: {  	vm14 =	vgt.s32 v3, $0x1000;
	v3 =	vld [tilespmem:$0x1CB80];
	v20 =	vnsel vm13, $0x7FFFFFFF, v18  }
0x176: {  	v4 =	vadd.s32 v4, v5;
	v5 =	vld [tilespmem:$0x1CC10];
	v8 =	vnsel vm14, $0x7FFFFFFF, v18;
	(xrf0) =	vmax.scan.msk.u32 $0xffff, v20  }
0x177: {  	v21 =	vld [tilespmem:$0x1CCA0];
	v4 =	vadd.s32 v16, v4;
	(xrf0) =	vmax.scan.msk.u32 $0xffff, v8  }
0x178: {  	(xrf0) =	vadd.scan.msk.s32 $0xffff, v2;
	v2 =	vadd.s32 v17, v4;
	v4 =	vld [tilespmem:$0x1CD30]  }
0x179: {  	v22 =	vld [tilespmem:$0x1CDC0];
	v2 =	vadd.s32 v19, v2  }
0x17a: {  	v2 =	vadd.s32 v3, v2;
	v3 =	vld [tilespmem:$0x1CE50]  }
0x17b: {  	v2 =	vadd.s32 v5, v2;
	v5 =	vld [tilespmem:$0x1CEE0]  }
0x17c: {  	v24 =	vld [tilespmem:$0x1CF70];
	v23, _, _ =	vpop (xrf0);
	v2 =	vadd.s32 v21, v2  }
0x17d: {  	(v2sf) =	vpush v23, $0xF;
	v25, _, _ =	vpop (xrf0);
	v2 =	vadd.s32 v4, v2;
	v4 =	vld [tilespmem:$0x1D000]  }
0x17e: {  	v27 =	vld [tilespmem:$0x1D090];
	(v2sf) =	vpush v25, $0xF;
	v26, _, _ =	vpop (xrf0);
	v2 =	vadd.s32 v22, v2  }
0x17f: {  	(v2sf) =	vpush v26, $0xF;
	v2 =	vadd.s32 v3, v2;
	v3 =	vld [tilespmem:$0x1D120]  }
0x180: {  	v2 =	vadd.s32 v5, v2  }
0x181: {  	v2 =	vadd.s32 v24, v2  }
0x182: {  	v2 =	vadd.s32 v4, v2  }
0x183: {  	v2 =	vadd.s32 v27, v2  }
0x184: {  	v2 =	vadd.s32 v3, v2  }
0x185: {  	v3 =	vperm.xlane v2, v1;
	_ =	sdelay $0x1  }
0x186: {  	(xrf0) =	vadd.scan.msk.s32 $0xffff, v3;
	_ =	sdelay $0x4  }
0x187: {  	s26 =	spop (v2sf)  }
0x188: {  	v5 =	vld [tilespmem:$0x1C930];
	s28 =	spop (v2sf);
	v3, _, _ =	vpop (xrf0)  }
0x189: {  	v4 =	vld [tilespmem:$0x1C8A0];
	s16 =	spop (v2sf);
	v3 =	vperm.xlane v3, v1  }
0x18a: {  	v28 =	vld [tilespmem:$0x1C9C0];
	s17 =	sadd.s32 s15, s16  }
0x18b: {  	v29 =	vld [tilespmem:$0x1CA50];
	v3 =	vadd.s32 s17, v3  }
0x18c: {  	v31 =	vld [tilespmem:$0x1CAE0];
	v30 =	vor.u32 $0x80000030, v0;
	vm15 =	vgt.s32 v3, $0x7CF  }
0x18d: {  	vm4 =	vgt.s32 v3, $0x1000;
	v3 =	vld [tilespmem:$0x1CB70];
	v32 =	vnsel vm15, $0x7FFFFFFF, v30  }
0x18e: {  	v4 =	vadd.s32 v4, v5;
	v5 =	vld [tilespmem:$0x1CC00];
	v8 =	vnsel vm4, $0x7FFFFFFF, v30;
	(xrf0) =	vmax.scan.msk.u32 $0xffff, v32  }
0x18f: {  	v33 =	vld [tilespmem:$0x1CC90];
	v4 =	vadd.s32 v28, v4;
	(xrf0) =	vmax.scan.msk.u32 $0xffff, v8  }
0x190: {  	(xrf0) =	vadd.scan.msk.s32 $0xffff, v2;
	v2 =	vadd.s32 v29, v4;
	v4 =	vld [tilespmem:$0x1CD20]  }
0x191: {  	v34 =	vld [tilespmem:$0x1CDB0];
	v2 =	vadd.s32 v31, v2  }
0x192: {  	v2 =	vadd.s32 v3, v2;
	v3 =	vld [tilespmem:$0x1CE40]  }
0x193: {  	v2 =	vadd.s32 v5, v2;
	v5 =	vld [tilespmem:$0x1CED0]  }
0x194: {  	v36 =	vld [tilespmem:$0x1CF60];
	v35, _, _ =	vpop (xrf0);
	v2 =	vadd.s32 v33, v2  }
0x195: {  	(v2sf) =	vpush v35, $0xF;
	v37, _, _ =	vpop (xrf0);
	v2 =	vadd.s32 v4, v2;
	v4 =	vld [tilespmem:$0x1CFF0]  }
0x196: {  	v39 =	vld [tilespmem:$0x1D080];
	(v2sf) =	vpush v37, $0xF;
	v38, _, _ =	vpop (xrf0);
	v2 =	vadd.s32 v34, v2  }
0x197: {  	(v2sf) =	vpush v38, $0xF;
	v2 =	vadd.s32 v3, v2;
	v3 =	vld [tilespmem:$0x1D110]  }
0x198: {  	v2 =	vadd.s32 v5, v2  }
0x199: {  	v2 =	vadd.s32 v36, v2  }
0x19a: {  	v2 =	vadd.s32 v4, v2  }
0x19b: {  	v2 =	vadd.s32 v39, v2  }
0x19c: {  	v2 =	vadd.s32 v3, v2  }
0x19d: {  	v3 =	vperm.xlane v2, v1;
	_ =	sdelay $0x1  }
0x19e: {  	(xrf0) =	vadd.scan.msk.s32 $0xffff, v3;
	_ =	sdelay $0x4  }
0x19f: {  	s29 =	spop (v2sf)  }
0x1a0: {  	v5 =	vld [tilespmem:$0x1C920];
	s30 =	spop (v2sf);
	v3, _, _ =	vpop (xrf0)  }
0x1a1: {  	v4 =	vld [tilespmem:$0x1C890];
	s18 =	spop (v2sf);
	v3 =	vperm.xlane v3, v1  }
0x1a2: {  	v40 =	vld [tilespmem:$0x1C9B0];
	s19 =	sadd.s32 s17, s18  }
0x1a3: {  	v41 =	vld [tilespmem:$0x1CA40];
	v3 =	vadd.s32 s19, v3  }
0x1a4: {  	v42 =	vor.u32 $0x80000020, v0;
	v43 =	vld [tilespmem:$0x1CAD0];
	vm5 =	vgt.s32 v3, $0x7CF  }
0x1a5: {  	vm6 =	vgt.s32 v3, $0x1000;
	v3 =	vld [tilespmem:$0x1CB60];
	v44 =	vnsel vm5, $0x7FFFFFFF, v42  }
0x1a6: {  	v4 =	vadd.s32 v4, v5;
	v5 =	vld [tilespmem:$0x1CBF0];
	v8 =	vnsel vm6, $0x7FFFFFFF, v42;
	(xrf0) =	vmax.scan.msk.u32 $0xffff, v44  }
0x1a7: {  	v45 =	vld [tilespmem:$0x1CC80];
	v4 =	vadd.s32 v40, v4;
	(xrf0) =	vmax.scan.msk.u32 $0xffff, v8  }
0x1a8: {  	(xrf0) =	vadd.scan.msk.s32 $0xffff, v2;
	v2 =	vadd.s32 v41, v4;
	v4 =	vld [tilespmem:$0x1CD10]  }
0x1a9: {  	v46 =	vld [tilespmem:$0x1CDA0];
	v2 =	vadd.s32 v43, v2  }
0x1aa: {  	v2 =	vadd.s32 v3, v2;
	v3 =	vld [tilespmem:$0x1CE30]  }
0x1ab: {  	v2 =	vadd.s32 v5, v2;
	v5 =	vld [tilespmem:$0x1CEC0]  }
0x1ac: {  	v48 =	vld [tilespmem:$0x1CF50];
	v47, _, _ =	vpop (xrf0);
	v2 =	vadd.s32 v45, v2  }
0x1ad: {  	(v2sf) =	vpush v47, $0xF;
	v49, _, _ =	vpop (xrf0);
	v2 =	vadd.s32 v4, v2;
	v4 =	vld [tilespmem:$0x1CFE0]  }
0x1ae: {  	v51 =	vld [tilespmem:$0x1D070];
	(v2sf) =	vpush v49, $0xF;
	v50, _, _ =	vpop (xrf0);
	v2 =	vadd.s32 v46, v2  }
0x1af: {  	(v2sf) =	vpush v50, $0xF;
	v2 =	vadd.s32 v3, v2;
	v3 =	vld [tilespmem:$0x1D100]  }
0x1b0: {  	v2 =	vadd.s32 v5, v2  }
0x1b1: {  	v2 =	vadd.s32 v48, v2  }
0x1b2: {  	v2 =	vadd.s32 v4, v2  }
0x1b3: {  	v2 =	vadd.s32 v51, v2  }
0x1b4: {  	v2 =	vadd.s32 v3, v2  }
0x1b5: {  	v3 =	vperm.xlane v2, v1;
	_ =	sdelay $0x1  }
0x1b6: {  	(xrf0) =	vadd.scan.msk.s32 $0xffff, v3;
	_ =	sdelay $0x4  }
0x1b7: {  	s31 =	spop (v2sf)  }
0x1b8: {  	v5 =	vld [tilespmem:$0x1C910];
	s0 =	spop (v2sf);
	v3, _, _ =	vpop (xrf0)  }
0x1b9: {  	v4 =	vld [tilespmem:$0x1C880];
	s20 =	spop (v2sf);
	v3 =	vperm.xlane v3, v1  }
0x1ba: {  	v52 =	vld [tilespmem:$0x1C9A0];
	s19 =	sadd.s32 s19, s20  }
0x1bb: {  	v53 =	vld [tilespmem:$0x1CA30];
	v3 =	vadd.s32 s19, v3  }
0x1bc: {  	v54 =	vor.u32 $0x80000010, v0;
	v55 =	vld [tilespmem:$0x1CAC0];
	vm7 =	vgt.s32 v3, $0x7CF  }
0x1bd: {  	vm8 =	vgt.s32 v3, $0x1000;
	v3 =	vld [tilespmem:$0x1CB50];
	v56 =	vnsel vm7, $0x7FFFFFFF, v54  }
0x1be: {  	v4 =	vadd.s32 v4, v5;
	v5 =	vld [tilespmem:$0x1CBE0];
	v8 =	vnsel vm8, $0x7FFFFFFF, v54;
	(xrf0) =	vmax.scan.msk.u32 $0xffff, v56  }
0x1bf: {  	v57 =	vld [tilespmem:$0x1CC70];
	v4 =	vadd.s32 v52, v4;
	(xrf0) =	vmax.scan.msk.u32 $0xffff, v8  }
0x1c0: {  	(xrf0) =	vadd.scan.msk.s32 $0xffff, v2;
	v2 =	vadd.s32 v53, v4;
	v4 =	vld [tilespmem:$0x1CD00]  }
0x1c1: {  	v58 =	vld [tilespmem:$0x1CD90];
	v2 =	vadd.s32 v55, v2  }
0x1c2: {  	v2 =	vadd.s32 v3, v2;
	v3 =	vld [tilespmem:$0x1CE20]  }
0x1c3: {  	v2 =	vadd.s32 v5, v2;
	v5 =	vld [tilespmem:$0x1CEB0]  }
0x1c4: {  	v60 =	vld [tilespmem:$0x1CF40];
	v59, _, _ =	vpop (xrf0);
	v2 =	vadd.s32 v57, v2  }
0x1c5: {  	(v2sf) =	vpush v59, $0xF;
	v61, _, _ =	vpop (xrf0);
	v2 =	vadd.s32 v4, v2;
	v4 =	vld [tilespmem:$0x1CFD0]  }
0x1c6: {  	v63 =	vld [tilespmem:$0x1D060];
	(v2sf) =	vpush v61, $0xF;
	v62, _, _ =	vpop (xrf0);
	v2 =	vadd.s32 v58, v2  }
0x1c7: {  	(v2sf) =	vpush v62, $0xF;
	v2 =	vadd.s32 v3, v2;
	v3 =	vld [tilespmem:$0x1D0F0]  }
0x1c8: {  	v2 =	vadd.s32 v5, v2  }
0x1c9: {  	v2 =	vadd.s32 v60, v2  }
0x1ca: {  	v2 =	vadd.s32 v4, v2  }
0x1cb: {  	v2 =	vadd.s32 v63, v2  }
0x1cc: {  	v2 =	vadd.s32 v3, v2  }
0x1cd: {  	v2 =	vperm.xlane v2, v1;
	_ =	sdelay $0x1  }
0x1ce: {  	(xrf0) =	vadd.scan.msk.s32 $0xffff, v2;
	_ =	sdelay $0x4  }
0x1cf: {  	s1 =	spop (v2sf)  }
0x1d0: {  	s21 =	spop (v2sf);
	v2, _, _ =	vpop (xrf0)  }
0x1d1: {  	s22 =	spop (v2sf);
	v1 =	vperm.xlane v2, v1  }
0x1d2: {  	s19 =	sadd.s32 s19, s22  }
0x1d3: {  	v1 =	vadd.s32 s19, v1  }
0x1d4: {  	v2 =	vor.u32 $0x80000000, v0;
	vm9 =	vgt.s32 v1, $0x7CF  }
0x1d5: {  	vm10 =	vgt.s32 v1, $0x1000;
	v3 =	vnsel vm9, $0x7FFFFFFF, v2  }
0x1d6: {  	v1 =	vnsel vm10, $0x7FFFFFFF, v2;
	(xrf0) =	vmax.scan.msk.u32 $0xffff, v3  }
0x1d7: {  	(xrf0) =	vmax.scan.msk.u32 $0xffff, v1;
	_ =	sdelay $0x4  }
0x1d8: {  	v1, _, _ =	vpop (xrf0)  }
0x1d9: {  	(v2sf) =	vpush v1, $0xF;
	v1, _, _ =	vpop (xrf0)  }
0x1da: {  	(v2sf) =	vpush v1, $0xF;
	_ =	sdelay $0x1  }
0x1db: {  	s7 =	sxor.u32 $0x80000000, s7;
	s8 =	sxor.u32 $0x80000000, s8  }
0x1dc: {  	s5 =	sxor.u32 $0x80000000, s5;
	s6 =	sxor.u32 $0x80000000, s6;
	p0 =	sgt.s32 s7, s8  }
0x1dd: {  	s8 =	smov.u32 @p0 s7;
	p0 =	sgt.s32 s5, s6;
	s7 =	sxor.u32 $0x80000000, s10  }
0x1de: {  	s6 =	smov.u32 @p0 s5;
	s5 =	sxor.u32 $0x80000000, s9;
	p0 =	sgt.s32 s8, s7  }
0x1df: {  	s7 =	smov.u32 @p0 s8;
	p0 =	sgt.s32 s6, s5;
	s8 =	sxor.u32 $0x80000000, s25  }
0x1e0: {  	s5 =	smov.u32 @p0 s6;
	s6 =	sxor.u32 $0x80000000, s24;
	p0 =	sgt.s32 s7, s8  }
0x1e1: {  	s8 =	smov.u32 @p0 s7;
	p0 =	sgt.s32 s5, s6;
	s7 =	sxor.u32 $0x80000000, s28  }
0x1e2: {  	s6 =	smov.u32 @p0 s5;
	s5 =	sxor.u32 $0x80000000, s26;
	p0 =	sgt.s32 s8, s7  }
0x1e3: {  	s7 =	smov.u32 @p0 s8;
	p0 =	sgt.s32 s6, s5;
	s8 =	sxor.u32 $0x80000000, s30  }
0x1e4: {  	s5 =	smov.u32 @p0 s6;
	s6 =	sxor.u32 $0x80000000, s29;
	p0 =	sgt.s32 s7, s8  }
0x1e5: {  	s8 =	smov.u32 @p0 s7;
	p0 =	sgt.s32 s5, s6;
	s7 =	sxor.u32 $0x80000000, s0  }
0x1e6: {  	s6 =	smov.u32 @p0 s5;
	p0 =	sgt.s32 s8, s7  }
0x1e7: {  	s7 =	smov.u32 @p0 s8;
	s8 =	sxor.u32 $0x80000000, s21;
	s22 =	spop (v2sf)  }
0x1e8: {  	s9 =	sxor.u32 $0x80000000, s31;
	p0 =	sgt.s32 s7, s8;
	s24 =	spop (v2sf)  }
0x1e9: {  	s8 =	smov.u32 @p0 s7;
	p0 =	sgt.s32 s6, s9;
	s7 =	sxor.u32 $0x80000000, s24  }
0x1ea: {  	s9 =	smov.u32 @p0 s6;
	s6 =	sxor.u32 $0x80000000, s1;
	p0 =	sgt.s32 s8, s7  }
0x1eb: {  	s7 =	smov.u32 @p0 s8;
	p0 =	sgt.s32 s9, s6  }
0x1ec: {  	s5 =	sxor.u32 $0x80000000, s22;
	s6 =	smov.u32 @p0 s9;
	s8 =	sshra.s32 s7, $0x1F  }
0x1ed: {  	p0 =	sgt.s32 s6, s5;
	s7 =	sor.u32 s8, s7  }
0x1ee: {  	s5 =	smov.u32 @p0 s6;
	s7 =	sadd.s32 $0x1, s7  }
0x1ef: {  	p0 =	sgt.s32 s5, s7  }
0x1f0: {  	s7 =	smov.u32 @p0 s5  }
0x1f1: {  	p0 =	sgt.s32 s7, $0x0  }
0x1f2: {  	s6 =	simm.s32 $0x20;
	s7 =	simm.s32 @!p0 $0x0  }
0x1f3: {  	v2 =	vld [tilespmem:s6+$0xFFFFFFE0];
	s25 =	sshll.u32 s7, $0x12  }
0x1f4: {  	s5 =	sadd.s32 $0x3D4C0000, s25  }
0x1f5: {  	s26 =	simm.s32 $0x0;
	p0 =	sgt.s32 s5, $0x3D4CCCCE  }
0x1f6: {  	v3 =	vadd.s32 s26, v0;
	s5 =	simm.s32 @!p0 $0x3D4CCCCE  }
0x1f7: {  	v1 =	vmov s5  }
0x1f8: {  	vm11 =	vge.s32 v2, v1  }
0x1f9: {  	v2 =	vmpcnt.ones.xlane vm11  }
0x1fa: {  	s5 =	simm.s32 $0x1D710  }
0x1fb: {  	[tilespmem:v3+s5+$0x0] =	vst.idx.msk $0x1, v2  }
0x1fc: {  	v2 =	vld [tilespmem:s6+$0xFFFFFFF0];
	_ =	sdelay $0x1  }
0x1fd: {  	s28 =	simm.s32 $0x1  }
0x1fe: {  	v3 =	vadd.s32 s28, v0;
	_ =	sdelay $0x1  }
0x1ff: {  	vm12 =	vge.s32 v2, v1  }
0x200: {  	v2 =	vmpcnt.ones.xlane vm12;
	_ =	sdelay $0x1  }
0x201: {  	[tilespmem:v3+s5+$0x0] =	vst.idx.msk $0x1, v2  }
0x202: {  	v2 =	vld [tilespmem:s6+$0x0];
	_ =	sdelay $0x1  }
0x203: {  	s29 =	simm.s32 $0x2  }
0x204: {  	v3 =	vadd.s32 s29, v0;
	_ =	sdelay $0x1  }
0x205: {  	vm13 =	vge.s32 v2, v1  }
0x206: {  	v2 =	vmpcnt.ones.xlane vm13;
	_ =	sdelay $0x1  }
0x207: {  	[tilespmem:v3+s5+$0x0] =	vst.idx.msk $0x1, v2  }
0x208: {  	v2 =	vld [tilespmem:s6+$0x10];
	_ =	sdelay $0x1  }
0x209: {  	s30 =	simm.s32 $0x3  }
0x20a: {  	v3 =	vadd.s32 s30, v0;
	_ =	sdelay $0x1  }
0x20b: {  	vm14 =	vge.s32 v2, v1  }
0x20c: {  	v2 =	vmpcnt.ones.xlane vm14;
	_ =	sdelay $0x1  }
0x20d: {  	[tilespmem:v3+s5+$0x0] =	vst.idx.msk $0x1, v2  }
0x20e: {  	v2 =	vld [tilespmem:s6+$0x20];
	_ =	sdelay $0x3  }
0x20f: {  	s31 =	simm.s32 $0x4  }
0x210: {  	vm15 =	vge.s32 v2, v1;
	v2 =	vadd.s32 s31, v0;
	_ =	sdelay $0x2  }
0x211: {  	s7 =	simm.s32 $0x9;
	v3 =	vmpcnt.ones.xlane vm15  }
.LBB2_7:
0x212: {  	p0 =	sne.s32 s7, $0x1869  }
0x213: {  	s6 =	sadd.s32 $0x58, s6;
	s8 =	smov.u32 s7;
	s7 =	sadd.s32 $0x5, s7;
	[tilespmem:v2+s5+$0x0] =	vst.idx.msk $0x1, v3  }
0x214: {  	v2 =	vld [tilespmem:s6+$0xFFFFFFE0];
	_ =	sdelay $0x1  }
0x215: {  	s9 =	sadd.s32 $0xFFFFFFFC, s8  }
0x216: {  	v3 =	vadd.s32 s9, v0;
	_ =	sdelay $0x1  }
0x217: {  	vm0 =	vge.s32 v2, v1  }
0x218: {  	v2 =	vmpcnt.ones.xlane vm0;
	_ =	sdelay $0x1  }
0x219: {  	[tilespmem:v3+s5+$0x0] =	vst.idx.msk $0x1, v2  }
0x21a: {  	v2 =	vld [tilespmem:s6+$0xFFFFFFF0];
	_ =	sdelay $0x1  }
0x21b: {  	s9 =	sadd.s32 $0xFFFFFFFD, s8  }
0x21c: {  	v3 =	vadd.s32 s9, v0;
	_ =	sdelay $0x1  }
0x21d: {  	vm0 =	vge.s32 v2, v1  }
0x21e: {  	v2 =	vmpcnt.ones.xlane vm0;
	_ =	sdelay $0x1  }
0x21f: {  	[tilespmem:v3+s5+$0x0] =	vst.idx.msk $0x1, v2  }
0x220: {  	v2 =	vld [tilespmem:s6+$0x0];
	_ =	sdelay $0x1  }
0x221: {  	s9 =	sadd.s32 $0xFFFFFFFE, s8  }
0x222: {  	v3 =	vadd.s32 s9, v0;
	_ =	sdelay $0x1  }
0x223: {  	vm0 =	vge.s32 v2, v1  }
0x224: {  	v2 =	vmpcnt.ones.xlane vm0;
	_ =	sdelay $0x1  }
0x225: {  	[tilespmem:v3+s5+$0x0] =	vst.idx.msk $0x1, v2  }
0x226: {  	v2 =	vld [tilespmem:s6+$0x10];
	_ =	sdelay $0x1  }
0x227: {  	s9 =	sadd.s32 $0xFFFFFFFF, s8  }
0x228: {  	v3 =	vadd.s32 s9, v0;
	_ =	sdelay $0x1  }
0x229: {  	vm0 =	vge.s32 v2, v1  }
0x22a: {  	v2 =	vmpcnt.ones.xlane vm0;
	_ =	sdelay $0x1  }
0x22b: {  	[tilespmem:v3+s5+$0x0] =	vst.idx.msk $0x1, v2  }
0x22c: {  	v3 =	vld [tilespmem:s6+$0x20];
	_ =	sdelay $0x1  }
.Ltmp3:
0x22d: {  	(pc) =	sbr.rel @p0 .LBB2_7-.Ltmp3, $3  }
0x22e: {  	v2 =	vadd.s32 s8, v0;
	_ =	sdelay $0x1  }
0x22f: {  	vm0 =	vge.s32 v3, v1  }
0x230: {  	v3 =	vmpcnt.ones.xlane vm0  }
0x231: {  	_ =	sdelay $0x3  }
0x232: {  	[tilespmem:v2+s5+$0x0] =	vst.idx.msk $0x1, v3  }
0x233: {  	s7 =	simm.s32 $0x0;
	v0 =	vlaneseq.u32;
	s6 =	simm.s32 $0x1EF90;
	s8 =	simm.s32 $0x10;
	v2 =	vimm.s32 $0x0;
	v3 =	vimm.s32 $0x0;
	v4 =	vld [tilespmem:s5+$0x0]  }
.LBB2_9:
0x234: {  	p0 =	sne.s32 s8, $0x1850;
	_ =	sdelay $0x3  }
0x235: {  	vm0 =	vgt.s32 v4, $0x0  }
0x236: {  	v4 =	vsel vm0, $0x1, v3  }
0x237: {  	(xrf0) =	vadd.scan.msk.s32 $0xffff, v4;
	_ =	sdelay $0x4  }
0x238: {  	v4 =	vsel vm0, $0xFFFFFFFF, v3  }
0x239: {  	v4 =	vadd.s32 v4, v2;
	v5, _, _ =	vpop (xrf0)  }
0x23a: {  	v4 =	vadd.s32 v5, v4  }
0x23b: {  	vm1 =	vlt.s32 v4, $0x820  }
0x23c: {  	vm0 =	vmand vm0, vm1  }
0x23d: {  	v5 =	vmpcnt.ones.xlane vm0;
	_ =	sdelay $0x1  }
.Ltmp4:
0x23e: {  	v2 =	vadd.s32 v2, v5;
	(pc) =	sbr.rel @p0 .LBB2_9-.Ltmp4, $4  }
0x23f: {  	_ = 	snop  }
0x240: {  	v5 =	vor.u32 s7, v0;
	s7 =	smov.u32 s8  }
0x241: {  	s5 =	sadd.s32 $0x10, s5;
	[tilespmem:v4+s6+$0x0] =	vst.idx.msk vm0, v5  }
0x242: {  	s8 =	sadd.s32 $0x10, s8;
	v4 =	vld [tilespmem:s5+$0x0]  }
0x243: {  	_ =	sdelay $0x3  }
0x244: {  	vm0 =	vgt.s32 v4, $0x0  }
0x245: {  	v4 =	vsel vm0, $0x1, v3  }
0x246: {  	(xrf0) =	vadd.scan.msk.s32 $0xffff, v4;
	_ =	sdelay $0x4  }
0x247: {  	v3 =	vsel vm0, $0xFFFFFFFF, v3  }
0x248: {  	v3 =	vadd.s32 v3, v2;
	v4, _, _ =	vpop (xrf0)  }
0x249: {  	v3 =	vadd.s32 v4, v3  }
0x24a: {  	vm1 =	vlt.s32 v3, $0x820  }
0x24b: {  	vm0 =	vmand vm0, vm1  }
0x24c: {  	v63 =	vmpcnt.ones.xlane vm0;
	_ =	sdelay $0x1  }
0x24d: {  	v2 =	vadd.s32 v2, v63  }
0x24e: {  	v2 =	vxor.u32 $0x80000000, v2  }
0x24f: {  	(xrf0) =	vmax.scan.msk.u32 $0xffff, v2;
	_ =	sdelay $0x5  }
0x250: {  	v2, _, _ =	vpop (xrf0)  }
0x251: {  	(v2sf) =	vpush v2, $0xF;
	_ =	sdelay $0xe  }
0x252: {  	s5 =	spop (v2sf)  }
0x253: {  	s5 =	sxor.u32 $0x80000000, s5  }
0x254: {  	p0 =	slt.s32 s5, $0x1  }
.Ltmp5:
0x255: {  	_ = 	snop;
	(pc) =	sbr.rel @p0 .LBB2_11-.Ltmp5, $3  }
0x256: {  	_ =	sdelay $0x1  }
0x257: {  	v0 =	vor.u32 s7, v0;
	s31 =	sshll.u32 s4, $0x4  }
0x258: {  	[tilespmem:v3+s6+$0x0] =	vst.idx.msk vm0, v0;
	s6 =	sadd.s32 s31, s3  }
0x259: {  	s7 =	smul.u32 $0x186A0, s4;
	s8 =	simm.s32 $0x1EF90  }
0x25a: {  	v0 =	vimm.s32 $0x0;
	v2 =	vlaneseq.u32;
	s9 =	simm.s32 $0x0;
	v3 =	vimm.s32 $0x0;
	s10 =	simm.s32 $0x1ADB0;
	s11 =	simm.s32 $0x1B650  }
.LBB2_13:
0x25b: {  	v4 =	vld [tilespmem:s8+$0x0];
	_ =	sdelay $0x4  }
0x25c: {  	(v2sf) =	vpush v4, $0x0;
	_ =	sdelay $0xe  }
0x25d: {  	s12 =	spop (v2sf)  }
0x25e: {  	s13 =	smulhi.u32 $0x66666667, s12;
	s14 =	sshra.s32 s12, $0x1F  }
0x25f: {  	s14 =	smul.u32 $0x66666667, s14;
	_ =	sdelay $0x1  }
0x260: {  	s13 =	sadd.s32 s14, s13  }
0x261: {  	s14 =	sshrl.u32 s13, $0x1F;
	s13 =	sshra.s32 s13, $0x1  }
0x262: {  	s13 =	sadd.s32 s14, s13  }
0x263: {  	s14 =	smul.u32 $0xFFFFFFFB, s13;
	_ =	sdelay $0x1  }
0x264: {  	s14 =	sadd.s32 s12, s14  }
0x265: {  	p0 =	slt.s32 s12, $0x1;
	p1 =	sne.s32 s14, $0x0  }
0x266: {  	p0 =	por !p0, !p1  }
0x267: {  	s12 =	simm.s32 $0x1;
	p0 =	por !p0, !p0  }
0x268: {  	s12 =	simm.s32 @!p0 $0x0  }
0x269: {  	s12 =	ssub.s32 s13, s12  }
0x26a: {  	s13 =	sshll.u32 s14, $0x4;
	v4 =	vmov s12  }
0x26b: {  	p0 =	slt.s32 s14, $0x0;
	s14 =	sadd.s32 $0x50, s13;
	v4 =	vmul.u32 $0x58, v4  }
0x26c: {  	s13 =	smov.u32 @p0 s14  }
0x26d: {  	v4 =	vadd.s32 s13, v4  }
0x26e: {  	v4 =	vbroadcast v4, $0x0;
	_ =	sdelay $0x1  }
0x26f: {  	v4 =	vadd.s32 v2, v4;
	_ =	sdelay $0x4  }
0x270: {  	v4 =	vld.idx.msk [tilespmem:v4+s9+$0x0], $0xffff;
	_ =	sdelay $0x4  }
0x271: {  	vm0 =	vle.s32 v1, v4  }
0x272: {  	v5 =	vsel vm0, $0x1, v3  }
0x273: {  	(xrf0) =	vadd.scan.msk.s32 $0xffff, v5;
	_ =	sdelay $0x4  }
0x274: {  	v5 =	vsel vm0, $0xFFFFFFFF, v3  }
0x275: {  	v5 =	vadd.s32 v5, v0;
	v6, _, _ =	vpop (xrf0)  }
0x276: {  	v5 =	vadd.s32 v6, v5  }
0x277: {  	vm1 =	vlt.s32 v5, $0x820  }
0x278: {  	vm0 =	vmand vm0, vm1;
	_ =	sdelay $0x1  }
0x279: {  	s12 =	smul.u32 $0x50, s12;
	p0 =	sne.s32 s5, $0x1  }
.Ltmp6:
0x27a: {  	_ = 	snop;
	(pc) =	sbr.rel @p0 .LBB2_13-.Ltmp6, $4  }
0x27b: {  	s13 =	sadd.s32 s7, s13  }
0x27c: {  	s12 =	sadd.s32 s12, s13;
	v63 =	vmpcnt.ones.xlane vm0  }
0x27d: {  	[tilespmem:v5+s10+$0x0] =	vst.idx.msk vm0, v4;
	v4 =	vor.u32 s12, v2  }
0x27e: {  	s8 =	sadd.s32 $0x1, s8;
	s5 =	sadd.s32 $0xFFFFFFFF, s5;
	v0 =	vadd.s32 v0, v63;
	[tilespmem:v5+s11+$0x0] =	vst.idx.msk vm0, v4  }
.Ltmp7:
0x27f: {  	(pc) =	sbr.rel .LBB2_15-.Ltmp7, $2  }
0x280: {  	_ =	sdelay $0x2  }
0x281: {  	v0 =	vxor.u32 $0x80000000, v0  }
.LBB2_11:
0x282: {  	v0 =	vimm.s32 $0x80000000  }
.LBB2_15:
0x283: {  	(xrf0) =	vmax.scan.msk.u32 $0xffff, v0;
	_ =	sdelay $0x5  }
0x284: {  	v0, _, _ =	vpop (xrf0)  }
0x285: {  	(v2sf) =	vpush v0, $0xF;
	_ =	sdelay $0xe  }
0x286: {  	s5 =	spop (v2sf)  }
0x287: {  	s7 =	sxor.u32 $0x80000000, s5  }
0x288: {  	vm4 =	vcmask $0x300;
	v0 =	vmov s7  }
0x289: {  	v1 =	vnsel vm4, $0x0, v0  }
0x28a: {  	s25 =	simm.s32 $0x1D600;
	s26 =	simm.s32 $0x2;
	[tilespmem:$0x1D600] =	vst v1  }
0x28b: {  	[spmem:s6] =	stream.linear.scatter [tilespmem:s25], [sflag:$0x2], $0x10, $0x38;
	[tilespmem:$0x1F860] =	vst v63  }
0x28c: {  	_ =	swait.ge [sflag:s26], $0x10  }
0x28d: {  	[sflag:s26] =	ssyncset.done $0x0  }
0x28e: {  	[sflag:s26] =	ssyncadd.s32 $0xFFFFFFF0  }
0x28f: {  	s28 =	simm.s32 $0x1D610;
	[bflag:$0x0] =	sbarrier.arrive $0xFFFF  }
0x290: {  	[tilespmem:s28], [sflag:$0x2] =	stream.linear.gather [spmem:s3], $0x100, $0x38;
	[tilespmem:$0x1F860] =	vst v63  }
0x291: {  	_ =	swait.ge [sflag:s26], $0x100  }
0x292: {  	[sflag:s26] =	ssyncset.done $0x0  }
0x293: {  	[sflag:s26] =	ssyncadd.s32 $0xFFFFFF00  }
0x294: {  	v1 =	vld [tilespmem:$0x1D610]  }
0x295: {  	v2 =	vld [tilespmem:$0x1D620]  }
0x296: {  	v3 =	vld [tilespmem:$0x1D630]  }
0x297: {  	v4 =	vld [tilespmem:$0x1D640]  }
0x298: {  	vm1 =	vmmov $0x1;
	v5 =	vld [tilespmem:$0x1D650]  }
0x299: {  	v6 =	vld [tilespmem:$0x1D660];
	v1 =	vnsel vm1, $0x0, v1  }
0x29a: {  	(xrf0) =	vadd.scan.msk.s32 $0xffff, v1;
	v1 =	vnsel vm1, $0x0, v2;
	v2 =	vld [tilespmem:$0x1D670]  }
0x29b: {  	(xrf0) =	vadd.scan.msk.s32 $0xffff, v1;
	v1 =	vnsel vm1, $0x0, v3;
	v3 =	vld [tilespmem:$0x1D680]  }
0x29c: {  	v55 =	vld [tilespmem:$0x1D690];
	(xrf0) =	vadd.scan.msk.s32 $0xffff, v1;
	v1 =	vnsel vm1, $0x0, v4  }
0x29d: {  	v56 =	vld [tilespmem:$0x1D6A0];
	(xrf0) =	vadd.scan.msk.s32 $0xffff, v1;
	v1 =	vnsel vm1, $0x0, v5  }
0x29e: {  	v57 =	vld [tilespmem:$0x1D6B0];
	(xrf0) =	vadd.scan.msk.s32 $0xffff, v1;
	v1 =	vnsel vm1, $0x0, v6  }
0x29f: {  	(xrf0) =	vadd.scan.msk.s32 $0xffff, v1;
	v1 =	vnsel vm1, $0x0, v2;
	v2 =	vld [tilespmem:$0x1D6C0]  }
0x2a0: {  	v7, _, _ =	vpop (xrf0);
	(xrf0) =	vadd.scan.msk.s32 $0xffff, v1;
	v1 =	vnsel vm1, $0x0, v3;
	v3 =	vld [tilespmem:$0x1D6D0]  }
0x2a1: {  	v59 =	vld [tilespmem:$0x1D6E0];
	(v2sf) =	vpush v7, $0xF;
	v58, _, _ =	vpop (xrf0);
	(xrf0) =	vadd.scan.msk.s32 $0xffff, v1;
	v1 =	vnsel vm1, $0x0, v55  }
0x2a2: {  	p0 =	sne.s32 s4, $0x0;
	v61 =	vld [tilespmem:$0x1D6F0];
	(v2sf) =	vpush v58, $0xF;
	v60, _, _ =	vpop (xrf0);
	(xrf0) =	vadd.scan.msk.s32 $0xffff, v1;
	v1 =	vnsel vm1, $0x0, v56  }
0x2a3: {  	v6 =	vld @!p0 [tilespmem:$0x1D700];
	(v2sf) =	vpush v60, $0xF;
	v62, _, _ =	vpop (xrf0);
	(xrf0) =	vadd.scan.msk.s32 $0xffff, v1;
	v1 =	vnsel vm1, $0x0, v57  }
0x2a4: {  	(v2sf) =	vpush v62, $0xF;
	v63, _, _ =	vpop (xrf0);
	(xrf0) =	vadd.scan.msk.s32 $0xffff, v1;
	v1 =	vnsel vm1, $0x0, v2  }
0x2a5: {  	(v2sf) =	vpush v63, $0xF;
	v2, _, _ =	vpop (xrf0);
	(xrf0) =	vadd.scan.msk.s32 $0xffff, v1;
	v1 =	vnsel vm1, $0x0, v3  }
0x2a6: {  	(v2sf) =	vpush v2, $0xF;
	v2, _, _ =	vpop (xrf0);
	(xrf0) =	vadd.scan.msk.s32 $0xffff, v1;
	v1 =	vnsel vm1, $0x0, v59  }
0x2a7: {  	(v2sf) =	vpush v2, $0xF;
	v2, _, _ =	vpop (xrf0);
	(xrf0) =	vadd.scan.msk.s32 $0xffff, v1;
	v1 =	vnsel vm1, $0x0, v61;
	vm1 =	vmmov @!p0 $0x1  }
0x2a8: {  	(v2sf) =	vpush v2, $0xF;
	v2, _, _ =	vpop (xrf0);
	(xrf0) =	vadd.scan.msk.s32 $0xffff, v1;
	v1 =	vnsel @!p0 vm1, $0x0, v6;
	_ =	sdelay $0x1  }
0x2a9: {  	(v2sf) =	vpush v2, $0xF;
	v2, _, _ =	vpop (xrf0);
	(xrf0) =	vadd.scan.msk.s32 @!p0 $0xffff, v1  }
0x2aa: {  	(v2sf) =	vpush v2, $0xF;
	v1, _, _ =	vpop (xrf0)  }
0x2ab: {  	v2, _, _ =	vpop (xrf0);
	(v2sf) =	vpush v1, $0xF  }
0x2ac: {  	v1, _, _ =	vpop (xrf0);
	(v2sf) =	vpush v2, $0xF  }
0x2ad: {  	v2, _, _ =	vpop (xrf0);
	(v2sf) =	vpush v1, $0xF  }
0x2ae: {  	v1, _, _ =	vpop (xrf0);
	(v2sf) =	vpush v2, $0xF  }
0x2af: {  	(v2sf) =	vpush v1, $0xF;
	v1, _, _ =	vpop @!p0 (xrf0)  }
0x2b0: {  	s18 =	spop (v2sf);
	(v2sf) =	vpush @!p0 v1, $0xF  }
0x2b1: {  	s20 =	spop (v2sf)  }
0x2b2: {  	s19 =	spop (v2sf);
	s3 =	sadd.s32 @!p0 s18, s20  }
0x2b3: {  	s17 =	spop (v2sf);
	s3 =	sadd.s32 @!p0 s19, s3  }
0x2b4: {  	s16 =	spop (v2sf);
	s3 =	sadd.s32 @!p0 s17, s3  }
0x2b5: {  	s15 =	spop (v2sf);
	s3 =	sadd.s32 @!p0 s16, s3  }
0x2b6: {  	s14 =	spop (v2sf);
	s3 =	sadd.s32 @!p0 s15, s3  }
0x2b7: {  	s13 =	spop (v2sf);
	s3 =	sadd.s32 @!p0 s14, s3  }
0x2b8: {  	s12 =	spop (v2sf);
	s3 =	sadd.s32 @!p0 s13, s3  }
0x2b9: {  	s11 =	spop (v2sf);
	s3 =	sadd.s32 @!p0 s12, s3  }
0x2ba: {  	s3 =	sadd.s32 @!p0 s11, s3;
	s10 =	spop (v2sf)  }
0x2bb: {  	s9 =	spop (v2sf);
	s3 =	sadd.s32 @!p0 s10, s3  }
0x2bc: {  	s6 =	spop (v2sf);
	s3 =	sadd.s32 @!p0 s9, s3  }
0x2bd: {  	s7 =	spop (v2sf);
	s3 =	sadd.s32 @!p0 s6, s3  }
0x2be: {  	s8 =	spop (v2sf);
	s3 =	sadd.s32 @!p0 s7, s3  }
0x2bf: {  	s21 =	spop @!p0 (v2sf);
	s3 =	sadd.s32 @!p0 s8, s3  }
0x2c0: {  	s29 =	sadd.s32 $0x8000007F, s5;
	s3 =	sadd.s32 @!p0 s21, s3  }
0x2c1: {  	s30 =	sand.u32 $0x7F, s29;
	s5 =	sshra.s32 s29, $0x1F;
	vm1 =	vcmask @!p0 $0x300;
	v1 =	vmov @!p0 s3  }
0x2c2: {  	p1 =	slt.s32 s29, $0x1;
	p2 =	sne.s32 s30, $0x0;
	s31 =	sshrl.u32 s5, $0x19;
	v1 =	vnsel @!p0 vm1, $0x0, v1  }
0x2c3: {  	p1 =	por !p1, !p2;
	s21 =	simm.s32 @!p0 $0x1D600;
	s3 =	simm.s32 @!p0 $0x0;
	[tilespmem:$0x1D600] =	vst @!p0 v1  }
0x2c4: {  	[hbm4b:s2+s3] =	stream.linear.scatter @!p0 [tilespmem:s21], [sflag:$0x2], $0x8, $0x38;
	[tilespmem:$0x1F860] =	vst v63  }
0x2c5: {  	p1 =	por !p1, !p1;
	s2 =	sadd.s32 s31, s29;
	s3 =	simm.s32 $0x1  }
0x2c6: {  	s2 =	sshra.s32 s2, $0x7;
	s3 =	simm.s32 @!p1 $0x0  }
0x2c7: {  	s0 =	ssub.s32 s2, s3  }
0x2c8: {  	p1 =	slt.s32 s0, $0x1  }
.Ltmp8:
0x2c9: {  	_ = 	snop;
	(pc) =	sbr.rel @p1 .LBB2_18-.Ltmp8, $4  }
0x2ca: {  	s5 =	simm.s32 @!p0 $0x2  }
0x2cb: {  	_ =	swait.ge @!p0 [sflag:s5], $0x8  }
0x2cc: {  	[sflag:s5] =	ssyncset.done @!p0 $0x0  }
0x2cd: {  	s3 =	simm.s32 $0x1;
	[sflag:s5] =	ssyncadd.s32 @!p0 $0xFFFFFFF8  }
0x2ce: {  	p1 =	sgt.u32 s4, $0x1;
	p2 =	seq.s32 s4, $0x0  }
0x2cf: {  	s2 =	simm.s32 $0x1ADB0;
	s28 =	simm.s32 $0x1D180;
	s29 =	simm.s32 $0x1D200  }
0x2d0: {  	s30 =	simm.s32 $0x1D280;
	[dreg:$0xf] =	wrdreg s23;
	s18 =	simm.s32 @p2 $0x0  }
0x2d1: {  	s20 =	simm.s32 @!p1 $0x0;
	p1 =	sgt.u32 s4, $0x2;
	[dreg:$0xb] =	wrdreg s28  }
0x2d2: {  	s19 =	simm.s32 @!p1 $0x0;
	p1 =	sgt.u32 s4, $0x3;
	s5 =	sadd.s32 s18, s20  }
0x2d3: {  	s17 =	simm.s32 @!p1 $0x0;
	p1 =	sgt.u32 s4, $0x4;
	s5 =	sadd.s32 s19, s5  }
0x2d4: {  	s16 =	simm.s32 @!p1 $0x0;
	p1 =	sgt.u32 s4, $0x5;
	s5 =	sadd.s32 s17, s5  }
0x2d5: {  	s15 =	simm.s32 @!p1 $0x0;
	p1 =	sgt.u32 s4, $0x6;
	s5 =	sadd.s32 s16, s5  }
0x2d6: {  	s14 =	simm.s32 @!p1 $0x0;
	p1 =	sgt.u32 s4, $0x7;
	s5 =	sadd.s32 s15, s5  }
0x2d7: {  	s13 =	simm.s32 @!p1 $0x0;
	p1 =	sgt.u32 s4, $0x8;
	s5 =	sadd.s32 s14, s5  }
0x2d8: {  	s12 =	simm.s32 @!p1 $0x0;
	p1 =	sgt.u32 s4, $0x9;
	s5 =	sadd.s32 s13, s5  }
0x2d9: {  	s11 =	simm.s32 @!p1 $0x0;
	p1 =	sgt.u32 s4, $0xA;
	s5 =	sadd.s32 s12, s5  }
0x2da: {  	s10 =	simm.s32 @!p1 $0x0;
	p1 =	sgt.u32 s4, $0xB;
	s5 =	sadd.s32 s11, s5  }
0x2db: {  	s9 =	simm.s32 @!p1 $0x0;
	p1 =	sgt.u32 s4, $0xC;
	s5 =	sadd.s32 s10, s5  }
0x2dc: {  	s6 =	simm.s32 @!p1 $0x0;
	p1 =	sgt.u32 s4, $0xD;
	s5 =	sadd.s32 s9, s5  }
0x2dd: {  	v1 =	vimm.s32 $0xECA86420;
	vm1 =	vcmask $0xB08;
	s7 =	simm.s32 @!p1 $0x0;
	p1 =	seq.s32 s4, $0xF;
	s26 =	sadd.s32 s6, s5  }
0x2de: {  	vm2 =	vcmask $0x1310;
	vm3 =	vcmask $0x1B18;
	v2 =	vunpack.c.l.s4.s8 v1;
	[dreg:$0xc] =	wrdreg s29;
	s8 =	simm.s32 @!p1 $0x0;
	s4 =	sadd.s32 s7, s26  }
0x2df: {  	v3 =	vlaneseq.u32;
	vm8 =	vmmov $0xff;
	s31 =	simm.s32 $0x1D300;
	v5 =	vimm.s32 $0x0;
	[dreg:$0xd] =	wrdreg s30;
	s4 =	sadd.s32 s8, s4  }
0x2e0: {  	v4 =	vmul.u32 $0x2, v3;
	[dreg:$0xe] =	wrdreg s31;
	v2 =	vunpack.c.0.s8.s32 v2;
	s6 =	simm.s32 $0x1B650;
	v1 =	vmov s4;
	s4 =	simm.s32 $0x70  }
.LBB2_17:
0x2e1: {  	v6 =	vld [tilespmem:s6+$0x0];
	_ =	sdelay $0x4  }
0x2e2: {  	(v2sf) =	vpush v6, $0xD;
	_ =	sdelay $0x1  }
0x2e3: {  	(v2sf) =	vpush v6, $0xC;
	_ =	sdelay $0x1  }
0x2e4: {  	(v2sf) =	vpush v6, $0xE;
	_ =	sdelay $0x1  }
0x2e5: {  	(v2sf) =	vpush v6, $0xF;
	_ =	sdelay $0x1  }
0x2e6: {  	(v2sf) =	vpush v6, $0x9;
	_ =	sdelay $0x1  }
0x2e7: {  	(v2sf) =	vpush v6, $0x8;
	_ =	sdelay $0x1  }
0x2e8: {  	(v2sf) =	vpush v6, $0xA;
	_ =	sdelay $0x1  }
0x2e9: {  	(v2sf) =	vpush v6, $0xB  }
0x2ea: {  	s13 =	spop (v2sf)  }
0x2eb: {  	(v2sf) =	vpush v6, $0x0;
	s14 =	smulhi.u32 $0x66666667, s13;
	s13 =	sshra.s32 s13, $0x1F  }
0x2ec: {  	s15 =	spop (v2sf);
	(v2sf) =	vpush v6, $0x1;
	s13 =	smul.u32 $0x66666667, s13  }
0x2ed: {  	[dreg:$0x11] =	wrdreg s2;
	s16 =	smulhi.u32 $0x66666667, s15;
	s15 =	sshra.s32 s15, $0x1F;
	(v2sf) =	vpush v6, $0x2  }
0x2ee: {  	s17 =	spop (v2sf);
	s15 =	smul.u32 $0x66666667, s15;
	(v2sf) =	vpush v6, $0x3  }
0x2ef: {  	[dreg:$0x10] =	wrdreg s0;
	s18 =	smulhi.u32 $0x66666667, s17;
	s17 =	sshra.s32 s17, $0x1F;
	(v2sf) =	vpush v6, $0x4  }
0x2f0: {  	s19 =	spop (v2sf);
	s17 =	smul.u32 $0x66666667, s17;
	(v2sf) =	vpush v6, $0x5  }
0x2f1: {  	s13 =	sadd.s32 s13, s14;
	s20 =	smulhi.u32 $0x66666667, s19;
	s8 =	sshra.s32 s19, $0x1F;
	(v2sf) =	vpush v6, $0x6  }
0x2f2: {  	s9 =	spop (v2sf);
	s22 =	sshrl.u32 s13, $0x1F;
	s19 =	smul.u32 $0x66666667, s8;
	(v2sf) =	vpush v6, $0x7  }
0x2f3: {  	s16 =	sadd.s32 s15, s16;
	s21 =	smulhi.u32 $0x66666667, s9;
	s14 =	sshra.s32 s9, $0x1F  }
0x2f4: {  	s10 =	spop (v2sf);
	s26 =	sshrl.u32 s16, $0x1F;
	s23 =	smul.u32 $0x66666667, s14  }
0x2f5: {  	s14 =	sadd.s32 s17, s18;
	s11 =	smulhi.u32 $0x66666667, s10;
	s15 =	sshra.s32 s10, $0x1F  }
0x2f6: {  	s2 =	spop (v2sf);
	s24 =	sshrl.u32 s14, $0x1F;
	s28 =	smul.u32 $0x66666667, s15  }
0x2f7: {  	s15 =	sadd.s32 s19, s20;
	s5 =	smulhi.u32 $0x66666667, s2;
	s17 =	sshra.s32 s2, $0x1F  }
0x2f8: {  	s12 =	spop (v2sf);
	s25 =	sshrl.u32 s15, $0x1F;
	s29 =	smul.u32 $0x66666667, s17  }
0x2f9: {  	s17 =	sadd.s32 s23, s21;
	s30 =	smulhi.u32 $0x66666667, s12;
	s20 =	sshra.s32 s12, $0x1F  }
0x2fa: {  	s23 =	sshrl.u32 s17, $0x1F;
	s31 =	smul.u32 $0x66666667, s20;
	s21 =	spop (v2sf)  }
0x2fb: {  	s0 =	smulhi.u32 $0x66666667, s21;
	s1 =	sshra.s32 s21, $0x1F;
	s8 =	spop (v2sf)  }
0x2fc: {  	s20 =	sadd.s32 s28, s11;
	s28 =	smul.u32 $0x66666667, s1;
	s2 =	spop (v2sf)  }
0x2fd: {  	s9 =	smulhi.u32 $0x66666667, s8;
	s8 =	sshra.s32 s8, $0x1F;
	s10 =	spop (v2sf)  }
0x2fe: {  	s11 =	sshrl.u32 s20, $0x1F;
	s8 =	smul.u32 $0x66666667, s8;
	s1 =	spop (v2sf)  }
0x2ff: {  	s12 =	smulhi.u32 $0x66666667, s2;
	s18 =	sshra.s32 s2, $0x1F;
	s7 =	spop (v2sf)  }
0x300: {  	s21 =	sadd.s32 s29, s5;
	s19 =	smul.u32 $0x66666667, s18;
	s29 =	spop (v2sf)  }
0x301: {  	v8 =	vmov s26;
	s18 =	sadd.s32 s31, s30;
	s30 =	smulhi.u32 $0x66666667, s10;
	s5 =	spop (v2sf)  }
0x302: {  	v8 =	vsel vm1, s22, v8;
	s0 =	sadd.s32 s28, s0;
	s28 =	smulhi.u32 $0x66666667, s5;
	s31 =	sshra.s32 s5, $0x1F  }
0x303: {  	v8 =	vsel vm2, s24, v8;
	s24 =	sshra.s32 s20, $0x5;
	v10 =	vmov s11;
	s2 =	sshra.s32 s10, $0x1F;
	s5 =	smul.u32 $0x66666667, s31  }
0x304: {  	v10 =	vsel vm1, s23, v10;
	s23 =	sshra.s32 s16, $0x5;
	s8 =	sadd.s32 s8, s9;
	s9 =	smul.u32 $0x66666667, s2  }
0x305: {  	s10 =	sshrl.u32 s0, $0x1F;
	s12 =	sadd.s32 s19, s12;
	s19 =	sadd.s32 s5, s28  }
0x306: {  	vm11 =	vcmask $0x704;
	vm12 =	vcmask $0xF0C;
	s2 =	sshrl.u32 s18, $0x1F;
	v9 =	vmov s10;
	s10 =	smulhi.u32 $0x66666667, s7;
	s5 =	sshra.s32 s19, $0x1F  }
0x307: {  	vm13 =	vcmask $0x1714;
	vm0 =	vcmask $0x2B28;
	s7 =	sshra.s32 s7, $0x1F;
	s26 =	sshra.s32 s8, $0x5;
	v7 =	vmov s5;
	s5 =	sshra.s32 s0, $0x5  }
0x308: {  	vm14 =	vcmask $0x1F1C;
	vm5 =	vcmask $0x3B38;
	s9 =	sadd.s32 s9, s30;
	s7 =	smul.u32 $0x66666667, s7;
	s0 =	sshra.s32 s0, $0x1F;
	v7 =	vsel vm4, s5, v7  }
0x309: {  	vm15 =	vcmask $0x3734;
	v8 =	vsel vm3, s25, v8;
	s30 =	sshrl.u32 s8, $0x1F;
	s28 =	smulhi.u32 $0x66666667, s1;
	s1 =	sshra.s32 s1, $0x1F;
	v7 =	vsel vm11, s0, v7  }
0x30a: {  	v11 =	vmov s24;
	v9 =	vnsel vm4, $0x0, v9;
	s31 =	sshrl.u32 s21, $0x1F;
	s1 =	smul.u32 $0x66666667, s1;
	v7 =	vsel vm1, s26, v7;
	s26 =	sshra.s32 s8, $0x1F  }
0x30b: {  	s25 =	sshra.s32 s12, $0x5;
	s22 =	sshrl.u32 s9, $0x1F;
	v9 =	vsel vm1, s30, v9;
	s30 =	sshra.s32 s29, $0x1F;
	v10 =	vsel vm2, s31, v10;
	v7 =	vsel vm12, s26, v7  }
0x30c: {  	v12 =	vmov s23;
	v10 =	vsel vm3, s2, v10;
	s5 =	sshrl.u32 s12, $0x1F;
	s1 =	sadd.s32 s1, s28;
	s28 =	sshra.s32 s12, $0x1F;
	v7 =	vsel vm2, s25, v7  }
0x30d: {  	s11 =	sshra.s32 s9, $0x1F;
	v8 =	vcombine.low v10, v8;
	v9 =	vsel vm2, s5, v9;
	s26 =	smul.u32 $0x66666667, s30;
	s30 =	sshra.s32 s9, $0x5;
	v7 =	vsel vm13, s28, v7  }
0x30e: {  	s7 =	sadd.s32 s7, s10;
	vm11 =	vcmask $0x2320;
	s8 =	smulhi.u32 $0x66666667, s29;
	v9 =	vsel vm3, s22, v9;
	s29 =	sshrl.u32 s1, $0x1F;
	v7 =	vsel vm3, s30, v7  }
0x30f: {  	s10 =	sshrl.u32 s7, $0x1F;
	s22 =	sshra.s32 s1, $0x5;
	v9 =	vsel vm11, s29, v9;
	vm12 =	vcmask $0x2724;
	s25 =	sshra.s32 s1, $0x1F;
	v7 =	vsel vm14, s11, v7  }
0x310: {  	v9 =	vsel vm0, s10, v9;
	s5 =	sadd.s32 s26, s8;
	vm13 =	vcmask $0x3330;
	s26 =	sshra.s32 s13, $0x5;
	s28 =	sshra.s32 s17, $0x5;
	v7 =	vsel vm11, s22, v7  }
0x311: {  	s29 =	sshra.s32 s7, $0x5;
	s12 =	sshrl.u32 s5, $0x1F;
	v10 =	vsel vm1, s26, v12;
	v11 =	vsel vm1, s28, v11;
	v7 =	vsel vm12, s25, v7  }
0x312: {  	s31 =	sshra.s32 s21, $0x5;
	s8 =	sshra.s32 s7, $0x1F;
	s30 =	sshra.s32 s14, $0x5;
	v9 =	vsel vm13, s12, v9;
	vm14 =	vcmask $0x2F2C;
	v7 =	vsel vm0, s29, v7  }
0x313: {  	s9 =	sshra.s32 s15, $0x5;
	s10 =	sshra.s32 s18, $0x5;
	v10 =	vsel vm2, s30, v10;
	v11 =	vsel vm2, s31, v11;
	s11 =	sshra.s32 s5, $0x5;
	v7 =	vsel vm14, s8, v7  }
0x314: {  	s13 =	sshra.s32 s5, $0x1F;
	s12 =	sshrl.u32 s19, $0x1F;
	v10 =	vsel vm3, s9, v10;
	v11 =	vsel vm3, s10, v11;
	v7 =	vsel vm13, s11, v7  }
0x315: {  	s14 =	sshra.s32 s19, $0x5;
	v9 =	vsel vm5, s12, v9;
	v10 =	vcombine.low v11, v10;
	v7 =	vsel vm15, s13, v7  }
0x316: {  	v8 =	vperm.xlane v8, v2;
	v9 =	vperm.xlane v9, v4;
	v7 =	vsel vm5, s14, v7  }
0x317: {  	v10 =	vperm.xlane v10, v2;
	v7 =	vperm.xlane v7, v4;
	_ =	sdelay $0x1  }
0x318: {  	v8 =	vsel vm8, v9, v8;
	v7 =	vsel vm8, v7, v10  }
0x319: {  	v7 =	vadd.s32 v8, v7  }
0x31a: {  	v8 =	vmul.u32 $0xFFFFFFB0, v7  }
0x31b: {  	v13 =	vsub.s32 $0x0, v6  }
0x31c: {  	vm9 =	vlt.s32 v6, $0x1;
	vm10 =	vne.s32 v8, v13  }
0x31d: {  	vm9 =	vmand vm9, vm10  }
0x31e: {  	v6 =	vsel vm9, $0xFFFFFFFF, v5  }
0x31f: {  	v6 =	vadd.s32 v6, v7  }
0x320: {  	v6 =	vshll.u32 v6, $0x2  }
0x321: {  	s15 =	sadd.s32 $0xFFFFFF90, s4;
	[tilespmem:$0x1D180] =	vst v6;
	v7 =	vor.u32 $0x1, v6  }
0x322: {  	v14 =	vor.u32 s15, v3;
	[tilespmem:$0x1D200] =	vst v7;
	v7 =	vor.u32 $0x2, v6  }
0x323: {  	vm9 =	vlt.s32 v14, v0;
	v6 =	vor.u32 $0x3, v6;
	[tilespmem:$0x1D280] =	vst v7;
	v7 =	vadd.s32 v1, v14  }
0x324: {  	[tilespmem:$0x1D300] =	vst v6;
	v6 =	vnsel vm9, $0x1000, v7  }
0x325: {  	[tilespmem:$0x1D580] =	vst v6  }
0x326: {  	v6 =	vld [tilespmem:s6+$0x10];
	_ =	sdelay $0x4  }
0x327: {  	(v2sf) =	vpush v6, $0xD;
	_ =	sdelay $0x1  }
0x328: {  	(v2sf) =	vpush v6, $0xC;
	_ =	sdelay $0x1  }
0x329: {  	(v2sf) =	vpush v6, $0xE;
	_ =	sdelay $0x1  }
0x32a: {  	(v2sf) =	vpush v6, $0xF;
	_ =	sdelay $0x1  }
0x32b: {  	(v2sf) =	vpush v6, $0x9;
	_ =	sdelay $0x1  }
0x32c: {  	(v2sf) =	vpush v6, $0x8;
	_ =	sdelay $0x1  }
0x32d: {  	(v2sf) =	vpush v6, $0xA;
	_ =	sdelay $0x1  }
0x32e: {  	(v2sf) =	vpush v6, $0xB  }
0x32f: {  	s16 =	spop (v2sf)  }
0x330: {  	(v2sf) =	vpush v6, $0x0;
	s17 =	smulhi.u32 $0x66666667, s16;
	s0 =	sshra.s32 s16, $0x1F  }
0x331: {  	s18 =	spop (v2sf);
	s0 =	smul.u32 $0x66666667, s0  }
0x332: {  	(v2sf) =	vpush v6, $0x1;
	s19 =	smulhi.u32 $0x66666667, s18;
	s2 =	sshra.s32 s18, $0x1F  }
0x333: {  	(v2sf) =	vpush v6, $0x2;
	s20 =	spop (v2sf);
	s2 =	smul.u32 $0x66666667, s2  }
0x334: {  	(v2sf) =	vpush v6, $0x3;
	s21 =	smulhi.u32 $0x66666667, s20;
	s7 =	sshra.s32 s20, $0x1F  }
0x335: {  	(v2sf) =	vpush v6, $0x4;
	s22 =	spop (v2sf);
	s7 =	smul.u32 $0x66666667, s7  }
0x336: {  	(v2sf) =	vpush v6, $0x5;
	s23 =	smulhi.u32 $0x66666667, s22;
	s25 =	sshra.s32 s22, $0x1F  }
0x337: {  	s26 =	spop (v2sf);
	(v2sf) =	vpush v6, $0x6;
	s1 =	smul.u32 $0x66666667, s25  }
0x338: {  	s28 =	smulhi.u32 $0x66666667, s26;
	s29 =	sshra.s32 s26, $0x1F;
	(v2sf) =	vpush v6, $0x7  }
0x339: {  	s13 =	sadd.s32 s0, s17;
	s30 =	spop (v2sf);
	s5 =	smul.u32 $0x66666667, s29  }
0x33a: {  	s16 =	sadd.s32 s2, s19;
	s31 =	smulhi.u32 $0x66666667, s30;
	s19 =	sshra.s32 s30, $0x1F  }
0x33b: {  	s22 =	sshrl.u32 s13, $0x1F;
	s20 =	spop (v2sf);
	s8 =	smul.u32 $0x66666667, s19  }
0x33c: {  	s14 =	sadd.s32 s7, s21;
	s21 =	smulhi.u32 $0x66666667, s20;
	s11 =	sshra.s32 s20, $0x1F  }
0x33d: {  	s15 =	sadd.s32 s1, s23;
	s12 =	spop (v2sf);
	s1 =	smul.u32 $0x66666667, s11  }
0x33e: {  	s17 =	sadd.s32 s5, s28;
	s18 =	smulhi.u32 $0x66666667, s12;
	s28 =	sshra.s32 s12, $0x1F  }
0x33f: {  	s9 =	sshrl.u32 s16, $0x1F;
	s29 =	spop (v2sf);
	s5 =	smul.u32 $0x66666667, s28  }
0x340: {  	s24 =	sshrl.u32 s14, $0x1F;
	s11 =	smulhi.u32 $0x66666667, s29;
	s10 =	sshra.s32 s29, $0x1F  }
0x341: {  	s30 =	spop (v2sf);
	s20 =	sadd.s32 s8, s31;
	s7 =	smul.u32 $0x66666667, s10  }
0x342: {  	s10 =	smulhi.u32 $0x66666667, s30;
	s12 =	sshra.s32 s30, $0x1F;
	s31 =	spop (v2sf)  }
0x343: {  	s25 =	sshrl.u32 s15, $0x1F;
	s12 =	smul.u32 $0x66666667, s12;
	s19 =	spop (v2sf)  }
0x344: {  	s29 =	smulhi.u32 $0x66666667, s31;
	s8 =	sshra.s32 s31, $0x1F;
	s28 =	spop (v2sf)  }
0x345: {  	s21 =	sadd.s32 s1, s21;
	s0 =	smul.u32 $0x66666667, s8;
	s30 =	spop (v2sf)  }
0x346: {  	s2 =	smulhi.u32 $0x66666667, s19;
	s19 =	sshra.s32 s19, $0x1F;
	s1 =	spop (v2sf)  }
0x347: {  	s7 =	sadd.s32 s7, s11;
	s11 =	smul.u32 $0x66666667, s19;
	s8 =	spop (v2sf)  }
0x348: {  	v15 =	vmov s9;
	s18 =	sadd.s32 s5, s18;
	s31 =	smulhi.u32 $0x66666667, s8;
	s5 =	sshra.s32 s8, $0x1F  }
0x349: {  	v8 =	vsel vm1, s22, v15;
	s23 =	sshrl.u32 s17, $0x1F;
	s26 =	sshrl.u32 s20, $0x1F;
	s5 =	smul.u32 $0x66666667, s5  }
0x34a: {  	v8 =	vsel vm2, s24, v8;
	s24 =	sshra.s32 s20, $0x5;
	s10 =	sadd.s32 s12, s10;
	s12 =	sshrl.u32 s21, $0x1F  }
0x34b: {  	s22 =	sshra.s32 s30, $0x1F;
	s2 =	sadd.s32 s11, s2;
	s19 =	sadd.s32 s5, s31  }
0x34c: {  	s11 =	sshra.s32 s28, $0x1F;
	s22 =	smul.u32 $0x66666667, s22;
	s31 =	sshra.s32 s19, $0x1F  }
0x34d: {  	vm7 =	vcmask $0x704;
	vm6 =	vcmask $0x1714;
	s8 =	smulhi.u32 $0x66666667, s28;
	s5 =	sshrl.u32 s7, $0x1F;
	v7 =	vmov s31;
	s31 =	sshra.s32 s7, $0x5  }
0x34e: {  	vm5 =	vcmask $0xF0C;
	s0 =	sadd.s32 s0, s29;
	s9 =	smul.u32 $0x66666667, s11;
	v16 =	vmov s5;
	s7 =	sshra.s32 s7, $0x1F;
	v7 =	vsel vm4, s31, v7  }
0x34f: {  	vm9 =	vmmov vm0;
	s28 =	sshrl.u32 s10, $0x1F;
	s5 =	smulhi.u32 $0x66666667, s30;
	s30 =	sshra.s32 s10, $0x5;
	v9 =	vnsel vm4, $0x0, v16;
	v7 =	vsel vm7, s7, v7  }
0x350: {  	v8 =	vsel vm3, s25, v8;
	s25 =	smulhi.u32 $0x66666667, s1;
	s11 =	sshrl.u32 s0, $0x1F;
	s10 =	sshra.s32 s10, $0x1F;
	v9 =	vsel vm1, s28, v9;
	v7 =	vsel vm1, s30, v7  }
0x351: {  	v17 =	vmov s26;
	s8 =	sadd.s32 s9, s8;
	s31 =	sshrl.u32 s2, $0x1F;
	s28 =	sshra.s32 s0, $0x5;
	v9 =	vsel vm2, s11, v9;
	v7 =	vsel vm5, s10, v7  }
0x352: {  	v10 =	vsel vm1, s23, v17;
	s0 =	sshra.s32 s0, $0x1F;
	s5 =	sadd.s32 s22, s5;
	v9 =	vsel vm3, s31, v9;
	s30 =	sshrl.u32 s8, $0x1F;
	v7 =	vsel vm2, s28, v7  }
0x353: {  	v10 =	vsel vm2, s12, v10;
	s1 =	sshra.s32 s1, $0x1F;
	s9 =	sshrl.u32 s5, $0x1F;
	s31 =	sshra.s32 s2, $0x5;
	v9 =	vsel vm11, s30, v9;
	v7 =	vsel vm6, s0, v7  }
0x354: {  	s29 =	sshrl.u32 s18, $0x1F;
	s1 =	smul.u32 $0x66666667, s1;
	s11 =	sshra.s32 s2, $0x1F;
	v9 =	vsel vm0, s9, v9;
	vm0 =	vcmask $0x1F1C;
	v7 =	vsel vm3, s31, v7  }
0x355: {  	s26 =	sshra.s32 s13, $0x5;
	v19 =	vmov s24;
	s23 =	sshra.s32 s16, $0x5;
	v10 =	vsel vm3, s29, v10;
	s22 =	sshra.s32 s8, $0x5;
	v7 =	vsel vm0, s11, v7  }
0x356: {  	v18 =	vmov s23;
	v8 =	vcombine.low v10, v8;
	s1 =	sadd.s32 s1, s25;
	s25 =	sshra.s32 s8, $0x1F;
	s28 =	sshra.s32 s17, $0x5;
	v7 =	vsel vm11, s22, v7  }
0x357: {  	v10 =	vsel vm1, s26, v18;
	s29 =	sshra.s32 s5, $0x5;
	s30 =	sshra.s32 s14, $0x5;
	v11 =	vsel vm1, s28, v19;
	s31 =	sshra.s32 s21, $0x5;
	v7 =	vsel vm12, s25, v7  }
0x358: {  	s8 =	sshra.s32 s5, $0x1F;
	s10 =	sshra.s32 s18, $0x5;
	v10 =	vsel vm2, s30, v10;
	s9 =	sshra.s32 s15, $0x5;
	v11 =	vsel vm2, s31, v11;
	v7 =	vsel vm9, s29, v7  }
0x359: {  	v10 =	vsel vm3, s9, v10;
	s11 =	sshra.s32 s1, $0x5;
	v11 =	vsel vm3, s10, v11;
	v7 =	vsel vm14, s8, v7  }
0x35a: {  	v8 =	vperm.xlane v8, v2;
	s12 =	sshrl.u32 s1, $0x1F;
	s13 =	sshra.s32 s1, $0x1F;
	v10 =	vcombine.low v11, v10;
	v7 =	vsel vm13, s11, v7  }
0x35b: {  	s14 =	sshra.s32 s19, $0x5;
	v9 =	vsel vm13, s12, v9;
	s12 =	sshrl.u32 s19, $0x1F;
	vm9 =	vcmask $0x3B38;
	v7 =	vsel vm15, s13, v7  }
0x35c: {  	v9 =	vsel vm9, s12, v9;
	v10 =	vperm.xlane v10, v2;
	v7 =	vsel vm9, s14, v7  }
0x35d: {  	v9 =	vperm.xlane v9, v4;
	v7 =	vperm.xlane v7, v4;
	_ =	sdelay $0x1  }
0x35e: {  	v8 =	vsel vm8, v9, v8;
	v7 =	vsel vm8, v7, v10  }
0x35f: {  	v7 =	vadd.s32 v8, v7  }
0x360: {  	v8 =	vmul.u32 $0xFFFFFFB0, v7  }
0x361: {  	v20 =	vsub.s32 $0x0, v6  }
0x362: {  	vm9 =	vlt.s32 v6, $0x1;
	vm10 =	vne.s32 v8, v20  }
0x363: {  	vm9 =	vmand vm9, vm10  }
0x364: {  	v6 =	vsel vm9, $0xFFFFFFFF, v5  }
0x365: {  	v6 =	vadd.s32 v6, v7  }
0x366: {  	v6 =	vshll.u32 v6, $0x2  }
0x367: {  	s15 =	sadd.s32 $0xFFFFFFA0, s4;
	[tilespmem:$0x1D190] =	vst v6;
	v7 =	vor.u32 $0x1, v6  }
0x368: {  	v21 =	vor.u32 s15, v3;
	[tilespmem:$0x1D210] =	vst v7;
	v7 =	vor.u32 $0x2, v6  }
0x369: {  	vm9 =	vlt.s32 v21, v0;
	v6 =	vor.u32 $0x3, v6;
	[tilespmem:$0x1D290] =	vst v7;
	v7 =	vadd.s32 v1, v21  }
0x36a: {  	[tilespmem:$0x1D310] =	vst v6;
	v6 =	vnsel vm9, $0x1000, v7  }
0x36b: {  	[tilespmem:$0x1D590] =	vst v6  }
0x36c: {  	v6 =	vld [tilespmem:s6+$0x20];
	_ =	sdelay $0x4  }
0x36d: {  	(v2sf) =	vpush v6, $0xD;
	_ =	sdelay $0x1  }
0x36e: {  	(v2sf) =	vpush v6, $0xC;
	_ =	sdelay $0x1  }
0x36f: {  	(v2sf) =	vpush v6, $0xE;
	_ =	sdelay $0x1  }
0x370: {  	(v2sf) =	vpush v6, $0xF;
	_ =	sdelay $0x1  }
0x371: {  	(v2sf) =	vpush v6, $0x9;
	_ =	sdelay $0x1  }
0x372: {  	(v2sf) =	vpush v6, $0x8;
	_ =	sdelay $0x1  }
0x373: {  	(v2sf) =	vpush v6, $0xA;
	_ =	sdelay $0x1  }
0x374: {  	(v2sf) =	vpush v6, $0xB  }
0x375: {  	s16 =	spop (v2sf)  }
0x376: {  	(v2sf) =	vpush v6, $0x0;
	s17 =	smulhi.u32 $0x66666667, s16;
	s0 =	sshra.s32 s16, $0x1F  }
0x377: {  	s18 =	spop (v2sf);
	s0 =	smul.u32 $0x66666667, s0  }
0x378: {  	(v2sf) =	vpush v6, $0x1;
	s19 =	smulhi.u32 $0x66666667, s18;
	s2 =	sshra.s32 s18, $0x1F  }
0x379: {  	(v2sf) =	vpush v6, $0x2;
	s20 =	spop (v2sf);
	s2 =	smul.u32 $0x66666667, s2  }
0x37a: {  	(v2sf) =	vpush v6, $0x3;
	s21 =	smulhi.u32 $0x66666667, s20;
	s7 =	sshra.s32 s20, $0x1F  }
0x37b: {  	(v2sf) =	vpush v6, $0x4;
	s22 =	spop (v2sf);
	s7 =	smul.u32 $0x66666667, s7  }
0x37c: {  	(v2sf) =	vpush v6, $0x5;
	s23 =	smulhi.u32 $0x66666667, s22;
	s25 =	sshra.s32 s22, $0x1F  }
0x37d: {  	s26 =	spop (v2sf);
	(v2sf) =	vpush v6, $0x6;
	s1 =	smul.u32 $0x66666667, s25  }
0x37e: {  	s13 =	sadd.s32 s0, s17;
	s28 =	smulhi.u32 $0x66666667, s26;
	s29 =	sshra.s32 s26, $0x1F;
	(v2sf) =	vpush v6, $0x7  }
0x37f: {  	s22 =	sshrl.u32 s13, $0x1F;
	s30 =	spop (v2sf);
	s5 =	smul.u32 $0x66666667, s29  }
0x380: {  	s16 =	sadd.s32 s2, s19;
	s31 =	smulhi.u32 $0x66666667, s30;
	s19 =	sshra.s32 s30, $0x1F  }
0x381: {  	s9 =	sshrl.u32 s16, $0x1F;
	s20 =	spop (v2sf);
	s8 =	smul.u32 $0x66666667, s19  }
0x382: {  	s14 =	sadd.s32 s7, s21;
	s21 =	smulhi.u32 $0x66666667, s20;
	s11 =	sshra.s32 s20, $0x1F  }
0x383: {  	s15 =	sadd.s32 s1, s23;
	s12 =	spop (v2sf);
	s1 =	smul.u32 $0x66666667, s11  }
0x384: {  	s17 =	sadd.s32 s5, s28;
	s18 =	smulhi.u32 $0x66666667, s12;
	s28 =	sshra.s32 s12, $0x1F  }
0x385: {  	s24 =	sshrl.u32 s14, $0x1F;
	s29 =	spop (v2sf);
	s5 =	smul.u32 $0x66666667, s28  }
0x386: {  	s25 =	sshrl.u32 s15, $0x1F;
	s11 =	smulhi.u32 $0x66666667, s29;
	s10 =	sshra.s32 s29, $0x1F  }
0x387: {  	s23 =	sshrl.u32 s17, $0x1F;
	s30 =	spop (v2sf);
	s7 =	smul.u32 $0x66666667, s10  }
0x388: {  	v22 =	vmov s9;
	s20 =	sadd.s32 s8, s31;
	s10 =	smulhi.u32 $0x66666667, s30;
	s31 =	spop (v2sf)  }
0x389: {  	v8 =	vsel vm1, s22, v22;
	s12 =	sshra.s32 s30, $0x1F;
	s26 =	sshrl.u32 s20, $0x1F;
	s19 =	spop (v2sf)  }
0x38a: {  	v8 =	vsel vm2, s24, v8;
	s21 =	sadd.s32 s1, s21;
	s24 =	sshra.s32 s20, $0x5;
	s28 =	spop (v2sf)  }
0x38b: {  	s12 =	smul.u32 $0x66666667, s12;
	s18 =	sadd.s32 s5, s18;
	s30 =	spop (v2sf)  }
0x38c: {  	s29 =	smulhi.u32 $0x66666667, s31;
	s8 =	sshra.s32 s31, $0x1F;
	s1 =	spop (v2sf)  }
0x38d: {  	v24 =	vmov s26;
	s26 =	sshra.s32 s13, $0x5;
	s0 =	smul.u32 $0x66666667, s8;
	s8 =	spop (v2sf)  }
0x38e: {  	s7 =	sadd.s32 s7, s11;
	s31 =	smulhi.u32 $0x66666667, s8;
	s5 =	sshra.s32 s8, $0x1F  }
0x38f: {  	v10 =	vsel vm1, s23, v24;
	s23 =	sshra.s32 s16, $0x5;
	s10 =	sadd.s32 s12, s10;
	s5 =	smul.u32 $0x66666667, s5  }
0x390: {  	s12 =	sshrl.u32 s21, $0x1F;
	s2 =	smulhi.u32 $0x66666667, s19;
	s19 =	sshra.s32 s19, $0x1F  }
0x391: {  	s11 =	smul.u32 $0x66666667, s19;
	s0 =	sadd.s32 s0, s29;
	s19 =	sadd.s32 s5, s31  }
0x392: {  	s29 =	sshrl.u32 s18, $0x1F;
	s22 =	sshra.s32 s30, $0x1F;
	s31 =	sshra.s32 s19, $0x1F  }
0x393: {  	vm11 =	vmmov vm7;
	s2 =	sadd.s32 s11, s2;
	s22 =	smul.u32 $0x66666667, s22;
	v7 =	vmov s31;
	s31 =	sshra.s32 s7, $0x5  }
0x394: {  	vm10 =	vcmask $0x2320;
	v8 =	vsel vm3, s25, v8;
	s25 =	smulhi.u32 $0x66666667, s1;
	s5 =	sshrl.u32 s7, $0x1F;
	s7 =	sshra.s32 s7, $0x1F;
	v7 =	vsel vm4, s31, v7  }
0x395: {  	vm9 =	vcmask $0x2B28;
	s11 =	sshra.s32 s28, $0x1F;
	v23 =	vmov s5;
	s5 =	smulhi.u32 $0x66666667, s30;
	s30 =	sshra.s32 s10, $0x5;
	v7 =	vsel vm7, s7, v7  }
0x396: {  	v26 =	vmov s24;
	s8 =	smulhi.u32 $0x66666667, s28;
	s28 =	sshrl.u32 s10, $0x1F;
	s10 =	sshra.s32 s10, $0x1F;
	v9 =	vnsel vm4, $0x0, v23;
	v7 =	vsel vm1, s30, v7  }
0x397: {  	v25 =	vmov s23;
	s9 =	smul.u32 $0x66666667, s11;
	s11 =	sshrl.u32 s0, $0x1F;
	v9 =	vsel vm1, s28, v9;
	s28 =	sshra.s32 s0, $0x5;
	v7 =	vsel vm5, s10, v7  }
0x398: {  	v10 =	vsel vm2, s12, v10;
	s1 =	sshra.s32 s1, $0x1F;
	s31 =	sshrl.u32 s2, $0x1F;
	s0 =	sshra.s32 s0, $0x1F;
	v9 =	vsel vm2, s11, v9;
	v7 =	vsel vm2, s28, v7  }
0x399: {  	v10 =	vsel vm3, s29, v10;
	s1 =	smul.u32 $0x66666667, s1;
	s8 =	sadd.s32 s9, s8;
	v9 =	vsel vm3, s31, v9;
	s31 =	sshra.s32 s2, $0x5;
	v7 =	vsel vm6, s0, v7  }
0x39a: {  	v8 =	vcombine.low v10, v8;
	v10 =	vsel vm1, s26, v25;
	s5 =	sadd.s32 s22, s5;
	s11 =	sshra.s32 s2, $0x1F;
	s30 =	sshrl.u32 s8, $0x1F;
	v7 =	vsel vm3, s31, v7  }
0x39b: {  	s22 =	sshra.s32 s8, $0x5;
	vm7 =	vmmov vm5;
	s9 =	sshrl.u32 s5, $0x1F;
	v9 =	vsel vm10, s30, v9;
	v7 =	vsel vm0, s11, v7  }
0x39c: {  	s1 =	sadd.s32 s1, s25;
	s25 =	sshra.s32 s8, $0x1F;
	vm5 =	vmmov vm6;
	s30 =	sshra.s32 s14, $0x5;
	v9 =	vsel vm9, s9, v9;
	v7 =	vsel vm10, s22, v7  }
0x39d: {  	s12 =	sshrl.u32 s1, $0x1F;
	s29 =	sshra.s32 s5, $0x5;
	s28 =	sshra.s32 s17, $0x5;
	v10 =	vsel vm2, s30, v10;
	vm6 =	vmmov vm0;
	v7 =	vsel vm12, s25, v7  }
0x39e: {  	s8 =	sshra.s32 s5, $0x1F;
	s9 =	sshra.s32 s15, $0x5;
	v9 =	vsel vm13, s12, v9;
	v11 =	vsel vm1, s28, v26;
	s31 =	sshra.s32 s21, $0x5;
	v7 =	vsel vm9, s29, v7  }
0x39f: {  	s10 =	sshra.s32 s18, $0x5;
	v10 =	vsel vm3, s9, v10;
	v11 =	vsel vm2, s31, v11;
	s11 =	sshra.s32 s1, $0x5;
	v7 =	vsel vm14, s8, v7  }
0x3a0: {  	s13 =	sshra.s32 s1, $0x1F;
	s12 =	sshrl.u32 s19, $0x1F;
	vm0 =	vcmask $0x3B38;
	v11 =	vsel vm3, s10, v11;
	v7 =	vsel vm13, s11, v7  }
0x3a1: {  	s14 =	sshra.s32 s19, $0x5;
	v9 =	vsel vm0, s12, v9;
	v10 =	vcombine.low v11, v10;
	v7 =	vsel vm15, s13, v7  }
0x3a2: {  	v8 =	vperm.xlane v8, v2;
	v9 =	vperm.xlane v9, v4;
	v7 =	vsel vm0, s14, v7  }
0x3a3: {  	v10 =	vperm.xlane v10, v2;
	v7 =	vperm.xlane v7, v4;
	_ =	sdelay $0x1  }
0x3a4: {  	v8 =	vsel vm8, v9, v8;
	v7 =	vsel vm8, v7, v10  }
0x3a5: {  	v7 =	vadd.s32 v8, v7  }
0x3a6: {  	v8 =	vmul.u32 $0xFFFFFFB0, v7  }
0x3a7: {  	v27 =	vsub.s32 $0x0, v6  }
0x3a8: {  	vm9 =	vlt.s32 v6, $0x1;
	vm10 =	vne.s32 v8, v27  }
0x3a9: {  	vm9 =	vmand vm9, vm10  }
0x3aa: {  	v6 =	vsel vm9, $0xFFFFFFFF, v5  }
0x3ab: {  	v6 =	vadd.s32 v6, v7  }
0x3ac: {  	v6 =	vshll.u32 v6, $0x2  }
0x3ad: {  	s15 =	sadd.s32 $0xFFFFFFB0, s4;
	[tilespmem:$0x1D1A0] =	vst v6;
	v7 =	vor.u32 $0x1, v6  }
0x3ae: {  	v28 =	vor.u32 s15, v3;
	[tilespmem:$0x1D220] =	vst v7;
	v7 =	vor.u32 $0x2, v6  }
0x3af: {  	vm9 =	vlt.s32 v28, v0;
	v6 =	vor.u32 $0x3, v6;
	[tilespmem:$0x1D2A0] =	vst v7;
	v7 =	vadd.s32 v1, v28  }
0x3b0: {  	[tilespmem:$0x1D320] =	vst v6;
	v6 =	vnsel vm9, $0x1000, v7  }
0x3b1: {  	[tilespmem:$0x1D5A0] =	vst v6  }
0x3b2: {  	v6 =	vld [tilespmem:s6+$0x30];
	_ =	sdelay $0x4  }
0x3b3: {  	(v2sf) =	vpush v6, $0xD;
	_ =	sdelay $0x1  }
0x3b4: {  	(v2sf) =	vpush v6, $0xC;
	_ =	sdelay $0x1  }
0x3b5: {  	(v2sf) =	vpush v6, $0xE;
	_ =	sdelay $0x1  }
0x3b6: {  	(v2sf) =	vpush v6, $0xF;
	_ =	sdelay $0x1  }
0x3b7: {  	(v2sf) =	vpush v6, $0x9;
	_ =	sdelay $0x1  }
0x3b8: {  	(v2sf) =	vpush v6, $0x8;
	_ =	sdelay $0x1  }
0x3b9: {  	(v2sf) =	vpush v6, $0xA;
	_ =	sdelay $0x1  }
0x3ba: {  	(v2sf) =	vpush v6, $0xB  }
0x3bb: {  	s16 =	spop (v2sf)  }
0x3bc: {  	(v2sf) =	vpush v6, $0x0;
	s17 =	smulhi.u32 $0x66666667, s16;
	s0 =	sshra.s32 s16, $0x1F  }
0x3bd: {  	(v2sf) =	vpush v6, $0x1;
	s18 =	spop (v2sf);
	s0 =	smul.u32 $0x66666667, s0  }
0x3be: {  	(v2sf) =	vpush v6, $0x2;
	s19 =	smulhi.u32 $0x66666667, s18;
	s2 =	sshra.s32 s18, $0x1F  }
0x3bf: {  	s20 =	spop (v2sf);
	(v2sf) =	vpush v6, $0x3;
	s2 =	smul.u32 $0x66666667, s2  }
0x3c0: {  	s21 =	smulhi.u32 $0x66666667, s20;
	s7 =	sshra.s32 s20, $0x1F;
	(v2sf) =	vpush v6, $0x4  }
0x3c1: {  	s22 =	spop (v2sf);
	s7 =	smul.u32 $0x66666667, s7;
	(v2sf) =	vpush v6, $0x5  }
0x3c2: {  	s13 =	sadd.s32 s0, s17;
	s23 =	smulhi.u32 $0x66666667, s22;
	s25 =	sshra.s32 s22, $0x1F;
	(v2sf) =	vpush v6, $0x6  }
0x3c3: {  	s26 =	spop (v2sf);
	s22 =	sshrl.u32 s13, $0x1F;
	s1 =	smul.u32 $0x66666667, s25;
	(v2sf) =	vpush v6, $0x7  }
0x3c4: {  	s16 =	sadd.s32 s2, s19;
	s28 =	smulhi.u32 $0x66666667, s26;
	s29 =	sshra.s32 s26, $0x1F  }
0x3c5: {  	s30 =	spop (v2sf);
	s9 =	sshrl.u32 s16, $0x1F;
	s5 =	smul.u32 $0x66666667, s29  }
0x3c6: {  	s14 =	sadd.s32 s7, s21;
	s31 =	smulhi.u32 $0x66666667, s30;
	s19 =	sshra.s32 s30, $0x1F  }
0x3c7: {  	s20 =	spop (v2sf);
	s24 =	sshrl.u32 s14, $0x1F;
	s8 =	smul.u32 $0x66666667, s19  }
0x3c8: {  	s15 =	sadd.s32 s1, s23;
	s21 =	smulhi.u32 $0x66666667, s20;
	s11 =	sshra.s32 s20, $0x1F  }
0x3c9: {  	s12 =	spop (v2sf);
	s25 =	sshrl.u32 s15, $0x1F;
	s1 =	smul.u32 $0x66666667, s11  }
0x3ca: {  	s17 =	sadd.s32 s5, s28;
	s18 =	smulhi.u32 $0x66666667, s12;
	s28 =	sshra.s32 s12, $0x1F  }
0x3cb: {  	s29 =	spop (v2sf);
	s23 =	sshrl.u32 s17, $0x1F;
	s5 =	smul.u32 $0x66666667, s28  }
0x3cc: {  	s11 =	smulhi.u32 $0x66666667, s29;
	s10 =	sshra.s32 s29, $0x1F;
	s30 =	spop (v2sf)  }
0x3cd: {  	s20 =	sadd.s32 s8, s31;
	s7 =	smul.u32 $0x66666667, s10;
	s31 =	spop (v2sf)  }
0x3ce: {  	v29 =	vmov s9;
	s10 =	smulhi.u32 $0x66666667, s30;
	s12 =	sshra.s32 s30, $0x1F;
	s19 =	spop (v2sf)  }
0x3cf: {  	v8 =	vsel vm1, s22, v29;
	s26 =	sshrl.u32 s20, $0x1F;
	s21 =	sadd.s32 s1, s21;
	s28 =	spop (v2sf)  }
0x3d0: {  	v8 =	vsel vm2, s24, v8;
	s24 =	sshra.s32 s20, $0x5;
	s12 =	smul.u32 $0x66666667, s12;
	s30 =	spop (v2sf)  }
0x3d1: {  	s29 =	smulhi.u32 $0x66666667, s31;
	s8 =	sshra.s32 s31, $0x1F;
	s1 =	spop (v2sf)  }
0x3d2: {  	s18 =	sadd.s32 s5, s18;
	s0 =	smul.u32 $0x66666667, s8;
	s8 =	spop (v2sf)  }
0x3d3: {  	v31 =	vmov s26;
	s26 =	sshra.s32 s13, $0x5;
	s31 =	smulhi.u32 $0x66666667, s8;
	s5 =	sshra.s32 s8, $0x1F  }
0x3d4: {  	s7 =	sadd.s32 s7, s11;
	v10 =	vsel vm1, s23, v31;
	s23 =	sshra.s32 s16, $0x5;
	s5 =	smul.u32 $0x66666667, s5  }
0x3d5: {  	s10 =	sadd.s32 s12, s10;
	s2 =	smulhi.u32 $0x66666667, s19;
	s19 =	sshra.s32 s19, $0x1F  }
0x3d6: {  	s12 =	sshrl.u32 s21, $0x1F;
	s11 =	smul.u32 $0x66666667, s19;
	s19 =	sadd.s32 s5, s31  }
0x3d7: {  	s0 =	sadd.s32 s0, s29;
	s22 =	sshra.s32 s30, $0x1F;
	s31 =	sshra.s32 s19, $0x1F  }
0x3d8: {  	s2 =	sadd.s32 s11, s2;
	s11 =	sshra.s32 s28, $0x1F;
	v7 =	vmov s31;
	s31 =	sshra.s32 s7, $0x5  }
0x3d9: {  	v8 =	vsel vm3, s25, v8;
	s25 =	smulhi.u32 $0x66666667, s1;
	s5 =	sshrl.u32 s7, $0x1F;
	s7 =	sshra.s32 s7, $0x1F;
	v7 =	vsel vm4, s31, v7  }
0x3da: {  	s1 =	sshra.s32 s1, $0x1F;
	v30 =	vmov s5;
	s5 =	smulhi.u32 $0x66666667, s30;
	s30 =	sshra.s32 s10, $0x5;
	v7 =	vsel vm11, s7, v7  }
0x3db: {  	vm0 =	vmmov vm5;
	s8 =	smulhi.u32 $0x66666667, s28;
	s28 =	sshrl.u32 s10, $0x1F;
	s10 =	sshra.s32 s10, $0x1F;
	v9 =	vnsel vm4, $0x0, v30;
	v7 =	vsel vm1, s30, v7  }
0x3dc: {  	vm10 =	vcmask $0x2320;
	s9 =	smul.u32 $0x66666667, s11;
	s11 =	sshrl.u32 s0, $0x1F;
	v9 =	vsel vm1, s28, v9;
	s28 =	sshra.s32 s0, $0x5;
	v7 =	vsel vm7, s10, v7  }
0x3dd: {  	vm9 =	vcmask $0x2B28;
	s1 =	smul.u32 $0x66666667, s1;
	s31 =	sshrl.u32 s2, $0x1F;
	s0 =	sshra.s32 s0, $0x1F;
	v9 =	vsel vm2, s11, v9;
	v7 =	vsel vm2, s28, v7  }
0x3de: {  	v10 =	vsel vm2, s12, v10;
	s29 =	sshrl.u32 s18, $0x1F;
	s22 =	smul.u32 $0x66666667, s22;
	v9 =	vsel vm3, s31, v9;
	s31 =	sshra.s32 s2, $0x5;
	v7 =	vsel vm5, s0, v7  }
0x3df: {  	v33 =	vmov s24;
	v10 =	vsel vm3, s29, v10;
	s8 =	sadd.s32 s9, s8;
	s1 =	sadd.s32 s1, s25;
	s11 =	sshra.s32 s2, $0x1F;
	v7 =	vsel vm3, s31, v7  }
0x3e0: {  	v32 =	vmov s23;
	v8 =	vcombine.low v10, v8;
	s5 =	sadd.s32 s22, s5;
	s22 =	sshra.s32 s8, $0x5;
	s30 =	sshrl.u32 s8, $0x1F;
	v7 =	vsel vm6, s11, v7  }
0x3e1: {  	v10 =	vsel vm1, s26, v32;
	s25 =	sshra.s32 s8, $0x1F;
	s9 =	sshrl.u32 s5, $0x1F;
	v9 =	vsel vm10, s30, v9;
	s30 =	sshra.s32 s14, $0x5;
	v7 =	vsel vm10, s22, v7  }
0x3e2: {  	s12 =	sshrl.u32 s1, $0x1F;
	s29 =	sshra.s32 s5, $0x5;
	v9 =	vsel vm9, s9, v9;
	s28 =	sshra.s32 s17, $0x5;
	v10 =	vsel vm2, s30, v10;
	v7 =	vsel vm12, s25, v7  }
0x3e3: {  	s8 =	sshra.s32 s5, $0x1F;
	s9 =	sshra.s32 s15, $0x5;
	v9 =	vsel vm13, s12, v9;
	v11 =	vsel vm1, s28, v33;
	s31 =	sshra.s32 s21, $0x5;
	v7 =	vsel vm9, s29, v7  }
0x3e4: {  	s10 =	sshra.s32 s18, $0x5;
	v10 =	vsel vm3, s9, v10;
	v11 =	vsel vm2, s31, v11;
	s11 =	sshra.s32 s1, $0x5;
	v7 =	vsel vm14, s8, v7  }
0x3e5: {  	s13 =	sshra.s32 s1, $0x1F;
	s12 =	sshrl.u32 s19, $0x1F;
	vm5 =	vcmask $0x3B38;
	v11 =	vsel vm3, s10, v11;
	v7 =	vsel vm13, s11, v7  }
0x3e6: {  	s14 =	sshra.s32 s19, $0x5;
	v9 =	vsel vm5, s12, v9;
	v10 =	vcombine.low v11, v10;
	v7 =	vsel vm15, s13, v7  }
0x3e7: {  	v8 =	vperm.xlane v8, v2;
	v9 =	vperm.xlane v9, v4;
	v7 =	vsel vm5, s14, v7  }
0x3e8: {  	v10 =	vperm.xlane v10, v2;
	v7 =	vperm.xlane v7, v4;
	_ =	sdelay $0x1  }
0x3e9: {  	v8 =	vsel vm8, v9, v8;
	v7 =	vsel vm8, v7, v10  }
0x3ea: {  	v7 =	vadd.s32 v8, v7  }
0x3eb: {  	v8 =	vmul.u32 $0xFFFFFFB0, v7  }
0x3ec: {  	v34 =	vsub.s32 $0x0, v6  }
0x3ed: {  	vm9 =	vlt.s32 v6, $0x1;
	vm10 =	vne.s32 v8, v34  }
0x3ee: {  	vm9 =	vmand vm9, vm10  }
0x3ef: {  	v6 =	vsel vm9, $0xFFFFFFFF, v5  }
0x3f0: {  	v6 =	vadd.s32 v6, v7  }
0x3f1: {  	v6 =	vshll.u32 v6, $0x2  }
0x3f2: {  	s15 =	sadd.s32 $0xFFFFFFC0, s4;
	[tilespmem:$0x1D1B0] =	vst v6;
	v7 =	vor.u32 $0x1, v6  }
0x3f3: {  	v35 =	vor.u32 s15, v3;
	[tilespmem:$0x1D230] =	vst v7;
	v7 =	vor.u32 $0x2, v6  }
0x3f4: {  	vm9 =	vlt.s32 v35, v0;
	v6 =	vor.u32 $0x3, v6;
	[tilespmem:$0x1D2B0] =	vst v7;
	v7 =	vadd.s32 v1, v35  }
0x3f5: {  	[tilespmem:$0x1D330] =	vst v6;
	v6 =	vnsel vm9, $0x1000, v7  }
0x3f6: {  	[tilespmem:$0x1D5B0] =	vst v6  }
0x3f7: {  	v6 =	vld [tilespmem:s6+$0x40];
	_ =	sdelay $0x4  }
0x3f8: {  	(v2sf) =	vpush v6, $0xD;
	_ =	sdelay $0x1  }
0x3f9: {  	(v2sf) =	vpush v6, $0xC;
	_ =	sdelay $0x1  }
0x3fa: {  	(v2sf) =	vpush v6, $0xE;
	_ =	sdelay $0x1  }
0x3fb: {  	(v2sf) =	vpush v6, $0xF;
	_ =	sdelay $0x1  }
0x3fc: {  	(v2sf) =	vpush v6, $0x9;
	_ =	sdelay $0x1  }
0x3fd: {  	(v2sf) =	vpush v6, $0x8;
	_ =	sdelay $0x1  }
0x3fe: {  	(v2sf) =	vpush v6, $0xA;
	_ =	sdelay $0x1  }
0x3ff: {  	(v2sf) =	vpush v6, $0xB  }
0x400: {  	s16 =	spop (v2sf)  }
0x401: {  	(v2sf) =	vpush v6, $0x0;
	s17 =	smulhi.u32 $0x66666667, s16;
	s0 =	sshra.s32 s16, $0x1F  }
0x402: {  	(v2sf) =	vpush v6, $0x1;
	s18 =	spop (v2sf);
	s0 =	smul.u32 $0x66666667, s0  }
0x403: {  	(v2sf) =	vpush v6, $0x2;
	s19 =	smulhi.u32 $0x66666667, s18;
	s2 =	sshra.s32 s18, $0x1F  }
0x404: {  	s20 =	spop (v2sf);
	(v2sf) =	vpush v6, $0x3;
	s2 =	smul.u32 $0x66666667, s2  }
0x405: {  	s21 =	smulhi.u32 $0x66666667, s20;
	s7 =	sshra.s32 s20, $0x1F;
	(v2sf) =	vpush v6, $0x4  }
0x406: {  	s22 =	spop (v2sf);
	s7 =	smul.u32 $0x66666667, s7;
	(v2sf) =	vpush v6, $0x5  }
0x407: {  	s13 =	sadd.s32 s0, s17;
	s23 =	smulhi.u32 $0x66666667, s22;
	s25 =	sshra.s32 s22, $0x1F;
	(v2sf) =	vpush v6, $0x6  }
0x408: {  	s26 =	spop (v2sf);
	s22 =	sshrl.u32 s13, $0x1F;
	s1 =	smul.u32 $0x66666667, s25;
	(v2sf) =	vpush v6, $0x7  }
0x409: {  	s16 =	sadd.s32 s2, s19;
	s28 =	smulhi.u32 $0x66666667, s26;
	s29 =	sshra.s32 s26, $0x1F  }
0x40a: {  	s30 =	spop (v2sf);
	s9 =	sshrl.u32 s16, $0x1F;
	s5 =	smul.u32 $0x66666667, s29  }
0x40b: {  	s14 =	sadd.s32 s7, s21;
	s31 =	smulhi.u32 $0x66666667, s30;
	s19 =	sshra.s32 s30, $0x1F  }
0x40c: {  	s20 =	spop (v2sf);
	s24 =	sshrl.u32 s14, $0x1F;
	s8 =	smul.u32 $0x66666667, s19  }
0x40d: {  	s15 =	sadd.s32 s1, s23;
	s21 =	smulhi.u32 $0x66666667, s20;
	s11 =	sshra.s32 s20, $0x1F  }
0x40e: {  	s12 =	spop (v2sf);
	s25 =	sshrl.u32 s15, $0x1F;
	s1 =	smul.u32 $0x66666667, s11  }
0x40f: {  	s17 =	sadd.s32 s5, s28;
	s18 =	smulhi.u32 $0x66666667, s12;
	s28 =	sshra.s32 s12, $0x1F  }
0x410: {  	s29 =	spop (v2sf);
	s23 =	sshrl.u32 s17, $0x1F;
	s5 =	smul.u32 $0x66666667, s28  }
0x411: {  	s11 =	smulhi.u32 $0x66666667, s29;
	s10 =	sshra.s32 s29, $0x1F;
	s30 =	spop (v2sf)  }
0x412: {  	s20 =	sadd.s32 s8, s31;
	s7 =	smul.u32 $0x66666667, s10;
	s31 =	spop (v2sf)  }
0x413: {  	v36 =	vmov s9;
	s10 =	smulhi.u32 $0x66666667, s30;
	s12 =	sshra.s32 s30, $0x1F;
	s19 =	spop (v2sf)  }
0x414: {  	v8 =	vsel vm1, s22, v36;
	s26 =	sshrl.u32 s20, $0x1F;
	s21 =	sadd.s32 s1, s21;
	s28 =	spop (v2sf)  }
0x415: {  	v8 =	vsel vm2, s24, v8;
	s24 =	sshra.s32 s20, $0x5;
	s12 =	smul.u32 $0x66666667, s12;
	s30 =	spop (v2sf)  }
0x416: {  	s29 =	smulhi.u32 $0x66666667, s31;
	s8 =	sshra.s32 s31, $0x1F;
	s1 =	spop (v2sf)  }
0x417: {  	s18 =	sadd.s32 s5, s18;
	s0 =	smul.u32 $0x66666667, s8;
	s8 =	spop (v2sf)  }
0x418: {  	v38 =	vmov s26;
	s7 =	sadd.s32 s7, s11;
	s31 =	smulhi.u32 $0x66666667, s8;
	s5 =	sshra.s32 s8, $0x1F  }
0x419: {  	v10 =	vsel vm1, s23, v38;
	s23 =	sshra.s32 s16, $0x5;
	s10 =	sadd.s32 s12, s10;
	s5 =	smul.u32 $0x66666667, s5  }
0x41a: {  	s12 =	sshrl.u32 s21, $0x1F;
	s2 =	smulhi.u32 $0x66666667, s19;
	s19 =	sshra.s32 s19, $0x1F  }
0x41b: {  	s11 =	smul.u32 $0x66666667, s19;
	s0 =	sadd.s32 s0, s29;
	s19 =	sadd.s32 s5, s31  }
0x41c: {  	s29 =	sshrl.u32 s18, $0x1F;
	s22 =	sshra.s32 s30, $0x1F;
	s31 =	sshra.s32 s19, $0x1F  }
0x41d: {  	s2 =	sadd.s32 s11, s2;
	s11 =	sshra.s32 s28, $0x1F;
	v7 =	vmov s31;
	s31 =	sshra.s32 s7, $0x5  }
0x41e: {  	v8 =	vsel vm3, s25, v8;
	s25 =	smulhi.u32 $0x66666667, s1;
	s5 =	sshrl.u32 s7, $0x1F;
	s7 =	sshra.s32 s7, $0x1F;
	v7 =	vsel vm4, s31, v7  }
0x41f: {  	vm13 =	vmmov vm11;
	s1 =	sshra.s32 s1, $0x1F;
	v37 =	vmov s5;
	s5 =	smulhi.u32 $0x66666667, s30;
	s30 =	sshra.s32 s10, $0x5;
	v7 =	vsel vm11, s7, v7  }
0x420: {  	v40 =	vmov s24;
	s8 =	smulhi.u32 $0x66666667, s28;
	s28 =	sshrl.u32 s10, $0x1F;
	s10 =	sshra.s32 s10, $0x1F;
	v9 =	vnsel vm4, $0x0, v37;
	v7 =	vsel vm1, s30, v7  }
0x421: {  	v39 =	vmov s23;
	s9 =	smul.u32 $0x66666667, s11;
	s11 =	sshrl.u32 s0, $0x1F;
	v9 =	vsel vm1, s28, v9;
	s28 =	sshra.s32 s0, $0x5;
	v7 =	vsel vm7, s10, v7  }
0x422: {  	v10 =	vsel vm2, s12, v10;
	s1 =	smul.u32 $0x66666667, s1;
	s31 =	sshrl.u32 s2, $0x1F;
	s0 =	sshra.s32 s0, $0x1F;
	v9 =	vsel vm2, s11, v9;
	v7 =	vsel vm2, s28, v7  }
0x423: {  	s26 =	sshra.s32 s13, $0x5;
	s22 =	smul.u32 $0x66666667, s22;
	v10 =	vsel vm3, s29, v10;
	v9 =	vsel vm3, s31, v9;
	s31 =	sshra.s32 s2, $0x5;
	v7 =	vsel vm0, s0, v7  }
0x424: {  	v8 =	vcombine.low v10, v8;
	v10 =	vsel vm1, s26, v39;
	s8 =	sadd.s32 s9, s8;
	s1 =	sadd.s32 s1, s25;
	s11 =	sshra.s32 s2, $0x1F;
	v7 =	vsel vm3, s31, v7  }
0x425: {  	s5 =	sadd.s32 s22, s5;
	s22 =	sshra.s32 s8, $0x5;
	vm11 =	vmmov vm7;
	s30 =	sshrl.u32 s8, $0x1F;
	vm0 =	vcmask $0x2320;
	v7 =	vsel vm6, s11, v7  }
0x426: {  	s25 =	sshra.s32 s8, $0x1F;
	s9 =	sshrl.u32 s5, $0x1F;
	vm7 =	vcmask $0x2B28;
	s28 =	sshra.s32 s17, $0x5;
	v9 =	vsel vm0, s30, v9;
	v7 =	vsel vm0, s22, v7  }
0x427: {  	s29 =	sshra.s32 s5, $0x5;
	v11 =	vsel vm1, s28, v40;
	s30 =	sshra.s32 s14, $0x5;
	v9 =	vsel vm7, s9, v9;
	v7 =	vsel vm12, s25, v7  }
0x428: {  	s12 =	sshrl.u32 s1, $0x1F;
	s8 =	sshra.s32 s5, $0x1F;
	s31 =	sshra.s32 s21, $0x5;
	vm6 =	vcmask $0x3330;
	v10 =	vsel vm2, s30, v10;
	v7 =	vsel vm7, s29, v7  }
0x429: {  	s10 =	sshra.s32 s18, $0x5;
	s9 =	sshra.s32 s15, $0x5;
	v11 =	vsel vm2, s31, v11;
	s11 =	sshra.s32 s1, $0x5;
	v9 =	vsel vm6, s12, v9;
	v7 =	vsel vm14, s8, v7  }
0x42a: {  	s13 =	sshra.s32 s1, $0x1F;
	s12 =	sshrl.u32 s19, $0x1F;
	v10 =	vsel vm3, s9, v10;
	v11 =	vsel vm3, s10, v11;
	v7 =	vsel vm6, s11, v7  }
0x42b: {  	s14 =	sshra.s32 s19, $0x5;
	v9 =	vsel vm5, s12, v9;
	v10 =	vcombine.low v11, v10;
	v7 =	vsel vm15, s13, v7  }
0x42c: {  	v8 =	vperm.xlane v8, v2;
	v9 =	vperm.xlane v9, v4;
	v7 =	vsel vm5, s14, v7  }
0x42d: {  	v10 =	vperm.xlane v10, v2;
	v7 =	vperm.xlane v7, v4;
	_ =	sdelay $0x1  }
0x42e: {  	v8 =	vsel vm8, v9, v8;
	v7 =	vsel vm8, v7, v10  }
0x42f: {  	v7 =	vadd.s32 v8, v7  }
0x430: {  	v8 =	vmul.u32 $0xFFFFFFB0, v7  }
0x431: {  	v41 =	vsub.s32 $0x0, v6  }
0x432: {  	vm9 =	vlt.s32 v6, $0x1;
	vm10 =	vne.s32 v8, v41  }
0x433: {  	vm9 =	vmand vm9, vm10  }
0x434: {  	v6 =	vsel vm9, $0xFFFFFFFF, v5  }
0x435: {  	v6 =	vadd.s32 v6, v7  }
0x436: {  	v6 =	vshll.u32 v6, $0x2  }
0x437: {  	s15 =	sadd.s32 $0xFFFFFFD0, s4;
	[tilespmem:$0x1D1C0] =	vst v6;
	v7 =	vor.u32 $0x1, v6  }
0x438: {  	v42 =	vor.u32 s15, v3;
	[tilespmem:$0x1D240] =	vst v7;
	v7 =	vor.u32 $0x2, v6  }
0x439: {  	vm9 =	vlt.s32 v42, v0;
	v6 =	vor.u32 $0x3, v6;
	[tilespmem:$0x1D2C0] =	vst v7;
	v7 =	vadd.s32 v1, v42  }
0x43a: {  	[tilespmem:$0x1D340] =	vst v6;
	v6 =	vnsel vm9, $0x1000, v7  }
0x43b: {  	[tilespmem:$0x1D5C0] =	vst v6  }
0x43c: {  	v6 =	vld [tilespmem:s6+$0x50];
	_ =	sdelay $0x4  }
0x43d: {  	(v2sf) =	vpush v6, $0xD;
	_ =	sdelay $0x1  }
0x43e: {  	(v2sf) =	vpush v6, $0xC;
	_ =	sdelay $0x1  }
0x43f: {  	(v2sf) =	vpush v6, $0xE;
	_ =	sdelay $0x1  }
0x440: {  	(v2sf) =	vpush v6, $0xF;
	_ =	sdelay $0x1  }
0x441: {  	(v2sf) =	vpush v6, $0x9;
	_ =	sdelay $0x1  }
0x442: {  	(v2sf) =	vpush v6, $0x8;
	_ =	sdelay $0x1  }
0x443: {  	(v2sf) =	vpush v6, $0xA;
	_ =	sdelay $0x1  }
0x444: {  	(v2sf) =	vpush v6, $0xB  }
0x445: {  	s16 =	spop (v2sf)  }
0x446: {  	(v2sf) =	vpush v6, $0x0;
	s17 =	smulhi.u32 $0x66666667, s16;
	s0 =	sshra.s32 s16, $0x1F  }
0x447: {  	(v2sf) =	vpush v6, $0x1;
	s18 =	spop (v2sf);
	s0 =	smul.u32 $0x66666667, s0  }
0x448: {  	(v2sf) =	vpush v6, $0x2;
	s19 =	smulhi.u32 $0x66666667, s18;
	s2 =	sshra.s32 s18, $0x1F  }
0x449: {  	s20 =	spop (v2sf);
	(v2sf) =	vpush v6, $0x3;
	s2 =	smul.u32 $0x66666667, s2  }
0x44a: {  	s21 =	smulhi.u32 $0x66666667, s20;
	s7 =	sshra.s32 s20, $0x1F;
	(v2sf) =	vpush v6, $0x4  }
0x44b: {  	s22 =	spop (v2sf);
	s7 =	smul.u32 $0x66666667, s7;
	(v2sf) =	vpush v6, $0x5  }
0x44c: {  	s23 =	smulhi.u32 $0x66666667, s22;
	s25 =	sshra.s32 s22, $0x1F;
	(v2sf) =	vpush v6, $0x6  }
0x44d: {  	s13 =	sadd.s32 s0, s17;
	s26 =	spop (v2sf);
	s1 =	smul.u32 $0x66666667, s25;
	(v2sf) =	vpush v6, $0x7  }
0x44e: {  	s22 =	sshrl.u32 s13, $0x1F;
	s28 =	smulhi.u32 $0x66666667, s26;
	s29 =	sshra.s32 s26, $0x1F  }
0x44f: {  	s16 =	sadd.s32 s2, s19;
	s30 =	spop (v2sf);
	s5 =	smul.u32 $0x66666667, s29  }
0x450: {  	s9 =	sshrl.u32 s16, $0x1F;
	s31 =	smulhi.u32 $0x66666667, s30;
	s19 =	sshra.s32 s30, $0x1F  }
0x451: {  	s14 =	sadd.s32 s7, s21;
	s20 =	spop (v2sf);
	s8 =	smul.u32 $0x66666667, s19  }
0x452: {  	s24 =	sshrl.u32 s14, $0x1F;
	s21 =	smulhi.u32 $0x66666667, s20;
	s11 =	sshra.s32 s20, $0x1F  }
0x453: {  	s15 =	sadd.s32 s1, s23;
	s12 =	spop (v2sf);
	s1 =	smul.u32 $0x66666667, s11  }
0x454: {  	s17 =	sadd.s32 s5, s28;
	s18 =	smulhi.u32 $0x66666667, s12;
	s28 =	sshra.s32 s12, $0x1F  }
0x455: {  	s25 =	sshrl.u32 s15, $0x1F;
	s29 =	spop (v2sf);
	s5 =	smul.u32 $0x66666667, s28  }
0x456: {  	s11 =	smulhi.u32 $0x66666667, s29;
	s10 =	sshra.s32 s29, $0x1F;
	s30 =	spop (v2sf)  }
0x457: {  	s20 =	sadd.s32 s8, s31;
	s7 =	smul.u32 $0x66666667, s10;
	s31 =	spop (v2sf)  }
0x458: {  	s23 =	sshrl.u32 s17, $0x1F;
	s10 =	smulhi.u32 $0x66666667, s30;
	s19 =	spop (v2sf)  }
0x459: {  	s12 =	sshra.s32 s30, $0x1F;
	s26 =	sshrl.u32 s20, $0x1F;
	s28 =	spop (v2sf)  }
0x45a: {  	v43 =	vmov s9;
	s21 =	sadd.s32 s1, s21;
	s12 =	smul.u32 $0x66666667, s12;
	s30 =	spop (v2sf)  }
0x45b: {  	v8 =	vsel vm1, s22, v43;
	s29 =	smulhi.u32 $0x66666667, s31;
	s8 =	sshra.s32 s31, $0x1F;
	s1 =	spop (v2sf)  }
0x45c: {  	v8 =	vsel vm2, s24, v8;
	s24 =	sshra.s32 s20, $0x5;
	s0 =	smul.u32 $0x66666667, s8;
	s8 =	spop (v2sf)  }
0x45d: {  	s18 =	sadd.s32 s5, s18;
	s31 =	smulhi.u32 $0x66666667, s8;
	s5 =	sshra.s32 s8, $0x1F  }
0x45e: {  	v45 =	vmov s26;
	s26 =	sshra.s32 s13, $0x5;
	s7 =	sadd.s32 s7, s11;
	s5 =	smul.u32 $0x66666667, s5  }
0x45f: {  	v10 =	vsel vm1, s23, v45;
	s23 =	sshra.s32 s16, $0x5;
	s2 =	smulhi.u32 $0x66666667, s19;
	s19 =	sshra.s32 s19, $0x1F  }
0x460: {  	s10 =	sadd.s32 s12, s10;
	s11 =	smul.u32 $0x66666667, s19;
	s19 =	sadd.s32 s5, s31  }
0x461: {  	s12 =	sshrl.u32 s21, $0x1F;
	s0 =	sadd.s32 s0, s29;
	s31 =	sshra.s32 s19, $0x1F  }
0x462: {  	s29 =	sshrl.u32 s18, $0x1F;
	s22 =	sshra.s32 s30, $0x1F;
	v7 =	vmov s31;
	s31 =	sshra.s32 s7, $0x5  }
0x463: {  	vm12 =	vcmask $0x2724;
	s2 =	sadd.s32 s11, s2;
	s5 =	sshrl.u32 s7, $0x1F;
	s7 =	sshra.s32 s7, $0x1F;
	v7 =	vsel vm4, s31, v7  }
0x464: {  	vm15 =	vcmask $0x1F1C;
	s11 =	sshra.s32 s28, $0x1F;
	v44 =	vmov s5;
	s5 =	smulhi.u32 $0x66666667, s30;
	s30 =	sshra.s32 s10, $0x5;
	v7 =	vsel vm13, s7, v7  }
0x465: {  	vm5 =	vcmask $0x1714;
	s8 =	smulhi.u32 $0x66666667, s28;
	s28 =	sshrl.u32 s10, $0x1F;
	s10 =	sshra.s32 s10, $0x1F;
	v9 =	vnsel vm4, $0x0, v44;
	v7 =	vsel vm1, s30, v7  }
0x466: {  	vm9 =	vcmask $0x3734;
	s9 =	smul.u32 $0x66666667, s11;
	s11 =	sshrl.u32 s0, $0x1F;
	v9 =	vsel vm1, s28, v9;
	s28 =	sshra.s32 s0, $0x5;
	v7 =	vsel vm11, s10, v7  }
0x467: {  	v8 =	vsel vm3, s25, v8;
	s22 =	smul.u32 $0x66666667, s22;
	s31 =	sshrl.u32 s2, $0x1F;
	s0 =	sshra.s32 s0, $0x1F;
	v9 =	vsel vm2, s11, v9;
	v7 =	vsel vm2, s28, v7  }
0x468: {  	v10 =	vsel vm2, s12, v10;
	s25 =	smulhi.u32 $0x66666667, s1;
	s1 =	sshra.s32 s1, $0x1F;
	v9 =	vsel vm3, s31, v9;
	s31 =	sshra.s32 s2, $0x5;
	v7 =	vsel vm5, s0, v7  }
0x469: {  	v47 =	vmov s24;
	v10 =	vsel vm3, s29, v10;
	s1 =	smul.u32 $0x66666667, s1;
	s8 =	sadd.s32 s9, s8;
	s11 =	sshra.s32 s2, $0x1F;
	v7 =	vsel vm3, s31, v7  }
0x46a: {  	v46 =	vmov s23;
	v8 =	vcombine.low v10, v8;
	s5 =	sadd.s32 s22, s5;
	s22 =	sshra.s32 s8, $0x5;
	s30 =	sshrl.u32 s8, $0x1F;
	v7 =	vsel vm15, s11, v7  }
0x46b: {  	v10 =	vsel vm1, s26, v46;
	s1 =	sadd.s32 s1, s25;
	s25 =	sshra.s32 s8, $0x1F;
	s9 =	sshrl.u32 s5, $0x1F;
	v9 =	vsel vm0, s30, v9;
	v7 =	vsel vm0, s22, v7  }
0x46c: {  	s29 =	sshra.s32 s5, $0x5;
	s30 =	sshra.s32 s14, $0x5;
	vm11 =	vcmask $0x3B38;
	v9 =	vsel vm7, s9, v9;
	s28 =	sshra.s32 s17, $0x5;
	v7 =	vsel vm12, s25, v7  }
0x46d: {  	s12 =	sshrl.u32 s1, $0x1F;
	s8 =	sshra.s32 s5, $0x1F;
	v10 =	vsel vm2, s30, v10;
	v11 =	vsel vm1, s28, v47;
	s31 =	sshra.s32 s21, $0x5;
	v7 =	vsel vm7, s29, v7  }
0x46e: {  	s10 =	sshra.s32 s18, $0x5;
	s9 =	sshra.s32 s15, $0x5;
	v9 =	vsel vm6, s12, v9;
	v11 =	vsel vm2, s31, v11;
	s11 =	sshra.s32 s1, $0x5;
	v7 =	vsel vm14, s8, v7  }
0x46f: {  	s13 =	sshra.s32 s1, $0x1F;
	s12 =	sshrl.u32 s19, $0x1F;
	v10 =	vsel vm3, s9, v10;
	v11 =	vsel vm3, s10, v11;
	v7 =	vsel vm6, s11, v7  }
0x470: {  	s14 =	sshra.s32 s19, $0x5;
	v9 =	vsel vm11, s12, v9;
	v10 =	vcombine.low v11, v10;
	v7 =	vsel vm9, s13, v7  }
0x471: {  	v8 =	vperm.xlane v8, v2;
	v9 =	vperm.xlane v9, v4;
	v7 =	vsel vm11, s14, v7  }
0x472: {  	v10 =	vperm.xlane v10, v2;
	v7 =	vperm.xlane v7, v4;
	_ =	sdelay $0x1  }
0x473: {  	v8 =	vsel vm8, v9, v8;
	v7 =	vsel vm8, v7, v10  }
0x474: {  	v7 =	vadd.s32 v8, v7  }
0x475: {  	v8 =	vmul.u32 $0xFFFFFFB0, v7  }
0x476: {  	v48 =	vsub.s32 $0x0, v6  }
0x477: {  	vm9 =	vlt.s32 v6, $0x1;
	vm10 =	vne.s32 v8, v48  }
0x478: {  	vm9 =	vmand vm9, vm10  }
0x479: {  	v6 =	vsel vm9, $0xFFFFFFFF, v5  }
0x47a: {  	v6 =	vadd.s32 v6, v7  }
0x47b: {  	v6 =	vshll.u32 v6, $0x2  }
0x47c: {  	s15 =	sadd.s32 $0xFFFFFFE0, s4;
	[tilespmem:$0x1D1D0] =	vst v6;
	v7 =	vor.u32 $0x1, v6  }
0x47d: {  	v49 =	vor.u32 s15, v3;
	[tilespmem:$0x1D250] =	vst v7;
	v7 =	vor.u32 $0x2, v6  }
0x47e: {  	vm9 =	vlt.s32 v49, v0;
	v6 =	vor.u32 $0x3, v6;
	[tilespmem:$0x1D2D0] =	vst v7;
	v7 =	vadd.s32 v1, v49  }
0x47f: {  	[tilespmem:$0x1D350] =	vst v6;
	v6 =	vnsel vm9, $0x1000, v7  }
0x480: {  	[tilespmem:$0x1D5D0] =	vst v6  }
0x481: {  	v6 =	vld [tilespmem:s6+$0x60];
	_ =	sdelay $0x4  }
0x482: {  	(v2sf) =	vpush v6, $0xD;
	_ =	sdelay $0x1  }
0x483: {  	(v2sf) =	vpush v6, $0xC;
	_ =	sdelay $0x1  }
0x484: {  	(v2sf) =	vpush v6, $0xE;
	_ =	sdelay $0x1  }
0x485: {  	(v2sf) =	vpush v6, $0xF;
	_ =	sdelay $0x1  }
0x486: {  	(v2sf) =	vpush v6, $0x9;
	_ =	sdelay $0x1  }
0x487: {  	(v2sf) =	vpush v6, $0x8;
	_ =	sdelay $0x1  }
0x488: {  	(v2sf) =	vpush v6, $0xA;
	_ =	sdelay $0x1  }
0x489: {  	(v2sf) =	vpush v6, $0xB  }
0x48a: {  	s16 =	spop (v2sf)  }
0x48b: {  	(v2sf) =	vpush v6, $0x0;
	s17 =	smulhi.u32 $0x66666667, s16;
	s0 =	sshra.s32 s16, $0x1F  }
0x48c: {  	s18 =	spop (v2sf);
	s0 =	smul.u32 $0x66666667, s0  }
0x48d: {  	(v2sf) =	vpush v6, $0x1;
	s19 =	smulhi.u32 $0x66666667, s18;
	s2 =	sshra.s32 s18, $0x1F  }
0x48e: {  	(v2sf) =	vpush v6, $0x2;
	s20 =	spop (v2sf);
	s2 =	smul.u32 $0x66666667, s2  }
0x48f: {  	(v2sf) =	vpush v6, $0x3;
	s21 =	smulhi.u32 $0x66666667, s20;
	s7 =	sshra.s32 s20, $0x1F  }
0x490: {  	(v2sf) =	vpush v6, $0x4;
	s22 =	spop (v2sf);
	s7 =	smul.u32 $0x66666667, s7  }
0x491: {  	(v2sf) =	vpush v6, $0x5;
	s23 =	smulhi.u32 $0x66666667, s22;
	s25 =	sshra.s32 s22, $0x1F  }
0x492: {  	s13 =	sadd.s32 s0, s17;
	s26 =	spop (v2sf);
	(v2sf) =	vpush v6, $0x6;
	s1 =	smul.u32 $0x66666667, s25  }
0x493: {  	s22 =	sshrl.u32 s13, $0x1F;
	s28 =	smulhi.u32 $0x66666667, s26;
	s29 =	sshra.s32 s26, $0x1F;
	(v2sf) =	vpush v6, $0x7  }
0x494: {  	s16 =	sadd.s32 s2, s19;
	s30 =	spop (v2sf);
	s5 =	smul.u32 $0x66666667, s29  }
0x495: {  	s9 =	sshrl.u32 s16, $0x1F;
	s31 =	smulhi.u32 $0x66666667, s30;
	s19 =	sshra.s32 s30, $0x1F  }
0x496: {  	s14 =	sadd.s32 s7, s21;
	s20 =	spop (v2sf);
	s8 =	smul.u32 $0x66666667, s19  }
0x497: {  	s24 =	sshrl.u32 s14, $0x1F;
	s21 =	smulhi.u32 $0x66666667, s20;
	s11 =	sshra.s32 s20, $0x1F  }
0x498: {  	s15 =	sadd.s32 s1, s23;
	s12 =	spop (v2sf);
	s1 =	smul.u32 $0x66666667, s11  }
0x499: {  	s17 =	sadd.s32 s5, s28;
	s18 =	smulhi.u32 $0x66666667, s12;
	s28 =	sshra.s32 s12, $0x1F  }
0x49a: {  	s25 =	sshrl.u32 s15, $0x1F;
	s29 =	spop (v2sf);
	s5 =	smul.u32 $0x66666667, s28  }
0x49b: {  	s23 =	sshrl.u32 s17, $0x1F;
	s11 =	smulhi.u32 $0x66666667, s29;
	s10 =	sshra.s32 s29, $0x1F  }
0x49c: {  	s30 =	spop (v2sf);
	s20 =	sadd.s32 s8, s31;
	s7 =	smul.u32 $0x66666667, s10  }
0x49d: {  	s10 =	smulhi.u32 $0x66666667, s30;
	s12 =	sshra.s32 s30, $0x1F;
	s31 =	spop (v2sf)  }
0x49e: {  	s26 =	sshrl.u32 s20, $0x1F;
	s12 =	smul.u32 $0x66666667, s12;
	s19 =	spop (v2sf)  }
0x49f: {  	s29 =	smulhi.u32 $0x66666667, s31;
	s8 =	sshra.s32 s31, $0x1F;
	s28 =	spop (v2sf)  }
0x4a0: {  	s21 =	sadd.s32 s1, s21;
	s0 =	smul.u32 $0x66666667, s8;
	s30 =	spop (v2sf)  }
0x4a1: {  	s2 =	smulhi.u32 $0x66666667, s19;
	s19 =	sshra.s32 s19, $0x1F;
	s1 =	spop (v2sf)  }
0x4a2: {  	s7 =	sadd.s32 s7, s11;
	s11 =	smul.u32 $0x66666667, s19;
	s8 =	spop (v2sf)  }
0x4a3: {  	s18 =	sadd.s32 s5, s18;
	s31 =	smulhi.u32 $0x66666667, s8;
	s5 =	sshra.s32 s8, $0x1F  }
0x4a4: {  	s10 =	sadd.s32 s12, s10;
	s12 =	sshrl.u32 s21, $0x1F;
	s5 =	smul.u32 $0x66666667, s5  }
0x4a5: {  	s0 =	sadd.s32 s0, s29;
	s29 =	sshrl.u32 s18, $0x1F;
	s2 =	sadd.s32 s11, s2  }
0x4a6: {  	v50 =	vmov s9;
	s11 =	sshra.s32 s28, $0x1F;
	s8 =	smulhi.u32 $0x66666667, s28;
	s19 =	sadd.s32 s5, s31  }
0x4a7: {  	v8 =	vsel vm1, s22, v50;
	s28 =	sshrl.u32 s10, $0x1F;
	s9 =	smul.u32 $0x66666667, s11;
	s31 =	sshra.s32 s19, $0x1F  }
0x4a8: {  	vm9 =	vcmask $0xF0C;
	v8 =	vsel vm2, s24, v8;
	s11 =	sshrl.u32 s0, $0x1F;
	s5 =	sshrl.u32 s7, $0x1F;
	v7 =	vmov s31;
	s31 =	sshra.s32 s7, $0x5  }
0x4a9: {  	v52 =	vmov s26;
	v51 =	vmov s5;
	s5 =	smulhi.u32 $0x66666667, s30;
	s30 =	sshra.s32 s30, $0x1F;
	s7 =	sshra.s32 s7, $0x1F;
	v7 =	vsel vm4, s31, v7  }
0x4aa: {  	v8 =	vsel vm3, s25, v8;
	v10 =	vsel vm1, s23, v52;
	s24 =	sshrl.u32 s2, $0x1F;
	s22 =	smul.u32 $0x66666667, s30;
	s31 =	sshra.s32 s10, $0x5;
	v7 =	vsel vm13, s7, v7  }
0x4ab: {  	v10 =	vsel vm2, s12, v10;
	v9 =	vnsel vm4, $0x0, v51;
	s30 =	smulhi.u32 $0x66666667, s1;
	s1 =	sshra.s32 s1, $0x1F;
	s10 =	sshra.s32 s10, $0x1F;
	v7 =	vsel vm1, s31, v7  }
0x4ac: {  	v10 =	vsel vm3, s29, v10;
	s8 =	sadd.s32 s9, s8;
	v9 =	vsel vm1, s28, v9;
	s1 =	smul.u32 $0x66666667, s1;
	s31 =	sshra.s32 s0, $0x5;
	v7 =	vsel vm9, s10, v7  }
0x4ad: {  	s23 =	sshra.s32 s2, $0x5;
	v8 =	vcombine.low v10, v8;
	v9 =	vsel vm2, s11, v9;
	s11 =	sshrl.u32 s8, $0x1F;
	s0 =	sshra.s32 s0, $0x1F;
	v7 =	vsel vm2, s31, v7  }
0x4ae: {  	s5 =	sadd.s32 s22, s5;
	vm13 =	vmmov vm5;
	v9 =	vsel vm3, s24, v9;
	s1 =	sadd.s32 s1, s30;
	s30 =	sshra.s32 s16, $0x5;
	v7 =	vsel vm5, s0, v7  }
0x4af: {  	s26 =	sshra.s32 s2, $0x1F;
	s9 =	sshra.s32 s13, $0x5;
	s25 =	sshrl.u32 s5, $0x1F;
	v9 =	vsel vm0, s11, v9;
	v53 =	vmov s30;
	v7 =	vsel vm3, s23, v7  }
0x4b0: {  	s29 =	sshra.s32 s8, $0x5;
	s28 =	sshrl.u32 s1, $0x1F;
	v9 =	vsel vm7, s25, v9;
	s31 =	sshra.s32 s20, $0x5;
	v10 =	vsel vm1, s9, v53;
	v7 =	vsel vm15, s26, v7  }
0x4b1: {  	s12 =	sshra.s32 s14, $0x5;
	s8 =	sshra.s32 s8, $0x1F;
	v9 =	vsel vm6, s28, v9;
	v54 =	vmov s31;
	v7 =	vsel vm0, s29, v7  }
0x4b2: {  	s16 =	sshra.s32 s15, $0x5;
	s10 =	sshra.s32 s17, $0x5;
	s11 =	sshra.s32 s5, $0x5;
	v10 =	vsel vm2, s12, v10;
	vm5 =	vmmov vm11;
	v7 =	vsel vm12, s8, v7  }
0x4b3: {  	s13 =	sshra.s32 s21, $0x5;
	s14 =	sshra.s32 s5, $0x1F;
	s20 =	sshrl.u32 s19, $0x1F;
	v11 =	vsel vm1, s10, v54;
	v10 =	vsel vm3, s16, v10;
	v7 =	vsel vm7, s11, v7  }
0x4b4: {  	s17 =	sshra.s32 s18, $0x5;
	s18 =	sshra.s32 s1, $0x5;
	v9 =	vsel vm11, s20, v9;
	v11 =	vsel vm2, s13, v11;
	v7 =	vsel vm14, s14, v7  }
0x4b5: {  	s21 =	sshra.s32 s1, $0x1F;
	vm11 =	vcmask $0x3734;
	v11 =	vsel vm3, s17, v11;
	v7 =	vsel vm6, s18, v7  }
0x4b6: {  	s22 =	sshra.s32 s19, $0x5;
	v10 =	vcombine.low v11, v10;
	v7 =	vsel vm11, s21, v7  }
0x4b7: {  	v8 =	vperm.xlane v8, v2;
	v9 =	vperm.xlane v9, v4;
	v7 =	vsel vm5, s22, v7  }
0x4b8: {  	v10 =	vperm.xlane v10, v2;
	v7 =	vperm.xlane v7, v4;
	_ =	sdelay $0x1  }
0x4b9: {  	v8 =	vsel vm8, v9, v8;
	v7 =	vsel vm8, v7, v10  }
0x4ba: {  	v7 =	vadd.s32 v8, v7  }
0x4bb: {  	v8 =	vmul.u32 $0xFFFFFFB0, v7  }
0x4bc: {  	v55 =	vsub.s32 $0x0, v6  }
0x4bd: {  	vm9 =	vlt.s32 v6, $0x1;
	vm10 =	vne.s32 v8, v55  }
0x4be: {  	vm9 =	vmand vm9, vm10  }
0x4bf: {  	v6 =	vsel vm9, $0xFFFFFFFF, v5  }
0x4c0: {  	v6 =	vadd.s32 v6, v7  }
0x4c1: {  	v6 =	vshll.u32 v6, $0x2  }
0x4c2: {  	s23 =	sadd.s32 $0xFFFFFFF0, s4;
	[tilespmem:$0x1D1E0] =	vst v6;
	v7 =	vor.u32 $0x1, v6  }
0x4c3: {  	v56 =	vor.u32 s23, v3;
	[tilespmem:$0x1D260] =	vst v7;
	v7 =	vor.u32 $0x2, v6  }
0x4c4: {  	vm9 =	vlt.s32 v56, v0;
	v6 =	vor.u32 $0x3, v6;
	[tilespmem:$0x1D2E0] =	vst v7;
	v7 =	vadd.s32 v1, v56  }
0x4c5: {  	[tilespmem:$0x1D360] =	vst v6;
	v6 =	vnsel vm9, $0x1000, v7  }
0x4c6: {  	[tilespmem:$0x1D5E0] =	vst v6  }
0x4c7: {  	v6 =	vld [tilespmem:s6+$0x70];
	_ =	sdelay $0x4  }
0x4c8: {  	(v2sf) =	vpush v6, $0xD;
	_ =	sdelay $0x1  }
0x4c9: {  	(v2sf) =	vpush v6, $0xC;
	_ =	sdelay $0x1  }
0x4ca: {  	(v2sf) =	vpush v6, $0xE;
	_ =	sdelay $0x1  }
0x4cb: {  	(v2sf) =	vpush v6, $0xF;
	_ =	sdelay $0x1  }
0x4cc: {  	(v2sf) =	vpush v6, $0x9;
	_ =	sdelay $0x1  }
0x4cd: {  	(v2sf) =	vpush v6, $0x8;
	_ =	sdelay $0x1  }
0x4ce: {  	(v2sf) =	vpush v6, $0xA;
	_ =	sdelay $0x1  }
0x4cf: {  	(v2sf) =	vpush v6, $0xB  }
0x4d0: {  	s24 =	spop (v2sf)  }
0x4d1: {  	(v2sf) =	vpush v6, $0x0;
	s1 =	smulhi.u32 $0x66666667, s24;
	s0 =	sshra.s32 s24, $0x1F  }
0x4d2: {  	s25 =	spop (v2sf);
	s0 =	smul.u32 $0x66666667, s0  }
0x4d3: {  	(v2sf) =	vpush v6, $0x1;
	s5 =	smulhi.u32 $0x66666667, s25;
	s2 =	sshra.s32 s25, $0x1F  }
0x4d4: {  	s26 =	spop (v2sf);
	s2 =	smul.u32 $0x66666667, s2  }
0x4d5: {  	(v2sf) =	vpush v6, $0x2;
	s8 =	smulhi.u32 $0x66666667, s26;
	s7 =	sshra.s32 s26, $0x1F  }
0x4d6: {  	s28 =	spop (v2sf);
	s7 =	smul.u32 $0x66666667, s7  }
0x4d7: {  	(v2sf) =	vpush v6, $0x3;
	s10 =	smulhi.u32 $0x66666667, s28;
	s9 =	sshra.s32 s28, $0x1F  }
0x4d8: {  	(v2sf) =	vpush v6, $0x4;
	s29 =	spop (v2sf);
	s9 =	smul.u32 $0x66666667, s9  }
0x4d9: {  	(v2sf) =	vpush v6, $0x5;
	s12 =	smulhi.u32 $0x66666667, s29;
	s11 =	sshra.s32 s29, $0x1F  }
0x4da: {  	(v2sf) =	vpush v6, $0x6;
	s30 =	spop (v2sf);
	s11 =	smul.u32 $0x66666667, s11  }
0x4db: {  	(v2sf) =	vpush v6, $0x7;
	s16 =	smulhi.u32 $0x66666667, s30;
	s13 =	sshra.s32 s30, $0x1F  }
0x4dc: {  	s31 =	spop (v2sf);
	s17 =	smul.u32 $0x66666667, s13  }
0x4dd: {  	s19 =	smulhi.u32 $0x66666667, s31;
	s14 =	sshra.s32 s31, $0x1F  }
0x4de: {  	s15 =	spop (v2sf);
	s22 =	smul.u32 $0x66666667, s14  }
0x4df: {  	s23 =	smulhi.u32 $0x66666667, s15;
	s13 =	sshra.s32 s15, $0x1F  }
0x4e0: {  	s18 =	spop (v2sf);
	s14 =	sadd.s32 s0, s1;
	s24 =	smul.u32 $0x66666667, s13  }
0x4e1: {  	s15 =	sadd.s32 s7, s8;
	s26 =	smulhi.u32 $0x66666667, s18;
	s30 =	sshra.s32 s18, $0x1F  }
0x4e2: {  	s20 =	spop (v2sf);
	s13 =	sadd.s32 s9, s10;
	s29 =	smul.u32 $0x66666667, s30  }
0x4e3: {  	s18 =	sadd.s32 s11, s12;
	s0 =	smulhi.u32 $0x66666667, s20;
	s31 =	sshra.s32 s20, $0x1F  }
0x4e4: {  	s10 =	sshrl.u32 s14, $0x1F;
	s1 =	smul.u32 $0x66666667, s31;
	s21 =	spop (v2sf)  }
0x4e5: {  	s20 =	sadd.s32 s2, s5;
	s2 =	smulhi.u32 $0x66666667, s21;
	s8 =	sshra.s32 s21, $0x1F  }
0x4e6: {  	s25 =	spop (v2sf);
	s21 =	sadd.s32 s17, s16;
	s5 =	smul.u32 $0x66666667, s8  }
0x4e7: {  	s28 =	spop (v2sf);
	s11 =	smulhi.u32 $0x66666667, s25;
	s25 =	sshra.s32 s25, $0x1F  }
0x4e8: {  	s17 =	sadd.s32 s22, s19;
	s30 =	spop (v2sf);
	s9 =	smul.u32 $0x66666667, s25  }
0x4e9: {  	s31 =	smulhi.u32 $0x66666667, s28;
	s22 =	sshra.s32 s28, $0x1F;
	s7 =	spop (v2sf)  }
0x4ea: {  	s0 =	sadd.s32 s1, s0;
	s12 =	smul.u32 $0x66666667, s22;
	s25 =	spop (v2sf)  }
0x4eb: {  	s16 =	sadd.s32 s24, s23;
	s28 =	smulhi.u32 $0x66666667, s25;
	s19 =	sshra.s32 s25, $0x1F  }
0x4ec: {  	s24 =	sshrl.u32 s20, $0x1F;
	s22 =	sadd.s32 s29, s26;
	s29 =	smul.u32 $0x66666667, s19  }
0x4ed: {  	s23 =	sshrl.u32 s18, $0x1F;
	s2 =	sadd.s32 s5, s2;
	s5 =	sshrl.u32 s13, $0x1F  }
0x4ee: {  	s8 =	sadd.s32 s9, s11;
	s25 =	sshrl.u32 s15, $0x1F;
	s19 =	sadd.s32 s29, s28  }
0x4ef: {  	s9 =	sadd.s32 s12, s31;
	s31 =	smulhi.u32 $0x66666667, s30;
	s26 =	sshra.s32 s19, $0x1F  }
0x4f0: {  	v57 =	vmov s24;
	s12 =	sshra.s32 s30, $0x1F;
	s30 =	sshrl.u32 s22, $0x1F;
	s28 =	sshra.s32 s22, $0x5;
	v7 =	vmov s26  }
0x4f1: {  	vm9 =	vcmask $0x704;
	v8 =	vsel vm1, s10, v57;
	s11 =	smul.u32 $0x66666667, s12;
	s12 =	sshra.s32 s0, $0x5;
	s22 =	sshra.s32 s22, $0x1F;
	v7 =	vsel vm4, s28, v7  }
0x4f2: {  	v58 =	vmov s30;
	v8 =	vsel vm2, s25, v8;
	s25 =	sshrl.u32 s2, $0x1F;
	s30 =	sshrl.u32 s9, $0x1F;
	s29 =	sshrl.u32 s21, $0x1F;
	v7 =	vsel vm9, s22, v7  }
0x4f3: {  	v9 =	vnsel vm4, $0x0, v58;
	s1 =	sadd.s32 s11, s31;
	s31 =	sshrl.u32 s0, $0x1F;
	s0 =	sshra.s32 s0, $0x1F;
	vm9 =	vcmask $0xF0C;
	v7 =	vsel vm1, s12, v7  }
0x4f4: {  	v8 =	vsel vm3, s5, v8;
	v9 =	vsel vm1, s31, v9;
	s26 =	sshra.s32 s2, $0x5;
	s22 =	smulhi.u32 $0x66666667, s7;
	s7 =	sshra.s32 s7, $0x1F;
	v7 =	vsel vm9, s0, v7  }
0x4f5: {  	v59 =	vmov s29;
	s29 =	sshrl.u32 s8, $0x1F;
	v9 =	vsel vm2, s25, v9;
	s2 =	sshra.s32 s2, $0x1F;
	s7 =	smul.u32 $0x66666667, s7;
	v7 =	vsel vm2, s26, v7  }
0x4f6: {  	s11 =	sshra.s32 s8, $0x1F;
	s31 =	sshra.s32 s8, $0x5;
	v10 =	vsel vm1, s23, v59;
	s28 =	sshrl.u32 s17, $0x1F;
	v9 =	vsel vm3, s29, v9;
	v7 =	vsel vm13, s2, v7  }
0x4f7: {  	s10 =	sshrl.u32 s1, $0x1F;
	v10 =	vsel vm2, s28, v10;
	v9 =	vsel vm0, s30, v9;
	s0 =	sadd.s32 s7, s22;
	s7 =	sshrl.u32 s16, $0x1F;
	v7 =	vsel vm3, s31, v7  }
0x4f8: {  	s24 =	sshra.s32 s9, $0x5;
	v9 =	vsel vm7, s10, v9;
	s22 =	sshra.s32 s20, $0x5;
	s26 =	sshra.s32 s21, $0x5;
	v10 =	vsel vm3, s7, v10;
	v7 =	vsel vm15, s11, v7  }
0x4f9: {  	s25 =	sshra.s32 s14, $0x5;
	s28 =	sshra.s32 s9, $0x1F;
	s12 =	sshrl.u32 s0, $0x1F;
	v60 =	vmov s22;
	v12 =	vmov s26;
	v7 =	vsel vm0, s24, v7  }
0x4fa: {  	s30 =	sshra.s32 s18, $0x5;
	v9 =	vsel vm6, s12, v9;
	v11 =	vsel vm1, s25, v60;
	s31 =	sshra.s32 s1, $0x5;
	v7 =	vsel vm12, s28, v7  }
0x4fb: {  	s29 =	sshra.s32 s15, $0x5;
	s9 =	sshra.s32 s17, $0x5;
	v12 =	vsel vm1, s30, v12;
	s1 =	sshra.s32 s1, $0x1F;
	v8 =	vcombine.low v10, v8;
	v7 =	vsel vm7, s31, v7  }
0x4fc: {  	s8 =	sshra.s32 s13, $0x5;
	s10 =	sshra.s32 s16, $0x5;
	v11 =	vsel vm2, s29, v11;
	v12 =	vsel vm2, s9, v12;
	s11 =	sshra.s32 s0, $0x5;
	v7 =	vsel vm14, s1, v7  }
0x4fd: {  	s12 =	sshrl.u32 s19, $0x1F;
	s0 =	sshra.s32 s0, $0x1F;
	v11 =	vsel vm3, s8, v11;
	v12 =	vsel vm3, s10, v12;
	v7 =	vsel vm6, s11, v7  }
0x4fe: {  	s13 =	sshra.s32 s19, $0x5;
	v9 =	vsel vm5, s12, v9;
	v61 =	vcombine.low v12, v11;
	v7 =	vsel vm11, s0, v7  }
0x4ff: {  	v8 =	vperm.xlane v8, v2;
	v9 =	vperm.xlane v9, v4;
	v7 =	vsel vm5, s13, v7  }
0x500: {  	v10 =	vperm.xlane v61, v2;
	v7 =	vperm.xlane v7, v4;
	_ =	sdelay $0x1  }
0x501: {  	v8 =	vsel vm8, v9, v8;
	v7 =	vsel vm8, v7, v10  }
0x502: {  	v7 =	vadd.s32 v8, v7  }
0x503: {  	v8 =	vmul.u32 $0xFFFFFFB0, v7  }
0x504: {  	v62 =	vsub.s32 $0x0, v6  }
0x505: {  	vm9 =	vlt.s32 v6, $0x1;
	vm10 =	vne.s32 v8, v62  }
0x506: {  	vm9 =	vmand vm9, vm10  }
0x507: {  	v6 =	vsel vm9, $0xFFFFFFFF, v5  }
0x508: {  	v6 =	vadd.s32 v6, v7  }
0x509: {  	v6 =	vshll.u32 v6, $0x2  }
0x50a: {  	[tilespmem:$0x1D1F0] =	vst v6;
	v7 =	vor.u32 $0x1, v6  }
0x50b: {  	v63 =	vor.u32 s4, v3;
	[tilespmem:$0x1D270] =	vst v7;
	v7 =	vor.u32 $0x2, v6  }
0x50c: {  	vm9 =	vlt.s32 v63, v0;
	v6 =	vor.u32 $0x3, v6;
	[tilespmem:$0x1D2F0] =	vst v7;
	v7 =	vadd.s32 v1, v63  }
0x50d: {  	s23 =	rddreg [dreg:$0xf];
	[tilespmem:$0x1D370] =	vst v6;
	v7 =	vnsel vm9, $0x1000, v7  }
0x50e: {  	s14 =	rddreg [dreg:$0xb];
	s17 =	simm.s32 $0x1D380;
	s16 =	simm.s32 $0x80;
	[tilespmem:$0x1D5F0] =	vst v7  }
0x50f: {  	[tilespmem:s17], [sflag:$0x1] =	stream.indirect.gather [hbm4b:s23+s16], $0x1, s14, s16, $0xb8;
	[tilespmem:$0x1F860] =	vst v63  }
0x510: {  	s15 =	rddreg [dreg:$0xc];
	s19 =	simm.s32 $0x1D400  }
0x511: {  	[tilespmem:s19], [sflag:$0x1] =	stream.indirect.gather [hbm4b:s23+s16], $0x1, s15, s16, $0xb8;
	[tilespmem:$0x1F860] =	vst v63  }
0x512: {  	s18 =	rddreg [dreg:$0xd];
	s21 =	simm.s32 $0x1D480  }
0x513: {  	[tilespmem:s21], [sflag:$0x1] =	stream.indirect.gather [hbm4b:s23+s16], $0x1, s18, s16, $0xb8;
	[tilespmem:$0x1F860] =	vst v63  }
0x514: {  	s20 =	rddreg [dreg:$0xe];
	s22 =	simm.s32 $0x1D500  }
0x515: {  	[tilespmem:s22], [sflag:$0x1] =	stream.indirect.gather [hbm4b:s23+s16], $0x1, s20, s16, $0xb8;
	[tilespmem:$0x1F860] =	vst v63  }
0x516: {  	s2 =	rddreg [dreg:$0x11];
	_ =	swait.ge [sflag:s3], $0x80  }
0x517: {  	[sflag:s3] =	ssyncset.done $0x0  }
0x518: {  	[sflag:s3] =	ssyncadd.s32 $0xFFFFFF80  }
0x519: {  	_ =	swait.ge [sflag:s3], $0x80  }
0x51a: {  	[sflag:s3] =	ssyncset.done $0x0  }
0x51b: {  	[sflag:s3] =	ssyncadd.s32 $0xFFFFFF80  }
0x51c: {  	_ =	swait.ge [sflag:s3], $0x80  }
0x51d: {  	[sflag:s3] =	ssyncset.done $0x0  }
0x51e: {  	[sflag:s3] =	ssyncadd.s32 $0xFFFFFF80  }
0x51f: {  	_ =	swait.ge [sflag:s3], $0x80  }
0x520: {  	[sflag:s3] =	ssyncset.done $0x0  }
0x521: {  	s25 =	simm.s32 $0x1D580;
	s23 =	rddreg [dreg:$0x5];
	[sflag:s3] =	ssyncadd.s32 $0xFFFFFF80  }
0x522: {  	[hbm4b:s23+s16] =	stream.indirect.scatter [tilespmem:s2], [sflag:$0x1], $0x1, s25, s16, $0xb8;
	[tilespmem:$0x1F860] =	vst v63  }
0x523: {  	s24 =	rddreg [dreg:$0x6]  }
0x524: {  	[hbm4b:s24+s16] =	stream.indirect.scatter [tilespmem:s6], [sflag:$0x1], $0x1, s25, s16, $0xb8;
	[tilespmem:$0x1F860] =	vst v63  }
0x525: {  	s26 =	rddreg [dreg:$0x7]  }
0x526: {  	[hbm4b:s26+s16] =	stream.indirect.scatter [tilespmem:s17], [sflag:$0x1], $0x1, s25, s16, $0xb8;
	[tilespmem:$0x1F860] =	vst v63  }
0x527: {  	s28 =	rddreg [dreg:$0x8]  }
0x528: {  	[hbm4b:s28+s16] =	stream.indirect.scatter [tilespmem:s19], [sflag:$0x1], $0x1, s25, s16, $0xb8;
	[tilespmem:$0x1F860] =	vst v63  }
0x529: {  	s29 =	rddreg [dreg:$0x9]  }
0x52a: {  	[hbm4b:s29+s16] =	stream.indirect.scatter [tilespmem:s21], [sflag:$0x1], $0x1, s25, s16, $0xb8;
	[tilespmem:$0x1F860] =	vst v63  }
0x52b: {  	s30 =	rddreg [dreg:$0xa]  }
0x52c: {  	[hbm4b:s30+s16] =	stream.indirect.scatter [tilespmem:s22], [sflag:$0x1], $0x1, s25, s16, $0xb8;
	[tilespmem:$0x1F860] =	vst v63  }
0x52d: {  	s31 =	rddreg [dreg:$0x10];
	_ =	swait.ge [sflag:s3], $0x80  }
0x52e: {  	[sflag:s3] =	ssyncset.done $0x0  }
0x52f: {  	[sflag:s3] =	ssyncadd.s32 $0xFFFFFF80  }
0x530: {  	_ =	swait.ge [sflag:s3], $0x80  }
0x531: {  	[sflag:s3] =	ssyncset.done $0x0  }
0x532: {  	[sflag:s3] =	ssyncadd.s32 $0xFFFFFF80  }
0x533: {  	_ =	swait.ge [sflag:s3], $0x80  }
0x534: {  	[sflag:s3] =	ssyncset.done $0x0  }
0x535: {  	[sflag:s3] =	ssyncadd.s32 $0xFFFFFF80  }
0x536: {  	_ =	swait.ge [sflag:s3], $0x80  }
0x537: {  	[sflag:s3] =	ssyncset.done $0x0  }
0x538: {  	[sflag:s3] =	ssyncadd.s32 $0xFFFFFF80  }
0x539: {  	p1 =	sne.s32 s31, $0x1;
	_ =	swait.ge [sflag:s3], $0x80  }
.Ltmp9:
0x53a: {  	[sflag:s3] =	ssyncset.done $0x0;
	(pc) =	sbr.rel @p1 .LBB2_17-.Ltmp9, $4  }
0x53b: {  	[sflag:s3] =	ssyncadd.s32 $0xFFFFFF80  }
0x53c: {  	_ =	swait.ge [sflag:s3], $0x80  }
0x53d: {  	s4 =	sadd.s32 $0x80, s4;
	s0 =	sadd.s32 $0xFFFFFFFF, s31;
	[sflag:s3] =	ssyncset.done $0x0  }
0x53e: {  	s2 =	sadd.s32 $0x80, s2;
	s6 =	sadd.s32 $0x80, s6;
	[sflag:s3] =	ssyncadd.s32 $0xFFFFFF80  }
.LBB2_18:
0x53f: {  	_ =	sfence.sel $0x180000  }
0x540: {  	[bflag:$0x0] =	sbarrier.arrive $0xFFFF  }
0x541: {  	_ =	strace $0x90000047  }
0x542: {  	[bflag:$0x2] =	sbarrier.arrive $0xFFFF  }
0x543: {  	s0 =	rddreg [dreg:$0x4]  }
0x544: {  	s0 =	sadd.s32 @!p0 $0x100000, s0  }
0x545: {  	[sflag:s0] =	ssyncadd.tile.s32 @!p0 $0x1;
	_ =	shalt  }
.Lfunc_end2:
_tile_overlayer_lowered:
.L_overlay_start_2:
0x546: {  	(tag) =	ssettag $0x2  }
0x547: {  	s0 =	rddreg [dreg:$0x0];
	s2 =	stileid.u32  }
0x548: {  	s1 =	rddreg [dreg:$0x1];
	p0 =	sne.s32 s2, $0x0  }
0x549: {  	s3 =	rddreg [dreg:$0x2];
	[bflag:$0x3] =	sbarrier.arrive $0xFFFF;
	s2 =	simm.s32 @!p0 $0x1C02  }
0x54a: {  	[timem:s3], [sflag:s2] =	dma.local @!p0 [hbm:s0], s1  }
0x54b: {  	s0 =	simm.s32 @!p0 $0x2  }
0x54c: {  	_ =	swait.ge @!p0 [sflag:s0], s1  }
0x54d: {  	s1 =	ssub.s32 @!p0 $0x0, s1;
	[sflag:s0] =	ssyncset.done @!p0 $0x0  }
0x54e: {  	[sflag:s0] =	ssyncadd.s32 @!p0 s1  }
0x54f: {  	[bflag:$0x3] =	sbarrier.arrive $0xFFFF  }
0x550: {  	_ =	shalt  }

</sc_bundles>
